<compile_context>
chip_gen: v7x
topology: tpu7x:2x2x1
jax: 0.10.2.dev20260603
libtpu: 0.0.44.dev20260713+nightly
codegen_flags: <defaults>
</compile_context>

<pallas_src>
import functools

import jax
import jax.numpy as jnp
from jax import lax
from jax.experimental import pallas as pl
from jax.experimental.pallas import tpu as pltpu
from jax.experimental.pallas import tpu_sc as plsc

_K = 500
_OUT_SIZE_FACTOR = 4.0
_SCORE_THRESHOLD = 0.1
_GRIDB = 2048.0

_B, _C, _H, _W = 4, 2, 512, 512
_HW = _H * _W
_CHW = _C * _HW
_NSLICE = 8
_SLICE = _CHW // _NSLICE
_NBUCK = 512
_CAND_CAP = 2048
_MERGE_CAP = 4096
_OROWS = 512
_NROWS = _B * _OROWS
_SELPAD = _NROWS + 512

_PI = 3.14159265358979
_PI_2 = 1.5707963267948966

_ATAN_C = (0.9999999981419218, -0.33333292787705715, 0.19998532263347163,
           -0.14264888583256646, 0.10958341227667072, -0.08427560725997432,
           0.05845650556360228, -0.0317490822377156, 0.011256772475624163,
           -0.001877352082647006)


def _suppress_body(x_ref, o_ref):
    x = x_ref[0]
    s = 1.0 / (1.0 + jnp.exp(-x))
    ninf = jnp.full((1, s.shape[1]), -jnp.inf, s.dtype)
    up = jnp.concatenate([s[1:], ninf], axis=0)
    dn = jnp.concatenate([ninf, s[:-1]], axis=0)
    r = jnp.maximum(jnp.maximum(s, up), dn)
    ninfc = jnp.full((r.shape[0], 1), -jnp.inf, r.dtype)
    lt = jnp.concatenate([r[:, 1:], ninfc], axis=1)
    rt = jnp.concatenate([ninfc, r[:, :-1]], axis=1)
    m = jnp.maximum(jnp.maximum(r, lt), rt)
    sup = jnp.where(s == m, s, 0.0)
    for k in range(4):
        o_ref[0, k] = sup[:, k * 128:(k + 1) * 128]


def _suppress(heatmap):
    B, C, H, W = heatmap.shape
    hm = heatmap.reshape(B * C, H, W)
    out = pl.pallas_call(
        _suppress_body,
        grid=(B * C,),
        in_specs=[pl.BlockSpec((1, H, W), lambda i: (i, 0, 0))],
        out_specs=pl.BlockSpec((1, 4, H, 128), lambda i: (i, 0, 0, 0)),
        out_shape=jax.ShapeDtypeStruct((B * C, 4, H, 128), jnp.float32),
    )(hm)
    return out.reshape(B * C * H * W)


def _bucket_of(v):
    t = 2.0 - jnp.maximum(v, 1e-6)
    u = lax.bitcast_convert_type(t, jnp.int32)
    return lax.shift_right_logical(u, 14) & (_NBUCK - 1)


def _atan2(y, x):
    ay = jnp.abs(y)
    ax = jnp.abs(x)
    hi = jnp.maximum(ay, ax)
    lo = jnp.minimum(ay, ax)
    t = lo / jnp.maximum(hi, 1e-30)
    s2 = t * t
    p = jnp.full(t.shape, _ATAN_C[-1], jnp.float32)
    for c in reversed(_ATAN_C[:-1]):
        p = p * s2 + c
    a = t * p
    a = jnp.where(ay > ax, _PI_2 - a, a)
    a = jnp.where(x < 0.0, _PI - a, a)
    a = jnp.where(y < 0.0, -a, a)
    return a


def _select_body(sup, sc_out, ix_out,
                 data, hist, cmax, cand_v, cand_i, bhist, totals, mval, midx,
                 cnts8, cntbuf, rankb, zf, zi,
                 sh_hist, sh_cnt, sh_mval, sh_midx, sh_selv, sh_seli, sem):
    cax = lax.axis_index("c")
    sax = lax.axis_index("s")
    wid = cax * 16 + sax
    b = 2 * cax + sax // _NSLICE
    b2 = sax // _NSLICE
    j = sax % _NSLICE
    lane = lax.iota(jnp.int32, 16)
    z16i = jnp.zeros((16,), jnp.int32)
    z16f = jnp.zeros((16,), jnp.float32)

    base = b * _CHW + j * _SLICE
    dcp = pltpu.make_async_copy(sup.at[pl.ds(base, _SLICE)], data, sem)
    dcp.start()

    def _zf(i, _):
        zf[pl.ds(i * 16, 16)] = z16f
        zi[pl.ds(i * 16, 16)] = z16i
        return 0
    lax.fori_loop(0, 32, _zf, 0)

    def _zh(i, _):
        for k in range(8):
            hist[pl.ds((i * 8 + k) * 16, 16)] = z16i
        return 0
    lax.fori_loop(0, _NBUCK * 16 // 128, _zh, 0)

    pltpu.sync_copy(zf, sh_mval.at[b2, pl.ds(j * 512, 512)])
    pltpu.sync_copy(zi, sh_midx.at[b2, pl.ds(j * 512, 512)])
    pltpu.sync_copy(zf.at[pl.ds(0, 128)], sh_selv.at[pl.ds(sax * 128, 128)])
    pltpu.sync_copy(zi.at[pl.ds(0, 128)], sh_seli.at[pl.ds(sax * 128, 128)])

    dcp.wait()

    ones16 = jnp.ones((16,), jnp.int32)
    lane_nb = lane * _NBUCK

    def _ha(i, _):
        vs = []
        for k in range(4):
            v = data[pl.ds((i * 4 + k) * 16, 16)]
            vs.append(v)
            bkt = _bucket_of(v)
            plsc.addupdate_scatter(hist, [lane_nb + bkt], ones16,
                                   mask=v > 0.0)
        cm = jnp.max(jnp.maximum(jnp.maximum(vs[0], vs[1]),
                                 jnp.maximum(vs[2], vs[3])))
        plsc.store_scatter(cmax, [jnp.full((16,), i, jnp.int32)],
                           jnp.full((16,), cm, jnp.float32),
                           mask=lane == 0)
        return 0
    lax.fori_loop(0, _SLICE // 64, _ha, 0)

    def _hb(i, acc_):
        def _hl(l, a):
            return a + hist[pl.ds(l * _NBUCK + i * 16, 16)]
        acc = lax.fori_loop(1, 16, _hl, hist[pl.ds(i * 16, 16)])
        totals[pl.ds(i * 16, 16)] = acc
        return 0
    lax.fori_loop(0, _NBUCK // 16, _hb, 0)
    pltpu.sync_copy(totals, sh_hist.at[b2, j])
    plsc.subcore_barrier()

    pltpu.sync_copy(sh_hist.at[b2], bhist)

    def _hc(i, _):
        def _hj(l, a):
            return a + bhist[l, pl.ds(i * 16, 16)]
        acc = lax.fori_loop(1, 8, _hj, bhist[0, pl.ds(i * 16, 16)])
        totals[pl.ds(i * 16, 16)] = acc
        return 0
    lax.fori_loop(0, _NBUCK // 16, _hc, 0)

    def _sb(i, carry):
        beta_, csum_ = carry
        cs = plsc.cumsum(totals[pl.ds(i * 16, 16)]) + csum_
        hit = cs >= _OROWS
        anyh = jnp.any(hit)
        f = jnp.max(plsc.all_reduce_ffs(hit))
        cand_b = i * 16 + f
        beta_ = jnp.where((beta_ >= _NBUCK) & anyh, cand_b, beta_)
        return beta_, jnp.max(cs)
    beta, _tot = lax.fori_loop(0, _NBUCK // 16, _sb,
                               (jnp.int32(_NBUCK + 1), jnp.int32(0)))

    def _blk(blk, c0):
        c2 = c0
        for q in range(4):
            i = blk * 4 + q
            v = data[pl.ds(i * 16, 16)]
            bkt = _bucket_of(v)
            mm = (v > 0.0) & (bkt <= beta)
            nm = jnp.sum(mm.astype(jnp.int32))
            ok = c2 < _CAND_CAP - 32

            @pl.when((nm > 0) & ok)
            def _():
                pos = jnp.full((16,), c2, jnp.int32) + \
                    plsc.cumsum(mm.astype(jnp.int32)) - 1
                local = jnp.full((16,), i * 16, jnp.int32) + lane
                yy = lax.shift_right_logical(local, 7)
                gidx = (j // 4) * _HW + yy * _W + (j % 4) * 128 \
                    + (local & 127)
                plsc.store_scatter(cand_v, [pos], v, mask=mm)
                plsc.store_scatter(cand_i, [pos], gidx, mask=mm)
            c2 = c2 + jnp.where(ok, nm, 0)
        return c2

    def _cd(g, cnt):
        cmv = cmax[pl.ds(g * 16, 16)]
        qm = (cmv > 0.0) & (_bucket_of(cmv) <= beta)

        def _qc(st):
            m_, _c = st
            return jnp.any(m_)

        def _qb(st):
            m_, c_ = st
            k = jnp.max(plsc.all_reduce_ffs(m_))
            c_ = _blk(g * 16 + k, c_)
            return m_ & (lane != k), c_
        _, cnt = lax.while_loop(_qc, _qb, (qm, cnt))
        return cnt
    cnt = lax.fori_loop(0, _SLICE // 64 // 16, _cd, jnp.int32(0))

    cnt16 = (cnt + 15) // 16
    padm = lane < (cnt16 * 16 - cnt)
    pos = jnp.full((16,), cnt, jnp.int32) + lane
    plsc.store_scatter(cand_v, [pos], z16f, mask=padm)
    plsc.store_scatter(cand_i, [pos], z16i, mask=padm)

    cntbuf[pl.ds(0, 16)] = jnp.full((16,), cnt16, jnp.int32)
    pltpu.sync_copy(cntbuf, sh_cnt.at[b2, j])
    plsc.subcore_barrier()

    pltpu.sync_copy(sh_cnt.at[b2], cnts8)

    def _eb(jj, carry):
        base_, tot_ = carry
        cjj = cnts8[jj, pl.ds(0, 16)][0]
        return base_ + jnp.where(jj < j, cjj, 0), tot_ + cjj
    base16, total16 = lax.fori_loop(0, _NSLICE, _eb,
                                    (jnp.int32(0), jnp.int32(0)))

    def _ec(t, _):
        off = (base16 + t) * 16

        @pl.when(off <= _MERGE_CAP - 16)
        def _():
            pltpu.sync_copy(cand_v.at[pl.ds(t * 16, 16)],
                            sh_mval.at[b2, pl.ds(off, 16)])
            pltpu.sync_copy(cand_i.at[pl.ds(t * 16, 16)],
                            sh_midx.at[b2, pl.ds(off, 16)])
        return 0
    lax.fori_loop(0, cnt16, _ec, 0)
    plsc.subcore_barrier()

    pltpu.sync_copy(sh_mval.at[b2], mval)
    pltpu.sync_copy(sh_midx.at[b2], midx)
    total16c = jnp.minimum(total16, _MERGE_CAP // 16)

    def _rk(i, _):
        i16 = jnp.full((16,), i, jnp.int32)
        vi = plsc.load_gather(cand_v, [i16])
        xi = plsc.load_gather(cand_i, [i16])

        def _rr(tt, acc):
            for q in range(4):
                vj = mval[pl.ds((tt * 4 + q) * 16, 16)]
                xj = midx[pl.ds((tt * 4 + q) * 16, 16)]
                w = (vj > vi) | ((vj == vi) & (xj < xi))
                acc = acc + w.astype(jnp.int32)
            return acc
        acc = lax.fori_loop(0, (total16c + 3) // 4, _rr, z16i)
        plsc.store_scatter(rankb, [i16],
                           jnp.full((16,), jnp.sum(acc), jnp.int32),
                           mask=lane == 0)
        return 0
    lax.fori_loop(0, cnt16 * 16, _rk, 0)

    def _si(t, _):
        rk = rankb[pl.ds(t * 16, 16)]
        rowi = jnp.where(rk < _OROWS, b2 * 1024 + rk,
                         b2 * 1024 + _OROWS + ((sax * 16 + lane) & 511))
        pltpu.make_async_copy(cand_v.at[pl.ds(t * 16, 16)],
                              sh_selv.at[rowi], sem).start()
        pltpu.make_async_copy(cand_i.at[pl.ds(t * 16, 16)],
                              sh_seli.at[rowi], sem).start()
        return 0
    lax.fori_loop(0, cnt16, _si, 0)

    def _sd(t, _):
        pltpu.make_async_copy(cand_v.at[pl.ds(0, 16)],
                              sh_selv.at[lane], sem).wait()
        pltpu.make_async_copy(cand_i.at[pl.ds(0, 16)],
                              sh_seli.at[lane], sem).wait()
        return 0
    lax.fori_loop(0, cnt16, _sd, 0)
    plsc.subcore_barrier()

    q8 = sax % 8
    bb = sax // 8
    soff = bb * 1024 + q8 * 64
    doff = (2 * cax + bb) * _OROWS + q8 * 64
    pltpu.sync_copy(sh_selv.at[pl.ds(soff, 64)],
                    sc_out.at[pl.ds(doff, 64)])
    pltpu.sync_copy(sh_seli.at[pl.ds(soff, 64)],
                    ix_out.at[pl.ds(doff, 64)])


def _gather_body(scx, ixx, regf, heif, dimf, rotf, velf, out,
                 scv, ixv, ch, rowbuf, sem):
    cax = lax.axis_index("c")
    sax = lax.axis_index("s")
    wid = cax * 16 + sax
    b = wid // _NSLICE
    lane = lax.iota(jnp.int32, 16)
    base = wid * 64
    pltpu.sync_copy(scx.at[pl.ds(base, 64)], scv)
    pltpu.sync_copy(ixx.at[pl.ds(base, 64)], ixv)

    chans = ((regf, 2, 0), (regf, 2, 1), (heif, 1, 0),
             (dimf, 3, 0), (dimf, 3, 1), (dimf, 3, 2),
             (rotf, 2, 0), (rotf, 2, 1),
             (velf, 2, 0), (velf, 2, 1))
    for t in range(4):
        gi = ixv[pl.ds(t * 16, 16)]
        pix = gi & (_HW - 1)
        yy = lax.shift_right_logical(pix, 9)
        xx = pix & (_W - 1)
        off = lax.shift_right_logical(xx, 7) * (_H * 128) + yy * 128 \
            + (xx & 127)
        for k, (ref, nch, kk) in enumerate(chans):
            a = (b * nch + kk) * _HW + off
            pltpu.make_async_copy(
                ref.at[a], ch.at[k, pl.ds(t * 16, 16)], sem).start()
    for t in range(4):
        for k in range(10):
            pltpu.make_async_copy(
                regf.at[lane], ch.at[k, pl.ds(t * 16, 16)], sem).wait()

    for t in range(4):
        gi = ixv[pl.ds(t * 16, 16)]
        sc = scv[pl.ds(t * 16, 16)]
        pix = gi & (_HW - 1)
        clsf = lax.shift_right_logical(gi, 18).astype(jnp.float32)
        ys = lax.shift_right_logical(pix, 9).astype(jnp.float32)
        xs = (pix & (_W - 1)).astype(jnp.float32)
        r0 = ch[0, pl.ds(t * 16, 16)]
        r1 = ch[1, pl.ds(t * 16, 16)]
        hei = ch[2, pl.ds(t * 16, 16)]
        e0 = jnp.exp(ch[3, pl.ds(t * 16, 16)])
        e1 = jnp.exp(ch[4, pl.ds(t * 16, 16)])
        e2 = jnp.exp(ch[5, pl.ds(t * 16, 16)])
        ang = _atan2(ch[6, pl.ds(t * 16, 16)], ch[7, pl.ds(t * 16, 16)])
        v0 = ch[8, pl.ds(t * 16, 16)]
        v1 = ch[9, pl.ds(t * 16, 16)]
        x = (xs + r0) * _OUT_SIZE_FACTOR
        y = (ys + r1) * _OUT_SIZE_FACTOR
        m = (sc > _SCORE_THRESHOLD) & (x > 0.0) & (x < _GRIDB) \
            & (y > 0.0) & (y < _GRIDB)
        scm = jnp.where(m, sc, 0.0)
        for k, val in enumerate((x, y, hei, e0, e1, e2, ang, v0, v1,
                                 scm, clsf)):
            plsc.store_scatter(
                rowbuf,
                [t * 16 + lane, jnp.full((16,), k, jnp.int32)], val)
        for k in range(11, 16):
            plsc.store_scatter(
                rowbuf,
                [t * 16 + lane, jnp.full((16,), k, jnp.int32)], jnp.zeros(
                    (16,), jnp.float32))
    pltpu.sync_copy(rowbuf, out.at[pl.ds(base, 64)])


def _mesh():
    return plsc.VectorSubcoreMesh(core_axis_name="c", subcore_axis_name="s")


def _select_sc(sup_flat):
    fn = functools.partial(
        pl.kernel,
        mesh=_mesh(),
        compiler_params=pltpu.CompilerParams(needs_layout_passes=False,
                                             use_tc_tiling_on_sc=False),
        out_type=(jax.ShapeDtypeStruct((_NROWS,), jnp.float32),
                  jax.ShapeDtypeStruct((_NROWS,), jnp.int32)),
        scratch_types=[
            pltpu.VMEM((_SLICE,), jnp.float32),
            pltpu.VMEM((16 * _NBUCK,), jnp.int32),
            pltpu.VMEM((_SLICE // 64,), jnp.float32),
            pltpu.VMEM((_CAND_CAP,), jnp.float32),
            pltpu.VMEM((_CAND_CAP,), jnp.int32),
            pltpu.VMEM((_NSLICE, _NBUCK), jnp.int32),
            pltpu.VMEM((_NBUCK,), jnp.int32),
            pltpu.VMEM((_MERGE_CAP,), jnp.float32),
            pltpu.VMEM((_MERGE_CAP,), jnp.int32),
            pltpu.VMEM((_NSLICE, 16), jnp.int32),
            pltpu.VMEM((16,), jnp.int32),
            pltpu.VMEM((_CAND_CAP,), jnp.int32),
            pltpu.VMEM((512,), jnp.float32),
            pltpu.VMEM((512,), jnp.int32),
            pltpu.VMEM_SHARED((2, _NSLICE, _NBUCK), jnp.int32),
            pltpu.VMEM_SHARED((2, _NSLICE, 16), jnp.int32),
            pltpu.VMEM_SHARED((2, _MERGE_CAP), jnp.float32),
            pltpu.VMEM_SHARED((2, _MERGE_CAP), jnp.int32),
            pltpu.VMEM_SHARED((2048,), jnp.float32),
            pltpu.VMEM_SHARED((2048,), jnp.int32),
            pltpu.SemaphoreType.DMA,
        ],
    )(_select_body)
    return fn(sup_flat)


def _gather_sc(scx, ixx, regf, heif, dimf, rotf, velf):
    fn = functools.partial(
        pl.kernel,
        mesh=_mesh(),
        compiler_params=pltpu.CompilerParams(needs_layout_passes=False,
                                             use_tc_tiling_on_sc=False),
        out_type=jax.ShapeDtypeStruct((_NROWS, 16), jnp.float32),
        scratch_types=[
            pltpu.VMEM((64,), jnp.float32),
            pltpu.VMEM((64,), jnp.int32),
            pltpu.VMEM((10, 64), jnp.float32),
            pltpu.VMEM((64, 16), jnp.float32),
            pltpu.SemaphoreType.DMA,
        ],
    )(_gather_body)
    return fn(scx, ixx, regf, heif, dimf, rotf, velf)


def _relayout_body(r_i, h_i, d_i, ro_i, v_i, r_o, h_o, d_o, ro_o, v_o):
    r_o[0, :, 0] = r_i[0]
    h_o[0, :, 0] = h_i[0]
    d_o[0, :, 0] = d_i[0]
    ro_o[0, :, 0] = ro_i[0]
    v_o[0, :, 0] = v_i[0]


def _relayout(reg, height, dim, rot, vel):
    arrs = (reg, height, dim, rot, vel)

    def ispec(nch):
        return pl.BlockSpec((1, nch, 512, 128),
                            lambda b, xh: (b, 0, 0, xh))

    def ospec(nch):
        return pl.BlockSpec((1, nch, 1, 512, 128),
                            lambda b, xh: (b, 0, xh, 0, 0))
    outs = pl.pallas_call(
        _relayout_body,
        grid=(_B, 4),
        in_specs=[ispec(a.shape[1]) for a in arrs],
        out_specs=[ospec(a.shape[1]) for a in arrs],
        out_shape=[jax.ShapeDtypeStruct((_B, a.shape[1], 4, _H, 128),
                                        jnp.float32) for a in arrs],
    )(*arrs)
    return tuple(o.reshape(-1) for o in outs)


def kernel(heatmap, reg, height, dim, rot, vel):
    sup = _suppress(heatmap)
    scx, ixx = _select_sc(sup)
    regf, heif, dimf, rotf, velf = _relayout(reg, height, dim, rot, vel)
    res = _gather_sc(scx, ixx, regf, heif, dimf, rotf, velf)
    return res.reshape(_B, _OROWS, 16)[:, :_K, :11]

# --- scband reference (transcript-rebuilt; emitter-appended) ---
"""Pipeline reference for scband-center-point-decoder-82884278879165 (READ-ONLY COPY).

The authoritative reference and input builder live on the scoring server;
editing this copy changes nothing except your own understanding.
"""

import jax, jax.numpy as jnp
import numpy as np
from jax import lax

K = 500
OUT_SIZE_FACTOR = 4
SCORE_THRESHOLD = 0.1
GRID = (2048.0, 2048.0)
KERNEL = 3


def _max_pool2d_same(x, k):
    pad = (k - 1) // 2
    return lax.reduce_window(x, -jnp.inf, lax.max,
                             (1, 1, k, k), (1, 1, 1, 1),
                             [(0, 0), (0, 0), (pad, pad), (pad, pad)])


def _topk(scores, k):
    B, C, H, W = scores.shape
    topk_scores, topk_inds = lax.top_k(scores.reshape(B, C, H * W), k)
    topk_inds = topk_inds % (H * W)
    topk_ys = jnp.floor(topk_inds.astype(jnp.float32) / float(W))
    topk_xs = (topk_inds % W).astype(jnp.float32)
    topk_score, topk_ind = lax.top_k(topk_scores.reshape(B, C * k), k)
    topk_clses = (topk_ind // k).astype(jnp.int32)
    inds = jnp.take_along_axis(topk_inds.reshape(B, C * k), topk_ind, axis=1)
    ys = jnp.take_along_axis(topk_ys.reshape(B, C * k), topk_ind, axis=1)
    xs = jnp.take_along_axis(topk_xs.reshape(B, C * k), topk_ind, axis=1)
    coords = jnp.stack([xs, ys], axis=2)
    return topk_score, inds, topk_clses, coords


def setup_inputs(seed: int = 0) -> dict:
    key = jax.random.key(seed)
    ks = jax.random.split(key, 6)
    B, H, W = 4, 512, 512
    return {
        "heatmap": jax.random.normal(ks[0], (B, 2, H, W), jnp.float32),
        "reg": jax.random.normal(ks[1], (B, 2, H, W), jnp.float32),
        "height": jax.random.normal(ks[2], (B, 1, H, W), jnp.float32),
        "dim": jax.random.normal(ks[3], (B, 3, H, W), jnp.float32),
        "rot": jax.random.normal(ks[4], (B, 2, H, W), jnp.float32),
        "vel": jax.random.normal(ks[5], (B, 2, H, W), jnp.float32),
    }


def reference(heatmap, reg, height, dim, rot, vel):
    B, C, H, W = heatmap.shape
    hm = jax.nn.sigmoid(heatmap)
    max_hm = _max_pool2d_same(hm, KERNEL)
    hm = hm * (hm == max_hm).astype(hm.dtype)
    scores, inds, clses, coords = _topk(hm, K)
    bbox = jnp.concatenate([reg, height, dim, rot, vel], axis=1)
    D = bbox.shape[1]
    bbox = bbox.transpose(0, 2, 3, 1).reshape(B, H * W, D)
    bbox = jnp.take_along_axis(bbox, jnp.broadcast_to(inds[:, :, None], (B, K, D)), axis=1)
    xy = (coords + bbox[..., 0:2]) * OUT_SIZE_FACTOR
    hei = bbox[..., 2:3]
    dims = jnp.exp(bbox[..., 3:6])
    rot_a = jnp.arctan2(bbox[..., 6:7], bbox[..., 7:8])
    vel_g = bbox[..., 8:10]
    box_preds = jnp.concatenate([xy, hei, dims, rot_a, vel_g], axis=2)
    mask = (scores > SCORE_THRESHOLD) \
        & (xy[..., 0] > 0) & (xy[..., 0] < GRID[1]) \
        & (xy[..., 1] > 0) & (xy[..., 1] < GRID[0])
    scores_m = jnp.where(mask, scores, 0.0)
    out = jnp.concatenate(
        [box_preds, scores_m[..., None], clses.astype(jnp.float32)[..., None]], axis=2)
    return out

if __name__ == "__main__":
    import jax
    _d = setup_inputs()
    print(jax.jit(kernel)(*tuple(_d.values())))

</pallas_src>

<mosaic_0001>
#map = affine_map<(d0, d1) -> (0)>
module attributes {stable_mosaic.version = 14 : i64} {
  func.func @_select_body(%arg0: i32, %arg1: i32, %arg2: memref<2097152xf32, #tpu.memory_space<hbm>>, %arg3: memref<2048xf32, #tpu.memory_space<hbm>>, %arg4: memref<2048xi32, #tpu.memory_space<hbm>>, %arg5: memref<65536xf32, #tpu.memory_space<vmem>>, %arg6: memref<8192xi32, #tpu.memory_space<vmem>>, %arg7: memref<1024xf32, #tpu.memory_space<vmem>>, %arg8: memref<2048xf32, #tpu.memory_space<vmem>>, %arg9: memref<2048xi32, #tpu.memory_space<vmem>>, %arg10: memref<8x512xi32, #tpu.memory_space<vmem>>, %arg11: memref<512xi32, #tpu.memory_space<vmem>>, %arg12: memref<4096xf32, #tpu.memory_space<vmem>>, %arg13: memref<4096xi32, #tpu.memory_space<vmem>>, %arg14: memref<8x16xi32, #tpu.memory_space<vmem>>, %arg15: memref<16xi32, #tpu.memory_space<vmem>>, %arg16: memref<2048xi32, #tpu.memory_space<vmem>>, %arg17: memref<512xf32, #tpu.memory_space<vmem>>, %arg18: memref<512xi32, #tpu.memory_space<vmem>>, %arg19: memref<2x8x512xi32, #tpu.memory_space<vmem_shared>>, %arg20: memref<2x8x16xi32, #tpu.memory_space<vmem_shared>>, %arg21: memref<2x4096xf32, #tpu.memory_space<vmem_shared>>, %arg22: memref<2x4096xi32, #tpu.memory_space<vmem_shared>>, %arg23: memref<2048xf32, #tpu.memory_space<vmem_shared>>, %arg24: memref<2048xi32, #tpu.memory_space<vmem_shared>>, %arg25: memref<!tpu.dma_semaphore, #tpu.memory_space<semaphore_mem>>) attributes {dimension_semantics = [#tpu.dimension_semantics<core_parallel>, #tpu.dimension_semantics<subcore_parallel>], iteration_bounds = array<i64: 2, 16>, scalar_prefetch = 0 : i64, scratch_operands = 21 : i64, tpu.core_type = #tpu.core_type<sc_vector_subcore>, window_params = [{transform_indices = #map}, {transform_indices = #map}, {transform_indices = #map}]} {
    %mul3A = arith.constant 16 : i32
    %mul3A_0 = arith.muli %arg0, %mul3A : i32
    %add3A = arith.addi %mul3A_0, %arg1 : i32
    %mul3A_1 = arith.constant 2 : i32
    %mul3A_2 = arith.muli %mul3A_1, %arg0 : i32
    %jit3A = arith.constant 8 : i32
    %div3A = arith.divsi %arg1, %jit3A : i32
    %sign3A = arith.constant 0 : i32
    %sign3A_3 = arith.cmpi sgt, %arg1, %sign3A : i32
    %sign3A_4 = arith.extui %sign3A_3 : i1 to i32
    %sign3A_5 = arith.constant 0 : i32
    %sign3A_6 = arith.cmpi slt, %arg1, %sign3A_5 : i32
    %sign3A_7 = arith.extui %sign3A_6 : i1 to i32
    %sign3A_8 = arith.subi %sign3A_4, %sign3A_7 : i32
    %sign3A_9 = arith.constant 0 : i32
    %sign3A_10 = arith.cmpi sgt, %jit3A, %sign3A_9 : i32
    %sign3A_11 = arith.extui %sign3A_10 : i1 to i32
    %sign3A_12 = arith.constant 0 : i32
    %sign3A_13 = arith.cmpi slt, %jit3A, %sign3A_12 : i32
    %sign3A_14 = arith.extui %sign3A_13 : i1 to i32
    %sign3A_15 = arith.subi %sign3A_11, %sign3A_14 : i32
    %ne3A = arith.cmpi ne, %sign3A_8, %sign3A_15 : i32
    %rem3A = arith.remsi %arg1, %jit3A : i32
    %ne3A_16 = arith.constant 0 : i32
    %ne3A_17 = arith.cmpi ne, %rem3A, %ne3A_16 : i32
    %and3A = arith.andi %ne3A, %ne3A_17 : i1
    %sub3A = arith.constant 1 : i32
    %sub3A_18 = arith.subi %div3A, %sub3A : i32
    %select_n3A = arith.select %and3A, %sub3A_18, %div3A : i32
    %add3A_19 = arith.addi %mul3A_2, %select_n3A : i32
    %jit3A_20 = arith.constant 8 : i32
    %div3A_21 = arith.divsi %arg1, %jit3A_20 : i32
    %sign3A_22 = arith.constant 0 : i32
    %sign3A_23 = arith.cmpi sgt, %arg1, %sign3A_22 : i32
    %sign3A_24 = arith.extui %sign3A_23 : i1 to i32
    %sign3A_25 = arith.constant 0 : i32
    %sign3A_26 = arith.cmpi slt, %arg1, %sign3A_25 : i32
    %sign3A_27 = arith.extui %sign3A_26 : i1 to i32
    %sign3A_28 = arith.subi %sign3A_24, %sign3A_27 : i32
    %sign3A_29 = arith.constant 0 : i32
    %sign3A_30 = arith.cmpi sgt, %jit3A_20, %sign3A_29 : i32
    %sign3A_31 = arith.extui %sign3A_30 : i1 to i32
    %sign3A_32 = arith.constant 0 : i32
    %sign3A_33 = arith.cmpi slt, %jit3A_20, %sign3A_32 : i32
    %sign3A_34 = arith.extui %sign3A_33 : i1 to i32
    %sign3A_35 = arith.subi %sign3A_31, %sign3A_34 : i32
    %ne3A_36 = arith.cmpi ne, %sign3A_28, %sign3A_35 : i32
    %rem3A_37 = arith.remsi %arg1, %jit3A_20 : i32
    %ne3A_38 = arith.constant 0 : i32
    %ne3A_39 = arith.cmpi ne, %rem3A_37, %ne3A_38 : i32
    %and3A_40 = arith.andi %ne3A_36, %ne3A_39 : i1
    %sub3A_41 = arith.constant 1 : i32
    %sub3A_42 = arith.subi %div3A_21, %sub3A_41 : i32
    %select_n3A_43 = arith.select %and3A_40, %sub3A_42, %div3A_21 : i32
    %jit3A_44 = arith.constant 8 : i32
    %eq3A = arith.constant 0 : i32
    %eq3A_45 = arith.cmpi eq, %jit3A_44, %eq3A : i32
    %jit3A_46 = arith.constant 1 : i32
    %select_n3A_47 = arith.select %eq3A_45, %jit3A_46, %jit3A_44 : i32
    %rem3A_48 = arith.remsi %arg1, %select_n3A_47 : i32
    %ne3A_49 = arith.constant 0 : i32
    %ne3A_50 = arith.cmpi ne, %rem3A_48, %ne3A_49 : i32
    %lt3A = arith.constant 0 : i32
    %lt3A_51 = arith.cmpi slt, %rem3A_48, %lt3A : i32
    %lt3A_52 = arith.constant 0 : i32
    %lt3A_53 = arith.cmpi slt, %select_n3A_47, %lt3A_52 : i32
    %ne3A_54 = arith.xori %lt3A_51, %lt3A_53 : i1
    %and3A_55 = arith.andi %ne3A_54, %ne3A_50 : i1
    %add3A_56 = arith.addi %rem3A_48, %select_n3A_47 : i32
    %select_n3A_57 = arith.select %and3A_55, %add3A_56, %rem3A_48 : i32
    %iota3A = tpu.iota {dimensions = array<i32: 0>} : vector<16xi32>
    %broadcast_in_dim3A = arith.constant 0 : i32
    %broadcast_in_dim3A_58 = vector.broadcast %broadcast_in_dim3A : i32 to vector<16xi32>
    %broadcast_in_dim3A_59 = arith.constant 0.000000e+00 : f32
    %broadcast_in_dim3A_60 = vector.broadcast %broadcast_in_dim3A_59 : f32 to vector<16xf32>
    %mul3A_61 = arith.constant 524288 : i32
    %mul3A_62 = arith.muli %add3A_19, %mul3A_61 : i32
    %mul3A_63 = arith.constant 65536 : i32
    %mul3A_64 = arith.muli %select_n3A_57, %mul3A_63 : i32
    %add3A_65 = arith.addi %mul3A_62, %mul3A_64 : i32
    %dma_start3A = tpu.memref_slice %arg2[%add3A_65] : memref<2097152xf32, #tpu.memory_space<hbm>> -> memref<65536xf32, #tpu.memory_space<hbm>>
    %dma_start3A_66 = tpu.memref_slice %arg2[%add3A_65] : memref<2097152xf32, #tpu.memory_space<hbm>> -> memref<65536xf32, #tpu.memory_space<hbm>>
    tpu.enqueue_dma source(%dma_start3A_66 : memref<65536xf32, #tpu.memory_space<hbm>>) target(%arg5 : memref<65536xf32, #tpu.memory_space<vmem>>) target_semaphore(%arg25 : memref<!tpu.dma_semaphore, #tpu.memory_space<semaphore_mem>>)
    %scan3A = arith.constant 0 : i32
    %scan3A_67 = arith.constant 0 : i32
    %scan3A_68 = arith.constant 32 : i32
    %scan3A_69 = arith.addi %scan3A_67, %scan3A_68 : i32
    %scan3A_70 = arith.constant 1 : i32
    %scan3A_71 = scf.for %scan3A_279 = %scan3A_67 to %scan3A_69 step %scan3A_70 iter_args(%scan3A_280 = %scan3A) -> (i32)  : i32 {
      %mul3A_281 = arith.constant 16 : i32
      %mul3A_282 = arith.muli %scan3A_279, %mul3A_281 : i32
      %swap3A_283 = arith.index_cast %mul3A_282 : i32 to index
      %swap3A_284 = tpu.vector_load %arg17[%swap3A_283] {strides = array<i32>} : memref<512xf32, #tpu.memory_space<vmem>>, vector<16xf32>,
      tpu.vector_store %arg17[%swap3A_283], %broadcast_in_dim3A_60 {strides = array<i32>} : memref<512xf32, #tpu.memory_space<vmem>>, vector<16xf32>,
      %mul3A_285 = arith.constant 16 : i32
      %mul3A_286 = arith.muli %scan3A_279, %mul3A_285 : i32
      %swap3A_287 = arith.index_cast %mul3A_286 : i32 to index
      %swap3A_288 = tpu.vector_load %arg18[%swap3A_287] {strides = array<i32>} : memref<512xi32, #tpu.memory_space<vmem>>, vector<16xi32>,
      tpu.vector_store %arg18[%swap3A_287], %broadcast_in_dim3A_58 {strides = array<i32>} : memref<512xi32, #tpu.memory_space<vmem>>, vector<16xi32>,
      %scan3A_289 = arith.constant 0 : i32
      scf.yield %scan3A_289 : i32
    }
    %scan3A_72 = arith.constant 32 : i32
    %scan3A_73 = arith.constant 0 : i32
    %scan3A_74 = arith.constant 0 : i32
    %scan3A_75 = arith.constant 64 : i32
    %scan3A_76 = arith.addi %scan3A_74, %scan3A_75 : i32
    %scan3A_77 = arith.constant 1 : i32
    %scan3A_78 = scf.for %scan3A_279 = %scan3A_74 to %scan3A_76 step %scan3A_77 iter_args(%scan3A_280 = %scan3A_73) -> (i32)  : i32 {
      %mul3A_281 = arith.constant 8 : i32
      %mul3A_282 = arith.muli %scan3A_279, %mul3A_281 : i32
      %add3A_283 = arith.constant 0 : i32
      %add3A_284 = arith.addi %mul3A_282, %add3A_283 : i32
      %mul3A_285 = arith.constant 16 : i32
      %mul3A_286 = arith.muli %add3A_284, %mul3A_285 : i32
      %swap3A_287 = arith.index_cast %mul3A_286 : i32 to index
      %swap3A_288 = tpu.vector_load %arg6[%swap3A_287] {strides = array<i32>} : memref<8192xi32, #tpu.memory_space<vmem>>, vector<16xi32>,
      tpu.vector_store %arg6[%swap3A_287], %broadcast_in_dim3A_58 {strides = array<i32>} : memref<8192xi32, #tpu.memory_space<vmem>>, vector<16xi32>,
      %mul3A_289 = arith.constant 8 : i32
      %mul3A_290 = arith.muli %scan3A_279, %mul3A_289 : i32
      %add3A_291 = arith.constant 1 : i32
      %add3A_292 = arith.addi %mul3A_290, %add3A_291 : i32
      %mul3A_293 = arith.constant 16 : i32
      %mul3A_294 = arith.muli %add3A_292, %mul3A_293 : i32
      %swap3A_295 = arith.index_cast %mul3A_294 : i32 to index
      %swap3A_296 = tpu.vector_load %arg6[%swap3A_295] {strides = array<i32>} : memref<8192xi32, #tpu.memory_space<vmem>>, vector<16xi32>,
      tpu.vector_store %arg6[%swap3A_295], %broadcast_in_dim3A_58 {strides = array<i32>} : memref<8192xi32, #tpu.memory_space<vmem>>, vector<16xi32>,
      %mul3A_297 = arith.constant 8 : i32
      %mul3A_298 = arith.muli %scan3A_279, %mul3A_297 : i32
      %add3A_299 = arith.constant 2 : i32
      %add3A_300 = arith.addi %mul3A_298, %add3A_299 : i32
      %mul3A_301 = arith.constant 16 : i32
      %mul3A_302 = arith.muli %add3A_300, %mul3A_301 : i32
      %swap3A_303 = arith.index_cast %mul3A_302 : i32 to index
      %swap3A_304 = tpu.vector_load %arg6[%swap3A_303] {strides = array<i32>} : memref<8192xi32, #tpu.memory_space<vmem>>, vector<16xi32>,
      tpu.vector_store %arg6[%swap3A_303], %broadcast_in_dim3A_58 {strides = array<i32>} : memref<8192xi32, #tpu.memory_space<vmem>>, vector<16xi32>,
      %mul3A_305 = arith.constant 8 : i32
      %mul3A_306 = arith.muli %scan3A_279, %mul3A_305 : i32
      %add3A_307 = arith.constant 3 : i32
      %add3A_308 = arith.addi %mul3A_306, %add3A_307 : i32
      %mul3A_309 = arith.constant 16 : i32
      %mul3A_310 = arith.muli %add3A_308, %mul3A_309 : i32
      %swap3A_311 = arith.index_cast %mul3A_310 : i32 to index
      %swap3A_312 = tpu.vector_load %arg6[%swap3A_311] {strides = array<i32>} : memref<8192xi32, #tpu.memory_space<vmem>>, vector<16xi32>,
      tpu.vector_store %arg6[%swap3A_311], %broadcast_in_dim3A_58 {strides = array<i32>} : memref<8192xi32, #tpu.memory_space<vmem>>, vector<16xi32>,
      %mul3A_313 = arith.constant 8 : i32
      %mul3A_314 = arith.muli %scan3A_279, %mul3A_313 : i32
      %add3A_315 = arith.constant 4 : i32
      %add3A_316 = arith.addi %mul3A_314, %add3A_315 : i32
      %mul3A_317 = arith.constant 16 : i32
      %mul3A_318 = arith.muli %add3A_316, %mul3A_317 : i32
      %swap3A_319 = arith.index_cast %mul3A_318 : i32 to index
      %swap3A_320 = tpu.vector_load %arg6[%swap3A_319] {strides = array<i32>} : memref<8192xi32, #tpu.memory_space<vmem>>, vector<16xi32>,
      tpu.vector_store %arg6[%swap3A_319], %broadcast_in_dim3A_58 {strides = array<i32>} : memref<8192xi32, #tpu.memory_space<vmem>>, vector<16xi32>,
      %mul3A_321 = arith.constant 8 : i32
      %mul3A_322 = arith.muli %scan3A_279, %mul3A_321 : i32
      %add3A_323 = arith.constant 5 : i32
      %add3A_324 = arith.addi %mul3A_322, %add3A_323 : i32
      %mul3A_325 = arith.constant 16 : i32
      %mul3A_326 = arith.muli %add3A_324, %mul3A_325 : i32
      %swap3A_327 = arith.index_cast %mul3A_326 : i32 to index
      %swap3A_328 = tpu.vector_load %arg6[%swap3A_327] {strides = array<i32>} : memref<8192xi32, #tpu.memory_space<vmem>>, vector<16xi32>,
      tpu.vector_store %arg6[%swap3A_327], %broadcast_in_dim3A_58 {strides = array<i32>} : memref<8192xi32, #tpu.memory_space<vmem>>, vector<16xi32>,
      %mul3A_329 = arith.constant 8 : i32
      %mul3A_330 = arith.muli %scan3A_279, %mul3A_329 : i32
      %add3A_331 = arith.constant 6 : i32
      %add3A_332 = arith.addi %mul3A_330, %add3A_331 : i32
      %mul3A_333 = arith.constant 16 : i32
      %mul3A_334 = arith.muli %add3A_332, %mul3A_333 : i32
      %swap3A_335 = arith.index_cast %mul3A_334 : i32 to index
      %swap3A_336 = tpu.vector_load %arg6[%swap3A_335] {strides = array<i32>} : memref<8192xi32, #tpu.memory_space<vmem>>, vector<16xi32>,
      tpu.vector_store %arg6[%swap3A_335], %broadcast_in_dim3A_58 {strides = array<i32>} : memref<8192xi32, #tpu.memory_space<vmem>>, vector<16xi32>,
      %mul3A_337 = arith.constant 8 : i32
      %mul3A_338 = arith.muli %scan3A_279, %mul3A_337 : i32
      %add3A_339 = arith.constant 7 : i32
      %add3A_340 = arith.addi %mul3A_338, %add3A_339 : i32
      %mul3A_341 = arith.constant 16 : i32
      %mul3A_342 = arith.muli %add3A_340, %mul3A_341 : i32
      %swap3A_343 = arith.index_cast %mul3A_342 : i32 to index
      %swap3A_344 = tpu.vector_load %arg6[%swap3A_343] {strides = array<i32>} : memref<8192xi32, #tpu.memory_space<vmem>>, vector<16xi32>,
      tpu.vector_store %arg6[%swap3A_343], %broadcast_in_dim3A_58 {strides = array<i32>} : memref<8192xi32, #tpu.memory_space<vmem>>, vector<16xi32>,
      %scan3A_345 = arith.constant 0 : i32
      scf.yield %scan3A_345 : i32
    }
    %scan3A_79 = arith.constant 64 : i32
    %mul3A_80 = arith.constant 512 : i32
    %mul3A_81 = arith.muli %select_n3A_57, %mul3A_80 : i32
    "tpu.region"() ({
      %run_scoped3A = tpu.sem_alloc : memref<!tpu.dma_semaphore, #tpu.memory_space<semaphore_mem>>
      %dma_start3A_279 = tpu.memref_slice %arg21[%select_n3A_43, %mul3A_81] : memref<2x4096xf32, #tpu.memory_space<vmem_shared>> -> memref<1x512xf32, #tpu.memory_space<vmem_shared>>
      %dma_start3A_280 = tpu.memref_squeeze %dma_start3A_279 : memref<1x512xf32, #tpu.memory_space<vmem_shared>> -> memref<512xf32, #tpu.memory_space<vmem_shared>>
      %dma_start3A_281 = tpu.memref_slice %arg21[%select_n3A_43, %mul3A_81] : memref<2x4096xf32, #tpu.memory_space<vmem_shared>> -> memref<1x512xf32, #tpu.memory_space<vmem_shared>>
      %dma_start3A_282 = tpu.memref_squeeze %dma_start3A_281 : memref<1x512xf32, #tpu.memory_space<vmem_shared>> -> memref<512xf32, #tpu.memory_space<vmem_shared>>
      tpu.enqueue_dma source(%arg17 : memref<512xf32, #tpu.memory_space<vmem>>) target(%dma_start3A_282 : memref<512xf32, #tpu.memory_space<vmem_shared>>) target_semaphore(%run_scoped3A : memref<!tpu.dma_semaphore, #tpu.memory_space<semaphore_mem>>)
      %dma_wait3A_283 = tpu.memref_slice %arg21[%select_n3A_43, %mul3A_81] : memref<2x4096xf32, #tpu.memory_space<vmem_shared>> -> memref<1x512xf32, #tpu.memory_space<vmem_shared>>
      %dma_wait3A_284 = tpu.memref_squeeze %dma_wait3A_283 : memref<1x512xf32, #tpu.memory_space<vmem_shared>> -> memref<512xf32, #tpu.memory_space<vmem_shared>>
      %dma_wait3A_285 = tpu.memref_slice %arg21[%select_n3A_43, %mul3A_81] : memref<2x4096xf32, #tpu.memory_space<vmem_shared>> -> memref<1x512xf32, #tpu.memory_space<vmem_shared>>
      %dma_wait3A_286 = tpu.memref_squeeze %dma_wait3A_285 : memref<1x512xf32, #tpu.memory_space<vmem_shared>> -> memref<512xf32, #tpu.memory_space<vmem_shared>>
      tpu.wait_dma2 semaphore(%run_scoped3A : memref<!tpu.dma_semaphore, #tpu.memory_space<semaphore_mem>>) src(%arg17 : memref<512xf32, #tpu.memory_space<vmem>>) dst(%dma_wait3A_286 : memref<512xf32, #tpu.memory_space<vmem_shared>>)
      tpu.yield
    }) : () -> ()
    %mul3A_82 = arith.constant 512 : i32
    %mul3A_83 = arith.muli %select_n3A_57, %mul3A_82 : i32
    "tpu.region"() ({
      %run_scoped3A = tpu.sem_alloc : memref<!tpu.dma_semaphore, #tpu.memory_space<semaphore_mem>>
      %dma_start3A_279 = tpu.memref_slice %arg22[%select_n3A_43, %mul3A_83] : memref<2x4096xi32, #tpu.memory_space<vmem_shared>> -> memref<1x512xi32, #tpu.memory_space<vmem_shared>>
      %dma_start3A_280 = tpu.memref_squeeze %dma_start3A_279 : memref<1x512xi32, #tpu.memory_space<vmem_shared>> -> memref<512xi32, #tpu.memory_space<vmem_shared>>
      %dma_start3A_281 = tpu.memref_slice %arg22[%select_n3A_43, %mul3A_83] : memref<2x4096xi32, #tpu.memory_space<vmem_shared>> -> memref<1x512xi32, #tpu.memory_space<vmem_shared>>
      %dma_start3A_282 = tpu.memref_squeeze %dma_start3A_281 : memref<1x512xi32, #tpu.memory_space<vmem_shared>> -> memref<512xi32, #tpu.memory_space<vmem_shared>>
      tpu.enqueue_dma source(%arg18 : memref<512xi32, #tpu.memory_space<vmem>>) target(%dma_start3A_282 : memref<512xi32, #tpu.memory_space<vmem_shared>>) target_semaphore(%run_scoped3A : memref<!tpu.dma_semaphore, #tpu.memory_space<semaphore_mem>>)
      %dma_wait3A_283 = tpu.memref_slice %arg22[%select_n3A_43, %mul3A_83] : memref<2x4096xi32, #tpu.memory_space<vmem_shared>> -> memref<1x512xi32, #tpu.memory_space<vmem_shared>>
      %dma_wait3A_284 = tpu.memref_squeeze %dma_wait3A_283 : memref<1x512xi32, #tpu.memory_space<vmem_shared>> -> memref<512xi32, #tpu.memory_space<vmem_shared>>
      %dma_wait3A_285 = tpu.memref_slice %arg22[%select_n3A_43, %mul3A_83] : memref<2x4096xi32, #tpu.memory_space<vmem_shared>> -> memref<1x512xi32, #tpu.memory_space<vmem_shared>>
      %dma_wait3A_286 = tpu.memref_squeeze %dma_wait3A_285 : memref<1x512xi32, #tpu.memory_space<vmem_shared>> -> memref<512xi32, #tpu.memory_space<vmem_shared>>
      tpu.wait_dma2 semaphore(%run_scoped3A : memref<!tpu.dma_semaphore, #tpu.memory_space<semaphore_mem>>) src(%arg18 : memref<512xi32, #tpu.memory_space<vmem>>) dst(%dma_wait3A_286 : memref<512xi32, #tpu.memory_space<vmem_shared>>)
      tpu.yield
    }) : () -> ()
    %mul3A_84 = arith.constant 128 : i32
    %mul3A_85 = arith.muli %arg1, %mul3A_84 : i32
    "tpu.region"() ({
      %run_scoped3A = tpu.sem_alloc : memref<!tpu.dma_semaphore, #tpu.memory_space<semaphore_mem>>
      %dma_start3A_279 = arith.constant 0 : i32
      %dma_start3A_280 = tpu.memref_slice %arg17[%dma_start3A_279] : memref<512xf32, #tpu.memory_space<vmem>> -> memref<128xf32, #tpu.memory_space<vmem>>
      %dma_start3A_281 = tpu.memref_slice %arg23[%mul3A_85] : memref<2048xf32, #tpu.memory_space<vmem_shared>> -> memref<128xf32, #tpu.memory_space<vmem_shared>>
      %dma_start3A_282 = tpu.memref_slice %arg23[%mul3A_85] : memref<2048xf32, #tpu.memory_space<vmem_shared>> -> memref<128xf32, #tpu.memory_space<vmem_shared>>
      %dma_start3A_283 = arith.constant 0 : i32
      %dma_start3A_284 = tpu.memref_slice %arg17[%dma_start3A_283] : memref<512xf32, #tpu.memory_space<vmem>> -> memref<128xf32, #tpu.memory_space<vmem>>
      tpu.enqueue_dma source(%dma_start3A_284 : memref<128xf32, #tpu.memory_space<vmem>>) target(%dma_start3A_282 : memref<128xf32, #tpu.memory_space<vmem_shared>>) target_semaphore(%run_scoped3A : memref<!tpu.dma_semaphore, #tpu.memory_space<semaphore_mem>>)
      %dma_wait3A_285 = arith.constant 0 : i32
      %dma_wait3A_286 = tpu.memref_slice %arg17[%dma_wait3A_285] : memref<512xf32, #tpu.memory_space<vmem>> -> memref<128xf32, #tpu.memory_space<vmem>>
      %dma_wait3A_287 = tpu.memref_slice %arg23[%mul3A_85] : memref<2048xf32, #tpu.memory_space<vmem_shared>> -> memref<128xf32, #tpu.memory_space<vmem_shared>>
      %dma_wait3A_288 = tpu.memref_slice %arg23[%mul3A_85] : memref<2048xf32, #tpu.memory_space<vmem_shared>> -> memref<128xf32, #tpu.memory_space<vmem_shared>>
      %dma_wait3A_289 = arith.constant 0 : i32
      %dma_wait3A_290 = tpu.memref_slice %arg17[%dma_wait3A_289] : memref<512xf32, #tpu.memory_space<vmem>> -> memref<128xf32, #tpu.memory_space<vmem>>
      tpu.wait_dma2 semaphore(%run_scoped3A : memref<!tpu.dma_semaphore, #tpu.memory_space<semaphore_mem>>) src(%dma_wait3A_290 : memref<128xf32, #tpu.memory_space<vmem>>) dst(%dma_wait3A_288 : memref<128xf32, #tpu.memory_space<vmem_shared>>)
      tpu.yield
    }) : () -> ()
    %mul3A_86 = arith.constant 128 : i32
    %mul3A_87 = arith.muli %arg1, %mul3A_86 : i32
    "tpu.region"() ({
      %run_scoped3A = tpu.sem_alloc : memref<!tpu.dma_semaphore, #tpu.memory_space<semaphore_mem>>
      %dma_start3A_279 = arith.constant 0 : i32
      %dma_start3A_280 = tpu.memref_slice %arg18[%dma_start3A_279] : memref<512xi32, #tpu.memory_space<vmem>> -> memref<128xi32, #tpu.memory_space<vmem>>
      %dma_start3A_281 = tpu.memref_slice %arg24[%mul3A_87] : memref<2048xi32, #tpu.memory_space<vmem_shared>> -> memref<128xi32, #tpu.memory_space<vmem_shared>>
      %dma_start3A_282 = tpu.memref_slice %arg24[%mul3A_87] : memref<2048xi32, #tpu.memory_space<vmem_shared>> -> memref<128xi32, #tpu.memory_space<vmem_shared>>
      %dma_start3A_283 = arith.constant 0 : i32
      %dma_start3A_284 = tpu.memref_slice %arg18[%dma_start3A_283] : memref<512xi32, #tpu.memory_space<vmem>> -> memref<128xi32, #tpu.memory_space<vmem>>
      tpu.enqueue_dma source(%dma_start3A_284 : memref<128xi32, #tpu.memory_space<vmem>>) target(%dma_start3A_282 : memref<128xi32, #tpu.memory_space<vmem_shared>>) target_semaphore(%run_scoped3A : memref<!tpu.dma_semaphore, #tpu.memory_space<semaphore_mem>>)
      %dma_wait3A_285 = arith.constant 0 : i32
      %dma_wait3A_286 = tpu.memref_slice %arg18[%dma_wait3A_285] : memref<512xi32, #tpu.memory_space<vmem>> -> memref<128xi32, #tpu.memory_space<vmem>>
      %dma_wait3A_287 = tpu.memref_slice %arg24[%mul3A_87] : memref<2048xi32, #tpu.memory_space<vmem_shared>> -> memref<128xi32, #tpu.memory_space<vmem_shared>>
      %dma_wait3A_288 = tpu.memref_slice %arg24[%mul3A_87] : memref<2048xi32, #tpu.memory_space<vmem_shared>> -> memref<128xi32, #tpu.memory_space<vmem_shared>>
      %dma_wait3A_289 = arith.constant 0 : i32
      %dma_wait3A_290 = tpu.memref_slice %arg18[%dma_wait3A_289] : memref<512xi32, #tpu.memory_space<vmem>> -> memref<128xi32, #tpu.memory_space<vmem>>
      tpu.wait_dma2 semaphore(%run_scoped3A : memref<!tpu.dma_semaphore, #tpu.memory_space<semaphore_mem>>) src(%dma_wait3A_290 : memref<128xi32, #tpu.memory_space<vmem>>) dst(%dma_wait3A_288 : memref<128xi32, #tpu.memory_space<vmem_shared>>)
      tpu.yield
    }) : () -> ()
    %dma_wait3A = tpu.memref_slice %arg2[%add3A_65] : memref<2097152xf32, #tpu.memory_space<hbm>> -> memref<65536xf32, #tpu.memory_space<hbm>>
    %dma_wait3A_88 = tpu.memref_slice %arg2[%add3A_65] : memref<2097152xf32, #tpu.memory_space<hbm>> -> memref<65536xf32, #tpu.memory_space<hbm>>
    tpu.wait_dma2 semaphore(%arg25 : memref<!tpu.dma_semaphore, #tpu.memory_space<semaphore_mem>>) src(%dma_wait3A_88 : memref<65536xf32, #tpu.memory_space<hbm>>) dst(%arg5 : memref<65536xf32, #tpu.memory_space<vmem>>)
    %broadcast_in_dim3A_89 = arith.constant 1 : i32
    %broadcast_in_dim3A_90 = vector.broadcast %broadcast_in_dim3A_89 : i32 to vector<16xi32>
    %mul3A_91 = arith.constant 512 : i32
    %mul3A_92 = vector.broadcast %mul3A_91 : i32 to vector<16xi32>
    %mul3A_93 = arith.muli %iota3A, %mul3A_92 : vector<16xi32>
    %scan3A_94 = arith.constant 0 : i32
    %scan3A_95 = arith.constant 0 : i32
    %scan3A_96 = arith.constant 1024 : i32
    %scan3A_97 = arith.addi %scan3A_95, %scan3A_96 : i32
    %scan3A_98 = arith.constant 1 : i32
    %scan3A_99 = scf.for %scan3A_279 = %scan3A_95 to %scan3A_97 step %scan3A_98 iter_args(%scan3A_280 = %scan3A_94) -> (i32)  : i32 {
      %mul3A_281 = arith.constant 4 : i32
      %mul3A_282 = arith.muli %scan3A_279, %mul3A_281 : i32
      %add3A_283 = arith.constant 0 : i32
      %add3A_284 = arith.addi %mul3A_282, %add3A_283 : i32
      %mul3A_285 = arith.constant 16 : i32
      %mul3A_286 = arith.muli %add3A_284, %mul3A_285 : i32
      %get3A = arith.index_cast %mul3A_286 : i32 to index
      %get3A_287 = tpu.vector_load %arg5[%get3A] {strides = array<i32>} : memref<65536xf32, #tpu.memory_space<vmem>>, vector<16xf32>,
      %max3A = arith.constant 9.99999997E-7 : f32
      %max3A_288 = vector.broadcast %max3A : f32 to vector<16xf32>
      %max3A_289 = arith.maximumf %get3A_287, %max3A_288 : vector<16xf32>
      %sub3A_290 = arith.constant 2.000000e+00 : f32
      %sub3A_291 = vector.broadcast %sub3A_290 : f32 to vector<16xf32>
      %sub3A_292 = arith.subf %sub3A_291, %max3A_289 : vector<16xf32>
      %bitcast_convert_type3A = tpu.bitcast %sub3A_292 : vector<16xf32> -> vector<16xi32>
      %shift_right_logical3A = arith.constant 14 : i32
      %shift_right_logical3A_293 = vector.broadcast %shift_right_logical3A : i32 to vector<16xi32>
      %shift_right_logical3A_294 = arith.shrui %bitcast_convert_type3A, %shift_right_logical3A_293 : vector<16xi32>
      %and3A_295 = arith.constant 511 : i32
      %and3A_296 = vector.broadcast %and3A_295 : i32 to vector<16xi32>
      %and3A_297 = arith.andi %shift_right_logical3A_294, %and3A_296 : vector<16xi32>
      %add3A_298 = arith.addi %mul3A_93, %and3A_297 : vector<16xi32>
      %gt3A = arith.constant 0.000000e+00 : f32
      %gt3A_299 = vector.broadcast %gt3A : f32 to vector<16xf32>
      %gt3A_300 = arith.cmpf ogt, %get3A_287, %gt3A_299 : vector<16xf32>
      tpu.vector_store_idx %arg6[%add3A_298], %broadcast_in_dim3A_90 masked %gt3A_300 {add = true} : memref<8192xi32, #tpu.memory_space<vmem>>[vector<16xi32>], vector<16xi32>, vector<16xi1>
      %mul3A_301 = arith.constant 4 : i32
      %mul3A_302 = arith.muli %scan3A_279, %mul3A_301 : i32
      %add3A_303 = arith.constant 1 : i32
      %add3A_304 = arith.addi %mul3A_302, %add3A_303 : i32
      %mul3A_305 = arith.constant 16 : i32
      %mul3A_306 = arith.muli %add3A_304, %mul3A_305 : i32
      %get3A_307 = arith.index_cast %mul3A_306 : i32 to index
      %get3A_308 = tpu.vector_load %arg5[%get3A_307] {strides = array<i32>} : memref<65536xf32, #tpu.memory_space<vmem>>, vector<16xf32>,
      %max3A_309 = arith.constant 9.99999997E-7 : f32
      %max3A_310 = vector.broadcast %max3A_309 : f32 to vector<16xf32>
      %max3A_311 = arith.maximumf %get3A_308, %max3A_310 : vector<16xf32>
      %sub3A_312 = arith.constant 2.000000e+00 : f32
      %sub3A_313 = vector.broadcast %sub3A_312 : f32 to vector<16xf32>
      %sub3A_314 = arith.subf %sub3A_313, %max3A_311 : vector<16xf32>
      %bitcast_convert_type3A_315 = tpu.bitcast %sub3A_314 : vector<16xf32> -> vector<16xi32>
      %shift_right_logical3A_316 = arith.constant 14 : i32
      %shift_right_logical3A_317 = vector.broadcast %shift_right_logical3A_316 : i32 to vector<16xi32>
      %shift_right_logical3A_318 = arith.shrui %bitcast_convert_type3A_315, %shift_right_logical3A_317 : vector<16xi32>
      %and3A_319 = arith.constant 511 : i32
      %and3A_320 = vector.broadcast %and3A_319 : i32 to vector<16xi32>
      %and3A_321 = arith.andi %shift_right_logical3A_318, %and3A_320 : vector<16xi32>
      %add3A_322 = arith.addi %mul3A_93, %and3A_321 : vector<16xi32>
      %gt3A_323 = arith.constant 0.000000e+00 : f32
      %gt3A_324 = vector.broadcast %gt3A_323 : f32 to vector<16xf32>
      %gt3A_325 = arith.cmpf ogt, %get3A_308, %gt3A_324 : vector<16xf32>
      tpu.vector_store_idx %arg6[%add3A_322], %broadcast_in_dim3A_90 masked %gt3A_325 {add = true} : memref<8192xi32, #tpu.memory_space<vmem>>[vector<16xi32>], vector<16xi32>, vector<16xi1>
      %mul3A_326 = arith.constant 4 : i32
      %mul3A_327 = arith.muli %scan3A_279, %mul3A_326 : i32
      %add3A_328 = arith.constant 2 : i32
      %add3A_329 = arith.addi %mul3A_327, %add3A_328 : i32
      %mul3A_330 = arith.constant 16 : i32
      %mul3A_331 = arith.muli %add3A_329, %mul3A_330 : i32
      %get3A_332 = arith.index_cast %mul3A_331 : i32 to index
      %get3A_333 = tpu.vector_load %arg5[%get3A_332] {strides = array<i32>} : memref<65536xf32, #tpu.memory_space<vmem>>, vector<16xf32>,
      %max3A_334 = arith.constant 9.99999997E-7 : f32
      %max3A_335 = vector.broadcast %max3A_334 : f32 to vector<16xf32>
      %max3A_336 = arith.maximumf %get3A_333, %max3A_335 : vector<16xf32>
      %sub3A_337 = arith.constant 2.000000e+00 : f32
      %sub3A_338 = vector.broadcast %sub3A_337 : f32 to vector<16xf32>
      %sub3A_339 = arith.subf %sub3A_338, %max3A_336 : vector<16xf32>
      %bitcast_convert_type3A_340 = tpu.bitcast %sub3A_339 : vector<16xf32> -> vector<16xi32>
      %shift_right_logical3A_341 = arith.constant 14 : i32
      %shift_right_logical3A_342 = vector.broadcast %shift_right_logical3A_341 : i32 to vector<16xi32>
      %shift_right_logical3A_343 = arith.shrui %bitcast_convert_type3A_340, %shift_right_logical3A_342 : vector<16xi32>
      %and3A_344 = arith.constant 511 : i32
      %and3A_345 = vector.broadcast %and3A_344 : i32 to vector<16xi32>
      %and3A_346 = arith.andi %shift_right_logical3A_343, %and3A_345 : vector<16xi32>
      %add3A_347 = arith.addi %mul3A_93, %and3A_346 : vector<16xi32>
      %gt3A_348 = arith.constant 0.000000e+00 : f32
      %gt3A_349 = vector.broadcast %gt3A_348 : f32 to vector<16xf32>
      %gt3A_350 = arith.cmpf ogt, %get3A_333, %gt3A_349 : vector<16xf32>
      tpu.vector_store_idx %arg6[%add3A_347], %broadcast_in_dim3A_90 masked %gt3A_350 {add = true} : memref<8192xi32, #tpu.memory_space<vmem>>[vector<16xi32>], vector<16xi32>, vector<16xi1>
      %mul3A_351 = arith.constant 4 : i32
      %mul3A_352 = arith.muli %scan3A_279, %mul3A_351 : i32
      %add3A_353 = arith.constant 3 : i32
      %add3A_354 = arith.addi %mul3A_352, %add3A_353 : i32
      %mul3A_355 = arith.constant 16 : i32
      %mul3A_356 = arith.muli %add3A_354, %mul3A_355 : i32
      %get3A_357 = arith.index_cast %mul3A_356 : i32 to index
      %get3A_358 = tpu.vector_load %arg5[%get3A_357] {strides = array<i32>} : memref<65536xf32, #tpu.memory_space<vmem>>, vector<16xf32>,
      %max3A_359 = arith.constant 9.99999997E-7 : f32
      %max3A_360 = vector.broadcast %max3A_359 : f32 to vector<16xf32>
      %max3A_361 = arith.maximumf %get3A_358, %max3A_360 : vector<16xf32>
      %sub3A_362 = arith.constant 2.000000e+00 : f32
      %sub3A_363 = vector.broadcast %sub3A_362 : f32 to vector<16xf32>
      %sub3A_364 = arith.subf %sub3A_363, %max3A_361 : vector<16xf32>
      %bitcast_convert_type3A_365 = tpu.bitcast %sub3A_364 : vector<16xf32> -> vector<16xi32>
      %shift_right_logical3A_366 = arith.constant 14 : i32
      %shift_right_logical3A_367 = vector.broadcast %shift_right_logical3A_366 : i32 to vector<16xi32>
      %shift_right_logical3A_368 = arith.shrui %bitcast_convert_type3A_365, %shift_right_logical3A_367 : vector<16xi32>
      %and3A_369 = arith.constant 511 : i32
      %and3A_370 = vector.broadcast %and3A_369 : i32 to vector<16xi32>
      %and3A_371 = arith.andi %shift_right_logical3A_368, %and3A_370 : vector<16xi32>
      %add3A_372 = arith.addi %mul3A_93, %and3A_371 : vector<16xi32>
      %gt3A_373 = arith.constant 0.000000e+00 : f32
      %gt3A_374 = vector.broadcast %gt3A_373 : f32 to vector<16xf32>
      %gt3A_375 = arith.cmpf ogt, %get3A_358, %gt3A_374 : vector<16xf32>
      tpu.vector_store_idx %arg6[%add3A_372], %broadcast_in_dim3A_90 masked %gt3A_375 {add = true} : memref<8192xi32, #tpu.memory_space<vmem>>[vector<16xi32>], vector<16xi32>, vector<16xi1>
      %max3A_376 = arith.maximumf %get3A_287, %get3A_308 : vector<16xf32>
      %max3A_377 = arith.maximumf %get3A_333, %get3A_358 : vector<16xf32>
      %max3A_378 = arith.maximumf %max3A_376, %max3A_377 : vector<16xf32>
      %reduce_max3A = arith.constant true
      %reduce_max3A_379 = vector.broadcast %reduce_max3A : i1 to vector<16xi1>
      %reduce_max3A_380 = tpu.scan <max>, %max3A_378 masked %reduce_max3A_379 : vector<16xf32>, vector<16xi1> -> vector<16xf32>
      %reduce_max3A_381 = vector.extract %reduce_max3A_380[15] : f32 from vector<16xf32>
      %broadcast_in_dim3A_382 = vector.broadcast %scan3A_279 : i32 to vector<16xi32>
      %broadcast_in_dim3A_383 = vector.broadcast %reduce_max3A_381 : f32 to vector<16xf32>
      %eq3A_384 = arith.constant 0 : i32
      %eq3A_385 = vector.broadcast %eq3A_384 : i32 to vector<16xi32>
      %eq3A_386 = arith.cmpi eq, %iota3A, %eq3A_385 : vector<16xi32>
      tpu.vector_store_idx %arg7[%broadcast_in_dim3A_382], %broadcast_in_dim3A_383 masked %eq3A_386 : memref<1024xf32, #tpu.memory_space<vmem>>[vector<16xi32>], vector<16xf32>, vector<16xi1>
      %scan3A_387 = arith.constant 0 : i32
      scf.yield %scan3A_387 : i32
    }
    %scan3A_100 = arith.constant 1024 : i32
    %scan3A_101 = arith.constant 0 : i32
    %scan3A_102 = arith.constant 0 : i32
    %scan3A_103 = arith.constant 32 : i32
    %scan3A_104 = arith.addi %scan3A_102, %scan3A_103 : i32
    %scan3A_105 = arith.constant 1 : i32
    %scan3A_106 = scf.for %scan3A_279 = %scan3A_102 to %scan3A_104 step %scan3A_105 iter_args(%scan3A_280 = %scan3A_101) -> (i32)  : i32 {
      %mul3A_281 = arith.constant 16 : i32
      %mul3A_282 = arith.muli %scan3A_279, %mul3A_281 : i32
      %get3A = arith.index_cast %mul3A_282 : i32 to index
      %get3A_283 = tpu.vector_load %arg6[%get3A] {strides = array<i32>} : memref<8192xi32, #tpu.memory_space<vmem>>, vector<16xi32>,
      %scan3A_284 = arith.constant 1 : i32
      %scan3A_285 = arith.constant 15 : i32
      %scan3A_286 = arith.addi %scan3A_284, %scan3A_285 : i32
      %scan3A_287 = arith.constant 1 : i32
      %scan3A_288 = scf.for %scan3A_295 = %scan3A_284 to %scan3A_286 step %scan3A_287 iter_args(%scan3A_296 = %get3A_283) -> (vector<16xi32>)  : i32 {
        %mul3A_297 = arith.constant 512 : i32
        %mul3A_298 = arith.muli %scan3A_295, %mul3A_297 : i32
        %mul3A_299 = arith.constant 16 : i32
        %mul3A_300 = arith.muli %scan3A_279, %mul3A_299 : i32
        %add3A_301 = arith.addi %mul3A_298, %mul3A_300 : i32
        %get3A_302 = arith.index_cast %add3A_301 : i32 to index
        %get3A_303 = tpu.vector_load %arg6[%get3A_302] {strides = array<i32>} : memref<8192xi32, #tpu.memory_space<vmem>>, vector<16xi32>,
        %add3A_304 = arith.addi %scan3A_296, %get3A_303 : vector<16xi32>
        scf.yield %add3A_304 : vector<16xi32>
      }
      %scan3A_289 = arith.constant 15 : i32
      %mul3A_290 = arith.constant 16 : i32
      %mul3A_291 = arith.muli %scan3A_279, %mul3A_290 : i32
      %swap3A_292 = arith.index_cast %mul3A_291 : i32 to index
      %swap3A_293 = tpu.vector_load %arg11[%swap3A_292] {strides = array<i32>} : memref<512xi32, #tpu.memory_space<vmem>>, vector<16xi32>,
      tpu.vector_store %arg11[%swap3A_292], %scan3A_288 {strides = array<i32>} : memref<512xi32, #tpu.memory_space<vmem>>, vector<16xi32>,
      %scan3A_294 = arith.constant 0 : i32
      scf.yield %scan3A_294 : i32
    }
    %scan3A_107 = arith.constant 32 : i32
    "tpu.region"() ({
      %run_scoped3A = tpu.sem_alloc : memref<!tpu.dma_semaphore, #tpu.memory_space<semaphore_mem>>
      %dma_start3A_279 = arith.constant 0 : i32
      %dma_start3A_280 = tpu.memref_slice %arg19[%select_n3A_43, %select_n3A_57, %dma_start3A_279] : memref<2x8x512xi32, #tpu.memory_space<vmem_shared>> -> memref<1x1x512xi32, #tpu.memory_space<vmem_shared>>
      %dma_start3A_281 = tpu.memref_squeeze %dma_start3A_280 : memref<1x1x512xi32, #tpu.memory_space<vmem_shared>> -> memref<512xi32, #tpu.memory_space<vmem_shared>>
      %dma_start3A_282 = arith.constant 0 : i32
      %dma_start3A_283 = tpu.memref_slice %arg19[%select_n3A_43, %select_n3A_57, %dma_start3A_282] : memref<2x8x512xi32, #tpu.memory_space<vmem_shared>> -> memref<1x1x512xi32, #tpu.memory_space<vmem_shared>>
      %dma_start3A_284 = tpu.memref_squeeze %dma_start3A_283 : memref<1x1x512xi32, #tpu.memory_space<vmem_shared>> -> memref<512xi32, #tpu.memory_space<vmem_shared>>
      tpu.enqueue_dma source(%arg11 : memref<512xi32, #tpu.memory_space<vmem>>) target(%dma_start3A_284 : memref<512xi32, #tpu.memory_space<vmem_shared>>) target_semaphore(%run_scoped3A : memref<!tpu.dma_semaphore, #tpu.memory_space<semaphore_mem>>)
      %dma_wait3A_285 = arith.constant 0 : i32
      %dma_wait3A_286 = tpu.memref_slice %arg19[%select_n3A_43, %select_n3A_57, %dma_wait3A_285] : memref<2x8x512xi32, #tpu.memory_space<vmem_shared>> -> memref<1x1x512xi32, #tpu.memory_space<vmem_shared>>
      %dma_wait3A_287 = tpu.memref_squeeze %dma_wait3A_286 : memref<1x1x512xi32, #tpu.memory_space<vmem_shared>> -> memref<512xi32, #tpu.memory_space<vmem_shared>>
      %dma_wait3A_288 = arith.constant 0 : i32
      %dma_wait3A_289 = tpu.memref_slice %arg19[%select_n3A_43, %select_n3A_57, %dma_wait3A_288] : memref<2x8x512xi32, #tpu.memory_space<vmem_shared>> -> memref<1x1x512xi32, #tpu.memory_space<vmem_shared>>
      %dma_wait3A_290 = tpu.memref_squeeze %dma_wait3A_289 : memref<1x1x512xi32, #tpu.memory_space<vmem_shared>> -> memref<512xi32, #tpu.memory_space<vmem_shared>>
      tpu.wait_dma2 semaphore(%run_scoped3A : memref<!tpu.dma_semaphore, #tpu.memory_space<semaphore_mem>>) src(%arg11 : memref<512xi32, #tpu.memory_space<vmem>>) dst(%dma_wait3A_290 : memref<512xi32, #tpu.memory_space<vmem_shared>>)
      tpu.yield
    }) : () -> ()
    %barrier3A = arith.constant 0 : index
    tpu.barrier barrier_id(%barrier3A)
    "tpu.region"() ({
      %run_scoped3A = tpu.sem_alloc : memref<!tpu.dma_semaphore, #tpu.memory_space<semaphore_mem>>
      %dma_start3A_279 = arith.constant 0 : i32
      %dma_start3A_280 = arith.constant 0 : i32
      %dma_start3A_281 = tpu.memref_slice %arg19[%select_n3A_43, %dma_start3A_279, %dma_start3A_280] : memref<2x8x512xi32, #tpu.memory_space<vmem_shared>> -> memref<1x8x512xi32, #tpu.memory_space<vmem_shared>>
      %dma_start3A_282 = tpu.memref_squeeze %dma_start3A_281 : memref<1x8x512xi32, #tpu.memory_space<vmem_shared>> -> memref<8x512xi32, #tpu.memory_space<vmem_shared>>
      %dma_start3A_283 = arith.constant 0 : i32
      %dma_start3A_284 = arith.constant 0 : i32
      %dma_start3A_285 = tpu.memref_slice %arg19[%select_n3A_43, %dma_start3A_283, %dma_start3A_284] : memref<2x8x512xi32, #tpu.memory_space<vmem_shared>> -> memref<1x8x512xi32, #tpu.memory_space<vmem_shared>>
      %dma_start3A_286 = tpu.memref_squeeze %dma_start3A_285 : memref<1x8x512xi32, #tpu.memory_space<vmem_shared>> -> memref<8x512xi32, #tpu.memory_space<vmem_shared>>
      tpu.enqueue_dma source(%dma_start3A_286 : memref<8x512xi32, #tpu.memory_space<vmem_shared>>) target(%arg10 : memref<8x512xi32, #tpu.memory_space<vmem>>) target_semaphore(%run_scoped3A : memref<!tpu.dma_semaphore, #tpu.memory_space<semaphore_mem>>)
      %dma_wait3A_287 = arith.constant 0 : i32
      %dma_wait3A_288 = arith.constant 0 : i32
      %dma_wait3A_289 = tpu.memref_slice %arg19[%select_n3A_43, %dma_wait3A_287, %dma_wait3A_288] : memref<2x8x512xi32, #tpu.memory_space<vmem_shared>> -> memref<1x8x512xi32, #tpu.memory_space<vmem_shared>>
      %dma_wait3A_290 = tpu.memref_squeeze %dma_wait3A_289 : memref<1x8x512xi32, #tpu.memory_space<vmem_shared>> -> memref<8x512xi32, #tpu.memory_space<vmem_shared>>
      %dma_wait3A_291 = arith.constant 0 : i32
      %dma_wait3A_292 = arith.constant 0 : i32
      %dma_wait3A_293 = tpu.memref_slice %arg19[%select_n3A_43, %dma_wait3A_291, %dma_wait3A_292] : memref<2x8x512xi32, #tpu.memory_space<vmem_shared>> -> memref<1x8x512xi32, #tpu.memory_space<vmem_shared>>
      %dma_wait3A_294 = tpu.memref_squeeze %dma_wait3A_293 : memref<1x8x512xi32, #tpu.memory_space<vmem_shared>> -> memref<8x512xi32, #tpu.memory_space<vmem_shared>>
      tpu.wait_dma2 semaphore(%run_scoped3A : memref<!tpu.dma_semaphore, #tpu.memory_space<semaphore_mem>>) src(%dma_wait3A_294 : memref<8x512xi32, #tpu.memory_space<vmem_shared>>) dst(%arg10 : memref<8x512xi32, #tpu.memory_space<vmem>>)
      tpu.yield
    }) : () -> ()
    %scan3A_108 = arith.constant 0 : i32
    %scan3A_109 = arith.constant 0 : i32
    %scan3A_110 = arith.constant 32 : i32
    %scan3A_111 = arith.addi %scan3A_109, %scan3A_110 : i32
    %scan3A_112 = arith.constant 1 : i32
    %scan3A_113 = scf.for %scan3A_279 = %scan3A_109 to %scan3A_111 step %scan3A_112 iter_args(%scan3A_280 = %scan3A_108) -> (i32)  : i32 {
      %mul3A_281 = arith.constant 16 : i32
      %mul3A_282 = arith.muli %scan3A_279, %mul3A_281 : i32
      %get3A = arith.constant 0 : i32
      %get3A_283 = arith.index_cast %get3A : i32 to index
      %get3A_284 = arith.index_cast %mul3A_282 : i32 to index
      %get3A_285 = tpu.vector_load %arg10[%get3A_283, %get3A_284] {strides = array<i32>} : memref<8x512xi32, #tpu.memory_space<vmem>>, vector<16xi32>,
      %scan3A_286 = arith.constant 1 : i32
      %scan3A_287 = arith.constant 7 : i32
      %scan3A_288 = arith.addi %scan3A_286, %scan3A_287 : i32
      %scan3A_289 = arith.constant 1 : i32
      %scan3A_290 = scf.for %scan3A_297 = %scan3A_286 to %scan3A_288 step %scan3A_289 iter_args(%scan3A_298 = %get3A_285) -> (vector<16xi32>)  : i32 {
        %mul3A_299 = arith.constant 16 : i32
        %mul3A_300 = arith.muli %scan3A_279, %mul3A_299 : i32
        %get3A_301 = arith.index_cast %scan3A_297 : i32 to index
        %get3A_302 = arith.index_cast %mul3A_300 : i32 to index
        %get3A_303 = tpu.vector_load %arg10[%get3A_301, %get3A_302] {strides = array<i32>} : memref<8x512xi32, #tpu.memory_space<vmem>>, vector<16xi32>,
        %add3A_304 = arith.addi %scan3A_298, %get3A_303 : vector<16xi32>
        scf.yield %add3A_304 : vector<16xi32>
      }
      %scan3A_291 = arith.constant 7 : i32
      %mul3A_292 = arith.constant 16 : i32
      %mul3A_293 = arith.muli %scan3A_279, %mul3A_292 : i32
      %swap3A_294 = arith.index_cast %mul3A_293 : i32 to index
      %swap3A_295 = tpu.vector_load %arg11[%swap3A_294] {strides = array<i32>} : memref<512xi32, #tpu.memory_space<vmem>>, vector<16xi32>,
      tpu.vector_store %arg11[%swap3A_294], %scan3A_290 {strides = array<i32>} : memref<512xi32, #tpu.memory_space<vmem>>, vector<16xi32>,
      %scan3A_296 = arith.constant 0 : i32
      scf.yield %scan3A_296 : i32
    }
    %scan3A_114 = arith.constant 32 : i32
    %scan3A_115 = arith.constant 513 : i32
    %scan3A_116 = arith.constant 0 : i32
    %scan3A_117 = arith.constant 0 : i32
    %scan3A_118 = arith.constant 32 : i32
    %scan3A_119 = arith.addi %scan3A_117, %scan3A_118 : i32
    %scan3A_120 = arith.constant 1 : i32
    %scan3A_121:2 = scf.for %scan3A_279 = %scan3A_117 to %scan3A_119 step %scan3A_120 iter_args(%scan3A_280 = %scan3A_115, %scan3A_281 = %scan3A_116) -> (i32, i32)  : i32 {
      %mul3A_282 = arith.constant 16 : i32
      %mul3A_283 = arith.muli %scan3A_279, %mul3A_282 : i32
      %get3A = arith.index_cast %mul3A_283 : i32 to index
      %get3A_284 = tpu.vector_load %arg11[%get3A] {strides = array<i32>} : memref<512xi32, #tpu.memory_space<vmem>>, vector<16xi32>,
      %broadcast_in_dim3A_285 = arith.constant true
      %broadcast_in_dim3A_286 = vector.broadcast %broadcast_in_dim3A_285 : i1 to vector<16xi1>
      %masked_cumsum3A = tpu.scan <sum>, %get3A_284 masked %broadcast_in_dim3A_286 : vector<16xi32>, vector<16xi1> -> vector<16xi32>
      %add3A_287 = vector.broadcast %scan3A_281 : i32 to vector<16xi32>
      %add3A_288 = arith.addi %masked_cumsum3A, %add3A_287 : vector<16xi32>
      %ge3A = arith.constant 512 : i32
      %ge3A_289 = vector.broadcast %ge3A : i32 to vector<16xi32>
      %ge3A_290 = arith.cmpi sge, %add3A_288, %ge3A_289 : vector<16xi32>
      %reduce_or3A = arith.constant 1.000000e+00 : f32
      %reduce_or3A_291 = arith.constant 0.000000e+00 : f32
      %reduce_or3A_292 = vector.broadcast %reduce_or3A : f32 to vector<16xf32>
      %reduce_or3A_293 = vector.broadcast %reduce_or3A_291 : f32 to vector<16xf32>
      %reduce_or3A_294 = arith.select %ge3A_290, %reduce_or3A_292, %reduce_or3A_293 : vector<16xi1>, vector<16xf32>
      %reduce_or3A_295 = arith.constant true
      %reduce_or3A_296 = vector.broadcast %reduce_or3A_295 : i1 to vector<16xi1>
      %reduce_or3A_297 = tpu.scan <max>, %reduce_or3A_294 masked %reduce_or3A_296 : vector<16xf32>, vector<16xi1> -> vector<16xf32>
      %reduce_or3A_298 = vector.extract %reduce_or3A_297[15] : f32 from vector<16xf32>
      %reduce_or3A_299 = arith.constant 0.000000e+00 : f32
      %reduce_or3A_300 = arith.cmpf ogt, %reduce_or3A_298, %reduce_or3A_299 : f32
      %all_reduce_ffs3A = tpu.all_reduce %ge3A_290 {dim = 0 : i64, kind = #tpu.reduction_kind<find_first_set>} : vector<16xi1> -> vector<16xi32>
      %reduce_max3A = arith.constant true
      %reduce_max3A_301 = vector.broadcast %reduce_max3A : i1 to vector<16xi1>
      %reduce_max3A_302 = arith.constant -2147483648 : i32
      %reduce_max3A_303 = vector.broadcast %reduce_max3A_302 : i32 to vector<16xi32>
      %reduce_max3A_304 = arith.xori %all_reduce_ffs3A, %reduce_max3A_303 : vector<16xi32>
      %reduce_max3A_305 = tpu.scan <max>, %reduce_max3A_304 masked %reduce_max3A_301 : vector<16xi32>, vector<16xi1> -> vector<16xi32>
      %reduce_max3A_306 = arith.xori %reduce_max3A_305, %reduce_max3A_303 : vector<16xi32>
      %reduce_max3A_307 = vector.extract %reduce_max3A_306[15] : i32 from vector<16xi32>
      %mul3A_308 = arith.constant 16 : i32
      %mul3A_309 = arith.muli %scan3A_279, %mul3A_308 : i32
      %add3A_310 = arith.addi %mul3A_309, %reduce_max3A_307 : i32
      %ge3A_311 = arith.constant 512 : i32
      %ge3A_312 = arith.cmpi sge, %scan3A_280, %ge3A_311 : i32
      %and3A_313 = arith.andi %ge3A_312, %reduce_or3A_300 : i1
      %select_n3A_314 = arith.select %and3A_313, %add3A_310, %scan3A_280 : i32
      %reduce_max3A_315 = arith.constant true
      %reduce_max3A_316 = vector.broadcast %reduce_max3A_315 : i1 to vector<16xi1>
      %reduce_max3A_317 = arith.constant -2147483648 : i32
      %reduce_max3A_318 = vector.broadcast %reduce_max3A_317 : i32 to vector<16xi32>
      %reduce_max3A_319 = arith.xori %add3A_288, %reduce_max3A_318 : vector<16xi32>
      %reduce_max3A_320 = tpu.scan <max>, %reduce_max3A_319 masked %reduce_max3A_316 : vector<16xi32>, vector<16xi1> -> vector<16xi32>
      %reduce_max3A_321 = arith.xori %reduce_max3A_320, %reduce_max3A_318 : vector<16xi32>
      %reduce_max3A_322 = vector.extract %reduce_max3A_321[15] : i32 from vector<16xi32>
      scf.yield %select_n3A_314, %reduce_max3A_322 : i32, i32
    }
    %scan3A_122 = arith.constant 32 : i32
    %scan3A_123 = arith.constant 0 : i32
    %scan3A_124 = arith.constant 0 : i32
    %scan3A_125 = arith.constant 64 : i32
    %scan3A_126 = arith.addi %scan3A_124, %scan3A_125 : i32
    %scan3A_127 = arith.constant 1 : i32
    %scan3A_128 = scf.for %scan3A_279 = %scan3A_124 to %scan3A_126 step %scan3A_127 iter_args(%scan3A_280 = %scan3A_123) -> (i32)  : i32 {
      %mul3A_281 = arith.constant 16 : i32
      %mul3A_282 = arith.muli %scan3A_279, %mul3A_281 : i32
      %get3A = arith.index_cast %mul3A_282 : i32 to index
      %get3A_283 = tpu.vector_load %arg7[%get3A] {strides = array<i32>} : memref<1024xf32, #tpu.memory_space<vmem>>, vector<16xf32>,
      %gt3A = arith.constant 0.000000e+00 : f32
      %gt3A_284 = vector.broadcast %gt3A : f32 to vector<16xf32>
      %gt3A_285 = arith.cmpf ogt, %get3A_283, %gt3A_284 : vector<16xf32>
      %max3A = arith.constant 9.99999997E-7 : f32
      %max3A_286 = vector.broadcast %max3A : f32 to vector<16xf32>
      %max3A_287 = arith.maximumf %get3A_283, %max3A_286 : vector<16xf32>
      %sub3A_288 = arith.constant 2.000000e+00 : f32
      %sub3A_289 = vector.broadcast %sub3A_288 : f32 to vector<16xf32>
      %sub3A_290 = arith.subf %sub3A_289, %max3A_287 : vector<16xf32>
      %bitcast_convert_type3A = tpu.bitcast %sub3A_290 : vector<16xf32> -> vector<16xi32>
      %shift_right_logical3A = arith.constant 14 : i32
      %shift_right_logical3A_291 = vector.broadcast %shift_right_logical3A : i32 to vector<16xi32>
      %shift_right_logical3A_292 = arith.shrui %bitcast_convert_type3A, %shift_right_logical3A_291 : vector<16xi32>
      %and3A_293 = arith.constant 511 : i32
      %and3A_294 = vector.broadcast %and3A_293 : i32 to vector<16xi32>
      %and3A_295 = arith.andi %shift_right_logical3A_292, %and3A_294 : vector<16xi32>
      %le3A = vector.broadcast %scan3A_121#0 : i32 to vector<16xi32>
      %le3A_296 = arith.cmpi sle, %and3A_295, %le3A : vector<16xi32>
      %and3A_297 = arith.andi %gt3A_285, %le3A_296 : vector<16xi1>
      %while3A_298:2 = scf.while (%while3A_299 = %and3A_297, %while3A_300 = %scan3A_280) : (vector<16xi1>, i32) -> (vector<16xi1>, i32) {
        %reduce_or3A = arith.constant 1.000000e+00 : f32
        %reduce_or3A_301 = arith.constant 0.000000e+00 : f32
        %reduce_or3A_302 = vector.broadcast %reduce_or3A : f32 to vector<16xf32>
        %reduce_or3A_303 = vector.broadcast %reduce_or3A_301 : f32 to vector<16xf32>
        %reduce_or3A_304 = arith.select %while3A_299, %reduce_or3A_302, %reduce_or3A_303 : vector<16xi1>, vector<16xf32>
        %reduce_or3A_305 = arith.constant true
        %reduce_or3A_306 = vector.broadcast %reduce_or3A_305 : i1 to vector<16xi1>
        %reduce_or3A_307 = tpu.scan <max>, %reduce_or3A_304 masked %reduce_or3A_306 : vector<16xf32>, vector<16xi1> -> vector<16xf32>
        %reduce_or3A_308 = vector.extract %reduce_or3A_307[15] : f32 from vector<16xf32>
        %reduce_or3A_309 = arith.constant 0.000000e+00 : f32
        %reduce_or3A_310 = arith.cmpf ogt, %reduce_or3A_308, %reduce_or3A_309 : f32
        scf.condition(%reduce_or3A_310) %while3A_299, %while3A_300 : vector<16xi1>, i32
      } do {
      ^bb0(%while3A_299: vector<16xi1>, %while3A_300: i32):
        %all_reduce_ffs3A = tpu.all_reduce %while3A_299 {dim = 0 : i64, kind = #tpu.reduction_kind<find_first_set>} : vector<16xi1> -> vector<16xi32>
        %reduce_max3A = arith.constant true
        %reduce_max3A_301 = vector.broadcast %reduce_max3A : i1 to vector<16xi1>
        %reduce_max3A_302 = arith.constant -2147483648 : i32
        %reduce_max3A_303 = vector.broadcast %reduce_max3A_302 : i32 to vector<16xi32>
        %reduce_max3A_304 = arith.xori %all_reduce_ffs3A, %reduce_max3A_303 : vector<16xi32>
        %reduce_max3A_305 = tpu.scan <max>, %reduce_max3A_304 masked %reduce_max3A_301 : vector<16xi32>, vector<16xi1> -> vector<16xi32>
        %reduce_max3A_306 = arith.xori %reduce_max3A_305, %reduce_max3A_303 : vector<16xi32>
        %reduce_max3A_307 = vector.extract %reduce_max3A_306[15] : i32 from vector<16xi32>
        %mul3A_308 = arith.constant 16 : i32
        %mul3A_309 = arith.muli %scan3A_279, %mul3A_308 : i32
        %add3A_310 = arith.addi %mul3A_309, %reduce_max3A_307 : i32
        %mul3A_311 = arith.constant 4 : i32
        %mul3A_312 = arith.muli %add3A_310, %mul3A_311 : i32
        %add3A_313 = arith.constant 0 : i32
        %add3A_314 = arith.addi %mul3A_312, %add3A_313 : i32
        %mul3A_315 = arith.constant 16 : i32
        %mul3A_316 = arith.muli %add3A_314, %mul3A_315 : i32
        %get3A_317 = arith.index_cast %mul3A_316 : i32 to index
        %get3A_318 = tpu.vector_load %arg5[%get3A_317] {strides = array<i32>} : memref<65536xf32, #tpu.memory_space<vmem>>, vector<16xf32>,
        %max3A_319 = arith.constant 9.99999997E-7 : f32
        %max3A_320 = vector.broadcast %max3A_319 : f32 to vector<16xf32>
        %max3A_321 = arith.maximumf %get3A_318, %max3A_320 : vector<16xf32>
        %sub3A_322 = arith.constant 2.000000e+00 : f32
        %sub3A_323 = vector.broadcast %sub3A_322 : f32 to vector<16xf32>
        %sub3A_324 = arith.subf %sub3A_323, %max3A_321 : vector<16xf32>
        %bitcast_convert_type3A_325 = tpu.bitcast %sub3A_324 : vector<16xf32> -> vector<16xi32>
        %shift_right_logical3A_326 = arith.constant 14 : i32
        %shift_right_logical3A_327 = vector.broadcast %shift_right_logical3A_326 : i32 to vector<16xi32>
        %shift_right_logical3A_328 = arith.shrui %bitcast_convert_type3A_325, %shift_right_logical3A_327 : vector<16xi32>
        %and3A_329 = arith.constant 511 : i32
        %and3A_330 = vector.broadcast %and3A_329 : i32 to vector<16xi32>
        %and3A_331 = arith.andi %shift_right_logical3A_328, %and3A_330 : vector<16xi32>
        %gt3A_332 = arith.constant 0.000000e+00 : f32
        %gt3A_333 = vector.broadcast %gt3A_332 : f32 to vector<16xf32>
        %gt3A_334 = arith.cmpf ogt, %get3A_318, %gt3A_333 : vector<16xf32>
        %le3A_335 = vector.broadcast %scan3A_121#0 : i32 to vector<16xi32>
        %le3A_336 = arith.cmpi sle, %and3A_331, %le3A_335 : vector<16xi32>
        %and3A_337 = arith.andi %gt3A_334, %le3A_336 : vector<16xi1>
        %convert_element_type3A = arith.extui %and3A_337 : vector<16xi1> to vector<16xi32>
        %reduce_sum3A = arith.constant true
        %reduce_sum3A_338 = vector.broadcast %reduce_sum3A : i1 to vector<16xi1>
        %reduce_sum3A_339 = tpu.scan <sum>, %convert_element_type3A masked %reduce_sum3A_338 : vector<16xi32>, vector<16xi1> -> vector<16xi32>
        %reduce_sum3A_340 = vector.extract %reduce_sum3A_339[15] : i32 from vector<16xi32>
        %lt3A_341 = arith.constant 2016 : i32
        %lt3A_342 = arith.cmpi slt, %while3A_300, %lt3A_341 : i32
        %gt3A_343 = arith.constant 0 : i32
        %gt3A_344 = arith.cmpi sgt, %reduce_sum3A_340, %gt3A_343 : i32
        %and3A_345 = arith.andi %gt3A_344, %lt3A_342 : i1
        %convert_element_type3A_346 = arith.extui %and3A_345 : i1 to i32
        %cond3A = arith.constant 0 : i32
        %cond3A_347 = arith.cmpi ne, %convert_element_type3A_346, %cond3A : i32
        scf.if %cond3A_347 {
          %broadcast_in_dim3A_483 = vector.broadcast %while3A_300 : i32 to vector<16xi32>
          %convert_element_type3A_484 = arith.extui %and3A_337 : vector<16xi1> to vector<16xi32>
          %broadcast_in_dim3A_485 = arith.constant true
          %broadcast_in_dim3A_486 = vector.broadcast %broadcast_in_dim3A_485 : i1 to vector<16xi1>
          %masked_cumsum3A = tpu.scan <sum>, %convert_element_type3A_484 masked %broadcast_in_dim3A_486 : vector<16xi32>, vector<16xi1> -> vector<16xi32>
          %add3A_487 = arith.addi %broadcast_in_dim3A_483, %masked_cumsum3A : vector<16xi32>
          %sub3A_488 = arith.constant 1 : i32
          %sub3A_489 = vector.broadcast %sub3A_488 : i32 to vector<16xi32>
          %sub3A_490 = arith.subi %add3A_487, %sub3A_489 : vector<16xi32>
          %mul3A_491 = arith.constant 16 : i32
          %mul3A_492 = arith.muli %add3A_314, %mul3A_491 : i32
          %broadcast_in_dim3A_493 = vector.broadcast %mul3A_492 : i32 to vector<16xi32>
          %add3A_494 = arith.addi %broadcast_in_dim3A_493, %iota3A : vector<16xi32>
          %shift_right_logical3A_495 = arith.constant 7 : i32
          %shift_right_logical3A_496 = vector.broadcast %shift_right_logical3A_495 : i32 to vector<16xi32>
          %shift_right_logical3A_497 = arith.shrui %add3A_494, %shift_right_logical3A_496 : vector<16xi32>
          %jit3A_498 = arith.constant 4 : i32
          %div3A_499 = arith.divsi %select_n3A_57, %jit3A_498 : i32
          %sign3A_500 = arith.constant 0 : i32
          %sign3A_501 = arith.cmpi sgt, %select_n3A_57, %sign3A_500 : i32
          %sign3A_502 = arith.extui %sign3A_501 : i1 to i32
          %sign3A_503 = arith.constant 0 : i32
          %sign3A_504 = arith.cmpi slt, %select_n3A_57, %sign3A_503 : i32
          %sign3A_505 = arith.extui %sign3A_504 : i1 to i32
          %sign3A_506 = arith.subi %sign3A_502, %sign3A_505 : i32
          %sign3A_507 = arith.constant 0 : i32
          %sign3A_508 = arith.cmpi sgt, %jit3A_498, %sign3A_507 : i32
          %sign3A_509 = arith.extui %sign3A_508 : i1 to i32
          %sign3A_510 = arith.constant 0 : i32
          %sign3A_511 = arith.cmpi slt, %jit3A_498, %sign3A_510 : i32
          %sign3A_512 = arith.extui %sign3A_511 : i1 to i32
          %sign3A_513 = arith.subi %sign3A_509, %sign3A_512 : i32
          %ne3A_514 = arith.cmpi ne, %sign3A_506, %sign3A_513 : i32
          %rem3A_515 = arith.remsi %select_n3A_57, %jit3A_498 : i32
          %ne3A_516 = arith.constant 0 : i32
          %ne3A_517 = arith.cmpi ne, %rem3A_515, %ne3A_516 : i32
          %and3A_518 = arith.andi %ne3A_514, %ne3A_517 : i1
          %sub3A_519 = arith.constant 1 : i32
          %sub3A_520 = arith.subi %div3A_499, %sub3A_519 : i32
          %select_n3A_521 = arith.select %and3A_518, %sub3A_520, %div3A_499 : i32
          %mul3A_522 = arith.constant 262144 : i32
          %mul3A_523 = arith.muli %select_n3A_521, %mul3A_522 : i32
          %mul3A_524 = arith.constant 512 : i32
          %mul3A_525 = vector.broadcast %mul3A_524 : i32 to vector<16xi32>
          %mul3A_526 = arith.muli %shift_right_logical3A_497, %mul3A_525 : vector<16xi32>
          %add3A_527 = vector.broadcast %mul3A_523 : i32 to vector<16xi32>
          %add3A_528 = arith.addi %add3A_527, %mul3A_526 : vector<16xi32>
          %jit3A_529 = arith.constant 4 : i32
          %eq3A_530 = arith.constant 0 : i32
          %eq3A_531 = arith.cmpi eq, %jit3A_529, %eq3A_530 : i32
          %jit3A_532 = arith.constant 1 : i32
          %select_n3A_533 = arith.select %eq3A_531, %jit3A_532, %jit3A_529 : i32
          %rem3A_534 = arith.remsi %select_n3A_57, %select_n3A_533 : i32
          %ne3A_535 = arith.constant 0 : i32
          %ne3A_536 = arith.cmpi ne, %rem3A_534, %ne3A_535 : i32
          %lt3A_537 = arith.constant 0 : i32
          %lt3A_538 = arith.cmpi slt, %rem3A_534, %lt3A_537 : i32
          %lt3A_539 = arith.constant 0 : i32
          %lt3A_540 = arith.cmpi slt, %select_n3A_533, %lt3A_539 : i32
          %ne3A_541 = arith.xori %lt3A_538, %lt3A_540 : i1
          %and3A_542 = arith.andi %ne3A_541, %ne3A_536 : i1
          %add3A_543 = arith.addi %rem3A_534, %select_n3A_533 : i32
          %select_n3A_544 = arith.select %and3A_542, %add3A_543, %rem3A_534 : i32
          %mul3A_545 = arith.constant 128 : i32
          %mul3A_546 = arith.muli %select_n3A_544, %mul3A_545 : i32
          %add3A_547 = vector.broadcast %mul3A_546 : i32 to vector<16xi32>
          %add3A_548 = arith.addi %add3A_528, %add3A_547 : vector<16xi32>
          %and3A_549 = arith.constant 127 : i32
          %and3A_550 = vector.broadcast %and3A_549 : i32 to vector<16xi32>
          %and3A_551 = arith.andi %add3A_494, %and3A_550 : vector<16xi32>
          %add3A_552 = arith.addi %add3A_548, %and3A_551 : vector<16xi32>
          tpu.vector_store_idx %arg8[%sub3A_490], %get3A_318 masked %and3A_337 : memref<2048xf32, #tpu.memory_space<vmem>>[vector<16xi32>], vector<16xf32>, vector<16xi1>
          tpu.vector_store_idx %arg9[%sub3A_490], %add3A_552 masked %and3A_337 : memref<2048xi32, #tpu.memory_space<vmem>>[vector<16xi32>], vector<16xi32>, vector<16xi1>
        } else {
        }
        %jit3A_348 = arith.constant 0 : i32
        %select_n3A_349 = arith.select %lt3A_342, %reduce_sum3A_340, %jit3A_348 : i32
        %add3A_350 = arith.addi %while3A_300, %select_n3A_349 : i32
        %mul3A_351 = arith.constant 4 : i32
        %mul3A_352 = arith.muli %add3A_310, %mul3A_351 : i32
        %add3A_353 = arith.constant 1 : i32
        %add3A_354 = arith.addi %mul3A_352, %add3A_353 : i32
        %mul3A_355 = arith.constant 16 : i32
        %mul3A_356 = arith.muli %add3A_354, %mul3A_355 : i32
        %get3A_357 = arith.index_cast %mul3A_356 : i32 to index
        %get3A_358 = tpu.vector_load %arg5[%get3A_357] {strides = array<i32>} : memref<65536xf32, #tpu.memory_space<vmem>>, vector<16xf32>,
        %max3A_359 = arith.constant 9.99999997E-7 : f32
        %max3A_360 = vector.broadcast %max3A_359 : f32 to vector<16xf32>
        %max3A_361 = arith.maximumf %get3A_358, %max3A_360 : vector<16xf32>
        %sub3A_362 = arith.constant 2.000000e+00 : f32
        %sub3A_363 = vector.broadcast %sub3A_362 : f32 to vector<16xf32>
        %sub3A_364 = arith.subf %sub3A_363, %max3A_361 : vector<16xf32>
        %bitcast_convert_type3A_365 = tpu.bitcast %sub3A_364 : vector<16xf32> -> vector<16xi32>
        %shift_right_logical3A_366 = arith.constant 14 : i32
        %shift_right_logical3A_367 = vector.broadcast %shift_right_logical3A_366 : i32 to vector<16xi32>
        %shift_right_logical3A_368 = arith.shrui %bitcast_convert_type3A_365, %shift_right_logical3A_367 : vector<16xi32>
        %and3A_369 = arith.constant 511 : i32
        %and3A_370 = vector.broadcast %and3A_369 : i32 to vector<16xi32>
        %and3A_371 = arith.andi %shift_right_logical3A_368, %and3A_370 : vector<16xi32>
        %gt3A_372 = arith.constant 0.000000e+00 : f32
        %gt3A_373 = vector.broadcast %gt3A_372 : f32 to vector<16xf32>
        %gt3A_374 = arith.cmpf ogt, %get3A_358, %gt3A_373 : vector<16xf32>
        %le3A_375 = vector.broadcast %scan3A_121#0 : i32 to vector<16xi32>
        %le3A_376 = arith.cmpi sle, %and3A_371, %le3A_375 : vector<16xi32>
        %and3A_377 = arith.andi %gt3A_374, %le3A_376 : vector<16xi1>
        %convert_element_type3A_378 = arith.extui %and3A_377 : vector<16xi1> to vector<16xi32>
        %reduce_sum3A_379 = arith.constant true
        %reduce_sum3A_380 = vector.broadcast %reduce_sum3A_379 : i1 to vector<16xi1>
        %reduce_sum3A_381 = tpu.scan <sum>, %convert_element_type3A_378 masked %reduce_sum3A_380 : vector<16xi32>, vector<16xi1> -> vector<16xi32>
        %reduce_sum3A_382 = vector.extract %reduce_sum3A_381[15] : i32 from vector<16xi32>
        %lt3A_383 = arith.constant 2016 : i32
        %lt3A_384 = arith.cmpi slt, %add3A_350, %lt3A_383 : i32
        %gt3A_385 = arith.constant 0 : i32
        %gt3A_386 = arith.cmpi sgt, %reduce_sum3A_382, %gt3A_385 : i32
        %and3A_387 = arith.andi %gt3A_386, %lt3A_384 : i1
        %convert_element_type3A_388 = arith.extui %and3A_387 : i1 to i32
        %cond3A_389 = arith.constant 0 : i32
        %cond3A_390 = arith.cmpi ne, %convert_element_type3A_388, %cond3A_389 : i32
        scf.if %cond3A_390 {
          %broadcast_in_dim3A_483 = vector.broadcast %add3A_350 : i32 to vector<16xi32>
          %convert_element_type3A_484 = arith.extui %and3A_377 : vector<16xi1> to vector<16xi32>
          %broadcast_in_dim3A_485 = arith.constant true
          %broadcast_in_dim3A_486 = vector.broadcast %broadcast_in_dim3A_485 : i1 to vector<16xi1>
          %masked_cumsum3A = tpu.scan <sum>, %convert_element_type3A_484 masked %broadcast_in_dim3A_486 : vector<16xi32>, vector<16xi1> -> vector<16xi32>
          %add3A_487 = arith.addi %broadcast_in_dim3A_483, %masked_cumsum3A : vector<16xi32>
          %sub3A_488 = arith.constant 1 : i32
          %sub3A_489 = vector.broadcast %sub3A_488 : i32 to vector<16xi32>
          %sub3A_490 = arith.subi %add3A_487, %sub3A_489 : vector<16xi32>
          %mul3A_491 = arith.constant 16 : i32
          %mul3A_492 = arith.muli %add3A_354, %mul3A_491 : i32
          %broadcast_in_dim3A_493 = vector.broadcast %mul3A_492 : i32 to vector<16xi32>
          %add3A_494 = arith.addi %broadcast_in_dim3A_493, %iota3A : vector<16xi32>
          %shift_right_logical3A_495 = arith.constant 7 : i32
          %shift_right_logical3A_496 = vector.broadcast %shift_right_logical3A_495 : i32 to vector<16xi32>
          %shift_right_logical3A_497 = arith.shrui %add3A_494, %shift_right_logical3A_496 : vector<16xi32>
          %jit3A_498 = arith.constant 4 : i32
          %div3A_499 = arith.divsi %select_n3A_57, %jit3A_498 : i32
          %sign3A_500 = arith.constant 0 : i32
          %sign3A_501 = arith.cmpi sgt, %select_n3A_57, %sign3A_500 : i32
          %sign3A_502 = arith.extui %sign3A_501 : i1 to i32
          %sign3A_503 = arith.constant 0 : i32
          %sign3A_504 = arith.cmpi slt, %select_n3A_57, %sign3A_503 : i32
          %sign3A_505 = arith.extui %sign3A_504 : i1 to i32
          %sign3A_506 = arith.subi %sign3A_502, %sign3A_505 : i32
          %sign3A_507 = arith.constant 0 : i32
          %sign3A_508 = arith.cmpi sgt, %jit3A_498, %sign3A_507 : i32
          %sign3A_509 = arith.extui %sign3A_508 : i1 to i32
          %sign3A_510 = arith.constant 0 : i32
          %sign3A_511 = arith.cmpi slt, %jit3A_498, %sign3A_510 : i32
          %sign3A_512 = arith.extui %sign3A_511 : i1 to i32
          %sign3A_513 = arith.subi %sign3A_509, %sign3A_512 : i32
          %ne3A_514 = arith.cmpi ne, %sign3A_506, %sign3A_513 : i32
          %rem3A_515 = arith.remsi %select_n3A_57, %jit3A_498 : i32
          %ne3A_516 = arith.constant 0 : i32
          %ne3A_517 = arith.cmpi ne, %rem3A_515, %ne3A_516 : i32
          %and3A_518 = arith.andi %ne3A_514, %ne3A_517 : i1
          %sub3A_519 = arith.constant 1 : i32
          %sub3A_520 = arith.subi %div3A_499, %sub3A_519 : i32
          %select_n3A_521 = arith.select %and3A_518, %sub3A_520, %div3A_499 : i32
          %mul3A_522 = arith.constant 262144 : i32
          %mul3A_523 = arith.muli %select_n3A_521, %mul3A_522 : i32
          %mul3A_524 = arith.constant 512 : i32
          %mul3A_525 = vector.broadcast %mul3A_524 : i32 to vector<16xi32>
          %mul3A_526 = arith.muli %shift_right_logical3A_497, %mul3A_525 : vector<16xi32>
          %add3A_527 = vector.broadcast %mul3A_523 : i32 to vector<16xi32>
          %add3A_528 = arith.addi %add3A_527, %mul3A_526 : vector<16xi32>
          %jit3A_529 = arith.constant 4 : i32
          %eq3A_530 = arith.constant 0 : i32
          %eq3A_531 = arith.cmpi eq, %jit3A_529, %eq3A_530 : i32
          %jit3A_532 = arith.constant 1 : i32
          %select_n3A_533 = arith.select %eq3A_531, %jit3A_532, %jit3A_529 : i32
          %rem3A_534 = arith.remsi %select_n3A_57, %select_n3A_533 : i32
          %ne3A_535 = arith.constant 0 : i32
          %ne3A_536 = arith.cmpi ne, %rem3A_534, %ne3A_535 : i32
          %lt3A_537 = arith.constant 0 : i32
          %lt3A_538 = arith.cmpi slt, %rem3A_534, %lt3A_537 : i32
          %lt3A_539 = arith.constant 0 : i32
          %lt3A_540 = arith.cmpi slt, %select_n3A_533, %lt3A_539 : i32
          %ne3A_541 = arith.xori %lt3A_538, %lt3A_540 : i1
          %and3A_542 = arith.andi %ne3A_541, %ne3A_536 : i1
          %add3A_543 = arith.addi %rem3A_534, %select_n3A_533 : i32
          %select_n3A_544 = arith.select %and3A_542, %add3A_543, %rem3A_534 : i32
          %mul3A_545 = arith.constant 128 : i32
          %mul3A_546 = arith.muli %select_n3A_544, %mul3A_545 : i32
          %add3A_547 = vector.broadcast %mul3A_546 : i32 to vector<16xi32>
          %add3A_548 = arith.addi %add3A_528, %add3A_547 : vector<16xi32>
          %and3A_549 = arith.constant 127 : i32
          %and3A_550 = vector.broadcast %and3A_549 : i32 to vector<16xi32>
          %and3A_551 = arith.andi %add3A_494, %and3A_550 : vector<16xi32>
          %add3A_552 = arith.addi %add3A_548, %and3A_551 : vector<16xi32>
          tpu.vector_store_idx %arg8[%sub3A_490], %get3A_358 masked %and3A_377 : memref<2048xf32, #tpu.memory_space<vmem>>[vector<16xi32>], vector<16xf32>, vector<16xi1>
          tpu.vector_store_idx %arg9[%sub3A_490], %add3A_552 masked %and3A_377 : memref<2048xi32, #tpu.memory_space<vmem>>[vector<16xi32>], vector<16xi32>, vector<16xi1>
        } else {
        }
        %jit3A_391 = arith.constant 0 : i32
        %select_n3A_392 = arith.select %lt3A_384, %reduce_sum3A_382, %jit3A_391 : i32
        %add3A_393 = arith.addi %add3A_350, %select_n3A_392 : i32
        %mul3A_394 = arith.constant 4 : i32
        %mul3A_395 = arith.muli %add3A_310, %mul3A_394 : i32
        %add3A_396 = arith.constant 2 : i32
        %add3A_397 = arith.addi %mul3A_395, %add3A_396 : i32
        %mul3A_398 = arith.constant 16 : i32
        %mul3A_399 = arith.muli %add3A_397, %mul3A_398 : i32
        %get3A_400 = arith.index_cast %mul3A_399 : i32 to index
        %get3A_401 = tpu.vector_load %arg5[%get3A_400] {strides = array<i32>} : memref<65536xf32, #tpu.memory_space<vmem>>, vector<16xf32>,
        %max3A_402 = arith.constant 9.99999997E-7 : f32
        %max3A_403 = vector.broadcast %max3A_402 : f32 to vector<16xf32>
        %max3A_404 = arith.maximumf %get3A_401, %max3A_403 : vector<16xf32>
        %sub3A_405 = arith.constant 2.000000e+00 : f32
        %sub3A_406 = vector.broadcast %sub3A_405 : f32 to vector<16xf32>
        %sub3A_407 = arith.subf %sub3A_406, %max3A_404 : vector<16xf32>
        %bitcast_convert_type3A_408 = tpu.bitcast %sub3A_407 : vector<16xf32> -> vector<16xi32>
        %shift_right_logical3A_409 = arith.constant 14 : i32
        %shift_right_logical3A_410 = vector.broadcast %shift_right_logical3A_409 : i32 to vector<16xi32>
        %shift_right_logical3A_411 = arith.shrui %bitcast_convert_type3A_408, %shift_right_logical3A_410 : vector<16xi32>
        %and3A_412 = arith.constant 511 : i32
        %and3A_413 = vector.broadcast %and3A_412 : i32 to vector<16xi32>
        %and3A_414 = arith.andi %shift_right_logical3A_411, %and3A_413 : vector<16xi32>
        %gt3A_415 = arith.constant 0.000000e+00 : f32
        %gt3A_416 = vector.broadcast %gt3A_415 : f32 to vector<16xf32>
        %gt3A_417 = arith.cmpf ogt, %get3A_401, %gt3A_416 : vector<16xf32>
        %le3A_418 = vector.broadcast %scan3A_121#0 : i32 to vector<16xi32>
        %le3A_419 = arith.cmpi sle, %and3A_414, %le3A_418 : vector<16xi32>
        %and3A_420 = arith.andi %gt3A_417, %le3A_419 : vector<16xi1>
        %convert_element_type3A_421 = arith.extui %and3A_420 : vector<16xi1> to vector<16xi32>
        %reduce_sum3A_422 = arith.constant true
        %reduce_sum3A_423 = vector.broadcast %reduce_sum3A_422 : i1 to vector<16xi1>
        %reduce_sum3A_424 = tpu.scan <sum>, %convert_element_type3A_421 masked %reduce_sum3A_423 : vector<16xi32>, vector<16xi1> -> vector<16xi32>
        %reduce_sum3A_425 = vector.extract %reduce_sum3A_424[15] : i32 from vector<16xi32>
        %lt3A_426 = arith.constant 2016 : i32
        %lt3A_427 = arith.cmpi slt, %add3A_393, %lt3A_426 : i32
        %gt3A_428 = arith.constant 0 : i32
        %gt3A_429 = arith.cmpi sgt, %reduce_sum3A_425, %gt3A_428 : i32
        %and3A_430 = arith.andi %gt3A_429, %lt3A_427 : i1
        %convert_element_type3A_431 = arith.extui %and3A_430 : i1 to i32
        %cond3A_432 = arith.constant 0 : i32
        %cond3A_433 = arith.cmpi ne, %convert_element_type3A_431, %cond3A_432 : i32
        scf.if %cond3A_433 {
          %broadcast_in_dim3A_483 = vector.broadcast %add3A_393 : i32 to vector<16xi32>
          %convert_element_type3A_484 = arith.extui %and3A_420 : vector<16xi1> to vector<16xi32>
          %broadcast_in_dim3A_485 = arith.constant true
          %broadcast_in_dim3A_486 = vector.broadcast %broadcast_in_dim3A_485 : i1 to vector<16xi1>
          %masked_cumsum3A = tpu.scan <sum>, %convert_element_type3A_484 masked %broadcast_in_dim3A_486 : vector<16xi32>, vector<16xi1> -> vector<16xi32>
          %add3A_487 = arith.addi %broadcast_in_dim3A_483, %masked_cumsum3A : vector<16xi32>
          %sub3A_488 = arith.constant 1 : i32
          %sub3A_489 = vector.broadcast %sub3A_488 : i32 to vector<16xi32>
          %sub3A_490 = arith.subi %add3A_487, %sub3A_489 : vector<16xi32>
          %mul3A_491 = arith.constant 16 : i32
          %mul3A_492 = arith.muli %add3A_397, %mul3A_491 : i32
          %broadcast_in_dim3A_493 = vector.broadcast %mul3A_492 : i32 to vector<16xi32>
          %add3A_494 = arith.addi %broadcast_in_dim3A_493, %iota3A : vector<16xi32>
          %shift_right_logical3A_495 = arith.constant 7 : i32
          %shift_right_logical3A_496 = vector.broadcast %shift_right_logical3A_495 : i32 to vector<16xi32>
          %shift_right_logical3A_497 = arith.shrui %add3A_494, %shift_right_logical3A_496 : vector<16xi32>
          %jit3A_498 = arith.constant 4 : i32
          %div3A_499 = arith.divsi %select_n3A_57, %jit3A_498 : i32
          %sign3A_500 = arith.constant 0 : i32
          %sign3A_501 = arith.cmpi sgt, %select_n3A_57, %sign3A_500 : i32
          %sign3A_502 = arith.extui %sign3A_501 : i1 to i32
          %sign3A_503 = arith.constant 0 : i32
          %sign3A_504 = arith.cmpi slt, %select_n3A_57, %sign3A_503 : i32
          %sign3A_505 = arith.extui %sign3A_504 : i1 to i32
          %sign3A_506 = arith.subi %sign3A_502, %sign3A_505 : i32
          %sign3A_507 = arith.constant 0 : i32
          %sign3A_508 = arith.cmpi sgt, %jit3A_498, %sign3A_507 : i32
          %sign3A_509 = arith.extui %sign3A_508 : i1 to i32
          %sign3A_510 = arith.constant 0 : i32
          %sign3A_511 = arith.cmpi slt, %jit3A_498, %sign3A_510 : i32
          %sign3A_512 = arith.extui %sign3A_511 : i1 to i32
          %sign3A_513 = arith.subi %sign3A_509, %sign3A_512 : i32
          %ne3A_514 = arith.cmpi ne, %sign3A_506, %sign3A_513 : i32
          %rem3A_515 = arith.remsi %select_n3A_57, %jit3A_498 : i32
          %ne3A_516 = arith.constant 0 : i32
          %ne3A_517 = arith.cmpi ne, %rem3A_515, %ne3A_516 : i32
          %and3A_518 = arith.andi %ne3A_514, %ne3A_517 : i1
          %sub3A_519 = arith.constant 1 : i32
          %sub3A_520 = arith.subi %div3A_499, %sub3A_519 : i32
          %select_n3A_521 = arith.select %and3A_518, %sub3A_520, %div3A_499 : i32
          %mul3A_522 = arith.constant 262144 : i32
          %mul3A_523 = arith.muli %select_n3A_521, %mul3A_522 : i32
          %mul3A_524 = arith.constant 512 : i32
          %mul3A_525 = vector.broadcast %mul3A_524 : i32 to vector<16xi32>
          %mul3A_526 = arith.muli %shift_right_logical3A_497, %mul3A_525 : vector<16xi32>
          %add3A_527 = vector.broadcast %mul3A_523 : i32 to vector<16xi32>
          %add3A_528 = arith.addi %add3A_527, %mul3A_526 : vector<16xi32>
          %jit3A_529 = arith.constant 4 : i32
          %eq3A_530 = arith.constant 0 : i32
          %eq3A_531 = arith.cmpi eq, %jit3A_529, %eq3A_530 : i32
          %jit3A_532 = arith.constant 1 : i32
          %select_n3A_533 = arith.select %eq3A_531, %jit3A_532, %jit3A_529 : i32
          %rem3A_534 = arith.remsi %select_n3A_57, %select_n3A_533 : i32
          %ne3A_535 = arith.constant 0 : i32
          %ne3A_536 = arith.cmpi ne, %rem3A_534, %ne3A_535 : i32
          %lt3A_537 = arith.constant 0 : i32
          %lt3A_538 = arith.cmpi slt, %rem3A_534, %lt3A_537 : i32
          %lt3A_539 = arith.constant 0 : i32
          %lt3A_540 = arith.cmpi slt, %select_n3A_533, %lt3A_539 : i32
          %ne3A_541 = arith.xori %lt3A_538, %lt3A_540 : i1
          %and3A_542 = arith.andi %ne3A_541, %ne3A_536 : i1
          %add3A_543 = arith.addi %rem3A_534, %select_n3A_533 : i32
          %select_n3A_544 = arith.select %and3A_542, %add3A_543, %rem3A_534 : i32
          %mul3A_545 = arith.constant 128 : i32
          %mul3A_546 = arith.muli %select_n3A_544, %mul3A_545 : i32
          %add3A_547 = vector.broadcast %mul3A_546 : i32 to vector<16xi32>
          %add3A_548 = arith.addi %add3A_528, %add3A_547 : vector<16xi32>
          %and3A_549 = arith.constant 127 : i32
          %and3A_550 = vector.broadcast %and3A_549 : i32 to vector<16xi32>
          %and3A_551 = arith.andi %add3A_494, %and3A_550 : vector<16xi32>
          %add3A_552 = arith.addi %add3A_548, %and3A_551 : vector<16xi32>
          tpu.vector_store_idx %arg8[%sub3A_490], %get3A_401 masked %and3A_420 : memref<2048xf32, #tpu.memory_space<vmem>>[vector<16xi32>], vector<16xf32>, vector<16xi1>
          tpu.vector_store_idx %arg9[%sub3A_490], %add3A_552 masked %and3A_420 : memref<2048xi32, #tpu.memory_space<vmem>>[vector<16xi32>], vector<16xi32>, vector<16xi1>
        } else {
        }
        %jit3A_434 = arith.constant 0 : i32
        %select_n3A_435 = arith.select %lt3A_427, %reduce_sum3A_425, %jit3A_434 : i32
        %add3A_436 = arith.addi %add3A_393, %select_n3A_435 : i32
        %mul3A_437 = arith.constant 4 : i32
        %mul3A_438 = arith.muli %add3A_310, %mul3A_437 : i32
        %add3A_439 = arith.constant 3 : i32
        %add3A_440 = arith.addi %mul3A_438, %add3A_439 : i32
        %mul3A_441 = arith.constant 16 : i32
        %mul3A_442 = arith.muli %add3A_440, %mul3A_441 : i32
        %get3A_443 = arith.index_cast %mul3A_442 : i32 to index
        %get3A_444 = tpu.vector_load %arg5[%get3A_443] {strides = array<i32>} : memref<65536xf32, #tpu.memory_space<vmem>>, vector<16xf32>,
        %max3A_445 = arith.constant 9.99999997E-7 : f32
        %max3A_446 = vector.broadcast %max3A_445 : f32 to vector<16xf32>
        %max3A_447 = arith.maximumf %get3A_444, %max3A_446 : vector<16xf32>
        %sub3A_448 = arith.constant 2.000000e+00 : f32
        %sub3A_449 = vector.broadcast %sub3A_448 : f32 to vector<16xf32>
        %sub3A_450 = arith.subf %sub3A_449, %max3A_447 : vector<16xf32>
        %bitcast_convert_type3A_451 = tpu.bitcast %sub3A_450 : vector<16xf32> -> vector<16xi32>
        %shift_right_logical3A_452 = arith.constant 14 : i32
        %shift_right_logical3A_453 = vector.broadcast %shift_right_logical3A_452 : i32 to vector<16xi32>
        %shift_right_logical3A_454 = arith.shrui %bitcast_convert_type3A_451, %shift_right_logical3A_453 : vector<16xi32>
        %and3A_455 = arith.constant 511 : i32
        %and3A_456 = vector.broadcast %and3A_455 : i32 to vector<16xi32>
        %and3A_457 = arith.andi %shift_right_logical3A_454, %and3A_456 : vector<16xi32>
        %gt3A_458 = arith.constant 0.000000e+00 : f32
        %gt3A_459 = vector.broadcast %gt3A_458 : f32 to vector<16xf32>
        %gt3A_460 = arith.cmpf ogt, %get3A_444, %gt3A_459 : vector<16xf32>
        %le3A_461 = vector.broadcast %scan3A_121#0 : i32 to vector<16xi32>
        %le3A_462 = arith.cmpi sle, %and3A_457, %le3A_461 : vector<16xi32>
        %and3A_463 = arith.andi %gt3A_460, %le3A_462 : vector<16xi1>
        %convert_element_type3A_464 = arith.extui %and3A_463 : vector<16xi1> to vector<16xi32>
        %reduce_sum3A_465 = arith.constant true
        %reduce_sum3A_466 = vector.broadcast %reduce_sum3A_465 : i1 to vector<16xi1>
        %reduce_sum3A_467 = tpu.scan <sum>, %convert_element_type3A_464 masked %reduce_sum3A_466 : vector<16xi32>, vector<16xi1> -> vector<16xi32>
        %reduce_sum3A_468 = vector.extract %reduce_sum3A_467[15] : i32 from vector<16xi32>
        %lt3A_469 = arith.constant 2016 : i32
        %lt3A_470 = arith.cmpi slt, %add3A_436, %lt3A_469 : i32
        %gt3A_471 = arith.constant 0 : i32
        %gt3A_472 = arith.cmpi sgt, %reduce_sum3A_468, %gt3A_471 : i32
        %and3A_473 = arith.andi %gt3A_472, %lt3A_470 : i1
        %convert_element_type3A_474 = arith.extui %and3A_473 : i1 to i32
        %cond3A_475 = arith.constant 0 : i32
        %cond3A_476 = arith.cmpi ne, %convert_element_type3A_474, %cond3A_475 : i32
        scf.if %cond3A_476 {
          %broadcast_in_dim3A_483 = vector.broadcast %add3A_436 : i32 to vector<16xi32>
          %convert_element_type3A_484 = arith.extui %and3A_463 : vector<16xi1> to vector<16xi32>
          %broadcast_in_dim3A_485 = arith.constant true
          %broadcast_in_dim3A_486 = vector.broadcast %broadcast_in_dim3A_485 : i1 to vector<16xi1>
          %masked_cumsum3A = tpu.scan <sum>, %convert_element_type3A_484 masked %broadcast_in_dim3A_486 : vector<16xi32>, vector<16xi1> -> vector<16xi32>
          %add3A_487 = arith.addi %broadcast_in_dim3A_483, %masked_cumsum3A : vector<16xi32>
          %sub3A_488 = arith.constant 1 : i32
          %sub3A_489 = vector.broadcast %sub3A_488 : i32 to vector<16xi32>
          %sub3A_490 = arith.subi %add3A_487, %sub3A_489 : vector<16xi32>
          %mul3A_491 = arith.constant 16 : i32
          %mul3A_492 = arith.muli %add3A_440, %mul3A_491 : i32
          %broadcast_in_dim3A_493 = vector.broadcast %mul3A_492 : i32 to vector<16xi32>
          %add3A_494 = arith.addi %broadcast_in_dim3A_493, %iota3A : vector<16xi32>
          %shift_right_logical3A_495 = arith.constant 7 : i32
          %shift_right_logical3A_496 = vector.broadcast %shift_right_logical3A_495 : i32 to vector<16xi32>
          %shift_right_logical3A_497 = arith.shrui %add3A_494, %shift_right_logical3A_496 : vector<16xi32>
          %jit3A_498 = arith.constant 4 : i32
          %div3A_499 = arith.divsi %select_n3A_57, %jit3A_498 : i32
          %sign3A_500 = arith.constant 0 : i32
          %sign3A_501 = arith.cmpi sgt, %select_n3A_57, %sign3A_500 : i32
          %sign3A_502 = arith.extui %sign3A_501 : i1 to i32
          %sign3A_503 = arith.constant 0 : i32
          %sign3A_504 = arith.cmpi slt, %select_n3A_57, %sign3A_503 : i32
          %sign3A_505 = arith.extui %sign3A_504 : i1 to i32
          %sign3A_506 = arith.subi %sign3A_502, %sign3A_505 : i32
          %sign3A_507 = arith.constant 0 : i32
          %sign3A_508 = arith.cmpi sgt, %jit3A_498, %sign3A_507 : i32
          %sign3A_509 = arith.extui %sign3A_508 : i1 to i32
          %sign3A_510 = arith.constant 0 : i32
          %sign3A_511 = arith.cmpi slt, %jit3A_498, %sign3A_510 : i32
          %sign3A_512 = arith.extui %sign3A_511 : i1 to i32
          %sign3A_513 = arith.subi %sign3A_509, %sign3A_512 : i32
          %ne3A_514 = arith.cmpi ne, %sign3A_506, %sign3A_513 : i32
          %rem3A_515 = arith.remsi %select_n3A_57, %jit3A_498 : i32
          %ne3A_516 = arith.constant 0 : i32
          %ne3A_517 = arith.cmpi ne, %rem3A_515, %ne3A_516 : i32
          %and3A_518 = arith.andi %ne3A_514, %ne3A_517 : i1
          %sub3A_519 = arith.constant 1 : i32
          %sub3A_520 = arith.subi %div3A_499, %sub3A_519 : i32
          %select_n3A_521 = arith.select %and3A_518, %sub3A_520, %div3A_499 : i32
          %mul3A_522 = arith.constant 262144 : i32
          %mul3A_523 = arith.muli %select_n3A_521, %mul3A_522 : i32
          %mul3A_524 = arith.constant 512 : i32
          %mul3A_525 = vector.broadcast %mul3A_524 : i32 to vector<16xi32>
          %mul3A_526 = arith.muli %shift_right_logical3A_497, %mul3A_525 : vector<16xi32>
          %add3A_527 = vector.broadcast %mul3A_523 : i32 to vector<16xi32>
          %add3A_528 = arith.addi %add3A_527, %mul3A_526 : vector<16xi32>
          %jit3A_529 = arith.constant 4 : i32
          %eq3A_530 = arith.constant 0 : i32
          %eq3A_531 = arith.cmpi eq, %jit3A_529, %eq3A_530 : i32
          %jit3A_532 = arith.constant 1 : i32
          %select_n3A_533 = arith.select %eq3A_531, %jit3A_532, %jit3A_529 : i32
          %rem3A_534 = arith.remsi %select_n3A_57, %select_n3A_533 : i32
          %ne3A_535 = arith.constant 0 : i32
          %ne3A_536 = arith.cmpi ne, %rem3A_534, %ne3A_535 : i32
          %lt3A_537 = arith.constant 0 : i32
          %lt3A_538 = arith.cmpi slt, %rem3A_534, %lt3A_537 : i32
          %lt3A_539 = arith.constant 0 : i32
          %lt3A_540 = arith.cmpi slt, %select_n3A_533, %lt3A_539 : i32
          %ne3A_541 = arith.xori %lt3A_538, %lt3A_540 : i1
          %and3A_542 = arith.andi %ne3A_541, %ne3A_536 : i1
          %add3A_543 = arith.addi %rem3A_534, %select_n3A_533 : i32
          %select_n3A_544 = arith.select %and3A_542, %add3A_543, %rem3A_534 : i32
          %mul3A_545 = arith.constant 128 : i32
          %mul3A_546 = arith.muli %select_n3A_544, %mul3A_545 : i32
          %add3A_547 = vector.broadcast %mul3A_546 : i32 to vector<16xi32>
          %add3A_548 = arith.addi %add3A_528, %add3A_547 : vector<16xi32>
          %and3A_549 = arith.constant 127 : i32
          %and3A_550 = vector.broadcast %and3A_549 : i32 to vector<16xi32>
          %and3A_551 = arith.andi %add3A_494, %and3A_550 : vector<16xi32>
          %add3A_552 = arith.addi %add3A_548, %and3A_551 : vector<16xi32>
          tpu.vector_store_idx %arg8[%sub3A_490], %get3A_444 masked %and3A_463 : memref<2048xf32, #tpu.memory_space<vmem>>[vector<16xi32>], vector<16xf32>, vector<16xi1>
          tpu.vector_store_idx %arg9[%sub3A_490], %add3A_552 masked %and3A_463 : memref<2048xi32, #tpu.memory_space<vmem>>[vector<16xi32>], vector<16xi32>, vector<16xi1>
        } else {
        }
        %jit3A_477 = arith.constant 0 : i32
        %select_n3A_478 = arith.select %lt3A_470, %reduce_sum3A_468, %jit3A_477 : i32
        %add3A_479 = arith.addi %add3A_436, %select_n3A_478 : i32
        %ne3A_480 = vector.broadcast %reduce_max3A_307 : i32 to vector<16xi32>
        %ne3A_481 = arith.cmpi ne, %iota3A, %ne3A_480 : vector<16xi32>
        %and3A_482 = arith.andi %while3A_299, %ne3A_481 : vector<16xi1>
        scf.yield %and3A_482, %add3A_479 : vector<16xi1>, i32
      }
      scf.yield %while3A_298#1 : i32
    }
    %scan3A_129 = arith.constant 64 : i32
    %add3A_130 = arith.constant 15 : i32
    %add3A_131 = arith.addi %scan3A_128, %add3A_130 : i32
    %jit3A_132 = arith.constant 16 : i32
    %div3A_133 = arith.divsi %add3A_131, %jit3A_132 : i32
    %sign3A_134 = arith.constant 0 : i32
    %sign3A_135 = arith.cmpi sgt, %add3A_131, %sign3A_134 : i32
    %sign3A_136 = arith.extui %sign3A_135 : i1 to i32
    %sign3A_137 = arith.constant 0 : i32
    %sign3A_138 = arith.cmpi slt, %add3A_131, %sign3A_137 : i32
    %sign3A_139 = arith.extui %sign3A_138 : i1 to i32
    %sign3A_140 = arith.subi %sign3A_136, %sign3A_139 : i32
    %sign3A_141 = arith.constant 0 : i32
    %sign3A_142 = arith.cmpi sgt, %jit3A_132, %sign3A_141 : i32
    %sign3A_143 = arith.extui %sign3A_142 : i1 to i32
    %sign3A_144 = arith.constant 0 : i32
    %sign3A_145 = arith.cmpi slt, %jit3A_132, %sign3A_144 : i32
    %sign3A_146 = arith.extui %sign3A_145 : i1 to i32
    %sign3A_147 = arith.subi %sign3A_143, %sign3A_146 : i32
    %ne3A_148 = arith.cmpi ne, %sign3A_140, %sign3A_147 : i32
    %rem3A_149 = arith.remsi %add3A_131, %jit3A_132 : i32
    %ne3A_150 = arith.constant 0 : i32
    %ne3A_151 = arith.cmpi ne, %rem3A_149, %ne3A_150 : i32
    %and3A_152 = arith.andi %ne3A_148, %ne3A_151 : i1
    %sub3A_153 = arith.constant 1 : i32
    %sub3A_154 = arith.subi %div3A_133, %sub3A_153 : i32
    %select_n3A_155 = arith.select %and3A_152, %sub3A_154, %div3A_133 : i32
    %mul3A_156 = arith.constant 16 : i32
    %mul3A_157 = arith.muli %select_n3A_155, %mul3A_156 : i32
    %sub3A_158 = arith.subi %mul3A_157, %scan3A_128 : i32
    %lt3A_159 = vector.broadcast %sub3A_158 : i32 to vector<16xi32>
    %lt3A_160 = arith.cmpi slt, %iota3A, %lt3A_159 : vector<16xi32>
    %broadcast_in_dim3A_161 = vector.broadcast %scan3A_128 : i32 to vector<16xi32>
    %add3A_162 = arith.addi %broadcast_in_dim3A_161, %iota3A : vector<16xi32>
    tpu.vector_store_idx %arg8[%add3A_162], %broadcast_in_dim3A_60 masked %lt3A_160 : memref<2048xf32, #tpu.memory_space<vmem>>[vector<16xi32>], vector<16xf32>, vector<16xi1>
    tpu.vector_store_idx %arg9[%add3A_162], %broadcast_in_dim3A_58 masked %lt3A_160 : memref<2048xi32, #tpu.memory_space<vmem>>[vector<16xi32>], vector<16xi32>, vector<16xi1>
    %broadcast_in_dim3A_163 = vector.broadcast %select_n3A_155 : i32 to vector<16xi32>
    %swap3A = arith.constant 0 : index
    %swap3A_164 = tpu.vector_load %arg15[%swap3A] {strides = array<i32>} : memref<16xi32, #tpu.memory_space<vmem>>, vector<16xi32>,
    tpu.vector_store %arg15[%swap3A], %broadcast_in_dim3A_163 {strides = array<i32>} : memref<16xi32, #tpu.memory_space<vmem>>, vector<16xi32>,
    "tpu.region"() ({
      %run_scoped3A = tpu.sem_alloc : memref<!tpu.dma_semaphore, #tpu.memory_space<semaphore_mem>>
      %dma_start3A_279 = arith.constant 0 : i32
      %dma_start3A_280 = tpu.memref_slice %arg20[%select_n3A_43, %select_n3A_57, %dma_start3A_279] : memref<2x8x16xi32, #tpu.memory_space<vmem_shared>> -> memref<1x1x16xi32, #tpu.memory_space<vmem_shared>>
      %dma_start3A_281 = tpu.memref_squeeze %dma_start3A_280 : memref<1x1x16xi32, #tpu.memory_space<vmem_shared>> -> memref<16xi32, #tpu.memory_space<vmem_shared>>
      %dma_start3A_282 = arith.constant 0 : i32
      %dma_start3A_283 = tpu.memref_slice %arg20[%select_n3A_43, %select_n3A_57, %dma_start3A_282] : memref<2x8x16xi32, #tpu.memory_space<vmem_shared>> -> memref<1x1x16xi32, #tpu.memory_space<vmem_shared>>
      %dma_start3A_284 = tpu.memref_squeeze %dma_start3A_283 : memref<1x1x16xi32, #tpu.memory_space<vmem_shared>> -> memref<16xi32, #tpu.memory_space<vmem_shared>>
      tpu.enqueue_dma source(%arg15 : memref<16xi32, #tpu.memory_space<vmem>>) target(%dma_start3A_284 : memref<16xi32, #tpu.memory_space<vmem_shared>>) target_semaphore(%run_scoped3A : memref<!tpu.dma_semaphore, #tpu.memory_space<semaphore_mem>>)
      %dma_wait3A_285 = arith.constant 0 : i32
      %dma_wait3A_286 = tpu.memref_slice %arg20[%select_n3A_43, %select_n3A_57, %dma_wait3A_285] : memref<2x8x16xi32, #tpu.memory_space<vmem_shared>> -> memref<1x1x16xi32, #tpu.memory_space<vmem_shared>>
      %dma_wait3A_287 = tpu.memref_squeeze %dma_wait3A_286 : memref<1x1x16xi32, #tpu.memory_space<vmem_shared>> -> memref<16xi32, #tpu.memory_space<vmem_shared>>
      %dma_wait3A_288 = arith.constant 0 : i32
      %dma_wait3A_289 = tpu.memref_slice %arg20[%select_n3A_43, %select_n3A_57, %dma_wait3A_288] : memref<2x8x16xi32, #tpu.memory_space<vmem_shared>> -> memref<1x1x16xi32, #tpu.memory_space<vmem_shared>>
      %dma_wait3A_290 = tpu.memref_squeeze %dma_wait3A_289 : memref<1x1x16xi32, #tpu.memory_space<vmem_shared>> -> memref<16xi32, #tpu.memory_space<vmem_shared>>
      tpu.wait_dma2 semaphore(%run_scoped3A : memref<!tpu.dma_semaphore, #tpu.memory_space<semaphore_mem>>) src(%arg15 : memref<16xi32, #tpu.memory_space<vmem>>) dst(%dma_wait3A_290 : memref<16xi32, #tpu.memory_space<vmem_shared>>)
      tpu.yield
    }) : () -> ()
    %barrier3A_165 = arith.constant 0 : index
    tpu.barrier barrier_id(%barrier3A_165)
    "tpu.region"() ({
      %run_scoped3A = tpu.sem_alloc : memref<!tpu.dma_semaphore, #tpu.memory_space<semaphore_mem>>
      %dma_start3A_279 = arith.constant 0 : i32
      %dma_start3A_280 = arith.constant 0 : i32
      %dma_start3A_281 = tpu.memref_slice %arg20[%select_n3A_43, %dma_start3A_279, %dma_start3A_280] : memref<2x8x16xi32, #tpu.memory_space<vmem_shared>> -> memref<1x8x16xi32, #tpu.memory_space<vmem_shared>>
      %dma_start3A_282 = tpu.memref_squeeze %dma_start3A_281 : memref<1x8x16xi32, #tpu.memory_space<vmem_shared>> -> memref<8x16xi32, #tpu.memory_space<vmem_shared>>
      %dma_start3A_283 = arith.constant 0 : i32
      %dma_start3A_284 = arith.constant 0 : i32
      %dma_start3A_285 = tpu.memref_slice %arg20[%select_n3A_43, %dma_start3A_283, %dma_start3A_284] : memref<2x8x16xi32, #tpu.memory_space<vmem_shared>> -> memref<1x8x16xi32, #tpu.memory_space<vmem_shared>>
      %dma_start3A_286 = tpu.memref_squeeze %dma_start3A_285 : memref<1x8x16xi32, #tpu.memory_space<vmem_shared>> -> memref<8x16xi32, #tpu.memory_space<vmem_shared>>
      tpu.enqueue_dma source(%dma_start3A_286 : memref<8x16xi32, #tpu.memory_space<vmem_shared>>) target(%arg14 : memref<8x16xi32, #tpu.memory_space<vmem>>) target_semaphore(%run_scoped3A : memref<!tpu.dma_semaphore, #tpu.memory_space<semaphore_mem>>)
      %dma_wait3A_287 = arith.constant 0 : i32
      %dma_wait3A_288 = arith.constant 0 : i32
      %dma_wait3A_289 = tpu.memref_slice %arg20[%select_n3A_43, %dma_wait3A_287, %dma_wait3A_288] : memref<2x8x16xi32, #tpu.memory_space<vmem_shared>> -> memref<1x8x16xi32, #tpu.memory_space<vmem_shared>>
      %dma_wait3A_290 = tpu.memref_squeeze %dma_wait3A_289 : memref<1x8x16xi32, #tpu.memory_space<vmem_shared>> -> memref<8x16xi32, #tpu.memory_space<vmem_shared>>
      %dma_wait3A_291 = arith.constant 0 : i32
      %dma_wait3A_292 = arith.constant 0 : i32
      %dma_wait3A_293 = tpu.memref_slice %arg20[%select_n3A_43, %dma_wait3A_291, %dma_wait3A_292] : memref<2x8x16xi32, #tpu.memory_space<vmem_shared>> -> memref<1x8x16xi32, #tpu.memory_space<vmem_shared>>
      %dma_wait3A_294 = tpu.memref_squeeze %dma_wait3A_293 : memref<1x8x16xi32, #tpu.memory_space<vmem_shared>> -> memref<8x16xi32, #tpu.memory_space<vmem_shared>>
      tpu.wait_dma2 semaphore(%run_scoped3A : memref<!tpu.dma_semaphore, #tpu.memory_space<semaphore_mem>>) src(%dma_wait3A_294 : memref<8x16xi32, #tpu.memory_space<vmem_shared>>) dst(%arg14 : memref<8x16xi32, #tpu.memory_space<vmem>>)
      tpu.yield
    }) : () -> ()
    %scan3A_166 = arith.constant 0 : i32
    %scan3A_167 = arith.constant 0 : i32
    %scan3A_168 = arith.constant 0 : i32
    %scan3A_169 = arith.constant 8 : i32
    %scan3A_170 = arith.addi %scan3A_168, %scan3A_169 : i32
    %scan3A_171 = arith.constant 1 : i32
    %scan3A_172:2 = scf.for %scan3A_279 = %scan3A_168 to %scan3A_170 step %scan3A_171 iter_args(%scan3A_280 = %scan3A_166, %scan3A_281 = %scan3A_167) -> (i32, i32)  : i32 {
      %get3A = arith.index_cast %scan3A_279 : i32 to index
      %get3A_282 = arith.constant 0 : index
      %get3A_283 = tpu.vector_load %arg14[%get3A, %get3A_282] {strides = array<i32>} : memref<8x16xi32, #tpu.memory_space<vmem>>, vector<16xi32>,
      %slice3A = vector.extract_strided_slice %get3A_283 {offsets = [0], sizes = [1], strides = [1]} : vector<16xi32> to vector<1xi32>
      %squeeze3A = vector.extract %slice3A[0] : i32 from vector<1xi32>
      %lt3A_284 = arith.cmpi slt, %scan3A_279, %select_n3A_57 : i32
      %jit3A_285 = arith.constant 0 : i32
      %select_n3A_286 = arith.select %lt3A_284, %squeeze3A, %jit3A_285 : i32
      %add3A_287 = arith.addi %scan3A_280, %select_n3A_286 : i32
      %add3A_288 = arith.addi %scan3A_281, %squeeze3A : i32
      scf.yield %add3A_287, %add3A_288 : i32, i32
    }
    %scan3A_173 = arith.constant 8 : i32
    %while3A = arith.constant 0 : i32
    %while3A_174 = arith.constant 0 : i32
    %while3A_175 = arith.subi %select_n3A_155, %while3A : i32
    %while3A_176 = arith.addi %while3A, %while3A_175 : i32
    %while3A_177 = arith.constant 1 : i32
    %while3A_178 = arith.divsi %while3A_175, %while3A_177 : i32
    %while3A_179 = arith.muli %while3A_178, %while3A_177 : i32
    %while3A_180 = arith.addi %while3A, %while3A_179 : i32
    %while3A_181 = arith.constant 1 : i32
    %while3A_182 = scf.for %while3A_279 = %while3A to %while3A_180 step %while3A_181 iter_args(%while3A_280 = %while3A_174) -> (i32)  : i32 {
      %add3A_281 = arith.addi %scan3A_172#0, %while3A_279 : i32
      %mul3A_282 = arith.constant 16 : i32
      %mul3A_283 = arith.muli %add3A_281, %mul3A_282 : i32
      %le3A = arith.constant 4080 : i32
      %le3A_284 = arith.cmpi sle, %mul3A_283, %le3A : i32
      %convert_element_type3A = arith.extui %le3A_284 : i1 to i32
      %cond3A = arith.constant 0 : i32
      %cond3A_285 = arith.cmpi ne, %convert_element_type3A, %cond3A : i32
      scf.if %cond3A_285 {
        %mul3A_287 = arith.constant 16 : i32
        %mul3A_288 = arith.muli %while3A_279, %mul3A_287 : i32
        "tpu.region"() ({
          %run_scoped3A = tpu.sem_alloc : memref<!tpu.dma_semaphore, #tpu.memory_space<semaphore_mem>>
          %dma_start3A_291 = tpu.memref_slice %arg8[%mul3A_288] : memref<2048xf32, #tpu.memory_space<vmem>> -> memref<16xf32, #tpu.memory_space<vmem>>
          %dma_start3A_292 = tpu.memref_slice %arg21[%select_n3A_43, %mul3A_283] : memref<2x4096xf32, #tpu.memory_space<vmem_shared>> -> memref<1x16xf32, #tpu.memory_space<vmem_shared>>
          %dma_start3A_293 = tpu.memref_squeeze %dma_start3A_292 : memref<1x16xf32, #tpu.memory_space<vmem_shared>> -> memref<16xf32, #tpu.memory_space<vmem_shared>>
          %dma_start3A_294 = tpu.memref_slice %arg21[%select_n3A_43, %mul3A_283] : memref<2x4096xf32, #tpu.memory_space<vmem_shared>> -> memref<1x16xf32, #tpu.memory_space<vmem_shared>>
          %dma_start3A_295 = tpu.memref_squeeze %dma_start3A_294 : memref<1x16xf32, #tpu.memory_space<vmem_shared>> -> memref<16xf32, #tpu.memory_space<vmem_shared>>
          %dma_start3A_296 = tpu.memref_slice %arg8[%mul3A_288] : memref<2048xf32, #tpu.memory_space<vmem>> -> memref<16xf32, #tpu.memory_space<vmem>>
          tpu.enqueue_dma source(%dma_start3A_296 : memref<16xf32, #tpu.memory_space<vmem>>) target(%dma_start3A_295 : memref<16xf32, #tpu.memory_space<vmem_shared>>) target_semaphore(%run_scoped3A : memref<!tpu.dma_semaphore, #tpu.memory_space<semaphore_mem>>)
          %dma_wait3A_297 = tpu.memref_slice %arg8[%mul3A_288] : memref<2048xf32, #tpu.memory_space<vmem>> -> memref<16xf32, #tpu.memory_space<vmem>>
          %dma_wait3A_298 = tpu.memref_slice %arg21[%select_n3A_43, %mul3A_283] : memref<2x4096xf32, #tpu.memory_space<vmem_shared>> -> memref<1x16xf32, #tpu.memory_space<vmem_shared>>
          %dma_wait3A_299 = tpu.memref_squeeze %dma_wait3A_298 : memref<1x16xf32, #tpu.memory_space<vmem_shared>> -> memref<16xf32, #tpu.memory_space<vmem_shared>>
          %dma_wait3A_300 = tpu.memref_slice %arg21[%select_n3A_43, %mul3A_283] : memref<2x4096xf32, #tpu.memory_space<vmem_shared>> -> memref<1x16xf32, #tpu.memory_space<vmem_shared>>
          %dma_wait3A_301 = tpu.memref_squeeze %dma_wait3A_300 : memref<1x16xf32, #tpu.memory_space<vmem_shared>> -> memref<16xf32, #tpu.memory_space<vmem_shared>>
          %dma_wait3A_302 = tpu.memref_slice %arg8[%mul3A_288] : memref<2048xf32, #tpu.memory_space<vmem>> -> memref<16xf32, #tpu.memory_space<vmem>>
          tpu.wait_dma2 semaphore(%run_scoped3A : memref<!tpu.dma_semaphore, #tpu.memory_space<semaphore_mem>>) src(%dma_wait3A_302 : memref<16xf32, #tpu.memory_space<vmem>>) dst(%dma_wait3A_301 : memref<16xf32, #tpu.memory_space<vmem_shared>>)
          tpu.yield
        }) : () -> ()
        %mul3A_289 = arith.constant 16 : i32
        %mul3A_290 = arith.muli %while3A_279, %mul3A_289 : i32
        "tpu.region"() ({
          %run_scoped3A = tpu.sem_alloc : memref<!tpu.dma_semaphore, #tpu.memory_space<semaphore_mem>>
          %dma_start3A_291 = tpu.memref_slice %arg9[%mul3A_290] : memref<2048xi32, #tpu.memory_space<vmem>> -> memref<16xi32, #tpu.memory_space<vmem>>
          %dma_start3A_292 = tpu.memref_slice %arg22[%select_n3A_43, %mul3A_283] : memref<2x4096xi32, #tpu.memory_space<vmem_shared>> -> memref<1x16xi32, #tpu.memory_space<vmem_shared>>
          %dma_start3A_293 = tpu.memref_squeeze %dma_start3A_292 : memref<1x16xi32, #tpu.memory_space<vmem_shared>> -> memref<16xi32, #tpu.memory_space<vmem_shared>>
          %dma_start3A_294 = tpu.memref_slice %arg22[%select_n3A_43, %mul3A_283] : memref<2x4096xi32, #tpu.memory_space<vmem_shared>> -> memref<1x16xi32, #tpu.memory_space<vmem_shared>>
          %dma_start3A_295 = tpu.memref_squeeze %dma_start3A_294 : memref<1x16xi32, #tpu.memory_space<vmem_shared>> -> memref<16xi32, #tpu.memory_space<vmem_shared>>
          %dma_start3A_296 = tpu.memref_slice %arg9[%mul3A_290] : memref<2048xi32, #tpu.memory_space<vmem>> -> memref<16xi32, #tpu.memory_space<vmem>>
          tpu.enqueue_dma source(%dma_start3A_296 : memref<16xi32, #tpu.memory_space<vmem>>) target(%dma_start3A_295 : memref<16xi32, #tpu.memory_space<vmem_shared>>) target_semaphore(%run_scoped3A : memref<!tpu.dma_semaphore, #tpu.memory_space<semaphore_mem>>)
          %dma_wait3A_297 = tpu.memref_slice %arg9[%mul3A_290] : memref<2048xi32, #tpu.memory_space<vmem>> -> memref<16xi32, #tpu.memory_space<vmem>>
          %dma_wait3A_298 = tpu.memref_slice %arg22[%select_n3A_43, %mul3A_283] : memref<2x4096xi32, #tpu.memory_space<vmem_shared>> -> memref<1x16xi32, #tpu.memory_space<vmem_shared>>
          %dma_wait3A_299 = tpu.memref_squeeze %dma_wait3A_298 : memref<1x16xi32, #tpu.memory_space<vmem_shared>> -> memref<16xi32, #tpu.memory_space<vmem_shared>>
          %dma_wait3A_300 = tpu.memref_slice %arg22[%select_n3A_43, %mul3A_283] : memref<2x4096xi32, #tpu.memory_space<vmem_shared>> -> memref<1x16xi32, #tpu.memory_space<vmem_shared>>
          %dma_wait3A_301 = tpu.memref_squeeze %dma_wait3A_300 : memref<1x16xi32, #tpu.memory_space<vmem_shared>> -> memref<16xi32, #tpu.memory_space<vmem_shared>>
          %dma_wait3A_302 = tpu.memref_slice %arg9[%mul3A_290] : memref<2048xi32, #tpu.memory_space<vmem>> -> memref<16xi32, #tpu.memory_space<vmem>>
          tpu.wait_dma2 semaphore(%run_scoped3A : memref<!tpu.dma_semaphore, #tpu.memory_space<semaphore_mem>>) src(%dma_wait3A_302 : memref<16xi32, #tpu.memory_space<vmem>>) dst(%dma_wait3A_301 : memref<16xi32, #tpu.memory_space<vmem_shared>>)
          tpu.yield
        }) : () -> ()
      } else {
      }
      %while3A_286 = arith.constant 0 : i32
      scf.yield %while3A_286 : i32
    }
    %while3A_183 = arith.constant 1 : i32
    %while3A_184 = scf.for %while3A_279 = %while3A_180 to %while3A_176 step %while3A_183 iter_args(%while3A_280 = %while3A_182) -> (i32)  : i32 {
      %add3A_281 = arith.addi %scan3A_172#0, %while3A_279 : i32
      %mul3A_282 = arith.constant 16 : i32
      %mul3A_283 = arith.muli %add3A_281, %mul3A_282 : i32
      %le3A = arith.constant 4080 : i32
      %le3A_284 = arith.cmpi sle, %mul3A_283, %le3A : i32
      %convert_element_type3A = arith.extui %le3A_284 : i1 to i32
      %cond3A = arith.constant 0 : i32
      %cond3A_285 = arith.cmpi ne, %convert_element_type3A, %cond3A : i32
      scf.if %cond3A_285 {
        %mul3A_287 = arith.constant 16 : i32
        %mul3A_288 = arith.muli %while3A_279, %mul3A_287 : i32
        "tpu.region"() ({
          %run_scoped3A = tpu.sem_alloc : memref<!tpu.dma_semaphore, #tpu.memory_space<semaphore_mem>>
          %dma_start3A_291 = tpu.memref_slice %arg8[%mul3A_288] : memref<2048xf32, #tpu.memory_space<vmem>> -> memref<16xf32, #tpu.memory_space<vmem>>
          %dma_start3A_292 = tpu.memref_slice %arg21[%select_n3A_43, %mul3A_283] : memref<2x4096xf32, #tpu.memory_space<vmem_shared>> -> memref<1x16xf32, #tpu.memory_space<vmem_shared>>
          %dma_start3A_293 = tpu.memref_squeeze %dma_start3A_292 : memref<1x16xf32, #tpu.memory_space<vmem_shared>> -> memref<16xf32, #tpu.memory_space<vmem_shared>>
          %dma_start3A_294 = tpu.memref_slice %arg21[%select_n3A_43, %mul3A_283] : memref<2x4096xf32, #tpu.memory_space<vmem_shared>> -> memref<1x16xf32, #tpu.memory_space<vmem_shared>>
          %dma_start3A_295 = tpu.memref_squeeze %dma_start3A_294 : memref<1x16xf32, #tpu.memory_space<vmem_shared>> -> memref<16xf32, #tpu.memory_space<vmem_shared>>
          %dma_start3A_296 = tpu.memref_slice %arg8[%mul3A_288] : memref<2048xf32, #tpu.memory_space<vmem>> -> memref<16xf32, #tpu.memory_space<vmem>>
          tpu.enqueue_dma source(%dma_start3A_296 : memref<16xf32, #tpu.memory_space<vmem>>) target(%dma_start3A_295 : memref<16xf32, #tpu.memory_space<vmem_shared>>) target_semaphore(%run_scoped3A : memref<!tpu.dma_semaphore, #tpu.memory_space<semaphore_mem>>)
          %dma_wait3A_297 = tpu.memref_slice %arg8[%mul3A_288] : memref<2048xf32, #tpu.memory_space<vmem>> -> memref<16xf32, #tpu.memory_space<vmem>>
          %dma_wait3A_298 = tpu.memref_slice %arg21[%select_n3A_43, %mul3A_283] : memref<2x4096xf32, #tpu.memory_space<vmem_shared>> -> memref<1x16xf32, #tpu.memory_space<vmem_shared>>
          %dma_wait3A_299 = tpu.memref_squeeze %dma_wait3A_298 : memref<1x16xf32, #tpu.memory_space<vmem_shared>> -> memref<16xf32, #tpu.memory_space<vmem_shared>>
          %dma_wait3A_300 = tpu.memref_slice %arg21[%select_n3A_43, %mul3A_283] : memref<2x4096xf32, #tpu.memory_space<vmem_shared>> -> memref<1x16xf32, #tpu.memory_space<vmem_shared>>
          %dma_wait3A_301 = tpu.memref_squeeze %dma_wait3A_300 : memref<1x16xf32, #tpu.memory_space<vmem_shared>> -> memref<16xf32, #tpu.memory_space<vmem_shared>>
          %dma_wait3A_302 = tpu.memref_slice %arg8[%mul3A_288] : memref<2048xf32, #tpu.memory_space<vmem>> -> memref<16xf32, #tpu.memory_space<vmem>>
          tpu.wait_dma2 semaphore(%run_scoped3A : memref<!tpu.dma_semaphore, #tpu.memory_space<semaphore_mem>>) src(%dma_wait3A_302 : memref<16xf32, #tpu.memory_space<vmem>>) dst(%dma_wait3A_301 : memref<16xf32, #tpu.memory_space<vmem_shared>>)
          tpu.yield
        }) : () -> ()
        %mul3A_289 = arith.constant 16 : i32
        %mul3A_290 = arith.muli %while3A_279, %mul3A_289 : i32
        "tpu.region"() ({
          %run_scoped3A = tpu.sem_alloc : memref<!tpu.dma_semaphore, #tpu.memory_space<semaphore_mem>>
          %dma_start3A_291 = tpu.memref_slice %arg9[%mul3A_290] : memref<2048xi32, #tpu.memory_space<vmem>> -> memref<16xi32, #tpu.memory_space<vmem>>
          %dma_start3A_292 = tpu.memref_slice %arg22[%select_n3A_43, %mul3A_283] : memref<2x4096xi32, #tpu.memory_space<vmem_shared>> -> memref<1x16xi32, #tpu.memory_space<vmem_shared>>
          %dma_start3A_293 = tpu.memref_squeeze %dma_start3A_292 : memref<1x16xi32, #tpu.memory_space<vmem_shared>> -> memref<16xi32, #tpu.memory_space<vmem_shared>>
          %dma_start3A_294 = tpu.memref_slice %arg22[%select_n3A_43, %mul3A_283] : memref<2x4096xi32, #tpu.memory_space<vmem_shared>> -> memref<1x16xi32, #tpu.memory_space<vmem_shared>>
          %dma_start3A_295 = tpu.memref_squeeze %dma_start3A_294 : memref<1x16xi32, #tpu.memory_space<vmem_shared>> -> memref<16xi32, #tpu.memory_space<vmem_shared>>
          %dma_start3A_296 = tpu.memref_slice %arg9[%mul3A_290] : memref<2048xi32, #tpu.memory_space<vmem>> -> memref<16xi32, #tpu.memory_space<vmem>>
          tpu.enqueue_dma source(%dma_start3A_296 : memref<16xi32, #tpu.memory_space<vmem>>) target(%dma_start3A_295 : memref<16xi32, #tpu.memory_space<vmem_shared>>) target_semaphore(%run_scoped3A : memref<!tpu.dma_semaphore, #tpu.memory_space<semaphore_mem>>)
          %dma_wait3A_297 = tpu.memref_slice %arg9[%mul3A_290] : memref<2048xi32, #tpu.memory_space<vmem>> -> memref<16xi32, #tpu.memory_space<vmem>>
          %dma_wait3A_298 = tpu.memref_slice %arg22[%select_n3A_43, %mul3A_283] : memref<2x4096xi32, #tpu.memory_space<vmem_shared>> -> memref<1x16xi32, #tpu.memory_space<vmem_shared>>
          %dma_wait3A_299 = tpu.memref_squeeze %dma_wait3A_298 : memref<1x16xi32, #tpu.memory_space<vmem_shared>> -> memref<16xi32, #tpu.memory_space<vmem_shared>>
          %dma_wait3A_300 = tpu.memref_slice %arg22[%select_n3A_43, %mul3A_283] : memref<2x4096xi32, #tpu.memory_space<vmem_shared>> -> memref<1x16xi32, #tpu.memory_space<vmem_shared>>
          %dma_wait3A_301 = tpu.memref_squeeze %dma_wait3A_300 : memref<1x16xi32, #tpu.memory_space<vmem_shared>> -> memref<16xi32, #tpu.memory_space<vmem_shared>>
          %dma_wait3A_302 = tpu.memref_slice %arg9[%mul3A_290] : memref<2048xi32, #tpu.memory_space<vmem>> -> memref<16xi32, #tpu.memory_space<vmem>>
          tpu.wait_dma2 semaphore(%run_scoped3A : memref<!tpu.dma_semaphore, #tpu.memory_space<semaphore_mem>>) src(%dma_wait3A_302 : memref<16xi32, #tpu.memory_space<vmem>>) dst(%dma_wait3A_301 : memref<16xi32, #tpu.memory_space<vmem_shared>>)
          tpu.yield
        }) : () -> ()
      } else {
      }
      %while3A_286 = arith.constant 0 : i32
      scf.yield %while3A_286 : i32
    }
    %barrier3A_185 = arith.constant 0 : index
    tpu.barrier barrier_id(%barrier3A_185)
    "tpu.region"() ({
      %run_scoped3A = tpu.sem_alloc : memref<!tpu.dma_semaphore, #tpu.memory_space<semaphore_mem>>
      %dma_start3A_279 = arith.constant 0 : i32
      %dma_start3A_280 = tpu.memref_slice %arg21[%select_n3A_43, %dma_start3A_279] : memref<2x4096xf32, #tpu.memory_space<vmem_shared>> -> memref<1x4096xf32, #tpu.memory_space<vmem_shared>>
      %dma_start3A_281 = tpu.memref_squeeze %dma_start3A_280 : memref<1x4096xf32, #tpu.memory_space<vmem_shared>> -> memref<4096xf32, #tpu.memory_space<vmem_shared>>
      %dma_start3A_282 = arith.constant 0 : i32
      %dma_start3A_283 = tpu.memref_slice %arg21[%select_n3A_43, %dma_start3A_282] : memref<2x4096xf32, #tpu.memory_space<vmem_shared>> -> memref<1x4096xf32, #tpu.memory_space<vmem_shared>>
      %dma_start3A_284 = tpu.memref_squeeze %dma_start3A_283 : memref<1x4096xf32, #tpu.memory_space<vmem_shared>> -> memref<4096xf32, #tpu.memory_space<vmem_shared>>
      tpu.enqueue_dma source(%dma_start3A_284 : memref<4096xf32, #tpu.memory_space<vmem_shared>>) target(%arg12 : memref<4096xf32, #tpu.memory_space<vmem>>) target_semaphore(%run_scoped3A : memref<!tpu.dma_semaphore, #tpu.memory_space<semaphore_mem>>)
      %dma_wait3A_285 = arith.constant 0 : i32
      %dma_wait3A_286 = tpu.memref_slice %arg21[%select_n3A_43, %dma_wait3A_285] : memref<2x4096xf32, #tpu.memory_space<vmem_shared>> -> memref<1x4096xf32, #tpu.memory_space<vmem_shared>>
      %dma_wait3A_287 = tpu.memref_squeeze %dma_wait3A_286 : memref<1x4096xf32, #tpu.memory_space<vmem_shared>> -> memref<4096xf32, #tpu.memory_space<vmem_shared>>
      %dma_wait3A_288 = arith.constant 0 : i32
      %dma_wait3A_289 = tpu.memref_slice %arg21[%select_n3A_43, %dma_wait3A_288] : memref<2x4096xf32, #tpu.memory_space<vmem_shared>> -> memref<1x4096xf32, #tpu.memory_space<vmem_shared>>
      %dma_wait3A_290 = tpu.memref_squeeze %dma_wait3A_289 : memref<1x4096xf32, #tpu.memory_space<vmem_shared>> -> memref<4096xf32, #tpu.memory_space<vmem_shared>>
      tpu.wait_dma2 semaphore(%run_scoped3A : memref<!tpu.dma_semaphore, #tpu.memory_space<semaphore_mem>>) src(%dma_wait3A_290 : memref<4096xf32, #tpu.memory_space<vmem_shared>>) dst(%arg12 : memref<4096xf32, #tpu.memory_space<vmem>>)
      tpu.yield
    }) : () -> ()
    "tpu.region"() ({
      %run_scoped3A = tpu.sem_alloc : memref<!tpu.dma_semaphore, #tpu.memory_space<semaphore_mem>>
      %dma_start3A_279 = arith.constant 0 : i32
      %dma_start3A_280 = tpu.memref_slice %arg22[%select_n3A_43, %dma_start3A_279] : memref<2x4096xi32, #tpu.memory_space<vmem_shared>> -> memref<1x4096xi32, #tpu.memory_space<vmem_shared>>
      %dma_start3A_281 = tpu.memref_squeeze %dma_start3A_280 : memref<1x4096xi32, #tpu.memory_space<vmem_shared>> -> memref<4096xi32, #tpu.memory_space<vmem_shared>>
      %dma_start3A_282 = arith.constant 0 : i32
      %dma_start3A_283 = tpu.memref_slice %arg22[%select_n3A_43, %dma_start3A_282] : memref<2x4096xi32, #tpu.memory_space<vmem_shared>> -> memref<1x4096xi32, #tpu.memory_space<vmem_shared>>
      %dma_start3A_284 = tpu.memref_squeeze %dma_start3A_283 : memref<1x4096xi32, #tpu.memory_space<vmem_shared>> -> memref<4096xi32, #tpu.memory_space<vmem_shared>>
      tpu.enqueue_dma source(%dma_start3A_284 : memref<4096xi32, #tpu.memory_space<vmem_shared>>) target(%arg13 : memref<4096xi32, #tpu.memory_space<vmem>>) target_semaphore(%run_scoped3A : memref<!tpu.dma_semaphore, #tpu.memory_space<semaphore_mem>>)
      %dma_wait3A_285 = arith.constant 0 : i32
      %dma_wait3A_286 = tpu.memref_slice %arg22[%select_n3A_43, %dma_wait3A_285] : memref<2x4096xi32, #tpu.memory_space<vmem_shared>> -> memref<1x4096xi32, #tpu.memory_space<vmem_shared>>
      %dma_wait3A_287 = tpu.memref_squeeze %dma_wait3A_286 : memref<1x4096xi32, #tpu.memory_space<vmem_shared>> -> memref<4096xi32, #tpu.memory_space<vmem_shared>>
      %dma_wait3A_288 = arith.constant 0 : i32
      %dma_wait3A_289 = tpu.memref_slice %arg22[%select_n3A_43, %dma_wait3A_288] : memref<2x4096xi32, #tpu.memory_space<vmem_shared>> -> memref<1x4096xi32, #tpu.memory_space<vmem_shared>>
      %dma_wait3A_290 = tpu.memref_squeeze %dma_wait3A_289 : memref<1x4096xi32, #tpu.memory_space<vmem_shared>> -> memref<4096xi32, #tpu.memory_space<vmem_shared>>
      tpu.wait_dma2 semaphore(%run_scoped3A : memref<!tpu.dma_semaphore, #tpu.memory_space<semaphore_mem>>) src(%dma_wait3A_290 : memref<4096xi32, #tpu.memory_space<vmem_shared>>) dst(%arg13 : memref<4096xi32, #tpu.memory_space<vmem>>)
      tpu.yield
    }) : () -> ()
    %min3A = arith.constant 256 : i32
    %min3A_186 = arith.minsi %scan3A_172#1, %min3A : i32
    %mul3A_187 = arith.constant 16 : i32
    %mul3A_188 = arith.muli %select_n3A_155, %mul3A_187 : i32
    %while3A_189 = arith.constant 0 : i32
    %while3A_190 = arith.constant 0 : i32
    %while3A_191 = arith.subi %mul3A_188, %while3A_189 : i32
    %while3A_192 = arith.addi %while3A_189, %while3A_191 : i32
    %while3A_193 = arith.constant 1 : i32
    %while3A_194 = arith.divsi %while3A_191, %while3A_193 : i32
    %while3A_195 = arith.muli %while3A_194, %while3A_193 : i32
    %while3A_196 = arith.addi %while3A_189, %while3A_195 : i32
    %while3A_197 = arith.constant 1 : i32
    %while3A_198 = scf.for %while3A_279 = %while3A_189 to %while3A_196 step %while3A_197 iter_args(%while3A_280 = %while3A_190) -> (i32)  : i32 {
      %broadcast_in_dim3A_281 = vector.broadcast %while3A_279 : i32 to vector<16xi32>
      %gather3A = tpu.vector_load_idx %arg8[%broadcast_in_dim3A_281] : memref<2048xf32, #tpu.memory_space<vmem>>[vector<16xi32>], vector<16xf32>,
      %gather3A_282 = tpu.vector_load_idx %arg9[%broadcast_in_dim3A_281] : memref<2048xi32, #tpu.memory_space<vmem>>[vector<16xi32>], vector<16xi32>,
      %add3A_283 = arith.constant 3 : i32
      %add3A_284 = arith.addi %min3A_186, %add3A_283 : i32
      %jit3A_285 = arith.constant 4 : i32
      %div3A_286 = arith.divsi %add3A_284, %jit3A_285 : i32
      %sign3A_287 = arith.constant 0 : i32
      %sign3A_288 = arith.cmpi sgt, %add3A_284, %sign3A_287 : i32
      %sign3A_289 = arith.extui %sign3A_288 : i1 to i32
      %sign3A_290 = arith.constant 0 : i32
      %sign3A_291 = arith.cmpi slt, %add3A_284, %sign3A_290 : i32
      %sign3A_292 = arith.extui %sign3A_291 : i1 to i32
      %sign3A_293 = arith.subi %sign3A_289, %sign3A_292 : i32
      %sign3A_294 = arith.constant 0 : i32
      %sign3A_295 = arith.cmpi sgt, %jit3A_285, %sign3A_294 : i32
      %sign3A_296 = arith.extui %sign3A_295 : i1 to i32
      %sign3A_297 = arith.constant 0 : i32
      %sign3A_298 = arith.cmpi slt, %jit3A_285, %sign3A_297 : i32
      %sign3A_299 = arith.extui %sign3A_298 : i1 to i32
      %sign3A_300 = arith.subi %sign3A_296, %sign3A_299 : i32
      %ne3A_301 = arith.cmpi ne, %sign3A_293, %sign3A_300 : i32
      %rem3A_302 = arith.remsi %add3A_284, %jit3A_285 : i32
      %ne3A_303 = arith.constant 0 : i32
      %ne3A_304 = arith.cmpi ne, %rem3A_302, %ne3A_303 : i32
      %and3A_305 = arith.andi %ne3A_301, %ne3A_304 : i1
      %sub3A_306 = arith.constant 1 : i32
      %sub3A_307 = arith.subi %div3A_286, %sub3A_306 : i32
      %select_n3A_308 = arith.select %and3A_305, %sub3A_307, %div3A_286 : i32
      %while3A_309 = arith.constant 0 : i32
      %while3A_310 = arith.subi %select_n3A_308, %while3A_309 : i32
      %while3A_311 = arith.addi %while3A_309, %while3A_310 : i32
      %while3A_312 = arith.constant 1 : i32
      %while3A_313 = arith.divsi %while3A_310, %while3A_312 : i32
      %while3A_314 = arith.muli %while3A_313, %while3A_312 : i32
      %while3A_315 = arith.addi %while3A_309, %while3A_314 : i32
      %while3A_316 = arith.constant 1 : i32
      %while3A_317 = scf.for %while3A_328 = %while3A_309 to %while3A_315 step %while3A_316 iter_args(%while3A_329 = %broadcast_in_dim3A_58) -> (vector<16xi32>)  : i32 {
        %mul3A_330 = arith.constant 4 : i32
        %mul3A_331 = arith.muli %while3A_328, %mul3A_330 : i32
        %add3A_332 = arith.constant 0 : i32
        %add3A_333 = arith.addi %mul3A_331, %add3A_332 : i32
        %mul3A_334 = arith.constant 16 : i32
        %mul3A_335 = arith.muli %add3A_333, %mul3A_334 : i32
        %get3A = arith.index_cast %mul3A_335 : i32 to index
        %get3A_336 = tpu.vector_load %arg12[%get3A] {strides = array<i32>} : memref<4096xf32, #tpu.memory_space<vmem>>, vector<16xf32>,
        %mul3A_337 = arith.constant 4 : i32
        %mul3A_338 = arith.muli %while3A_328, %mul3A_337 : i32
        %add3A_339 = arith.constant 0 : i32
        %add3A_340 = arith.addi %mul3A_338, %add3A_339 : i32
        %mul3A_341 = arith.constant 16 : i32
        %mul3A_342 = arith.muli %add3A_340, %mul3A_341 : i32
        %get3A_343 = arith.index_cast %mul3A_342 : i32 to index
        %get3A_344 = tpu.vector_load %arg13[%get3A_343] {strides = array<i32>} : memref<4096xi32, #tpu.memory_space<vmem>>, vector<16xi32>,
        %gt3A = arith.cmpf ogt, %get3A_336, %gather3A : vector<16xf32>
        %eq3A_345 = arith.cmpf oeq, %get3A_336, %gather3A : vector<16xf32>
        %lt3A_346 = arith.cmpi slt, %get3A_344, %gather3A_282 : vector<16xi32>
        %and3A_347 = arith.andi %eq3A_345, %lt3A_346 : vector<16xi1>
        %or3A = arith.ori %gt3A, %and3A_347 : vector<16xi1>
        %convert_element_type3A = arith.extui %or3A : vector<16xi1> to vector<16xi32>
        %add3A_348 = arith.addi %while3A_329, %convert_element_type3A : vector<16xi32>
        %mul3A_349 = arith.constant 4 : i32
        %mul3A_350 = arith.muli %while3A_328, %mul3A_349 : i32
        %add3A_351 = arith.constant 1 : i32
        %add3A_352 = arith.addi %mul3A_350, %add3A_351 : i32
        %mul3A_353 = arith.constant 16 : i32
        %mul3A_354 = arith.muli %add3A_352, %mul3A_353 : i32
        %get3A_355 = arith.index_cast %mul3A_354 : i32 to index
        %get3A_356 = tpu.vector_load %arg12[%get3A_355] {strides = array<i32>} : memref<4096xf32, #tpu.memory_space<vmem>>, vector<16xf32>,
        %mul3A_357 = arith.constant 4 : i32
        %mul3A_358 = arith.muli %while3A_328, %mul3A_357 : i32
        %add3A_359 = arith.constant 1 : i32
        %add3A_360 = arith.addi %mul3A_358, %add3A_359 : i32
        %mul3A_361 = arith.constant 16 : i32
        %mul3A_362 = arith.muli %add3A_360, %mul3A_361 : i32
        %get3A_363 = arith.index_cast %mul3A_362 : i32 to index
        %get3A_364 = tpu.vector_load %arg13[%get3A_363] {strides = array<i32>} : memref<4096xi32, #tpu.memory_space<vmem>>, vector<16xi32>,
        %gt3A_365 = arith.cmpf ogt, %get3A_356, %gather3A : vector<16xf32>
        %eq3A_366 = arith.cmpf oeq, %get3A_356, %gather3A : vector<16xf32>
        %lt3A_367 = arith.cmpi slt, %get3A_364, %gather3A_282 : vector<16xi32>
        %and3A_368 = arith.andi %eq3A_366, %lt3A_367 : vector<16xi1>
        %or3A_369 = arith.ori %gt3A_365, %and3A_368 : vector<16xi1>
        %convert_element_type3A_370 = arith.extui %or3A_369 : vector<16xi1> to vector<16xi32>
        %add3A_371 = arith.addi %add3A_348, %convert_element_type3A_370 : vector<16xi32>
        %mul3A_372 = arith.constant 4 : i32
        %mul3A_373 = arith.muli %while3A_328, %mul3A_372 : i32
        %add3A_374 = arith.constant 2 : i32
        %add3A_375 = arith.addi %mul3A_373, %add3A_374 : i32
        %mul3A_376 = arith.constant 16 : i32
        %mul3A_377 = arith.muli %add3A_375, %mul3A_376 : i32
        %get3A_378 = arith.index_cast %mul3A_377 : i32 to index
        %get3A_379 = tpu.vector_load %arg12[%get3A_378] {strides = array<i32>} : memref<4096xf32, #tpu.memory_space<vmem>>, vector<16xf32>,
        %mul3A_380 = arith.constant 4 : i32
        %mul3A_381 = arith.muli %while3A_328, %mul3A_380 : i32
        %add3A_382 = arith.constant 2 : i32
        %add3A_383 = arith.addi %mul3A_381, %add3A_382 : i32
        %mul3A_384 = arith.constant 16 : i32
        %mul3A_385 = arith.muli %add3A_383, %mul3A_384 : i32
        %get3A_386 = arith.index_cast %mul3A_385 : i32 to index
        %get3A_387 = tpu.vector_load %arg13[%get3A_386] {strides = array<i32>} : memref<4096xi32, #tpu.memory_space<vmem>>, vector<16xi32>,
        %gt3A_388 = arith.cmpf ogt, %get3A_379, %gather3A : vector<16xf32>
        %eq3A_389 = arith.cmpf oeq, %get3A_379, %gather3A : vector<16xf32>
        %lt3A_390 = arith.cmpi slt, %get3A_387, %gather3A_282 : vector<16xi32>
        %and3A_391 = arith.andi %eq3A_389, %lt3A_390 : vector<16xi1>
        %or3A_392 = arith.ori %gt3A_388, %and3A_391 : vector<16xi1>
        %convert_element_type3A_393 = arith.extui %or3A_392 : vector<16xi1> to vector<16xi32>
        %add3A_394 = arith.addi %add3A_371, %convert_element_type3A_393 : vector<16xi32>
        %mul3A_395 = arith.constant 4 : i32
        %mul3A_396 = arith.muli %while3A_328, %mul3A_395 : i32
        %add3A_397 = arith.constant 3 : i32
        %add3A_398 = arith.addi %mul3A_396, %add3A_397 : i32
        %mul3A_399 = arith.constant 16 : i32
        %mul3A_400 = arith.muli %add3A_398, %mul3A_399 : i32
        %get3A_401 = arith.index_cast %mul3A_400 : i32 to index
        %get3A_402 = tpu.vector_load %arg12[%get3A_401] {strides = array<i32>} : memref<4096xf32, #tpu.memory_space<vmem>>, vector<16xf32>,
        %mul3A_403 = arith.constant 4 : i32
        %mul3A_404 = arith.muli %while3A_328, %mul3A_403 : i32
        %add3A_405 = arith.constant 3 : i32
        %add3A_406 = arith.addi %mul3A_404, %add3A_405 : i32
        %mul3A_407 = arith.constant 16 : i32
        %mul3A_408 = arith.muli %add3A_406, %mul3A_407 : i32
        %get3A_409 = arith.index_cast %mul3A_408 : i32 to index
        %get3A_410 = tpu.vector_load %arg13[%get3A_409] {strides = array<i32>} : memref<4096xi32, #tpu.memory_space<vmem>>, vector<16xi32>,
        %gt3A_411 = arith.cmpf ogt, %get3A_402, %gather3A : vector<16xf32>
        %eq3A_412 = arith.cmpf oeq, %get3A_402, %gather3A : vector<16xf32>
        %lt3A_413 = arith.cmpi slt, %get3A_410, %gather3A_282 : vector<16xi32>
        %and3A_414 = arith.andi %eq3A_412, %lt3A_413 : vector<16xi1>
        %or3A_415 = arith.ori %gt3A_411, %and3A_414 : vector<16xi1>
        %convert_element_type3A_416 = arith.extui %or3A_415 : vector<16xi1> to vector<16xi32>
        %add3A_417 = arith.addi %add3A_394, %convert_element_type3A_416 : vector<16xi32>
        scf.yield %add3A_417 : vector<16xi32>
      }
      %while3A_318 = arith.constant 1 : i32
      %while3A_319 = scf.for %while3A_328 = %while3A_315 to %while3A_311 step %while3A_318 iter_args(%while3A_329 = %while3A_317) -> (vector<16xi32>)  : i32 {
        %mul3A_330 = arith.constant 4 : i32
        %mul3A_331 = arith.muli %while3A_328, %mul3A_330 : i32
        %add3A_332 = arith.constant 0 : i32
        %add3A_333 = arith.addi %mul3A_331, %add3A_332 : i32
        %mul3A_334 = arith.constant 16 : i32
        %mul3A_335 = arith.muli %add3A_333, %mul3A_334 : i32
        %get3A = arith.index_cast %mul3A_335 : i32 to index
        %get3A_336 = tpu.vector_load %arg12[%get3A] {strides = array<i32>} : memref<4096xf32, #tpu.memory_space<vmem>>, vector<16xf32>,
        %mul3A_337 = arith.constant 4 : i32
        %mul3A_338 = arith.muli %while3A_328, %mul3A_337 : i32
        %add3A_339 = arith.constant 0 : i32
        %add3A_340 = arith.addi %mul3A_338, %add3A_339 : i32
        %mul3A_341 = arith.constant 16 : i32
        %mul3A_342 = arith.muli %add3A_340, %mul3A_341 : i32
        %get3A_343 = arith.index_cast %mul3A_342 : i32 to index
        %get3A_344 = tpu.vector_load %arg13[%get3A_343] {strides = array<i32>} : memref<4096xi32, #tpu.memory_space<vmem>>, vector<16xi32>,
        %gt3A = arith.cmpf ogt, %get3A_336, %gather3A : vector<16xf32>
        %eq3A_345 = arith.cmpf oeq, %get3A_336, %gather3A : vector<16xf32>
        %lt3A_346 = arith.cmpi slt, %get3A_344, %gather3A_282 : vector<16xi32>
        %and3A_347 = arith.andi %eq3A_345, %lt3A_346 : vector<16xi1>
        %or3A = arith.ori %gt3A, %and3A_347 : vector<16xi1>
        %convert_element_type3A = arith.extui %or3A : vector<16xi1> to vector<16xi32>
        %add3A_348 = arith.addi %while3A_329, %convert_element_type3A : vector<16xi32>
        %mul3A_349 = arith.constant 4 : i32
        %mul3A_350 = arith.muli %while3A_328, %mul3A_349 : i32
        %add3A_351 = arith.constant 1 : i32
        %add3A_352 = arith.addi %mul3A_350, %add3A_351 : i32
        %mul3A_353 = arith.constant 16 : i32
        %mul3A_354 = arith.muli %add3A_352, %mul3A_353 : i32
        %get3A_355 = arith.index_cast %mul3A_354 : i32 to index
        %get3A_356 = tpu.vector_load %arg12[%get3A_355] {strides = array<i32>} : memref<4096xf32, #tpu.memory_space<vmem>>, vector<16xf32>,
        %mul3A_357 = arith.constant 4 : i32
        %mul3A_358 = arith.muli %while3A_328, %mul3A_357 : i32
        %add3A_359 = arith.constant 1 : i32
        %add3A_360 = arith.addi %mul3A_358, %add3A_359 : i32
        %mul3A_361 = arith.constant 16 : i32
        %mul3A_362 = arith.muli %add3A_360, %mul3A_361 : i32
        %get3A_363 = arith.index_cast %mul3A_362 : i32 to index
        %get3A_364 = tpu.vector_load %arg13[%get3A_363] {strides = array<i32>} : memref<4096xi32, #tpu.memory_space<vmem>>, vector<16xi32>,
        %gt3A_365 = arith.cmpf ogt, %get3A_356, %gather3A : vector<16xf32>
        %eq3A_366 = arith.cmpf oeq, %get3A_356, %gather3A : vector<16xf32>
        %lt3A_367 = arith.cmpi slt, %get3A_364, %gather3A_282 : vector<16xi32>
        %and3A_368 = arith.andi %eq3A_366, %lt3A_367 : vector<16xi1>
        %or3A_369 = arith.ori %gt3A_365, %and3A_368 : vector<16xi1>
        %convert_element_type3A_370 = arith.extui %or3A_369 : vector<16xi1> to vector<16xi32>
        %add3A_371 = arith.addi %add3A_348, %convert_element_type3A_370 : vector<16xi32>
        %mul3A_372 = arith.constant 4 : i32
        %mul3A_373 = arith.muli %while3A_328, %mul3A_372 : i32
        %add3A_374 = arith.constant 2 : i32
        %add3A_375 = arith.addi %mul3A_373, %add3A_374 : i32
        %mul3A_376 = arith.constant 16 : i32
        %mul3A_377 = arith.muli %add3A_375, %mul3A_376 : i32
        %get3A_378 = arith.index_cast %mul3A_377 : i32 to index
        %get3A_379 = tpu.vector_load %arg12[%get3A_378] {strides = array<i32>} : memref<4096xf32, #tpu.memory_space<vmem>>, vector<16xf32>,
        %mul3A_380 = arith.constant 4 : i32
        %mul3A_381 = arith.muli %while3A_328, %mul3A_380 : i32
        %add3A_382 = arith.constant 2 : i32
        %add3A_383 = arith.addi %mul3A_381, %add3A_382 : i32
        %mul3A_384 = arith.constant 16 : i32
        %mul3A_385 = arith.muli %add3A_383, %mul3A_384 : i32
        %get3A_386 = arith.index_cast %mul3A_385 : i32 to index
        %get3A_387 = tpu.vector_load %arg13[%get3A_386] {strides = array<i32>} : memref<4096xi32, #tpu.memory_space<vmem>>, vector<16xi32>,
        %gt3A_388 = arith.cmpf ogt, %get3A_379, %gather3A : vector<16xf32>
        %eq3A_389 = arith.cmpf oeq, %get3A_379, %gather3A : vector<16xf32>
        %lt3A_390 = arith.cmpi slt, %get3A_387, %gather3A_282 : vector<16xi32>
        %and3A_391 = arith.andi %eq3A_389, %lt3A_390 : vector<16xi1>
        %or3A_392 = arith.ori %gt3A_388, %and3A_391 : vector<16xi1>
        %convert_element_type3A_393 = arith.extui %or3A_392 : vector<16xi1> to vector<16xi32>
        %add3A_394 = arith.addi %add3A_371, %convert_element_type3A_393 : vector<16xi32>
        %mul3A_395 = arith.constant 4 : i32
        %mul3A_396 = arith.muli %while3A_328, %mul3A_395 : i32
        %add3A_397 = arith.constant 3 : i32
        %add3A_398 = arith.addi %mul3A_396, %add3A_397 : i32
        %mul3A_399 = arith.constant 16 : i32
        %mul3A_400 = arith.muli %add3A_398, %mul3A_399 : i32
        %get3A_401 = arith.index_cast %mul3A_400 : i32 to index
        %get3A_402 = tpu.vector_load %arg12[%get3A_401] {strides = array<i32>} : memref<4096xf32, #tpu.memory_space<vmem>>, vector<16xf32>,
        %mul3A_403 = arith.constant 4 : i32
        %mul3A_404 = arith.muli %while3A_328, %mul3A_403 : i32
        %add3A_405 = arith.constant 3 : i32
        %add3A_406 = arith.addi %mul3A_404, %add3A_405 : i32
        %mul3A_407 = arith.constant 16 : i32
        %mul3A_408 = arith.muli %add3A_406, %mul3A_407 : i32
        %get3A_409 = arith.index_cast %mul3A_408 : i32 to index
        %get3A_410 = tpu.vector_load %arg13[%get3A_409] {strides = array<i32>} : memref<4096xi32, #tpu.memory_space<vmem>>, vector<16xi32>,
        %gt3A_411 = arith.cmpf ogt, %get3A_402, %gather3A : vector<16xf32>
        %eq3A_412 = arith.cmpf oeq, %get3A_402, %gather3A : vector<16xf32>
        %lt3A_413 = arith.cmpi slt, %get3A_410, %gather3A_282 : vector<16xi32>
        %and3A_414 = arith.andi %eq3A_412, %lt3A_413 : vector<16xi1>
        %or3A_415 = arith.ori %gt3A_411, %and3A_414 : vector<16xi1>
        %convert_element_type3A_416 = arith.extui %or3A_415 : vector<16xi1> to vector<16xi32>
        %add3A_417 = arith.addi %add3A_394, %convert_element_type3A_416 : vector<16xi32>
        scf.yield %add3A_417 : vector<16xi32>
      }
      %reduce_sum3A = arith.constant true
      %reduce_sum3A_320 = vector.broadcast %reduce_sum3A : i1 to vector<16xi1>
      %reduce_sum3A_321 = tpu.scan <sum>, %while3A_319 masked %reduce_sum3A_320 : vector<16xi32>, vector<16xi1> -> vector<16xi32>
      %reduce_sum3A_322 = vector.extract %reduce_sum3A_321[15] : i32 from vector<16xi32>
      %broadcast_in_dim3A_323 = vector.broadcast %reduce_sum3A_322 : i32 to vector<16xi32>
      %eq3A_324 = arith.constant 0 : i32
      %eq3A_325 = vector.broadcast %eq3A_324 : i32 to vector<16xi32>
      %eq3A_326 = arith.cmpi eq, %iota3A, %eq3A_325 : vector<16xi32>
      tpu.vector_store_idx %arg16[%broadcast_in_dim3A_281], %broadcast_in_dim3A_323 masked %eq3A_326 : memref<2048xi32, #tpu.memory_space<vmem>>[vector<16xi32>], vector<16xi32>, vector<16xi1>
      %while3A_327 = arith.constant 0 : i32
      scf.yield %while3A_327 : i32
    }
    %while3A_199 = arith.constant 1 : i32
    %while3A_200 = scf.for %while3A_279 = %while3A_196 to %while3A_192 step %while3A_199 iter_args(%while3A_280 = %while3A_198) -> (i32)  : i32 {
      %broadcast_in_dim3A_281 = vector.broadcast %while3A_279 : i32 to vector<16xi32>
      %gather3A = tpu.vector_load_idx %arg8[%broadcast_in_dim3A_281] : memref<2048xf32, #tpu.memory_space<vmem>>[vector<16xi32>], vector<16xf32>,
      %gather3A_282 = tpu.vector_load_idx %arg9[%broadcast_in_dim3A_281] : memref<2048xi32, #tpu.memory_space<vmem>>[vector<16xi32>], vector<16xi32>,
      %add3A_283 = arith.constant 3 : i32
      %add3A_284 = arith.addi %min3A_186, %add3A_283 : i32
      %jit3A_285 = arith.constant 4 : i32
      %div3A_286 = arith.divsi %add3A_284, %jit3A_285 : i32
      %sign3A_287 = arith.constant 0 : i32
      %sign3A_288 = arith.cmpi sgt, %add3A_284, %sign3A_287 : i32
      %sign3A_289 = arith.extui %sign3A_288 : i1 to i32
      %sign3A_290 = arith.constant 0 : i32
      %sign3A_291 = arith.cmpi slt, %add3A_284, %sign3A_290 : i32
      %sign3A_292 = arith.extui %sign3A_291 : i1 to i32
      %sign3A_293 = arith.subi %sign3A_289, %sign3A_292 : i32
      %sign3A_294 = arith.constant 0 : i32
      %sign3A_295 = arith.cmpi sgt, %jit3A_285, %sign3A_294 : i32
      %sign3A_296 = arith.extui %sign3A_295 : i1 to i32
      %sign3A_297 = arith.constant 0 : i32
      %sign3A_298 = arith.cmpi slt, %jit3A_285, %sign3A_297 : i32
      %sign3A_299 = arith.extui %sign3A_298 : i1 to i32
      %sign3A_300 = arith.subi %sign3A_296, %sign3A_299 : i32
      %ne3A_301 = arith.cmpi ne, %sign3A_293, %sign3A_300 : i32
      %rem3A_302 = arith.remsi %add3A_284, %jit3A_285 : i32
      %ne3A_303 = arith.constant 0 : i32
      %ne3A_304 = arith.cmpi ne, %rem3A_302, %ne3A_303 : i32
      %and3A_305 = arith.andi %ne3A_301, %ne3A_304 : i1
      %sub3A_306 = arith.constant 1 : i32
      %sub3A_307 = arith.subi %div3A_286, %sub3A_306 : i32
      %select_n3A_308 = arith.select %and3A_305, %sub3A_307, %div3A_286 : i32
      %while3A_309 = arith.constant 0 : i32
      %while3A_310 = arith.subi %select_n3A_308, %while3A_309 : i32
      %while3A_311 = arith.addi %while3A_309, %while3A_310 : i32
      %while3A_312 = arith.constant 1 : i32
      %while3A_313 = arith.divsi %while3A_310, %while3A_312 : i32
      %while3A_314 = arith.muli %while3A_313, %while3A_312 : i32
      %while3A_315 = arith.addi %while3A_309, %while3A_314 : i32
      %while3A_316 = arith.constant 1 : i32
      %while3A_317 = scf.for %while3A_328 = %while3A_309 to %while3A_315 step %while3A_316 iter_args(%while3A_329 = %broadcast_in_dim3A_58) -> (vector<16xi32>)  : i32 {
        %mul3A_330 = arith.constant 4 : i32
        %mul3A_331 = arith.muli %while3A_328, %mul3A_330 : i32
        %add3A_332 = arith.constant 0 : i32
        %add3A_333 = arith.addi %mul3A_331, %add3A_332 : i32
        %mul3A_334 = arith.constant 16 : i32
        %mul3A_335 = arith.muli %add3A_333, %mul3A_334 : i32
        %get3A = arith.index_cast %mul3A_335 : i32 to index
        %get3A_336 = tpu.vector_load %arg12[%get3A] {strides = array<i32>} : memref<4096xf32, #tpu.memory_space<vmem>>, vector<16xf32>,
        %mul3A_337 = arith.constant 4 : i32
        %mul3A_338 = arith.muli %while3A_328, %mul3A_337 : i32
        %add3A_339 = arith.constant 0 : i32
        %add3A_340 = arith.addi %mul3A_338, %add3A_339 : i32
        %mul3A_341 = arith.constant 16 : i32
        %mul3A_342 = arith.muli %add3A_340, %mul3A_341 : i32
        %get3A_343 = arith.index_cast %mul3A_342 : i32 to index
        %get3A_344 = tpu.vector_load %arg13[%get3A_343] {strides = array<i32>} : memref<4096xi32, #tpu.memory_space<vmem>>, vector<16xi32>,
        %gt3A = arith.cmpf ogt, %get3A_336, %gather3A : vector<16xf32>
        %eq3A_345 = arith.cmpf oeq, %get3A_336, %gather3A : vector<16xf32>
        %lt3A_346 = arith.cmpi slt, %get3A_344, %gather3A_282 : vector<16xi32>
        %and3A_347 = arith.andi %eq3A_345, %lt3A_346 : vector<16xi1>
        %or3A = arith.ori %gt3A, %and3A_347 : vector<16xi1>
        %convert_element_type3A = arith.extui %or3A : vector<16xi1> to vector<16xi32>
        %add3A_348 = arith.addi %while3A_329, %convert_element_type3A : vector<16xi32>
        %mul3A_349 = arith.constant 4 : i32
        %mul3A_350 = arith.muli %while3A_328, %mul3A_349 : i32
        %add3A_351 = arith.constant 1 : i32
        %add3A_352 = arith.addi %mul3A_350, %add3A_351 : i32
        %mul3A_353 = arith.constant 16 : i32
        %mul3A_354 = arith.muli %add3A_352, %mul3A_353 : i32
        %get3A_355 = arith.index_cast %mul3A_354 : i32 to index
        %get3A_356 = tpu.vector_load %arg12[%get3A_355] {strides = array<i32>} : memref<4096xf32, #tpu.memory_space<vmem>>, vector<16xf32>,
        %mul3A_357 = arith.constant 4 : i32
        %mul3A_358 = arith.muli %while3A_328, %mul3A_357 : i32
        %add3A_359 = arith.constant 1 : i32
        %add3A_360 = arith.addi %mul3A_358, %add3A_359 : i32
        %mul3A_361 = arith.constant 16 : i32
        %mul3A_362 = arith.muli %add3A_360, %mul3A_361 : i32
        %get3A_363 = arith.index_cast %mul3A_362 : i32 to index
        %get3A_364 = tpu.vector_load %arg13[%get3A_363] {strides = array<i32>} : memref<4096xi32, #tpu.memory_space<vmem>>, vector<16xi32>,
        %gt3A_365 = arith.cmpf ogt, %get3A_356, %gather3A : vector<16xf32>
        %eq3A_366 = arith.cmpf oeq, %get3A_356, %gather3A : vector<16xf32>
        %lt3A_367 = arith.cmpi slt, %get3A_364, %gather3A_282 : vector<16xi32>
        %and3A_368 = arith.andi %eq3A_366, %lt3A_367 : vector<16xi1>
        %or3A_369 = arith.ori %gt3A_365, %and3A_368 : vector<16xi1>
        %convert_element_type3A_370 = arith.extui %or3A_369 : vector<16xi1> to vector<16xi32>
        %add3A_371 = arith.addi %add3A_348, %convert_element_type3A_370 : vector<16xi32>
        %mul3A_372 = arith.constant 4 : i32
        %mul3A_373 = arith.muli %while3A_328, %mul3A_372 : i32
        %add3A_374 = arith.constant 2 : i32
        %add3A_375 = arith.addi %mul3A_373, %add3A_374 : i32
        %mul3A_376 = arith.constant 16 : i32
        %mul3A_377 = arith.muli %add3A_375, %mul3A_376 : i32
        %get3A_378 = arith.index_cast %mul3A_377 : i32 to index
        %get3A_379 = tpu.vector_load %arg12[%get3A_378] {strides = array<i32>} : memref<4096xf32, #tpu.memory_space<vmem>>, vector<16xf32>,
        %mul3A_380 = arith.constant 4 : i32
        %mul3A_381 = arith.muli %while3A_328, %mul3A_380 : i32
        %add3A_382 = arith.constant 2 : i32
        %add3A_383 = arith.addi %mul3A_381, %add3A_382 : i32
        %mul3A_384 = arith.constant 16 : i32
        %mul3A_385 = arith.muli %add3A_383, %mul3A_384 : i32
        %get3A_386 = arith.index_cast %mul3A_385 : i32 to index
        %get3A_387 = tpu.vector_load %arg13[%get3A_386] {strides = array<i32>} : memref<4096xi32, #tpu.memory_space<vmem>>, vector<16xi32>,
        %gt3A_388 = arith.cmpf ogt, %get3A_379, %gather3A : vector<16xf32>
        %eq3A_389 = arith.cmpf oeq, %get3A_379, %gather3A : vector<16xf32>
        %lt3A_390 = arith.cmpi slt, %get3A_387, %gather3A_282 : vector<16xi32>
        %and3A_391 = arith.andi %eq3A_389, %lt3A_390 : vector<16xi1>
        %or3A_392 = arith.ori %gt3A_388, %and3A_391 : vector<16xi1>
        %convert_element_type3A_393 = arith.extui %or3A_392 : vector<16xi1> to vector<16xi32>
        %add3A_394 = arith.addi %add3A_371, %convert_element_type3A_393 : vector<16xi32>
        %mul3A_395 = arith.constant 4 : i32
        %mul3A_396 = arith.muli %while3A_328, %mul3A_395 : i32
        %add3A_397 = arith.constant 3 : i32
        %add3A_398 = arith.addi %mul3A_396, %add3A_397 : i32
        %mul3A_399 = arith.constant 16 : i32
        %mul3A_400 = arith.muli %add3A_398, %mul3A_399 : i32
        %get3A_401 = arith.index_cast %mul3A_400 : i32 to index
        %get3A_402 = tpu.vector_load %arg12[%get3A_401] {strides = array<i32>} : memref<4096xf32, #tpu.memory_space<vmem>>, vector<16xf32>,
        %mul3A_403 = arith.constant 4 : i32
        %mul3A_404 = arith.muli %while3A_328, %mul3A_403 : i32
        %add3A_405 = arith.constant 3 : i32
        %add3A_406 = arith.addi %mul3A_404, %add3A_405 : i32
        %mul3A_407 = arith.constant 16 : i32
        %mul3A_408 = arith.muli %add3A_406, %mul3A_407 : i32
        %get3A_409 = arith.index_cast %mul3A_408 : i32 to index
        %get3A_410 = tpu.vector_load %arg13[%get3A_409] {strides = array<i32>} : memref<4096xi32, #tpu.memory_space<vmem>>, vector<16xi32>,
        %gt3A_411 = arith.cmpf ogt, %get3A_402, %gather3A : vector<16xf32>
        %eq3A_412 = arith.cmpf oeq, %get3A_402, %gather3A : vector<16xf32>
        %lt3A_413 = arith.cmpi slt, %get3A_410, %gather3A_282 : vector<16xi32>
        %and3A_414 = arith.andi %eq3A_412, %lt3A_413 : vector<16xi1>
        %or3A_415 = arith.ori %gt3A_411, %and3A_414 : vector<16xi1>
        %convert_element_type3A_416 = arith.extui %or3A_415 : vector<16xi1> to vector<16xi32>
        %add3A_417 = arith.addi %add3A_394, %convert_element_type3A_416 : vector<16xi32>
        scf.yield %add3A_417 : vector<16xi32>
      }
      %while3A_318 = arith.constant 1 : i32
      %while3A_319 = scf.for %while3A_328 = %while3A_315 to %while3A_311 step %while3A_318 iter_args(%while3A_329 = %while3A_317) -> (vector<16xi32>)  : i32 {
        %mul3A_330 = arith.constant 4 : i32
        %mul3A_331 = arith.muli %while3A_328, %mul3A_330 : i32
        %add3A_332 = arith.constant 0 : i32
        %add3A_333 = arith.addi %mul3A_331, %add3A_332 : i32
        %mul3A_334 = arith.constant 16 : i32
        %mul3A_335 = arith.muli %add3A_333, %mul3A_334 : i32
        %get3A = arith.index_cast %mul3A_335 : i32 to index
        %get3A_336 = tpu.vector_load %arg12[%get3A] {strides = array<i32>} : memref<4096xf32, #tpu.memory_space<vmem>>, vector<16xf32>,
        %mul3A_337 = arith.constant 4 : i32
        %mul3A_338 = arith.muli %while3A_328, %mul3A_337 : i32
        %add3A_339 = arith.constant 0 : i32
        %add3A_340 = arith.addi %mul3A_338, %add3A_339 : i32
        %mul3A_341 = arith.constant 16 : i32
        %mul3A_342 = arith.muli %add3A_340, %mul3A_341 : i32
        %get3A_343 = arith.index_cast %mul3A_342 : i32 to index
        %get3A_344 = tpu.vector_load %arg13[%get3A_343] {strides = array<i32>} : memref<4096xi32, #tpu.memory_space<vmem>>, vector<16xi32>,
        %gt3A = arith.cmpf ogt, %get3A_336, %gather3A : vector<16xf32>
        %eq3A_345 = arith.cmpf oeq, %get3A_336, %gather3A : vector<16xf32>
        %lt3A_346 = arith.cmpi slt, %get3A_344, %gather3A_282 : vector<16xi32>
        %and3A_347 = arith.andi %eq3A_345, %lt3A_346 : vector<16xi1>
        %or3A = arith.ori %gt3A, %and3A_347 : vector<16xi1>
        %convert_element_type3A = arith.extui %or3A : vector<16xi1> to vector<16xi32>
        %add3A_348 = arith.addi %while3A_329, %convert_element_type3A : vector<16xi32>
        %mul3A_349 = arith.constant 4 : i32
        %mul3A_350 = arith.muli %while3A_328, %mul3A_349 : i32
        %add3A_351 = arith.constant 1 : i32
        %add3A_352 = arith.addi %mul3A_350, %add3A_351 : i32
        %mul3A_353 = arith.constant 16 : i32
        %mul3A_354 = arith.muli %add3A_352, %mul3A_353 : i32
        %get3A_355 = arith.index_cast %mul3A_354 : i32 to index
        %get3A_356 = tpu.vector_load %arg12[%get3A_355] {strides = array<i32>} : memref<4096xf32, #tpu.memory_space<vmem>>, vector<16xf32>,
        %mul3A_357 = arith.constant 4 : i32
        %mul3A_358 = arith.muli %while3A_328, %mul3A_357 : i32
        %add3A_359 = arith.constant 1 : i32
        %add3A_360 = arith.addi %mul3A_358, %add3A_359 : i32
        %mul3A_361 = arith.constant 16 : i32
        %mul3A_362 = arith.muli %add3A_360, %mul3A_361 : i32
        %get3A_363 = arith.index_cast %mul3A_362 : i32 to index
        %get3A_364 = tpu.vector_load %arg13[%get3A_363] {strides = array<i32>} : memref<4096xi32, #tpu.memory_space<vmem>>, vector<16xi32>,
        %gt3A_365 = arith.cmpf ogt, %get3A_356, %gather3A : vector<16xf32>
        %eq3A_366 = arith.cmpf oeq, %get3A_356, %gather3A : vector<16xf32>
        %lt3A_367 = arith.cmpi slt, %get3A_364, %gather3A_282 : vector<16xi32>
        %and3A_368 = arith.andi %eq3A_366, %lt3A_367 : vector<16xi1>
        %or3A_369 = arith.ori %gt3A_365, %and3A_368 : vector<16xi1>
        %convert_element_type3A_370 = arith.extui %or3A_369 : vector<16xi1> to vector<16xi32>
        %add3A_371 = arith.addi %add3A_348, %convert_element_type3A_370 : vector<16xi32>
        %mul3A_372 = arith.constant 4 : i32
        %mul3A_373 = arith.muli %while3A_328, %mul3A_372 : i32
        %add3A_374 = arith.constant 2 : i32
        %add3A_375 = arith.addi %mul3A_373, %add3A_374 : i32
        %mul3A_376 = arith.constant 16 : i32
        %mul3A_377 = arith.muli %add3A_375, %mul3A_376 : i32
        %get3A_378 = arith.index_cast %mul3A_377 : i32 to index
        %get3A_379 = tpu.vector_load %arg12[%get3A_378] {strides = array<i32>} : memref<4096xf32, #tpu.memory_space<vmem>>, vector<16xf32>,
        %mul3A_380 = arith.constant 4 : i32
        %mul3A_381 = arith.muli %while3A_328, %mul3A_380 : i32
        %add3A_382 = arith.constant 2 : i32
        %add3A_383 = arith.addi %mul3A_381, %add3A_382 : i32
        %mul3A_384 = arith.constant 16 : i32
        %mul3A_385 = arith.muli %add3A_383, %mul3A_384 : i32
        %get3A_386 = arith.index_cast %mul3A_385 : i32 to index
        %get3A_387 = tpu.vector_load %arg13[%get3A_386] {strides = array<i32>} : memref<4096xi32, #tpu.memory_space<vmem>>, vector<16xi32>,
        %gt3A_388 = arith.cmpf ogt, %get3A_379, %gather3A : vector<16xf32>
        %eq3A_389 = arith.cmpf oeq, %get3A_379, %gather3A : vector<16xf32>
        %lt3A_390 = arith.cmpi slt, %get3A_387, %gather3A_282 : vector<16xi32>
        %and3A_391 = arith.andi %eq3A_389, %lt3A_390 : vector<16xi1>
        %or3A_392 = arith.ori %gt3A_388, %and3A_391 : vector<16xi1>
        %convert_element_type3A_393 = arith.extui %or3A_392 : vector<16xi1> to vector<16xi32>
        %add3A_394 = arith.addi %add3A_371, %convert_element_type3A_393 : vector<16xi32>
        %mul3A_395 = arith.constant 4 : i32
        %mul3A_396 = arith.muli %while3A_328, %mul3A_395 : i32
        %add3A_397 = arith.constant 3 : i32
        %add3A_398 = arith.addi %mul3A_396, %add3A_397 : i32
        %mul3A_399 = arith.constant 16 : i32
        %mul3A_400 = arith.muli %add3A_398, %mul3A_399 : i32
        %get3A_401 = arith.index_cast %mul3A_400 : i32 to index
        %get3A_402 = tpu.vector_load %arg12[%get3A_401] {strides = array<i32>} : memref<4096xf32, #tpu.memory_space<vmem>>, vector<16xf32>,
        %mul3A_403 = arith.constant 4 : i32
        %mul3A_404 = arith.muli %while3A_328, %mul3A_403 : i32
        %add3A_405 = arith.constant 3 : i32
        %add3A_406 = arith.addi %mul3A_404, %add3A_405 : i32
        %mul3A_407 = arith.constant 16 : i32
        %mul3A_408 = arith.muli %add3A_406, %mul3A_407 : i32
        %get3A_409 = arith.index_cast %mul3A_408 : i32 to index
        %get3A_410 = tpu.vector_load %arg13[%get3A_409] {strides = array<i32>} : memref<4096xi32, #tpu.memory_space<vmem>>, vector<16xi32>,
        %gt3A_411 = arith.cmpf ogt, %get3A_402, %gather3A : vector<16xf32>
        %eq3A_412 = arith.cmpf oeq, %get3A_402, %gather3A : vector<16xf32>
        %lt3A_413 = arith.cmpi slt, %get3A_410, %gather3A_282 : vector<16xi32>
        %and3A_414 = arith.andi %eq3A_412, %lt3A_413 : vector<16xi1>
        %or3A_415 = arith.ori %gt3A_411, %and3A_414 : vector<16xi1>
        %convert_element_type3A_416 = arith.extui %or3A_415 : vector<16xi1> to vector<16xi32>
        %add3A_417 = arith.addi %add3A_394, %convert_element_type3A_416 : vector<16xi32>
        scf.yield %add3A_417 : vector<16xi32>
      }
      %reduce_sum3A = arith.constant true
      %reduce_sum3A_320 = vector.broadcast %reduce_sum3A : i1 to vector<16xi1>
      %reduce_sum3A_321 = tpu.scan <sum>, %while3A_319 masked %reduce_sum3A_320 : vector<16xi32>, vector<16xi1> -> vector<16xi32>
      %reduce_sum3A_322 = vector.extract %reduce_sum3A_321[15] : i32 from vector<16xi32>
      %broadcast_in_dim3A_323 = vector.broadcast %reduce_sum3A_322 : i32 to vector<16xi32>
      %eq3A_324 = arith.constant 0 : i32
      %eq3A_325 = vector.broadcast %eq3A_324 : i32 to vector<16xi32>
      %eq3A_326 = arith.cmpi eq, %iota3A, %eq3A_325 : vector<16xi32>
      tpu.vector_store_idx %arg16[%broadcast_in_dim3A_281], %broadcast_in_dim3A_323 masked %eq3A_326 : memref<2048xi32, #tpu.memory_space<vmem>>[vector<16xi32>], vector<16xi32>, vector<16xi1>
      %while3A_327 = arith.constant 0 : i32
      scf.yield %while3A_327 : i32
    }
    %while3A_201 = arith.constant 0 : i32
    %while3A_202 = arith.constant 0 : i32
    %while3A_203 = arith.subi %select_n3A_155, %while3A_201 : i32
    %while3A_204 = arith.addi %while3A_201, %while3A_203 : i32
    %while3A_205 = arith.constant 1 : i32
    %while3A_206 = arith.divsi %while3A_203, %while3A_205 : i32
    %while3A_207 = arith.muli %while3A_206, %while3A_205 : i32
    %while3A_208 = arith.addi %while3A_201, %while3A_207 : i32
    %while3A_209 = arith.constant 1 : i32
    %while3A_210 = scf.for %while3A_279 = %while3A_201 to %while3A_208 step %while3A_209 iter_args(%while3A_280 = %while3A_202) -> (i32)  : i32 {
      %mul3A_281 = arith.constant 16 : i32
      %mul3A_282 = arith.muli %while3A_279, %mul3A_281 : i32
      %get3A = arith.index_cast %mul3A_282 : i32 to index
      %get3A_283 = tpu.vector_load %arg16[%get3A] {strides = array<i32>} : memref<2048xi32, #tpu.memory_space<vmem>>, vector<16xi32>,
      %lt3A_284 = arith.constant 512 : i32
      %lt3A_285 = vector.broadcast %lt3A_284 : i32 to vector<16xi32>
      %lt3A_286 = arith.cmpi slt, %get3A_283, %lt3A_285 : vector<16xi32>
      %mul3A_287 = arith.constant 1024 : i32
      %mul3A_288 = arith.muli %select_n3A_43, %mul3A_287 : i32
      %add3A_289 = vector.broadcast %mul3A_288 : i32 to vector<16xi32>
      %add3A_290 = arith.addi %add3A_289, %get3A_283 : vector<16xi32>
      %mul3A_291 = arith.constant 1024 : i32
      %mul3A_292 = arith.muli %select_n3A_43, %mul3A_291 : i32
      %add3A_293 = arith.constant 512 : i32
      %add3A_294 = arith.addi %mul3A_292, %add3A_293 : i32
      %mul3A_295 = arith.constant 16 : i32
      %mul3A_296 = arith.muli %arg1, %mul3A_295 : i32
      %add3A_297 = vector.broadcast %mul3A_296 : i32 to vector<16xi32>
      %add3A_298 = arith.addi %add3A_297, %iota3A : vector<16xi32>
      %and3A_299 = arith.constant 511 : i32
      %and3A_300 = vector.broadcast %and3A_299 : i32 to vector<16xi32>
      %and3A_301 = arith.andi %add3A_298, %and3A_300 : vector<16xi32>
      %add3A_302 = vector.broadcast %add3A_294 : i32 to vector<16xi32>
      %add3A_303 = arith.addi %add3A_302, %and3A_301 : vector<16xi32>
      %select_n3A_304 = arith.select %lt3A_286, %add3A_290, %add3A_303 : vector<16xi1>, vector<16xi32>
      %mul3A_305 = arith.constant 16 : i32
      %mul3A_306 = arith.muli %while3A_279, %mul3A_305 : i32
      %dma_start3A_307 = tpu.memref_slice %arg8[%mul3A_306] : memref<2048xf32, #tpu.memory_space<vmem>> -> memref<16xf32, #tpu.memory_space<vmem>>
      %dma_start3A_308 = arith.constant 0 : i32
      %dma_start3A_309 = tpu.memref_slice %arg23[%dma_start3A_308] : memref<2048xf32, #tpu.memory_space<vmem_shared>> -> memref<2048xf32, #tpu.memory_space<vmem_shared>>
      tpu.enqueue_indirect_dma source(%dma_start3A_307 : memref<16xf32, #tpu.memory_space<vmem>>) target(%dma_start3A_309 : memref<2048xf32, #tpu.memory_space<vmem_shared>>) offsets(%select_n3A_304 : vector<16xi32>) semaphore(%arg25 : memref<!tpu.dma_semaphore, #tpu.memory_space<semaphore_mem>>)
      %mul3A_310 = arith.constant 16 : i32
      %mul3A_311 = arith.muli %while3A_279, %mul3A_310 : i32
      %dma_start3A_312 = tpu.memref_slice %arg9[%mul3A_311] : memref<2048xi32, #tpu.memory_space<vmem>> -> memref<16xi32, #tpu.memory_space<vmem>>
      %dma_start3A_313 = arith.constant 0 : i32
      %dma_start3A_314 = tpu.memref_slice %arg24[%dma_start3A_313] : memref<2048xi32, #tpu.memory_space<vmem_shared>> -> memref<2048xi32, #tpu.memory_space<vmem_shared>>
      tpu.enqueue_indirect_dma source(%dma_start3A_312 : memref<16xi32, #tpu.memory_space<vmem>>) target(%dma_start3A_314 : memref<2048xi32, #tpu.memory_space<vmem_shared>>) offsets(%select_n3A_304 : vector<16xi32>) semaphore(%arg25 : memref<!tpu.dma_semaphore, #tpu.memory_space<semaphore_mem>>)
      %while3A_315 = arith.constant 0 : i32
      scf.yield %while3A_315 : i32
    }
    %while3A_211 = arith.constant 1 : i32
    %while3A_212 = scf.for %while3A_279 = %while3A_208 to %while3A_204 step %while3A_211 iter_args(%while3A_280 = %while3A_210) -> (i32)  : i32 {
      %mul3A_281 = arith.constant 16 : i32
      %mul3A_282 = arith.muli %while3A_279, %mul3A_281 : i32
      %get3A = arith.index_cast %mul3A_282 : i32 to index
      %get3A_283 = tpu.vector_load %arg16[%get3A] {strides = array<i32>} : memref<2048xi32, #tpu.memory_space<vmem>>, vector<16xi32>,
      %lt3A_284 = arith.constant 512 : i32
      %lt3A_285 = vector.broadcast %lt3A_284 : i32 to vector<16xi32>
      %lt3A_286 = arith.cmpi slt, %get3A_283, %lt3A_285 : vector<16xi32>
      %mul3A_287 = arith.constant 1024 : i32
      %mul3A_288 = arith.muli %select_n3A_43, %mul3A_287 : i32
      %add3A_289 = vector.broadcast %mul3A_288 : i32 to vector<16xi32>
      %add3A_290 = arith.addi %add3A_289, %get3A_283 : vector<16xi32>
      %mul3A_291 = arith.constant 1024 : i32
      %mul3A_292 = arith.muli %select_n3A_43, %mul3A_291 : i32
      %add3A_293 = arith.constant 512 : i32
      %add3A_294 = arith.addi %mul3A_292, %add3A_293 : i32
      %mul3A_295 = arith.constant 16 : i32
      %mul3A_296 = arith.muli %arg1, %mul3A_295 : i32
      %add3A_297 = vector.broadcast %mul3A_296 : i32 to vector<16xi32>
      %add3A_298 = arith.addi %add3A_297, %iota3A : vector<16xi32>
      %and3A_299 = arith.constant 511 : i32
      %and3A_300 = vector.broadcast %and3A_299 : i32 to vector<16xi32>
      %and3A_301 = arith.andi %add3A_298, %and3A_300 : vector<16xi32>
      %add3A_302 = vector.broadcast %add3A_294 : i32 to vector<16xi32>
      %add3A_303 = arith.addi %add3A_302, %and3A_301 : vector<16xi32>
      %select_n3A_304 = arith.select %lt3A_286, %add3A_290, %add3A_303 : vector<16xi1>, vector<16xi32>
      %mul3A_305 = arith.constant 16 : i32
      %mul3A_306 = arith.muli %while3A_279, %mul3A_305 : i32
      %dma_start3A_307 = tpu.memref_slice %arg8[%mul3A_306] : memref<2048xf32, #tpu.memory_space<vmem>> -> memref<16xf32, #tpu.memory_space<vmem>>
      %dma_start3A_308 = arith.constant 0 : i32
      %dma_start3A_309 = tpu.memref_slice %arg23[%dma_start3A_308] : memref<2048xf32, #tpu.memory_space<vmem_shared>> -> memref<2048xf32, #tpu.memory_space<vmem_shared>>
      tpu.enqueue_indirect_dma source(%dma_start3A_307 : memref<16xf32, #tpu.memory_space<vmem>>) target(%dma_start3A_309 : memref<2048xf32, #tpu.memory_space<vmem_shared>>) offsets(%select_n3A_304 : vector<16xi32>) semaphore(%arg25 : memref<!tpu.dma_semaphore, #tpu.memory_space<semaphore_mem>>)
      %mul3A_310 = arith.constant 16 : i32
      %mul3A_311 = arith.muli %while3A_279, %mul3A_310 : i32
      %dma_start3A_312 = tpu.memref_slice %arg9[%mul3A_311] : memref<2048xi32, #tpu.memory_space<vmem>> -> memref<16xi32, #tpu.memory_space<vmem>>
      %dma_start3A_313 = arith.constant 0 : i32
      %dma_start3A_314 = tpu.memref_slice %arg24[%dma_start3A_313] : memref<2048xi32, #tpu.memory_space<vmem_shared>> -> memref<2048xi32, #tpu.memory_space<vmem_shared>>
      tpu.enqueue_indirect_dma source(%dma_start3A_312 : memref<16xi32, #tpu.memory_space<vmem>>) target(%dma_start3A_314 : memref<2048xi32, #tpu.memory_space<vmem_shared>>) offsets(%select_n3A_304 : vector<16xi32>) semaphore(%arg25 : memref<!tpu.dma_semaphore, #tpu.memory_space<semaphore_mem>>)
      %while3A_315 = arith.constant 0 : i32
      scf.yield %while3A_315 : i32
    }
    %while3A_213 = arith.constant 0 : i32
    %while3A_214 = arith.constant 0 : i32
    %while3A_215 = arith.subi %select_n3A_155, %while3A_213 : i32
    %while3A_216 = arith.addi %while3A_213, %while3A_215 : i32
    %while3A_217 = arith.constant 1 : i32
    %while3A_218 = arith.divsi %while3A_215, %while3A_217 : i32
    %while3A_219 = arith.muli %while3A_218, %while3A_217 : i32
    %while3A_220 = arith.addi %while3A_213, %while3A_219 : i32
    %while3A_221 = arith.constant 1 : i32
    %while3A_222 = scf.for %while3A_279 = %while3A_213 to %while3A_220 step %while3A_221 iter_args(%while3A_280 = %while3A_214) -> (i32)  : i32 {
      %dma_wait3A_281 = arith.constant 0 : i32
      %dma_wait3A_282 = tpu.memref_slice %arg8[%dma_wait3A_281] : memref<2048xf32, #tpu.memory_space<vmem>> -> memref<16xf32, #tpu.memory_space<vmem>>
      %dma_wait3A_283 = arith.constant 0 : i32
      %dma_wait3A_284 = tpu.memref_slice %arg23[%dma_wait3A_283] : memref<2048xf32, #tpu.memory_space<vmem_shared>> -> memref<2048xf32, #tpu.memory_space<vmem_shared>>
      tpu.wait_indirect_dma semaphore(%arg25 : memref<!tpu.dma_semaphore, #tpu.memory_space<semaphore_mem>>) src(%dma_wait3A_282 : memref<16xf32, #tpu.memory_space<vmem>>) dst(%dma_wait3A_284 : memref<2048xf32, #tpu.memory_space<vmem_shared>>)
      %dma_wait3A_285 = arith.constant 0 : i32
      %dma_wait3A_286 = tpu.memref_slice %arg9[%dma_wait3A_285] : memref<2048xi32, #tpu.memory_space<vmem>> -> memref<16xi32, #tpu.memory_space<vmem>>
      %dma_wait3A_287 = arith.constant 0 : i32
      %dma_wait3A_288 = tpu.memref_slice %arg24[%dma_wait3A_287] : memref<2048xi32, #tpu.memory_space<vmem_shared>> -> memref<2048xi32, #tpu.memory_space<vmem_shared>>
      tpu.wait_indirect_dma semaphore(%arg25 : memref<!tpu.dma_semaphore, #tpu.memory_space<semaphore_mem>>) src(%dma_wait3A_286 : memref<16xi32, #tpu.memory_space<vmem>>) dst(%dma_wait3A_288 : memref<2048xi32, #tpu.memory_space<vmem_shared>>)
      %while3A_289 = arith.constant 0 : i32
      scf.yield %while3A_289 : i32
    }
    %while3A_223 = arith.constant 1 : i32
    %while3A_224 = scf.for %while3A_279 = %while3A_220 to %while3A_216 step %while3A_223 iter_args(%while3A_280 = %while3A_222) -> (i32)  : i32 {
      %dma_wait3A_281 = arith.constant 0 : i32
      %dma_wait3A_282 = tpu.memref_slice %arg8[%dma_wait3A_281] : memref<2048xf32, #tpu.memory_space<vmem>> -> memref<16xf32, #tpu.memory_space<vmem>>
      %dma_wait3A_283 = arith.constant 0 : i32
      %dma_wait3A_284 = tpu.memref_slice %arg23[%dma_wait3A_283] : memref<2048xf32, #tpu.memory_space<vmem_shared>> -> memref<2048xf32, #tpu.memory_space<vmem_shared>>
      tpu.wait_indirect_dma semaphore(%arg25 : memref<!tpu.dma_semaphore, #tpu.memory_space<semaphore_mem>>) src(%dma_wait3A_282 : memref<16xf32, #tpu.memory_space<vmem>>) dst(%dma_wait3A_284 : memref<2048xf32, #tpu.memory_space<vmem_shared>>)
      %dma_wait3A_285 = arith.constant 0 : i32
      %dma_wait3A_286 = tpu.memref_slice %arg9[%dma_wait3A_285] : memref<2048xi32, #tpu.memory_space<vmem>> -> memref<16xi32, #tpu.memory_space<vmem>>
      %dma_wait3A_287 = arith.constant 0 : i32
      %dma_wait3A_288 = tpu.memref_slice %arg24[%dma_wait3A_287] : memref<2048xi32, #tpu.memory_space<vmem_shared>> -> memref<2048xi32, #tpu.memory_space<vmem_shared>>
      tpu.wait_indirect_dma semaphore(%arg25 : memref<!tpu.dma_semaphore, #tpu.memory_space<semaphore_mem>>) src(%dma_wait3A_286 : memref<16xi32, #tpu.memory_space<vmem>>) dst(%dma_wait3A_288 : memref<2048xi32, #tpu.memory_space<vmem_shared>>)
      %while3A_289 = arith.constant 0 : i32
      scf.yield %while3A_289 : i32
    }
    %barrier3A_225 = arith.constant 0 : index
    tpu.barrier barrier_id(%barrier3A_225)
    %jit3A_226 = arith.constant 8 : i32
    %eq3A_227 = arith.constant 0 : i32
    %eq3A_228 = arith.cmpi eq, %jit3A_226, %eq3A_227 : i32
    %jit3A_229 = arith.constant 1 : i32
    %select_n3A_230 = arith.select %eq3A_228, %jit3A_229, %jit3A_226 : i32
    %rem3A_231 = arith.remsi %arg1, %select_n3A_230 : i32
    %ne3A_232 = arith.constant 0 : i32
    %ne3A_233 = arith.cmpi ne, %rem3A_231, %ne3A_232 : i32
    %lt3A_234 = arith.constant 0 : i32
    %lt3A_235 = arith.cmpi slt, %rem3A_231, %lt3A_234 : i32
    %lt3A_236 = arith.constant 0 : i32
    %lt3A_237 = arith.cmpi slt, %select_n3A_230, %lt3A_236 : i32
    %ne3A_238 = arith.xori %lt3A_235, %lt3A_237 : i1
    %and3A_239 = arith.andi %ne3A_238, %ne3A_233 : i1
    %add3A_240 = arith.addi %rem3A_231, %select_n3A_230 : i32
    %select_n3A_241 = arith.select %and3A_239, %add3A_240, %rem3A_231 : i32
    %jit3A_242 = arith.constant 8 : i32
    %div3A_243 = arith.divsi %arg1, %jit3A_242 : i32
    %sign3A_244 = arith.constant 0 : i32
    %sign3A_245 = arith.cmpi sgt, %arg1, %sign3A_244 : i32
    %sign3A_246 = arith.extui %sign3A_245 : i1 to i32
    %sign3A_247 = arith.constant 0 : i32
    %sign3A_248 = arith.cmpi slt, %arg1, %sign3A_247 : i32
    %sign3A_249 = arith.extui %sign3A_248 : i1 to i32
    %sign3A_250 = arith.subi %sign3A_246, %sign3A_249 : i32
    %sign3A_251 = arith.constant 0 : i32
    %sign3A_252 = arith.cmpi sgt, %jit3A_242, %sign3A_251 : i32
    %sign3A_253 = arith.extui %sign3A_252 : i1 to i32
    %sign3A_254 = arith.constant 0 : i32
    %sign3A_255 = arith.cmpi slt, %jit3A_242, %sign3A_254 : i32
    %sign3A_256 = arith.extui %sign3A_255 : i1 to i32
    %sign3A_257 = arith.subi %sign3A_253, %sign3A_256 : i32
    %ne3A_258 = arith.cmpi ne, %sign3A_250, %sign3A_257 : i32
    %rem3A_259 = arith.remsi %arg1, %jit3A_242 : i32
    %ne3A_260 = arith.constant 0 : i32
    %ne3A_261 = arith.cmpi ne, %rem3A_259, %ne3A_260 : i32
    %and3A_262 = arith.andi %ne3A_258, %ne3A_261 : i1
    %sub3A_263 = arith.constant 1 : i32
    %sub3A_264 = arith.subi %div3A_243, %sub3A_263 : i32
    %select_n3A_265 = arith.select %and3A_262, %sub3A_264, %div3A_243 : i32
    %mul3A_266 = arith.constant 1024 : i32
    %mul3A_267 = arith.muli %select_n3A_265, %mul3A_266 : i32
    %mul3A_268 = arith.constant 64 : i32
    %mul3A_269 = arith.muli %select_n3A_241, %mul3A_268 : i32
    %add3A_270 = arith.addi %mul3A_267, %mul3A_269 : i32
    %mul3A_271 = arith.constant 2 : i32
    %mul3A_272 = arith.muli %mul3A_271, %arg0 : i32
    %add3A_273 = arith.addi %mul3A_272, %select_n3A_265 : i32
    %mul3A_274 = arith.constant 512 : i32
    %mul3A_275 = arith.muli %add3A_273, %mul3A_274 : i32
    %mul3A_276 = arith.constant 64 : i32
    %mul3A_277 = arith.muli %select_n3A_241, %mul3A_276 : i32
    %add3A_278 = arith.addi %mul3A_275, %mul3A_277 : i32
    "tpu.region"() ({
      %run_scoped3A = tpu.sem_alloc : memref<!tpu.dma_semaphore, #tpu.memory_space<semaphore_mem>>
      %dma_start3A_279 = tpu.memref_slice %arg3[%add3A_278] : memref<2048xf32, #tpu.memory_space<hbm>> -> memref<64xf32, #tpu.memory_space<hbm>>
      %dma_start3A_280 = tpu.memref_slice %arg23[%add3A_270] : memref<2048xf32, #tpu.memory_space<vmem_shared>> -> memref<64xf32, #tpu.memory_space<vmem_shared>>
      tpu.enqueue_dma source(%dma_start3A_280 : memref<64xf32, #tpu.memory_space<vmem_shared>>) target(%dma_start3A_279 : memref<64xf32, #tpu.memory_space<hbm>>) target_semaphore(%run_scoped3A : memref<!tpu.dma_semaphore, #tpu.memory_space<semaphore_mem>>)
      %dma_wait3A_281 = tpu.memref_slice %arg3[%add3A_278] : memref<2048xf32, #tpu.memory_space<hbm>> -> memref<64xf32, #tpu.memory_space<hbm>>
      %dma_wait3A_282 = tpu.memref_slice %arg23[%add3A_270] : memref<2048xf32, #tpu.memory_space<vmem_shared>> -> memref<64xf32, #tpu.memory_space<vmem_shared>>
      tpu.wait_dma2 semaphore(%run_scoped3A : memref<!tpu.dma_semaphore, #tpu.memory_space<semaphore_mem>>) src(%dma_wait3A_282 : memref<64xf32, #tpu.memory_space<vmem_shared>>) dst(%dma_wait3A_281 : memref<64xf32, #tpu.memory_space<hbm>>)
      tpu.yield
    }) : () -> ()
    "tpu.region"() ({
      %run_scoped3A = tpu.sem_alloc : memref<!tpu.dma_semaphore, #tpu.memory_space<semaphore_mem>>
      %dma_start3A_279 = tpu.memref_slice %arg4[%add3A_278] : memref<2048xi32, #tpu.memory_space<hbm>> -> memref<64xi32, #tpu.memory_space<hbm>>
      %dma_start3A_280 = tpu.memref_slice %arg24[%add3A_270] : memref<2048xi32, #tpu.memory_space<vmem_shared>> -> memref<64xi32, #tpu.memory_space<vmem_shared>>
      tpu.enqueue_dma source(%dma_start3A_280 : memref<64xi32, #tpu.memory_space<vmem_shared>>) target(%dma_start3A_279 : memref<64xi32, #tpu.memory_space<hbm>>) target_semaphore(%run_scoped3A : memref<!tpu.dma_semaphore, #tpu.memory_space<semaphore_mem>>)
      %dma_wait3A_281 = tpu.memref_slice %arg4[%add3A_278] : memref<2048xi32, #tpu.memory_space<hbm>> -> memref<64xi32, #tpu.memory_space<hbm>>
      %dma_wait3A_282 = tpu.memref_slice %arg24[%add3A_270] : memref<2048xi32, #tpu.memory_space<vmem_shared>> -> memref<64xi32, #tpu.memory_space<vmem_shared>>
      tpu.wait_dma2 semaphore(%run_scoped3A : memref<!tpu.dma_semaphore, #tpu.memory_space<semaphore_mem>>) src(%dma_wait3A_282 : memref<64xi32, #tpu.memory_space<vmem_shared>>) dst(%dma_wait3A_281 : memref<64xi32, #tpu.memory_space<hbm>>)
      tpu.yield
    }) : () -> ()
    return
  }
}

#map = affine_map<(d0, d1) -> (0)>
#map1 = affine_map<(d0, d1) -> (0, 0)>
module attributes {stable_mosaic.version = 14 : i64} {
  func.func @_gather_body(%arg0: i32, %arg1: i32, %arg2: memref<2048xf32, #tpu.memory_space<hbm>>, %arg3: memref<2048xi32, #tpu.memory_space<hbm>>, %arg4: memref<2097152xf32, #tpu.memory_space<hbm>>, %arg5: memref<1048576xf32, #tpu.memory_space<hbm>>, %arg6: memref<3145728xf32, #tpu.memory_space<hbm>>, %arg7: memref<2097152xf32, #tpu.memory_space<hbm>>, %arg8: memref<2097152xf32, #tpu.memory_space<hbm>>, %arg9: memref<2048x16xf32, #tpu.memory_space<hbm>>, %arg10: memref<64xf32, #tpu.memory_space<vmem>>, %arg11: memref<64xi32, #tpu.memory_space<vmem>>, %arg12: memref<10x64xf32, #tpu.memory_space<vmem>>, %arg13: memref<64x16xf32, #tpu.memory_space<vmem>>, %arg14: memref<!tpu.dma_semaphore, #tpu.memory_space<semaphore_mem>>) attributes {dimension_semantics = [#tpu.dimension_semantics<core_parallel>, #tpu.dimension_semantics<subcore_parallel>], iteration_bounds = array<i64: 2, 16>, scalar_prefetch = 0 : i64, scratch_operands = 5 : i64, tpu.core_type = #tpu.core_type<sc_vector_subcore>, window_params = [{transform_indices = #map}, {transform_indices = #map}, {transform_indices = #map}, {transform_indices = #map}, {transform_indices = #map}, {transform_indices = #map}, {transform_indices = #map}, {transform_indices = #map1}]} {
    %mul3A = arith.constant 16 : i32
    %mul3A_0 = arith.muli %arg0, %mul3A : i32
    %add3A = arith.addi %mul3A_0, %arg1 : i32
    %jit3A = arith.constant 8 : i32
    %div3A = arith.divsi %add3A, %jit3A : i32
    %sign3A = arith.constant 0 : i32
    %sign3A_1 = arith.cmpi sgt, %add3A, %sign3A : i32
    %sign3A_2 = arith.extui %sign3A_1 : i1 to i32
    %sign3A_3 = arith.constant 0 : i32
    %sign3A_4 = arith.cmpi slt, %add3A, %sign3A_3 : i32
    %sign3A_5 = arith.extui %sign3A_4 : i1 to i32
    %sign3A_6 = arith.subi %sign3A_2, %sign3A_5 : i32
    %sign3A_7 = arith.constant 0 : i32
    %sign3A_8 = arith.cmpi sgt, %jit3A, %sign3A_7 : i32
    %sign3A_9 = arith.extui %sign3A_8 : i1 to i32
    %sign3A_10 = arith.constant 0 : i32
    %sign3A_11 = arith.cmpi slt, %jit3A, %sign3A_10 : i32
    %sign3A_12 = arith.extui %sign3A_11 : i1 to i32
    %sign3A_13 = arith.subi %sign3A_9, %sign3A_12 : i32
    %ne3A = arith.cmpi ne, %sign3A_6, %sign3A_13 : i32
    %rem3A = arith.remsi %add3A, %jit3A : i32
    %ne3A_14 = arith.constant 0 : i32
    %ne3A_15 = arith.cmpi ne, %rem3A, %ne3A_14 : i32
    %and3A = arith.andi %ne3A, %ne3A_15 : i1
    %sub3A = arith.constant 1 : i32
    %sub3A_16 = arith.subi %div3A, %sub3A : i32
    %select_n3A = arith.select %and3A, %sub3A_16, %div3A : i32
    %iota3A = tpu.iota {dimensions = array<i32: 0>} : vector<16xi32>
    %mul3A_17 = arith.constant 64 : i32
    %mul3A_18 = arith.muli %add3A, %mul3A_17 : i32
    "tpu.region"() ({
      %run_scoped3A = tpu.sem_alloc : memref<!tpu.dma_semaphore, #tpu.memory_space<semaphore_mem>>
      %dma_start3A_1902 = tpu.memref_slice %arg2[%mul3A_18] : memref<2048xf32, #tpu.memory_space<hbm>> -> memref<64xf32, #tpu.memory_space<hbm>>
      %dma_start3A_1903 = tpu.memref_slice %arg2[%mul3A_18] : memref<2048xf32, #tpu.memory_space<hbm>> -> memref<64xf32, #tpu.memory_space<hbm>>
      tpu.enqueue_dma source(%dma_start3A_1903 : memref<64xf32, #tpu.memory_space<hbm>>) target(%arg10 : memref<64xf32, #tpu.memory_space<vmem>>) target_semaphore(%run_scoped3A : memref<!tpu.dma_semaphore, #tpu.memory_space<semaphore_mem>>)
      %dma_wait3A_1904 = tpu.memref_slice %arg2[%mul3A_18] : memref<2048xf32, #tpu.memory_space<hbm>> -> memref<64xf32, #tpu.memory_space<hbm>>
      %dma_wait3A_1905 = tpu.memref_slice %arg2[%mul3A_18] : memref<2048xf32, #tpu.memory_space<hbm>> -> memref<64xf32, #tpu.memory_space<hbm>>
      tpu.wait_dma2 semaphore(%run_scoped3A : memref<!tpu.dma_semaphore, #tpu.memory_space<semaphore_mem>>) src(%dma_wait3A_1905 : memref<64xf32, #tpu.memory_space<hbm>>) dst(%arg10 : memref<64xf32, #tpu.memory_space<vmem>>)
      tpu.yield
    }) : () -> ()
    "tpu.region"() ({
      %run_scoped3A = tpu.sem_alloc : memref<!tpu.dma_semaphore, #tpu.memory_space<semaphore_mem>>
      %dma_start3A_1902 = tpu.memref_slice %arg3[%mul3A_18] : memref<2048xi32, #tpu.memory_space<hbm>> -> memref<64xi32, #tpu.memory_space<hbm>>
      %dma_start3A_1903 = tpu.memref_slice %arg3[%mul3A_18] : memref<2048xi32, #tpu.memory_space<hbm>> -> memref<64xi32, #tpu.memory_space<hbm>>
      tpu.enqueue_dma source(%dma_start3A_1903 : memref<64xi32, #tpu.memory_space<hbm>>) target(%arg11 : memref<64xi32, #tpu.memory_space<vmem>>) target_semaphore(%run_scoped3A : memref<!tpu.dma_semaphore, #tpu.memory_space<semaphore_mem>>)
      %dma_wait3A_1904 = tpu.memref_slice %arg3[%mul3A_18] : memref<2048xi32, #tpu.memory_space<hbm>> -> memref<64xi32, #tpu.memory_space<hbm>>
      %dma_wait3A_1905 = tpu.memref_slice %arg3[%mul3A_18] : memref<2048xi32, #tpu.memory_space<hbm>> -> memref<64xi32, #tpu.memory_space<hbm>>
      tpu.wait_dma2 semaphore(%run_scoped3A : memref<!tpu.dma_semaphore, #tpu.memory_space<semaphore_mem>>) src(%dma_wait3A_1905 : memref<64xi32, #tpu.memory_space<hbm>>) dst(%arg11 : memref<64xi32, #tpu.memory_space<vmem>>)
      tpu.yield
    }) : () -> ()
    %get3A = arith.constant 0 : index
    %get3A_19 = tpu.vector_load %arg11[%get3A] {strides = array<i32>} : memref<64xi32, #tpu.memory_space<vmem>>, vector<16xi32>,
    %and3A_20 = arith.constant 262143 : i32
    %and3A_21 = vector.broadcast %and3A_20 : i32 to vector<16xi32>
    %and3A_22 = arith.andi %get3A_19, %and3A_21 : vector<16xi32>
    %shift_right_logical3A = arith.constant 9 : i32
    %shift_right_logical3A_23 = vector.broadcast %shift_right_logical3A : i32 to vector<16xi32>
    %shift_right_logical3A_24 = arith.shrui %and3A_22, %shift_right_logical3A_23 : vector<16xi32>
    %and3A_25 = arith.constant 511 : i32
    %and3A_26 = vector.broadcast %and3A_25 : i32 to vector<16xi32>
    %and3A_27 = arith.andi %and3A_22, %and3A_26 : vector<16xi32>
    %shift_right_logical3A_28 = arith.constant 7 : i32
    %shift_right_logical3A_29 = vector.broadcast %shift_right_logical3A_28 : i32 to vector<16xi32>
    %shift_right_logical3A_30 = arith.shrui %and3A_27, %shift_right_logical3A_29 : vector<16xi32>
    %mul3A_31 = arith.constant 65536 : i32
    %mul3A_32 = vector.broadcast %mul3A_31 : i32 to vector<16xi32>
    %mul3A_33 = arith.muli %shift_right_logical3A_30, %mul3A_32 : vector<16xi32>
    %mul3A_34 = arith.constant 128 : i32
    %mul3A_35 = vector.broadcast %mul3A_34 : i32 to vector<16xi32>
    %mul3A_36 = arith.muli %shift_right_logical3A_24, %mul3A_35 : vector<16xi32>
    %add3A_37 = arith.addi %mul3A_33, %mul3A_36 : vector<16xi32>
    %and3A_38 = arith.constant 127 : i32
    %and3A_39 = vector.broadcast %and3A_38 : i32 to vector<16xi32>
    %and3A_40 = arith.andi %and3A_27, %and3A_39 : vector<16xi32>
    %add3A_41 = arith.addi %add3A_37, %and3A_40 : vector<16xi32>
    %mul3A_42 = arith.constant 2 : i32
    %mul3A_43 = arith.muli %select_n3A, %mul3A_42 : i32
    %add3A_44 = arith.constant 0 : i32
    %add3A_45 = arith.addi %mul3A_43, %add3A_44 : i32
    %mul3A_46 = arith.constant 262144 : i32
    %mul3A_47 = arith.muli %add3A_45, %mul3A_46 : i32
    %add3A_48 = vector.broadcast %mul3A_47 : i32 to vector<16xi32>
    %add3A_49 = arith.addi %add3A_48, %add3A_41 : vector<16xi32>
    %dma_start3A = arith.constant 0 : i32
    %dma_start3A_50 = arith.constant 0 : i32
    %dma_start3A_51 = tpu.memref_slice %arg12[%dma_start3A, %dma_start3A_50] : memref<10x64xf32, #tpu.memory_space<vmem>> -> memref<1x16xf32, #tpu.memory_space<vmem>>
    %dma_start3A_52 = tpu.memref_squeeze %dma_start3A_51 : memref<1x16xf32, #tpu.memory_space<vmem>> -> memref<16xf32, #tpu.memory_space<vmem>>
    %dma_start3A_53 = arith.constant 0 : i32
    %dma_start3A_54 = tpu.memref_slice %arg4[%dma_start3A_53] : memref<2097152xf32, #tpu.memory_space<hbm>> -> memref<2097152xf32, #tpu.memory_space<hbm>>
    tpu.enqueue_indirect_dma source(%dma_start3A_54 : memref<2097152xf32, #tpu.memory_space<hbm>>) target(%dma_start3A_52 : memref<16xf32, #tpu.memory_space<vmem>>) offsets(%add3A_49 : vector<16xi32>) semaphore(%arg14 : memref<!tpu.dma_semaphore, #tpu.memory_space<semaphore_mem>>)
    %mul3A_55 = arith.constant 2 : i32
    %mul3A_56 = arith.muli %select_n3A, %mul3A_55 : i32
    %add3A_57 = arith.constant 1 : i32
    %add3A_58 = arith.addi %mul3A_56, %add3A_57 : i32
    %mul3A_59 = arith.constant 262144 : i32
    %mul3A_60 = arith.muli %add3A_58, %mul3A_59 : i32
    %add3A_61 = vector.broadcast %mul3A_60 : i32 to vector<16xi32>
    %add3A_62 = arith.addi %add3A_61, %add3A_41 : vector<16xi32>
    %dma_start3A_63 = arith.constant 1 : i32
    %dma_start3A_64 = arith.constant 0 : i32
    %dma_start3A_65 = tpu.memref_slice %arg12[%dma_start3A_63, %dma_start3A_64] : memref<10x64xf32, #tpu.memory_space<vmem>> -> memref<1x16xf32, #tpu.memory_space<vmem>>
    %dma_start3A_66 = tpu.memref_squeeze %dma_start3A_65 : memref<1x16xf32, #tpu.memory_space<vmem>> -> memref<16xf32, #tpu.memory_space<vmem>>
    %dma_start3A_67 = arith.constant 0 : i32
    %dma_start3A_68 = tpu.memref_slice %arg4[%dma_start3A_67] : memref<2097152xf32, #tpu.memory_space<hbm>> -> memref<2097152xf32, #tpu.memory_space<hbm>>
    tpu.enqueue_indirect_dma source(%dma_start3A_68 : memref<2097152xf32, #tpu.memory_space<hbm>>) target(%dma_start3A_66 : memref<16xf32, #tpu.memory_space<vmem>>) offsets(%add3A_62 : vector<16xi32>) semaphore(%arg14 : memref<!tpu.dma_semaphore, #tpu.memory_space<semaphore_mem>>)
    %mul3A_69 = arith.constant 1 : i32
    %mul3A_70 = arith.muli %select_n3A, %mul3A_69 : i32
    %add3A_71 = arith.constant 0 : i32
    %add3A_72 = arith.addi %mul3A_70, %add3A_71 : i32
    %mul3A_73 = arith.constant 262144 : i32
    %mul3A_74 = arith.muli %add3A_72, %mul3A_73 : i32
    %add3A_75 = vector.broadcast %mul3A_74 : i32 to vector<16xi32>
    %add3A_76 = arith.addi %add3A_75, %add3A_41 : vector<16xi32>
    %dma_start3A_77 = arith.constant 2 : i32
    %dma_start3A_78 = arith.constant 0 : i32
    %dma_start3A_79 = tpu.memref_slice %arg12[%dma_start3A_77, %dma_start3A_78] : memref<10x64xf32, #tpu.memory_space<vmem>> -> memref<1x16xf32, #tpu.memory_space<vmem>>
    %dma_start3A_80 = tpu.memref_squeeze %dma_start3A_79 : memref<1x16xf32, #tpu.memory_space<vmem>> -> memref<16xf32, #tpu.memory_space<vmem>>
    %dma_start3A_81 = arith.constant 0 : i32
    %dma_start3A_82 = tpu.memref_slice %arg5[%dma_start3A_81] : memref<1048576xf32, #tpu.memory_space<hbm>> -> memref<1048576xf32, #tpu.memory_space<hbm>>
    tpu.enqueue_indirect_dma source(%dma_start3A_82 : memref<1048576xf32, #tpu.memory_space<hbm>>) target(%dma_start3A_80 : memref<16xf32, #tpu.memory_space<vmem>>) offsets(%add3A_76 : vector<16xi32>) semaphore(%arg14 : memref<!tpu.dma_semaphore, #tpu.memory_space<semaphore_mem>>)
    %mul3A_83 = arith.constant 3 : i32
    %mul3A_84 = arith.muli %select_n3A, %mul3A_83 : i32
    %add3A_85 = arith.constant 0 : i32
    %add3A_86 = arith.addi %mul3A_84, %add3A_85 : i32
    %mul3A_87 = arith.constant 262144 : i32
    %mul3A_88 = arith.muli %add3A_86, %mul3A_87 : i32
    %add3A_89 = vector.broadcast %mul3A_88 : i32 to vector<16xi32>
    %add3A_90 = arith.addi %add3A_89, %add3A_41 : vector<16xi32>
    %dma_start3A_91 = arith.constant 3 : i32
    %dma_start3A_92 = arith.constant 0 : i32
    %dma_start3A_93 = tpu.memref_slice %arg12[%dma_start3A_91, %dma_start3A_92] : memref<10x64xf32, #tpu.memory_space<vmem>> -> memref<1x16xf32, #tpu.memory_space<vmem>>
    %dma_start3A_94 = tpu.memref_squeeze %dma_start3A_93 : memref<1x16xf32, #tpu.memory_space<vmem>> -> memref<16xf32, #tpu.memory_space<vmem>>
    %dma_start3A_95 = arith.constant 0 : i32
    %dma_start3A_96 = tpu.memref_slice %arg6[%dma_start3A_95] : memref<3145728xf32, #tpu.memory_space<hbm>> -> memref<3145728xf32, #tpu.memory_space<hbm>>
    tpu.enqueue_indirect_dma source(%dma_start3A_96 : memref<3145728xf32, #tpu.memory_space<hbm>>) target(%dma_start3A_94 : memref<16xf32, #tpu.memory_space<vmem>>) offsets(%add3A_90 : vector<16xi32>) semaphore(%arg14 : memref<!tpu.dma_semaphore, #tpu.memory_space<semaphore_mem>>)
    %mul3A_97 = arith.constant 3 : i32
    %mul3A_98 = arith.muli %select_n3A, %mul3A_97 : i32
    %add3A_99 = arith.constant 1 : i32
    %add3A_100 = arith.addi %mul3A_98, %add3A_99 : i32
    %mul3A_101 = arith.constant 262144 : i32
    %mul3A_102 = arith.muli %add3A_100, %mul3A_101 : i32
    %add3A_103 = vector.broadcast %mul3A_102 : i32 to vector<16xi32>
    %add3A_104 = arith.addi %add3A_103, %add3A_41 : vector<16xi32>
    %dma_start3A_105 = arith.constant 4 : i32
    %dma_start3A_106 = arith.constant 0 : i32
    %dma_start3A_107 = tpu.memref_slice %arg12[%dma_start3A_105, %dma_start3A_106] : memref<10x64xf32, #tpu.memory_space<vmem>> -> memref<1x16xf32, #tpu.memory_space<vmem>>
    %dma_start3A_108 = tpu.memref_squeeze %dma_start3A_107 : memref<1x16xf32, #tpu.memory_space<vmem>> -> memref<16xf32, #tpu.memory_space<vmem>>
    %dma_start3A_109 = arith.constant 0 : i32
    %dma_start3A_110 = tpu.memref_slice %arg6[%dma_start3A_109] : memref<3145728xf32, #tpu.memory_space<hbm>> -> memref<3145728xf32, #tpu.memory_space<hbm>>
    tpu.enqueue_indirect_dma source(%dma_start3A_110 : memref<3145728xf32, #tpu.memory_space<hbm>>) target(%dma_start3A_108 : memref<16xf32, #tpu.memory_space<vmem>>) offsets(%add3A_104 : vector<16xi32>) semaphore(%arg14 : memref<!tpu.dma_semaphore, #tpu.memory_space<semaphore_mem>>)
    %mul3A_111 = arith.constant 3 : i32
    %mul3A_112 = arith.muli %select_n3A, %mul3A_111 : i32
    %add3A_113 = arith.constant 2 : i32
    %add3A_114 = arith.addi %mul3A_112, %add3A_113 : i32
    %mul3A_115 = arith.constant 262144 : i32
    %mul3A_116 = arith.muli %add3A_114, %mul3A_115 : i32
    %add3A_117 = vector.broadcast %mul3A_116 : i32 to vector<16xi32>
    %add3A_118 = arith.addi %add3A_117, %add3A_41 : vector<16xi32>
    %dma_start3A_119 = arith.constant 5 : i32
    %dma_start3A_120 = arith.constant 0 : i32
    %dma_start3A_121 = tpu.memref_slice %arg12[%dma_start3A_119, %dma_start3A_120] : memref<10x64xf32, #tpu.memory_space<vmem>> -> memref<1x16xf32, #tpu.memory_space<vmem>>
    %dma_start3A_122 = tpu.memref_squeeze %dma_start3A_121 : memref<1x16xf32, #tpu.memory_space<vmem>> -> memref<16xf32, #tpu.memory_space<vmem>>
    %dma_start3A_123 = arith.constant 0 : i32
    %dma_start3A_124 = tpu.memref_slice %arg6[%dma_start3A_123] : memref<3145728xf32, #tpu.memory_space<hbm>> -> memref<3145728xf32, #tpu.memory_space<hbm>>
    tpu.enqueue_indirect_dma source(%dma_start3A_124 : memref<3145728xf32, #tpu.memory_space<hbm>>) target(%dma_start3A_122 : memref<16xf32, #tpu.memory_space<vmem>>) offsets(%add3A_118 : vector<16xi32>) semaphore(%arg14 : memref<!tpu.dma_semaphore, #tpu.memory_space<semaphore_mem>>)
    %mul3A_125 = arith.constant 2 : i32
    %mul3A_126 = arith.muli %select_n3A, %mul3A_125 : i32
    %add3A_127 = arith.constant 0 : i32
    %add3A_128 = arith.addi %mul3A_126, %add3A_127 : i32
    %mul3A_129 = arith.constant 262144 : i32
    %mul3A_130 = arith.muli %add3A_128, %mul3A_129 : i32
    %add3A_131 = vector.broadcast %mul3A_130 : i32 to vector<16xi32>
    %add3A_132 = arith.addi %add3A_131, %add3A_41 : vector<16xi32>
    %dma_start3A_133 = arith.constant 6 : i32
    %dma_start3A_134 = arith.constant 0 : i32
    %dma_start3A_135 = tpu.memref_slice %arg12[%dma_start3A_133, %dma_start3A_134] : memref<10x64xf32, #tpu.memory_space<vmem>> -> memref<1x16xf32, #tpu.memory_space<vmem>>
    %dma_start3A_136 = tpu.memref_squeeze %dma_start3A_135 : memref<1x16xf32, #tpu.memory_space<vmem>> -> memref<16xf32, #tpu.memory_space<vmem>>
    %dma_start3A_137 = arith.constant 0 : i32
    %dma_start3A_138 = tpu.memref_slice %arg7[%dma_start3A_137] : memref<2097152xf32, #tpu.memory_space<hbm>> -> memref<2097152xf32, #tpu.memory_space<hbm>>
    tpu.enqueue_indirect_dma source(%dma_start3A_138 : memref<2097152xf32, #tpu.memory_space<hbm>>) target(%dma_start3A_136 : memref<16xf32, #tpu.memory_space<vmem>>) offsets(%add3A_132 : vector<16xi32>) semaphore(%arg14 : memref<!tpu.dma_semaphore, #tpu.memory_space<semaphore_mem>>)
    %mul3A_139 = arith.constant 2 : i32
    %mul3A_140 = arith.muli %select_n3A, %mul3A_139 : i32
    %add3A_141 = arith.constant 1 : i32
    %add3A_142 = arith.addi %mul3A_140, %add3A_141 : i32
    %mul3A_143 = arith.constant 262144 : i32
    %mul3A_144 = arith.muli %add3A_142, %mul3A_143 : i32
    %add3A_145 = vector.broadcast %mul3A_144 : i32 to vector<16xi32>
    %add3A_146 = arith.addi %add3A_145, %add3A_41 : vector<16xi32>
    %dma_start3A_147 = arith.constant 7 : i32
    %dma_start3A_148 = arith.constant 0 : i32
    %dma_start3A_149 = tpu.memref_slice %arg12[%dma_start3A_147, %dma_start3A_148] : memref<10x64xf32, #tpu.memory_space<vmem>> -> memref<1x16xf32, #tpu.memory_space<vmem>>
    %dma_start3A_150 = tpu.memref_squeeze %dma_start3A_149 : memref<1x16xf32, #tpu.memory_space<vmem>> -> memref<16xf32, #tpu.memory_space<vmem>>
    %dma_start3A_151 = arith.constant 0 : i32
    %dma_start3A_152 = tpu.memref_slice %arg7[%dma_start3A_151] : memref<2097152xf32, #tpu.memory_space<hbm>> -> memref<2097152xf32, #tpu.memory_space<hbm>>
    tpu.enqueue_indirect_dma source(%dma_start3A_152 : memref<2097152xf32, #tpu.memory_space<hbm>>) target(%dma_start3A_150 : memref<16xf32, #tpu.memory_space<vmem>>) offsets(%add3A_146 : vector<16xi32>) semaphore(%arg14 : memref<!tpu.dma_semaphore, #tpu.memory_space<semaphore_mem>>)
    %mul3A_153 = arith.constant 2 : i32
    %mul3A_154 = arith.muli %select_n3A, %mul3A_153 : i32
    %add3A_155 = arith.constant 0 : i32
    %add3A_156 = arith.addi %mul3A_154, %add3A_155 : i32
    %mul3A_157 = arith.constant 262144 : i32
    %mul3A_158 = arith.muli %add3A_156, %mul3A_157 : i32
    %add3A_159 = vector.broadcast %mul3A_158 : i32 to vector<16xi32>
    %add3A_160 = arith.addi %add3A_159, %add3A_41 : vector<16xi32>
    %dma_start3A_161 = arith.constant 8 : i32
    %dma_start3A_162 = arith.constant 0 : i32
    %dma_start3A_163 = tpu.memref_slice %arg12[%dma_start3A_161, %dma_start3A_162] : memref<10x64xf32, #tpu.memory_space<vmem>> -> memref<1x16xf32, #tpu.memory_space<vmem>>
    %dma_start3A_164 = tpu.memref_squeeze %dma_start3A_163 : memref<1x16xf32, #tpu.memory_space<vmem>> -> memref<16xf32, #tpu.memory_space<vmem>>
    %dma_start3A_165 = arith.constant 0 : i32
    %dma_start3A_166 = tpu.memref_slice %arg8[%dma_start3A_165] : memref<2097152xf32, #tpu.memory_space<hbm>> -> memref<2097152xf32, #tpu.memory_space<hbm>>
    tpu.enqueue_indirect_dma source(%dma_start3A_166 : memref<2097152xf32, #tpu.memory_space<hbm>>) target(%dma_start3A_164 : memref<16xf32, #tpu.memory_space<vmem>>) offsets(%add3A_160 : vector<16xi32>) semaphore(%arg14 : memref<!tpu.dma_semaphore, #tpu.memory_space<semaphore_mem>>)
    %mul3A_167 = arith.constant 2 : i32
    %mul3A_168 = arith.muli %select_n3A, %mul3A_167 : i32
    %add3A_169 = arith.constant 1 : i32
    %add3A_170 = arith.addi %mul3A_168, %add3A_169 : i32
    %mul3A_171 = arith.constant 262144 : i32
    %mul3A_172 = arith.muli %add3A_170, %mul3A_171 : i32
    %add3A_173 = vector.broadcast %mul3A_172 : i32 to vector<16xi32>
    %add3A_174 = arith.addi %add3A_173, %add3A_41 : vector<16xi32>
    %dma_start3A_175 = arith.constant 9 : i32
    %dma_start3A_176 = arith.constant 0 : i32
    %dma_start3A_177 = tpu.memref_slice %arg12[%dma_start3A_175, %dma_start3A_176] : memref<10x64xf32, #tpu.memory_space<vmem>> -> memref<1x16xf32, #tpu.memory_space<vmem>>
    %dma_start3A_178 = tpu.memref_squeeze %dma_start3A_177 : memref<1x16xf32, #tpu.memory_space<vmem>> -> memref<16xf32, #tpu.memory_space<vmem>>
    %dma_start3A_179 = arith.constant 0 : i32
    %dma_start3A_180 = tpu.memref_slice %arg8[%dma_start3A_179] : memref<2097152xf32, #tpu.memory_space<hbm>> -> memref<2097152xf32, #tpu.memory_space<hbm>>
    tpu.enqueue_indirect_dma source(%dma_start3A_180 : memref<2097152xf32, #tpu.memory_space<hbm>>) target(%dma_start3A_178 : memref<16xf32, #tpu.memory_space<vmem>>) offsets(%add3A_174 : vector<16xi32>) semaphore(%arg14 : memref<!tpu.dma_semaphore, #tpu.memory_space<semaphore_mem>>)
    %get3A_181 = arith.constant 16 : index
    %get3A_182 = tpu.vector_load %arg11[%get3A_181] {strides = array<i32>} : memref<64xi32, #tpu.memory_space<vmem>>, vector<16xi32>,
    %and3A_183 = arith.constant 262143 : i32
    %and3A_184 = vector.broadcast %and3A_183 : i32 to vector<16xi32>
    %and3A_185 = arith.andi %get3A_182, %and3A_184 : vector<16xi32>
    %shift_right_logical3A_186 = arith.constant 9 : i32
    %shift_right_logical3A_187 = vector.broadcast %shift_right_logical3A_186 : i32 to vector<16xi32>
    %shift_right_logical3A_188 = arith.shrui %and3A_185, %shift_right_logical3A_187 : vector<16xi32>
    %and3A_189 = arith.constant 511 : i32
    %and3A_190 = vector.broadcast %and3A_189 : i32 to vector<16xi32>
    %and3A_191 = arith.andi %and3A_185, %and3A_190 : vector<16xi32>
    %shift_right_logical3A_192 = arith.constant 7 : i32
    %shift_right_logical3A_193 = vector.broadcast %shift_right_logical3A_192 : i32 to vector<16xi32>
    %shift_right_logical3A_194 = arith.shrui %and3A_191, %shift_right_logical3A_193 : vector<16xi32>
    %mul3A_195 = arith.constant 65536 : i32
    %mul3A_196 = vector.broadcast %mul3A_195 : i32 to vector<16xi32>
    %mul3A_197 = arith.muli %shift_right_logical3A_194, %mul3A_196 : vector<16xi32>
    %mul3A_198 = arith.constant 128 : i32
    %mul3A_199 = vector.broadcast %mul3A_198 : i32 to vector<16xi32>
    %mul3A_200 = arith.muli %shift_right_logical3A_188, %mul3A_199 : vector<16xi32>
    %add3A_201 = arith.addi %mul3A_197, %mul3A_200 : vector<16xi32>
    %and3A_202 = arith.constant 127 : i32
    %and3A_203 = vector.broadcast %and3A_202 : i32 to vector<16xi32>
    %and3A_204 = arith.andi %and3A_191, %and3A_203 : vector<16xi32>
    %add3A_205 = arith.addi %add3A_201, %and3A_204 : vector<16xi32>
    %mul3A_206 = arith.constant 2 : i32
    %mul3A_207 = arith.muli %select_n3A, %mul3A_206 : i32
    %add3A_208 = arith.constant 0 : i32
    %add3A_209 = arith.addi %mul3A_207, %add3A_208 : i32
    %mul3A_210 = arith.constant 262144 : i32
    %mul3A_211 = arith.muli %add3A_209, %mul3A_210 : i32
    %add3A_212 = vector.broadcast %mul3A_211 : i32 to vector<16xi32>
    %add3A_213 = arith.addi %add3A_212, %add3A_205 : vector<16xi32>
    %dma_start3A_214 = arith.constant 0 : i32
    %dma_start3A_215 = arith.constant 16 : i32
    %dma_start3A_216 = tpu.memref_slice %arg12[%dma_start3A_214, %dma_start3A_215] : memref<10x64xf32, #tpu.memory_space<vmem>> -> memref<1x16xf32, #tpu.memory_space<vmem>>
    %dma_start3A_217 = tpu.memref_squeeze %dma_start3A_216 : memref<1x16xf32, #tpu.memory_space<vmem>> -> memref<16xf32, #tpu.memory_space<vmem>>
    %dma_start3A_218 = arith.constant 0 : i32
    %dma_start3A_219 = tpu.memref_slice %arg4[%dma_start3A_218] : memref<2097152xf32, #tpu.memory_space<hbm>> -> memref<2097152xf32, #tpu.memory_space<hbm>>
    tpu.enqueue_indirect_dma source(%dma_start3A_219 : memref<2097152xf32, #tpu.memory_space<hbm>>) target(%dma_start3A_217 : memref<16xf32, #tpu.memory_space<vmem>>) offsets(%add3A_213 : vector<16xi32>) semaphore(%arg14 : memref<!tpu.dma_semaphore, #tpu.memory_space<semaphore_mem>>)
    %mul3A_220 = arith.constant 2 : i32
    %mul3A_221 = arith.muli %select_n3A, %mul3A_220 : i32
    %add3A_222 = arith.constant 1 : i32
    %add3A_223 = arith.addi %mul3A_221, %add3A_222 : i32
    %mul3A_224 = arith.constant 262144 : i32
    %mul3A_225 = arith.muli %add3A_223, %mul3A_224 : i32
    %add3A_226 = vector.broadcast %mul3A_225 : i32 to vector<16xi32>
    %add3A_227 = arith.addi %add3A_226, %add3A_205 : vector<16xi32>
    %dma_start3A_228 = arith.constant 1 : i32
    %dma_start3A_229 = arith.constant 16 : i32
    %dma_start3A_230 = tpu.memref_slice %arg12[%dma_start3A_228, %dma_start3A_229] : memref<10x64xf32, #tpu.memory_space<vmem>> -> memref<1x16xf32, #tpu.memory_space<vmem>>
    %dma_start3A_231 = tpu.memref_squeeze %dma_start3A_230 : memref<1x16xf32, #tpu.memory_space<vmem>> -> memref<16xf32, #tpu.memory_space<vmem>>
    %dma_start3A_232 = arith.constant 0 : i32
    %dma_start3A_233 = tpu.memref_slice %arg4[%dma_start3A_232] : memref<2097152xf32, #tpu.memory_space<hbm>> -> memref<2097152xf32, #tpu.memory_space<hbm>>
    tpu.enqueue_indirect_dma source(%dma_start3A_233 : memref<2097152xf32, #tpu.memory_space<hbm>>) target(%dma_start3A_231 : memref<16xf32, #tpu.memory_space<vmem>>) offsets(%add3A_227 : vector<16xi32>) semaphore(%arg14 : memref<!tpu.dma_semaphore, #tpu.memory_space<semaphore_mem>>)
    %mul3A_234 = arith.constant 1 : i32
    %mul3A_235 = arith.muli %select_n3A, %mul3A_234 : i32
    %add3A_236 = arith.constant 0 : i32
    %add3A_237 = arith.addi %mul3A_235, %add3A_236 : i32
    %mul3A_238 = arith.constant 262144 : i32
    %mul3A_239 = arith.muli %add3A_237, %mul3A_238 : i32
    %add3A_240 = vector.broadcast %mul3A_239 : i32 to vector<16xi32>
    %add3A_241 = arith.addi %add3A_240, %add3A_205 : vector<16xi32>
    %dma_start3A_242 = arith.constant 2 : i32
    %dma_start3A_243 = arith.constant 16 : i32
    %dma_start3A_244 = tpu.memref_slice %arg12[%dma_start3A_242, %dma_start3A_243] : memref<10x64xf32, #tpu.memory_space<vmem>> -> memref<1x16xf32, #tpu.memory_space<vmem>>
    %dma_start3A_245 = tpu.memref_squeeze %dma_start3A_244 : memref<1x16xf32, #tpu.memory_space<vmem>> -> memref<16xf32, #tpu.memory_space<vmem>>
    %dma_start3A_246 = arith.constant 0 : i32
    %dma_start3A_247 = tpu.memref_slice %arg5[%dma_start3A_246] : memref<1048576xf32, #tpu.memory_space<hbm>> -> memref<1048576xf32, #tpu.memory_space<hbm>>
    tpu.enqueue_indirect_dma source(%dma_start3A_247 : memref<1048576xf32, #tpu.memory_space<hbm>>) target(%dma_start3A_245 : memref<16xf32, #tpu.memory_space<vmem>>) offsets(%add3A_241 : vector<16xi32>) semaphore(%arg14 : memref<!tpu.dma_semaphore, #tpu.memory_space<semaphore_mem>>)
    %mul3A_248 = arith.constant 3 : i32
    %mul3A_249 = arith.muli %select_n3A, %mul3A_248 : i32
    %add3A_250 = arith.constant 0 : i32
    %add3A_251 = arith.addi %mul3A_249, %add3A_250 : i32
    %mul3A_252 = arith.constant 262144 : i32
    %mul3A_253 = arith.muli %add3A_251, %mul3A_252 : i32
    %add3A_254 = vector.broadcast %mul3A_253 : i32 to vector<16xi32>
    %add3A_255 = arith.addi %add3A_254, %add3A_205 : vector<16xi32>
    %dma_start3A_256 = arith.constant 3 : i32
    %dma_start3A_257 = arith.constant 16 : i32
    %dma_start3A_258 = tpu.memref_slice %arg12[%dma_start3A_256, %dma_start3A_257] : memref<10x64xf32, #tpu.memory_space<vmem>> -> memref<1x16xf32, #tpu.memory_space<vmem>>
    %dma_start3A_259 = tpu.memref_squeeze %dma_start3A_258 : memref<1x16xf32, #tpu.memory_space<vmem>> -> memref<16xf32, #tpu.memory_space<vmem>>
    %dma_start3A_260 = arith.constant 0 : i32
    %dma_start3A_261 = tpu.memref_slice %arg6[%dma_start3A_260] : memref<3145728xf32, #tpu.memory_space<hbm>> -> memref<3145728xf32, #tpu.memory_space<hbm>>
    tpu.enqueue_indirect_dma source(%dma_start3A_261 : memref<3145728xf32, #tpu.memory_space<hbm>>) target(%dma_start3A_259 : memref<16xf32, #tpu.memory_space<vmem>>) offsets(%add3A_255 : vector<16xi32>) semaphore(%arg14 : memref<!tpu.dma_semaphore, #tpu.memory_space<semaphore_mem>>)
    %mul3A_262 = arith.constant 3 : i32
    %mul3A_263 = arith.muli %select_n3A, %mul3A_262 : i32
    %add3A_264 = arith.constant 1 : i32
    %add3A_265 = arith.addi %mul3A_263, %add3A_264 : i32
    %mul3A_266 = arith.constant 262144 : i32
    %mul3A_267 = arith.muli %add3A_265, %mul3A_266 : i32
    %add3A_268 = vector.broadcast %mul3A_267 : i32 to vector<16xi32>
    %add3A_269 = arith.addi %add3A_268, %add3A_205 : vector<16xi32>
    %dma_start3A_270 = arith.constant 4 : i32
    %dma_start3A_271 = arith.constant 16 : i32
    %dma_start3A_272 = tpu.memref_slice %arg12[%dma_start3A_270, %dma_start3A_271] : memref<10x64xf32, #tpu.memory_space<vmem>> -> memref<1x16xf32, #tpu.memory_space<vmem>>
    %dma_start3A_273 = tpu.memref_squeeze %dma_start3A_272 : memref<1x16xf32, #tpu.memory_space<vmem>> -> memref<16xf32, #tpu.memory_space<vmem>>
    %dma_start3A_274 = arith.constant 0 : i32
    %dma_start3A_275 = tpu.memref_slice %arg6[%dma_start3A_274] : memref<3145728xf32, #tpu.memory_space<hbm>> -> memref<3145728xf32, #tpu.memory_space<hbm>>
    tpu.enqueue_indirect_dma source(%dma_start3A_275 : memref<3145728xf32, #tpu.memory_space<hbm>>) target(%dma_start3A_273 : memref<16xf32, #tpu.memory_space<vmem>>) offsets(%add3A_269 : vector<16xi32>) semaphore(%arg14 : memref<!tpu.dma_semaphore, #tpu.memory_space<semaphore_mem>>)
    %mul3A_276 = arith.constant 3 : i32
    %mul3A_277 = arith.muli %select_n3A, %mul3A_276 : i32
    %add3A_278 = arith.constant 2 : i32
    %add3A_279 = arith.addi %mul3A_277, %add3A_278 : i32
    %mul3A_280 = arith.constant 262144 : i32
    %mul3A_281 = arith.muli %add3A_279, %mul3A_280 : i32
    %add3A_282 = vector.broadcast %mul3A_281 : i32 to vector<16xi32>
    %add3A_283 = arith.addi %add3A_282, %add3A_205 : vector<16xi32>
    %dma_start3A_284 = arith.constant 5 : i32
    %dma_start3A_285 = arith.constant 16 : i32
    %dma_start3A_286 = tpu.memref_slice %arg12[%dma_start3A_284, %dma_start3A_285] : memref<10x64xf32, #tpu.memory_space<vmem>> -> memref<1x16xf32, #tpu.memory_space<vmem>>
    %dma_start3A_287 = tpu.memref_squeeze %dma_start3A_286 : memref<1x16xf32, #tpu.memory_space<vmem>> -> memref<16xf32, #tpu.memory_space<vmem>>
    %dma_start3A_288 = arith.constant 0 : i32
    %dma_start3A_289 = tpu.memref_slice %arg6[%dma_start3A_288] : memref<3145728xf32, #tpu.memory_space<hbm>> -> memref<3145728xf32, #tpu.memory_space<hbm>>
    tpu.enqueue_indirect_dma source(%dma_start3A_289 : memref<3145728xf32, #tpu.memory_space<hbm>>) target(%dma_start3A_287 : memref<16xf32, #tpu.memory_space<vmem>>) offsets(%add3A_283 : vector<16xi32>) semaphore(%arg14 : memref<!tpu.dma_semaphore, #tpu.memory_space<semaphore_mem>>)
    %mul3A_290 = arith.constant 2 : i32
    %mul3A_291 = arith.muli %select_n3A, %mul3A_290 : i32
    %add3A_292 = arith.constant 0 : i32
    %add3A_293 = arith.addi %mul3A_291, %add3A_292 : i32
    %mul3A_294 = arith.constant 262144 : i32
    %mul3A_295 = arith.muli %add3A_293, %mul3A_294 : i32
    %add3A_296 = vector.broadcast %mul3A_295 : i32 to vector<16xi32>
    %add3A_297 = arith.addi %add3A_296, %add3A_205 : vector<16xi32>
    %dma_start3A_298 = arith.constant 6 : i32
    %dma_start3A_299 = arith.constant 16 : i32
    %dma_start3A_300 = tpu.memref_slice %arg12[%dma_start3A_298, %dma_start3A_299] : memref<10x64xf32, #tpu.memory_space<vmem>> -> memref<1x16xf32, #tpu.memory_space<vmem>>
    %dma_start3A_301 = tpu.memref_squeeze %dma_start3A_300 : memref<1x16xf32, #tpu.memory_space<vmem>> -> memref<16xf32, #tpu.memory_space<vmem>>
    %dma_start3A_302 = arith.constant 0 : i32
    %dma_start3A_303 = tpu.memref_slice %arg7[%dma_start3A_302] : memref<2097152xf32, #tpu.memory_space<hbm>> -> memref<2097152xf32, #tpu.memory_space<hbm>>
    tpu.enqueue_indirect_dma source(%dma_start3A_303 : memref<2097152xf32, #tpu.memory_space<hbm>>) target(%dma_start3A_301 : memref<16xf32, #tpu.memory_space<vmem>>) offsets(%add3A_297 : vector<16xi32>) semaphore(%arg14 : memref<!tpu.dma_semaphore, #tpu.memory_space<semaphore_mem>>)
    %mul3A_304 = arith.constant 2 : i32
    %mul3A_305 = arith.muli %select_n3A, %mul3A_304 : i32
    %add3A_306 = arith.constant 1 : i32
    %add3A_307 = arith.addi %mul3A_305, %add3A_306 : i32
    %mul3A_308 = arith.constant 262144 : i32
    %mul3A_309 = arith.muli %add3A_307, %mul3A_308 : i32
    %add3A_310 = vector.broadcast %mul3A_309 : i32 to vector<16xi32>
    %add3A_311 = arith.addi %add3A_310, %add3A_205 : vector<16xi32>
    %dma_start3A_312 = arith.constant 7 : i32
    %dma_start3A_313 = arith.constant 16 : i32
    %dma_start3A_314 = tpu.memref_slice %arg12[%dma_start3A_312, %dma_start3A_313] : memref<10x64xf32, #tpu.memory_space<vmem>> -> memref<1x16xf32, #tpu.memory_space<vmem>>
    %dma_start3A_315 = tpu.memref_squeeze %dma_start3A_314 : memref<1x16xf32, #tpu.memory_space<vmem>> -> memref<16xf32, #tpu.memory_space<vmem>>
    %dma_start3A_316 = arith.constant 0 : i32
    %dma_start3A_317 = tpu.memref_slice %arg7[%dma_start3A_316] : memref<2097152xf32, #tpu.memory_space<hbm>> -> memref<2097152xf32, #tpu.memory_space<hbm>>
    tpu.enqueue_indirect_dma source(%dma_start3A_317 : memref<2097152xf32, #tpu.memory_space<hbm>>) target(%dma_start3A_315 : memref<16xf32, #tpu.memory_space<vmem>>) offsets(%add3A_311 : vector<16xi32>) semaphore(%arg14 : memref<!tpu.dma_semaphore, #tpu.memory_space<semaphore_mem>>)
    %mul3A_318 = arith.constant 2 : i32
    %mul3A_319 = arith.muli %select_n3A, %mul3A_318 : i32
    %add3A_320 = arith.constant 0 : i32
    %add3A_321 = arith.addi %mul3A_319, %add3A_320 : i32
    %mul3A_322 = arith.constant 262144 : i32
    %mul3A_323 = arith.muli %add3A_321, %mul3A_322 : i32
    %add3A_324 = vector.broadcast %mul3A_323 : i32 to vector<16xi32>
    %add3A_325 = arith.addi %add3A_324, %add3A_205 : vector<16xi32>
    %dma_start3A_326 = arith.constant 8 : i32
    %dma_start3A_327 = arith.constant 16 : i32
    %dma_start3A_328 = tpu.memref_slice %arg12[%dma_start3A_326, %dma_start3A_327] : memref<10x64xf32, #tpu.memory_space<vmem>> -> memref<1x16xf32, #tpu.memory_space<vmem>>
    %dma_start3A_329 = tpu.memref_squeeze %dma_start3A_328 : memref<1x16xf32, #tpu.memory_space<vmem>> -> memref<16xf32, #tpu.memory_space<vmem>>
    %dma_start3A_330 = arith.constant 0 : i32
    %dma_start3A_331 = tpu.memref_slice %arg8[%dma_start3A_330] : memref<2097152xf32, #tpu.memory_space<hbm>> -> memref<2097152xf32, #tpu.memory_space<hbm>>
    tpu.enqueue_indirect_dma source(%dma_start3A_331 : memref<2097152xf32, #tpu.memory_space<hbm>>) target(%dma_start3A_329 : memref<16xf32, #tpu.memory_space<vmem>>) offsets(%add3A_325 : vector<16xi32>) semaphore(%arg14 : memref<!tpu.dma_semaphore, #tpu.memory_space<semaphore_mem>>)
    %mul3A_332 = arith.constant 2 : i32
    %mul3A_333 = arith.muli %select_n3A, %mul3A_332 : i32
    %add3A_334 = arith.constant 1 : i32
    %add3A_335 = arith.addi %mul3A_333, %add3A_334 : i32
    %mul3A_336 = arith.constant 262144 : i32
    %mul3A_337 = arith.muli %add3A_335, %mul3A_336 : i32
    %add3A_338 = vector.broadcast %mul3A_337 : i32 to vector<16xi32>
    %add3A_339 = arith.addi %add3A_338, %add3A_205 : vector<16xi32>
    %dma_start3A_340 = arith.constant 9 : i32
    %dma_start3A_341 = arith.constant 16 : i32
    %dma_start3A_342 = tpu.memref_slice %arg12[%dma_start3A_340, %dma_start3A_341] : memref<10x64xf32, #tpu.memory_space<vmem>> -> memref<1x16xf32, #tpu.memory_space<vmem>>
    %dma_start3A_343 = tpu.memref_squeeze %dma_start3A_342 : memref<1x16xf32, #tpu.memory_space<vmem>> -> memref<16xf32, #tpu.memory_space<vmem>>
    %dma_start3A_344 = arith.constant 0 : i32
    %dma_start3A_345 = tpu.memref_slice %arg8[%dma_start3A_344] : memref<2097152xf32, #tpu.memory_space<hbm>> -> memref<2097152xf32, #tpu.memory_space<hbm>>
    tpu.enqueue_indirect_dma source(%dma_start3A_345 : memref<2097152xf32, #tpu.memory_space<hbm>>) target(%dma_start3A_343 : memref<16xf32, #tpu.memory_space<vmem>>) offsets(%add3A_339 : vector<16xi32>) semaphore(%arg14 : memref<!tpu.dma_semaphore, #tpu.memory_space<semaphore_mem>>)
    %get3A_346 = arith.constant 32 : index
    %get3A_347 = tpu.vector_load %arg11[%get3A_346] {strides = array<i32>} : memref<64xi32, #tpu.memory_space<vmem>>, vector<16xi32>,
    %and3A_348 = arith.constant 262143 : i32
    %and3A_349 = vector.broadcast %and3A_348 : i32 to vector<16xi32>
    %and3A_350 = arith.andi %get3A_347, %and3A_349 : vector<16xi32>
    %shift_right_logical3A_351 = arith.constant 9 : i32
    %shift_right_logical3A_352 = vector.broadcast %shift_right_logical3A_351 : i32 to vector<16xi32>
    %shift_right_logical3A_353 = arith.shrui %and3A_350, %shift_right_logical3A_352 : vector<16xi32>
    %and3A_354 = arith.constant 511 : i32
    %and3A_355 = vector.broadcast %and3A_354 : i32 to vector<16xi32>
    %and3A_356 = arith.andi %and3A_350, %and3A_355 : vector<16xi32>
    %shift_right_logical3A_357 = arith.constant 7 : i32
    %shift_right_logical3A_358 = vector.broadcast %shift_right_logical3A_357 : i32 to vector<16xi32>
    %shift_right_logical3A_359 = arith.shrui %and3A_356, %shift_right_logical3A_358 : vector<16xi32>
    %mul3A_360 = arith.constant 65536 : i32
    %mul3A_361 = vector.broadcast %mul3A_360 : i32 to vector<16xi32>
    %mul3A_362 = arith.muli %shift_right_logical3A_359, %mul3A_361 : vector<16xi32>
    %mul3A_363 = arith.constant 128 : i32
    %mul3A_364 = vector.broadcast %mul3A_363 : i32 to vector<16xi32>
    %mul3A_365 = arith.muli %shift_right_logical3A_353, %mul3A_364 : vector<16xi32>
    %add3A_366 = arith.addi %mul3A_362, %mul3A_365 : vector<16xi32>
    %and3A_367 = arith.constant 127 : i32
    %and3A_368 = vector.broadcast %and3A_367 : i32 to vector<16xi32>
    %and3A_369 = arith.andi %and3A_356, %and3A_368 : vector<16xi32>
    %add3A_370 = arith.addi %add3A_366, %and3A_369 : vector<16xi32>
    %mul3A_371 = arith.constant 2 : i32
    %mul3A_372 = arith.muli %select_n3A, %mul3A_371 : i32
    %add3A_373 = arith.constant 0 : i32
    %add3A_374 = arith.addi %mul3A_372, %add3A_373 : i32
    %mul3A_375 = arith.constant 262144 : i32
    %mul3A_376 = arith.muli %add3A_374, %mul3A_375 : i32
    %add3A_377 = vector.broadcast %mul3A_376 : i32 to vector<16xi32>
    %add3A_378 = arith.addi %add3A_377, %add3A_370 : vector<16xi32>
    %dma_start3A_379 = arith.constant 0 : i32
    %dma_start3A_380 = arith.constant 32 : i32
    %dma_start3A_381 = tpu.memref_slice %arg12[%dma_start3A_379, %dma_start3A_380] : memref<10x64xf32, #tpu.memory_space<vmem>> -> memref<1x16xf32, #tpu.memory_space<vmem>>
    %dma_start3A_382 = tpu.memref_squeeze %dma_start3A_381 : memref<1x16xf32, #tpu.memory_space<vmem>> -> memref<16xf32, #tpu.memory_space<vmem>>
    %dma_start3A_383 = arith.constant 0 : i32
    %dma_start3A_384 = tpu.memref_slice %arg4[%dma_start3A_383] : memref<2097152xf32, #tpu.memory_space<hbm>> -> memref<2097152xf32, #tpu.memory_space<hbm>>
    tpu.enqueue_indirect_dma source(%dma_start3A_384 : memref<2097152xf32, #tpu.memory_space<hbm>>) target(%dma_start3A_382 : memref<16xf32, #tpu.memory_space<vmem>>) offsets(%add3A_378 : vector<16xi32>) semaphore(%arg14 : memref<!tpu.dma_semaphore, #tpu.memory_space<semaphore_mem>>)
    %mul3A_385 = arith.constant 2 : i32
    %mul3A_386 = arith.muli %select_n3A, %mul3A_385 : i32
    %add3A_387 = arith.constant 1 : i32
    %add3A_388 = arith.addi %mul3A_386, %add3A_387 : i32
    %mul3A_389 = arith.constant 262144 : i32
    %mul3A_390 = arith.muli %add3A_388, %mul3A_389 : i32
    %add3A_391 = vector.broadcast %mul3A_390 : i32 to vector<16xi32>
    %add3A_392 = arith.addi %add3A_391, %add3A_370 : vector<16xi32>
    %dma_start3A_393 = arith.constant 1 : i32
    %dma_start3A_394 = arith.constant 32 : i32
    %dma_start3A_395 = tpu.memref_slice %arg12[%dma_start3A_393, %dma_start3A_394] : memref<10x64xf32, #tpu.memory_space<vmem>> -> memref<1x16xf32, #tpu.memory_space<vmem>>
    %dma_start3A_396 = tpu.memref_squeeze %dma_start3A_395 : memref<1x16xf32, #tpu.memory_space<vmem>> -> memref<16xf32, #tpu.memory_space<vmem>>
    %dma_start3A_397 = arith.constant 0 : i32
    %dma_start3A_398 = tpu.memref_slice %arg4[%dma_start3A_397] : memref<2097152xf32, #tpu.memory_space<hbm>> -> memref<2097152xf32, #tpu.memory_space<hbm>>
    tpu.enqueue_indirect_dma source(%dma_start3A_398 : memref<2097152xf32, #tpu.memory_space<hbm>>) target(%dma_start3A_396 : memref<16xf32, #tpu.memory_space<vmem>>) offsets(%add3A_392 : vector<16xi32>) semaphore(%arg14 : memref<!tpu.dma_semaphore, #tpu.memory_space<semaphore_mem>>)
    %mul3A_399 = arith.constant 1 : i32
    %mul3A_400 = arith.muli %select_n3A, %mul3A_399 : i32
    %add3A_401 = arith.constant 0 : i32
    %add3A_402 = arith.addi %mul3A_400, %add3A_401 : i32
    %mul3A_403 = arith.constant 262144 : i32
    %mul3A_404 = arith.muli %add3A_402, %mul3A_403 : i32
    %add3A_405 = vector.broadcast %mul3A_404 : i32 to vector<16xi32>
    %add3A_406 = arith.addi %add3A_405, %add3A_370 : vector<16xi32>
    %dma_start3A_407 = arith.constant 2 : i32
    %dma_start3A_408 = arith.constant 32 : i32
    %dma_start3A_409 = tpu.memref_slice %arg12[%dma_start3A_407, %dma_start3A_408] : memref<10x64xf32, #tpu.memory_space<vmem>> -> memref<1x16xf32, #tpu.memory_space<vmem>>
    %dma_start3A_410 = tpu.memref_squeeze %dma_start3A_409 : memref<1x16xf32, #tpu.memory_space<vmem>> -> memref<16xf32, #tpu.memory_space<vmem>>
    %dma_start3A_411 = arith.constant 0 : i32
    %dma_start3A_412 = tpu.memref_slice %arg5[%dma_start3A_411] : memref<1048576xf32, #tpu.memory_space<hbm>> -> memref<1048576xf32, #tpu.memory_space<hbm>>
    tpu.enqueue_indirect_dma source(%dma_start3A_412 : memref<1048576xf32, #tpu.memory_space<hbm>>) target(%dma_start3A_410 : memref<16xf32, #tpu.memory_space<vmem>>) offsets(%add3A_406 : vector<16xi32>) semaphore(%arg14 : memref<!tpu.dma_semaphore, #tpu.memory_space<semaphore_mem>>)
    %mul3A_413 = arith.constant 3 : i32
    %mul3A_414 = arith.muli %select_n3A, %mul3A_413 : i32
    %add3A_415 = arith.constant 0 : i32
    %add3A_416 = arith.addi %mul3A_414, %add3A_415 : i32
    %mul3A_417 = arith.constant 262144 : i32
    %mul3A_418 = arith.muli %add3A_416, %mul3A_417 : i32
    %add3A_419 = vector.broadcast %mul3A_418 : i32 to vector<16xi32>
    %add3A_420 = arith.addi %add3A_419, %add3A_370 : vector<16xi32>
    %dma_start3A_421 = arith.constant 3 : i32
    %dma_start3A_422 = arith.constant 32 : i32
    %dma_start3A_423 = tpu.memref_slice %arg12[%dma_start3A_421, %dma_start3A_422] : memref<10x64xf32, #tpu.memory_space<vmem>> -> memref<1x16xf32, #tpu.memory_space<vmem>>
    %dma_start3A_424 = tpu.memref_squeeze %dma_start3A_423 : memref<1x16xf32, #tpu.memory_space<vmem>> -> memref<16xf32, #tpu.memory_space<vmem>>
    %dma_start3A_425 = arith.constant 0 : i32
    %dma_start3A_426 = tpu.memref_slice %arg6[%dma_start3A_425] : memref<3145728xf32, #tpu.memory_space<hbm>> -> memref<3145728xf32, #tpu.memory_space<hbm>>
    tpu.enqueue_indirect_dma source(%dma_start3A_426 : memref<3145728xf32, #tpu.memory_space<hbm>>) target(%dma_start3A_424 : memref<16xf32, #tpu.memory_space<vmem>>) offsets(%add3A_420 : vector<16xi32>) semaphore(%arg14 : memref<!tpu.dma_semaphore, #tpu.memory_space<semaphore_mem>>)
    %mul3A_427 = arith.constant 3 : i32
    %mul3A_428 = arith.muli %select_n3A, %mul3A_427 : i32
    %add3A_429 = arith.constant 1 : i32
    %add3A_430 = arith.addi %mul3A_428, %add3A_429 : i32
    %mul3A_431 = arith.constant 262144 : i32
    %mul3A_432 = arith.muli %add3A_430, %mul3A_431 : i32
    %add3A_433 = vector.broadcast %mul3A_432 : i32 to vector<16xi32>
    %add3A_434 = arith.addi %add3A_433, %add3A_370 : vector<16xi32>
    %dma_start3A_435 = arith.constant 4 : i32
    %dma_start3A_436 = arith.constant 32 : i32
    %dma_start3A_437 = tpu.memref_slice %arg12[%dma_start3A_435, %dma_start3A_436] : memref<10x64xf32, #tpu.memory_space<vmem>> -> memref<1x16xf32, #tpu.memory_space<vmem>>
    %dma_start3A_438 = tpu.memref_squeeze %dma_start3A_437 : memref<1x16xf32, #tpu.memory_space<vmem>> -> memref<16xf32, #tpu.memory_space<vmem>>
    %dma_start3A_439 = arith.constant 0 : i32
    %dma_start3A_440 = tpu.memref_slice %arg6[%dma_start3A_439] : memref<3145728xf32, #tpu.memory_space<hbm>> -> memref<3145728xf32, #tpu.memory_space<hbm>>
    tpu.enqueue_indirect_dma source(%dma_start3A_440 : memref<3145728xf32, #tpu.memory_space<hbm>>) target(%dma_start3A_438 : memref<16xf32, #tpu.memory_space<vmem>>) offsets(%add3A_434 : vector<16xi32>) semaphore(%arg14 : memref<!tpu.dma_semaphore, #tpu.memory_space<semaphore_mem>>)
    %mul3A_441 = arith.constant 3 : i32
    %mul3A_442 = arith.muli %select_n3A, %mul3A_441 : i32
    %add3A_443 = arith.constant 2 : i32
    %add3A_444 = arith.addi %mul3A_442, %add3A_443 : i32
    %mul3A_445 = arith.constant 262144 : i32
    %mul3A_446 = arith.muli %add3A_444, %mul3A_445 : i32
    %add3A_447 = vector.broadcast %mul3A_446 : i32 to vector<16xi32>
    %add3A_448 = arith.addi %add3A_447, %add3A_370 : vector<16xi32>
    %dma_start3A_449 = arith.constant 5 : i32
    %dma_start3A_450 = arith.constant 32 : i32
    %dma_start3A_451 = tpu.memref_slice %arg12[%dma_start3A_449, %dma_start3A_450] : memref<10x64xf32, #tpu.memory_space<vmem>> -> memref<1x16xf32, #tpu.memory_space<vmem>>
    %dma_start3A_452 = tpu.memref_squeeze %dma_start3A_451 : memref<1x16xf32, #tpu.memory_space<vmem>> -> memref<16xf32, #tpu.memory_space<vmem>>
    %dma_start3A_453 = arith.constant 0 : i32
    %dma_start3A_454 = tpu.memref_slice %arg6[%dma_start3A_453] : memref<3145728xf32, #tpu.memory_space<hbm>> -> memref<3145728xf32, #tpu.memory_space<hbm>>
    tpu.enqueue_indirect_dma source(%dma_start3A_454 : memref<3145728xf32, #tpu.memory_space<hbm>>) target(%dma_start3A_452 : memref<16xf32, #tpu.memory_space<vmem>>) offsets(%add3A_448 : vector<16xi32>) semaphore(%arg14 : memref<!tpu.dma_semaphore, #tpu.memory_space<semaphore_mem>>)
    %mul3A_455 = arith.constant 2 : i32
    %mul3A_456 = arith.muli %select_n3A, %mul3A_455 : i32
    %add3A_457 = arith.constant 0 : i32
    %add3A_458 = arith.addi %mul3A_456, %add3A_457 : i32
    %mul3A_459 = arith.constant 262144 : i32
    %mul3A_460 = arith.muli %add3A_458, %mul3A_459 : i32
    %add3A_461 = vector.broadcast %mul3A_460 : i32 to vector<16xi32>
    %add3A_462 = arith.addi %add3A_461, %add3A_370 : vector<16xi32>
    %dma_start3A_463 = arith.constant 6 : i32
    %dma_start3A_464 = arith.constant 32 : i32
    %dma_start3A_465 = tpu.memref_slice %arg12[%dma_start3A_463, %dma_start3A_464] : memref<10x64xf32, #tpu.memory_space<vmem>> -> memref<1x16xf32, #tpu.memory_space<vmem>>
    %dma_start3A_466 = tpu.memref_squeeze %dma_start3A_465 : memref<1x16xf32, #tpu.memory_space<vmem>> -> memref<16xf32, #tpu.memory_space<vmem>>
    %dma_start3A_467 = arith.constant 0 : i32
    %dma_start3A_468 = tpu.memref_slice %arg7[%dma_start3A_467] : memref<2097152xf32, #tpu.memory_space<hbm>> -> memref<2097152xf32, #tpu.memory_space<hbm>>
    tpu.enqueue_indirect_dma source(%dma_start3A_468 : memref<2097152xf32, #tpu.memory_space<hbm>>) target(%dma_start3A_466 : memref<16xf32, #tpu.memory_space<vmem>>) offsets(%add3A_462 : vector<16xi32>) semaphore(%arg14 : memref<!tpu.dma_semaphore, #tpu.memory_space<semaphore_mem>>)
    %mul3A_469 = arith.constant 2 : i32
    %mul3A_470 = arith.muli %select_n3A, %mul3A_469 : i32
    %add3A_471 = arith.constant 1 : i32
    %add3A_472 = arith.addi %mul3A_470, %add3A_471 : i32
    %mul3A_473 = arith.constant 262144 : i32
    %mul3A_474 = arith.muli %add3A_472, %mul3A_473 : i32
    %add3A_475 = vector.broadcast %mul3A_474 : i32 to vector<16xi32>
    %add3A_476 = arith.addi %add3A_475, %add3A_370 : vector<16xi32>
    %dma_start3A_477 = arith.constant 7 : i32
    %dma_start3A_478 = arith.constant 32 : i32
    %dma_start3A_479 = tpu.memref_slice %arg12[%dma_start3A_477, %dma_start3A_478] : memref<10x64xf32, #tpu.memory_space<vmem>> -> memref<1x16xf32, #tpu.memory_space<vmem>>
    %dma_start3A_480 = tpu.memref_squeeze %dma_start3A_479 : memref<1x16xf32, #tpu.memory_space<vmem>> -> memref<16xf32, #tpu.memory_space<vmem>>
    %dma_start3A_481 = arith.constant 0 : i32
    %dma_start3A_482 = tpu.memref_slice %arg7[%dma_start3A_481] : memref<2097152xf32, #tpu.memory_space<hbm>> -> memref<2097152xf32, #tpu.memory_space<hbm>>
    tpu.enqueue_indirect_dma source(%dma_start3A_482 : memref<2097152xf32, #tpu.memory_space<hbm>>) target(%dma_start3A_480 : memref<16xf32, #tpu.memory_space<vmem>>) offsets(%add3A_476 : vector<16xi32>) semaphore(%arg14 : memref<!tpu.dma_semaphore, #tpu.memory_space<semaphore_mem>>)
    %mul3A_483 = arith.constant 2 : i32
    %mul3A_484 = arith.muli %select_n3A, %mul3A_483 : i32
    %add3A_485 = arith.constant 0 : i32
    %add3A_486 = arith.addi %mul3A_484, %add3A_485 : i32
    %mul3A_487 = arith.constant 262144 : i32
    %mul3A_488 = arith.muli %add3A_486, %mul3A_487 : i32
    %add3A_489 = vector.broadcast %mul3A_488 : i32 to vector<16xi32>
    %add3A_490 = arith.addi %add3A_489, %add3A_370 : vector<16xi32>
    %dma_start3A_491 = arith.constant 8 : i32
    %dma_start3A_492 = arith.constant 32 : i32
    %dma_start3A_493 = tpu.memref_slice %arg12[%dma_start3A_491, %dma_start3A_492] : memref<10x64xf32, #tpu.memory_space<vmem>> -> memref<1x16xf32, #tpu.memory_space<vmem>>
    %dma_start3A_494 = tpu.memref_squeeze %dma_start3A_493 : memref<1x16xf32, #tpu.memory_space<vmem>> -> memref<16xf32, #tpu.memory_space<vmem>>
    %dma_start3A_495 = arith.constant 0 : i32
    %dma_start3A_496 = tpu.memref_slice %arg8[%dma_start3A_495] : memref<2097152xf32, #tpu.memory_space<hbm>> -> memref<2097152xf32, #tpu.memory_space<hbm>>
    tpu.enqueue_indirect_dma source(%dma_start3A_496 : memref<2097152xf32, #tpu.memory_space<hbm>>) target(%dma_start3A_494 : memref<16xf32, #tpu.memory_space<vmem>>) offsets(%add3A_490 : vector<16xi32>) semaphore(%arg14 : memref<!tpu.dma_semaphore, #tpu.memory_space<semaphore_mem>>)
    %mul3A_497 = arith.constant 2 : i32
    %mul3A_498 = arith.muli %select_n3A, %mul3A_497 : i32
    %add3A_499 = arith.constant 1 : i32
    %add3A_500 = arith.addi %mul3A_498, %add3A_499 : i32
    %mul3A_501 = arith.constant 262144 : i32
    %mul3A_502 = arith.muli %add3A_500, %mul3A_501 : i32
    %add3A_503 = vector.broadcast %mul3A_502 : i32 to vector<16xi32>
    %add3A_504 = arith.addi %add3A_503, %add3A_370 : vector<16xi32>
    %dma_start3A_505 = arith.constant 9 : i32
    %dma_start3A_506 = arith.constant 32 : i32
    %dma_start3A_507 = tpu.memref_slice %arg12[%dma_start3A_505, %dma_start3A_506] : memref<10x64xf32, #tpu.memory_space<vmem>> -> memref<1x16xf32, #tpu.memory_space<vmem>>
    %dma_start3A_508 = tpu.memref_squeeze %dma_start3A_507 : memref<1x16xf32, #tpu.memory_space<vmem>> -> memref<16xf32, #tpu.memory_space<vmem>>
    %dma_start3A_509 = arith.constant 0 : i32
    %dma_start3A_510 = tpu.memref_slice %arg8[%dma_start3A_509] : memref<2097152xf32, #tpu.memory_space<hbm>> -> memref<2097152xf32, #tpu.memory_space<hbm>>
    tpu.enqueue_indirect_dma source(%dma_start3A_510 : memref<2097152xf32, #tpu.memory_space<hbm>>) target(%dma_start3A_508 : memref<16xf32, #tpu.memory_space<vmem>>) offsets(%add3A_504 : vector<16xi32>) semaphore(%arg14 : memref<!tpu.dma_semaphore, #tpu.memory_space<semaphore_mem>>)
    %get3A_511 = arith.constant 48 : index
    %get3A_512 = tpu.vector_load %arg11[%get3A_511] {strides = array<i32>} : memref<64xi32, #tpu.memory_space<vmem>>, vector<16xi32>,
    %and3A_513 = arith.constant 262143 : i32
    %and3A_514 = vector.broadcast %and3A_513 : i32 to vector<16xi32>
    %and3A_515 = arith.andi %get3A_512, %and3A_514 : vector<16xi32>
    %shift_right_logical3A_516 = arith.constant 9 : i32
    %shift_right_logical3A_517 = vector.broadcast %shift_right_logical3A_516 : i32 to vector<16xi32>
    %shift_right_logical3A_518 = arith.shrui %and3A_515, %shift_right_logical3A_517 : vector<16xi32>
    %and3A_519 = arith.constant 511 : i32
    %and3A_520 = vector.broadcast %and3A_519 : i32 to vector<16xi32>
    %and3A_521 = arith.andi %and3A_515, %and3A_520 : vector<16xi32>
    %shift_right_logical3A_522 = arith.constant 7 : i32
    %shift_right_logical3A_523 = vector.broadcast %shift_right_logical3A_522 : i32 to vector<16xi32>
    %shift_right_logical3A_524 = arith.shrui %and3A_521, %shift_right_logical3A_523 : vector<16xi32>
    %mul3A_525 = arith.constant 65536 : i32
    %mul3A_526 = vector.broadcast %mul3A_525 : i32 to vector<16xi32>
    %mul3A_527 = arith.muli %shift_right_logical3A_524, %mul3A_526 : vector<16xi32>
    %mul3A_528 = arith.constant 128 : i32
    %mul3A_529 = vector.broadcast %mul3A_528 : i32 to vector<16xi32>
    %mul3A_530 = arith.muli %shift_right_logical3A_518, %mul3A_529 : vector<16xi32>
    %add3A_531 = arith.addi %mul3A_527, %mul3A_530 : vector<16xi32>
    %and3A_532 = arith.constant 127 : i32
    %and3A_533 = vector.broadcast %and3A_532 : i32 to vector<16xi32>
    %and3A_534 = arith.andi %and3A_521, %and3A_533 : vector<16xi32>
    %add3A_535 = arith.addi %add3A_531, %and3A_534 : vector<16xi32>
    %mul3A_536 = arith.constant 2 : i32
    %mul3A_537 = arith.muli %select_n3A, %mul3A_536 : i32
    %add3A_538 = arith.constant 0 : i32
    %add3A_539 = arith.addi %mul3A_537, %add3A_538 : i32
    %mul3A_540 = arith.constant 262144 : i32
    %mul3A_541 = arith.muli %add3A_539, %mul3A_540 : i32
    %add3A_542 = vector.broadcast %mul3A_541 : i32 to vector<16xi32>
    %add3A_543 = arith.addi %add3A_542, %add3A_535 : vector<16xi32>
    %dma_start3A_544 = arith.constant 0 : i32
    %dma_start3A_545 = arith.constant 48 : i32
    %dma_start3A_546 = tpu.memref_slice %arg12[%dma_start3A_544, %dma_start3A_545] : memref<10x64xf32, #tpu.memory_space<vmem>> -> memref<1x16xf32, #tpu.memory_space<vmem>>
    %dma_start3A_547 = tpu.memref_squeeze %dma_start3A_546 : memref<1x16xf32, #tpu.memory_space<vmem>> -> memref<16xf32, #tpu.memory_space<vmem>>
    %dma_start3A_548 = arith.constant 0 : i32
    %dma_start3A_549 = tpu.memref_slice %arg4[%dma_start3A_548] : memref<2097152xf32, #tpu.memory_space<hbm>> -> memref<2097152xf32, #tpu.memory_space<hbm>>
    tpu.enqueue_indirect_dma source(%dma_start3A_549 : memref<2097152xf32, #tpu.memory_space<hbm>>) target(%dma_start3A_547 : memref<16xf32, #tpu.memory_space<vmem>>) offsets(%add3A_543 : vector<16xi32>) semaphore(%arg14 : memref<!tpu.dma_semaphore, #tpu.memory_space<semaphore_mem>>)
    %mul3A_550 = arith.constant 2 : i32
    %mul3A_551 = arith.muli %select_n3A, %mul3A_550 : i32
    %add3A_552 = arith.constant 1 : i32
    %add3A_553 = arith.addi %mul3A_551, %add3A_552 : i32
    %mul3A_554 = arith.constant 262144 : i32
    %mul3A_555 = arith.muli %add3A_553, %mul3A_554 : i32
    %add3A_556 = vector.broadcast %mul3A_555 : i32 to vector<16xi32>
    %add3A_557 = arith.addi %add3A_556, %add3A_535 : vector<16xi32>
    %dma_start3A_558 = arith.constant 1 : i32
    %dma_start3A_559 = arith.constant 48 : i32
    %dma_start3A_560 = tpu.memref_slice %arg12[%dma_start3A_558, %dma_start3A_559] : memref<10x64xf32, #tpu.memory_space<vmem>> -> memref<1x16xf32, #tpu.memory_space<vmem>>
    %dma_start3A_561 = tpu.memref_squeeze %dma_start3A_560 : memref<1x16xf32, #tpu.memory_space<vmem>> -> memref<16xf32, #tpu.memory_space<vmem>>
    %dma_start3A_562 = arith.constant 0 : i32
    %dma_start3A_563 = tpu.memref_slice %arg4[%dma_start3A_562] : memref<2097152xf32, #tpu.memory_space<hbm>> -> memref<2097152xf32, #tpu.memory_space<hbm>>
    tpu.enqueue_indirect_dma source(%dma_start3A_563 : memref<2097152xf32, #tpu.memory_space<hbm>>) target(%dma_start3A_561 : memref<16xf32, #tpu.memory_space<vmem>>) offsets(%add3A_557 : vector<16xi32>) semaphore(%arg14 : memref<!tpu.dma_semaphore, #tpu.memory_space<semaphore_mem>>)
    %mul3A_564 = arith.constant 1 : i32
    %mul3A_565 = arith.muli %select_n3A, %mul3A_564 : i32
    %add3A_566 = arith.constant 0 : i32
    %add3A_567 = arith.addi %mul3A_565, %add3A_566 : i32
    %mul3A_568 = arith.constant 262144 : i32
    %mul3A_569 = arith.muli %add3A_567, %mul3A_568 : i32
    %add3A_570 = vector.broadcast %mul3A_569 : i32 to vector<16xi32>
    %add3A_571 = arith.addi %add3A_570, %add3A_535 : vector<16xi32>
    %dma_start3A_572 = arith.constant 2 : i32
    %dma_start3A_573 = arith.constant 48 : i32
    %dma_start3A_574 = tpu.memref_slice %arg12[%dma_start3A_572, %dma_start3A_573] : memref<10x64xf32, #tpu.memory_space<vmem>> -> memref<1x16xf32, #tpu.memory_space<vmem>>
    %dma_start3A_575 = tpu.memref_squeeze %dma_start3A_574 : memref<1x16xf32, #tpu.memory_space<vmem>> -> memref<16xf32, #tpu.memory_space<vmem>>
    %dma_start3A_576 = arith.constant 0 : i32
    %dma_start3A_577 = tpu.memref_slice %arg5[%dma_start3A_576] : memref<1048576xf32, #tpu.memory_space<hbm>> -> memref<1048576xf32, #tpu.memory_space<hbm>>
    tpu.enqueue_indirect_dma source(%dma_start3A_577 : memref<1048576xf32, #tpu.memory_space<hbm>>) target(%dma_start3A_575 : memref<16xf32, #tpu.memory_space<vmem>>) offsets(%add3A_571 : vector<16xi32>) semaphore(%arg14 : memref<!tpu.dma_semaphore, #tpu.memory_space<semaphore_mem>>)
    %mul3A_578 = arith.constant 3 : i32
    %mul3A_579 = arith.muli %select_n3A, %mul3A_578 : i32
    %add3A_580 = arith.constant 0 : i32
    %add3A_581 = arith.addi %mul3A_579, %add3A_580 : i32
    %mul3A_582 = arith.constant 262144 : i32
    %mul3A_583 = arith.muli %add3A_581, %mul3A_582 : i32
    %add3A_584 = vector.broadcast %mul3A_583 : i32 to vector<16xi32>
    %add3A_585 = arith.addi %add3A_584, %add3A_535 : vector<16xi32>
    %dma_start3A_586 = arith.constant 3 : i32
    %dma_start3A_587 = arith.constant 48 : i32
    %dma_start3A_588 = tpu.memref_slice %arg12[%dma_start3A_586, %dma_start3A_587] : memref<10x64xf32, #tpu.memory_space<vmem>> -> memref<1x16xf32, #tpu.memory_space<vmem>>
    %dma_start3A_589 = tpu.memref_squeeze %dma_start3A_588 : memref<1x16xf32, #tpu.memory_space<vmem>> -> memref<16xf32, #tpu.memory_space<vmem>>
    %dma_start3A_590 = arith.constant 0 : i32
    %dma_start3A_591 = tpu.memref_slice %arg6[%dma_start3A_590] : memref<3145728xf32, #tpu.memory_space<hbm>> -> memref<3145728xf32, #tpu.memory_space<hbm>>
    tpu.enqueue_indirect_dma source(%dma_start3A_591 : memref<3145728xf32, #tpu.memory_space<hbm>>) target(%dma_start3A_589 : memref<16xf32, #tpu.memory_space<vmem>>) offsets(%add3A_585 : vector<16xi32>) semaphore(%arg14 : memref<!tpu.dma_semaphore, #tpu.memory_space<semaphore_mem>>)
    %mul3A_592 = arith.constant 3 : i32
    %mul3A_593 = arith.muli %select_n3A, %mul3A_592 : i32
    %add3A_594 = arith.constant 1 : i32
    %add3A_595 = arith.addi %mul3A_593, %add3A_594 : i32
    %mul3A_596 = arith.constant 262144 : i32
    %mul3A_597 = arith.muli %add3A_595, %mul3A_596 : i32
    %add3A_598 = vector.broadcast %mul3A_597 : i32 to vector<16xi32>
    %add3A_599 = arith.addi %add3A_598, %add3A_535 : vector<16xi32>
    %dma_start3A_600 = arith.constant 4 : i32
    %dma_start3A_601 = arith.constant 48 : i32
    %dma_start3A_602 = tpu.memref_slice %arg12[%dma_start3A_600, %dma_start3A_601] : memref<10x64xf32, #tpu.memory_space<vmem>> -> memref<1x16xf32, #tpu.memory_space<vmem>>
    %dma_start3A_603 = tpu.memref_squeeze %dma_start3A_602 : memref<1x16xf32, #tpu.memory_space<vmem>> -> memref<16xf32, #tpu.memory_space<vmem>>
    %dma_start3A_604 = arith.constant 0 : i32
    %dma_start3A_605 = tpu.memref_slice %arg6[%dma_start3A_604] : memref<3145728xf32, #tpu.memory_space<hbm>> -> memref<3145728xf32, #tpu.memory_space<hbm>>
    tpu.enqueue_indirect_dma source(%dma_start3A_605 : memref<3145728xf32, #tpu.memory_space<hbm>>) target(%dma_start3A_603 : memref<16xf32, #tpu.memory_space<vmem>>) offsets(%add3A_599 : vector<16xi32>) semaphore(%arg14 : memref<!tpu.dma_semaphore, #tpu.memory_space<semaphore_mem>>)
    %mul3A_606 = arith.constant 3 : i32
    %mul3A_607 = arith.muli %select_n3A, %mul3A_606 : i32
    %add3A_608 = arith.constant 2 : i32
    %add3A_609 = arith.addi %mul3A_607, %add3A_608 : i32
    %mul3A_610 = arith.constant 262144 : i32
    %mul3A_611 = arith.muli %add3A_609, %mul3A_610 : i32
    %add3A_612 = vector.broadcast %mul3A_611 : i32 to vector<16xi32>
    %add3A_613 = arith.addi %add3A_612, %add3A_535 : vector<16xi32>
    %dma_start3A_614 = arith.constant 5 : i32
    %dma_start3A_615 = arith.constant 48 : i32
    %dma_start3A_616 = tpu.memref_slice %arg12[%dma_start3A_614, %dma_start3A_615] : memref<10x64xf32, #tpu.memory_space<vmem>> -> memref<1x16xf32, #tpu.memory_space<vmem>>
    %dma_start3A_617 = tpu.memref_squeeze %dma_start3A_616 : memref<1x16xf32, #tpu.memory_space<vmem>> -> memref<16xf32, #tpu.memory_space<vmem>>
    %dma_start3A_618 = arith.constant 0 : i32
    %dma_start3A_619 = tpu.memref_slice %arg6[%dma_start3A_618] : memref<3145728xf32, #tpu.memory_space<hbm>> -> memref<3145728xf32, #tpu.memory_space<hbm>>
    tpu.enqueue_indirect_dma source(%dma_start3A_619 : memref<3145728xf32, #tpu.memory_space<hbm>>) target(%dma_start3A_617 : memref<16xf32, #tpu.memory_space<vmem>>) offsets(%add3A_613 : vector<16xi32>) semaphore(%arg14 : memref<!tpu.dma_semaphore, #tpu.memory_space<semaphore_mem>>)
    %mul3A_620 = arith.constant 2 : i32
    %mul3A_621 = arith.muli %select_n3A, %mul3A_620 : i32
    %add3A_622 = arith.constant 0 : i32
    %add3A_623 = arith.addi %mul3A_621, %add3A_622 : i32
    %mul3A_624 = arith.constant 262144 : i32
    %mul3A_625 = arith.muli %add3A_623, %mul3A_624 : i32
    %add3A_626 = vector.broadcast %mul3A_625 : i32 to vector<16xi32>
    %add3A_627 = arith.addi %add3A_626, %add3A_535 : vector<16xi32>
    %dma_start3A_628 = arith.constant 6 : i32
    %dma_start3A_629 = arith.constant 48 : i32
    %dma_start3A_630 = tpu.memref_slice %arg12[%dma_start3A_628, %dma_start3A_629] : memref<10x64xf32, #tpu.memory_space<vmem>> -> memref<1x16xf32, #tpu.memory_space<vmem>>
    %dma_start3A_631 = tpu.memref_squeeze %dma_start3A_630 : memref<1x16xf32, #tpu.memory_space<vmem>> -> memref<16xf32, #tpu.memory_space<vmem>>
    %dma_start3A_632 = arith.constant 0 : i32
    %dma_start3A_633 = tpu.memref_slice %arg7[%dma_start3A_632] : memref<2097152xf32, #tpu.memory_space<hbm>> -> memref<2097152xf32, #tpu.memory_space<hbm>>
    tpu.enqueue_indirect_dma source(%dma_start3A_633 : memref<2097152xf32, #tpu.memory_space<hbm>>) target(%dma_start3A_631 : memref<16xf32, #tpu.memory_space<vmem>>) offsets(%add3A_627 : vector<16xi32>) semaphore(%arg14 : memref<!tpu.dma_semaphore, #tpu.memory_space<semaphore_mem>>)
    %mul3A_634 = arith.constant 2 : i32
    %mul3A_635 = arith.muli %select_n3A, %mul3A_634 : i32
    %add3A_636 = arith.constant 1 : i32
    %add3A_637 = arith.addi %mul3A_635, %add3A_636 : i32
    %mul3A_638 = arith.constant 262144 : i32
    %mul3A_639 = arith.muli %add3A_637, %mul3A_638 : i32
    %add3A_640 = vector.broadcast %mul3A_639 : i32 to vector<16xi32>
    %add3A_641 = arith.addi %add3A_640, %add3A_535 : vector<16xi32>
    %dma_start3A_642 = arith.constant 7 : i32
    %dma_start3A_643 = arith.constant 48 : i32
    %dma_start3A_644 = tpu.memref_slice %arg12[%dma_start3A_642, %dma_start3A_643] : memref<10x64xf32, #tpu.memory_space<vmem>> -> memref<1x16xf32, #tpu.memory_space<vmem>>
    %dma_start3A_645 = tpu.memref_squeeze %dma_start3A_644 : memref<1x16xf32, #tpu.memory_space<vmem>> -> memref<16xf32, #tpu.memory_space<vmem>>
    %dma_start3A_646 = arith.constant 0 : i32
    %dma_start3A_647 = tpu.memref_slice %arg7[%dma_start3A_646] : memref<2097152xf32, #tpu.memory_space<hbm>> -> memref<2097152xf32, #tpu.memory_space<hbm>>
    tpu.enqueue_indirect_dma source(%dma_start3A_647 : memref<2097152xf32, #tpu.memory_space<hbm>>) target(%dma_start3A_645 : memref<16xf32, #tpu.memory_space<vmem>>) offsets(%add3A_641 : vector<16xi32>) semaphore(%arg14 : memref<!tpu.dma_semaphore, #tpu.memory_space<semaphore_mem>>)
    %mul3A_648 = arith.constant 2 : i32
    %mul3A_649 = arith.muli %select_n3A, %mul3A_648 : i32
    %add3A_650 = arith.constant 0 : i32
    %add3A_651 = arith.addi %mul3A_649, %add3A_650 : i32
    %mul3A_652 = arith.constant 262144 : i32
    %mul3A_653 = arith.muli %add3A_651, %mul3A_652 : i32
    %add3A_654 = vector.broadcast %mul3A_653 : i32 to vector<16xi32>
    %add3A_655 = arith.addi %add3A_654, %add3A_535 : vector<16xi32>
    %dma_start3A_656 = arith.constant 8 : i32
    %dma_start3A_657 = arith.constant 48 : i32
    %dma_start3A_658 = tpu.memref_slice %arg12[%dma_start3A_656, %dma_start3A_657] : memref<10x64xf32, #tpu.memory_space<vmem>> -> memref<1x16xf32, #tpu.memory_space<vmem>>
    %dma_start3A_659 = tpu.memref_squeeze %dma_start3A_658 : memref<1x16xf32, #tpu.memory_space<vmem>> -> memref<16xf32, #tpu.memory_space<vmem>>
    %dma_start3A_660 = arith.constant 0 : i32
    %dma_start3A_661 = tpu.memref_slice %arg8[%dma_start3A_660] : memref<2097152xf32, #tpu.memory_space<hbm>> -> memref<2097152xf32, #tpu.memory_space<hbm>>
    tpu.enqueue_indirect_dma source(%dma_start3A_661 : memref<2097152xf32, #tpu.memory_space<hbm>>) target(%dma_start3A_659 : memref<16xf32, #tpu.memory_space<vmem>>) offsets(%add3A_655 : vector<16xi32>) semaphore(%arg14 : memref<!tpu.dma_semaphore, #tpu.memory_space<semaphore_mem>>)
    %mul3A_662 = arith.constant 2 : i32
    %mul3A_663 = arith.muli %select_n3A, %mul3A_662 : i32
    %add3A_664 = arith.constant 1 : i32
    %add3A_665 = arith.addi %mul3A_663, %add3A_664 : i32
    %mul3A_666 = arith.constant 262144 : i32
    %mul3A_667 = arith.muli %add3A_665, %mul3A_666 : i32
    %add3A_668 = vector.broadcast %mul3A_667 : i32 to vector<16xi32>
    %add3A_669 = arith.addi %add3A_668, %add3A_535 : vector<16xi32>
    %dma_start3A_670 = arith.constant 9 : i32
    %dma_start3A_671 = arith.constant 48 : i32
    %dma_start3A_672 = tpu.memref_slice %arg12[%dma_start3A_670, %dma_start3A_671] : memref<10x64xf32, #tpu.memory_space<vmem>> -> memref<1x16xf32, #tpu.memory_space<vmem>>
    %dma_start3A_673 = tpu.memref_squeeze %dma_start3A_672 : memref<1x16xf32, #tpu.memory_space<vmem>> -> memref<16xf32, #tpu.memory_space<vmem>>
    %dma_start3A_674 = arith.constant 0 : i32
    %dma_start3A_675 = tpu.memref_slice %arg8[%dma_start3A_674] : memref<2097152xf32, #tpu.memory_space<hbm>> -> memref<2097152xf32, #tpu.memory_space<hbm>>
    tpu.enqueue_indirect_dma source(%dma_start3A_675 : memref<2097152xf32, #tpu.memory_space<hbm>>) target(%dma_start3A_673 : memref<16xf32, #tpu.memory_space<vmem>>) offsets(%add3A_669 : vector<16xi32>) semaphore(%arg14 : memref<!tpu.dma_semaphore, #tpu.memory_space<semaphore_mem>>)
    %dma_wait3A = arith.constant 0 : i32
    %dma_wait3A_676 = arith.constant 0 : i32
    %dma_wait3A_677 = tpu.memref_slice %arg12[%dma_wait3A, %dma_wait3A_676] : memref<10x64xf32, #tpu.memory_space<vmem>> -> memref<1x16xf32, #tpu.memory_space<vmem>>
    %dma_wait3A_678 = tpu.memref_squeeze %dma_wait3A_677 : memref<1x16xf32, #tpu.memory_space<vmem>> -> memref<16xf32, #tpu.memory_space<vmem>>
    %dma_wait3A_679 = arith.constant 0 : i32
    %dma_wait3A_680 = tpu.memref_slice %arg4[%dma_wait3A_679] : memref<2097152xf32, #tpu.memory_space<hbm>> -> memref<2097152xf32, #tpu.memory_space<hbm>>
    tpu.wait_indirect_dma semaphore(%arg14 : memref<!tpu.dma_semaphore, #tpu.memory_space<semaphore_mem>>) src(%dma_wait3A_680 : memref<2097152xf32, #tpu.memory_space<hbm>>) dst(%dma_wait3A_678 : memref<16xf32, #tpu.memory_space<vmem>>)
    %dma_wait3A_681 = arith.constant 1 : i32
    %dma_wait3A_682 = arith.constant 0 : i32
    %dma_wait3A_683 = tpu.memref_slice %arg12[%dma_wait3A_681, %dma_wait3A_682] : memref<10x64xf32, #tpu.memory_space<vmem>> -> memref<1x16xf32, #tpu.memory_space<vmem>>
    %dma_wait3A_684 = tpu.memref_squeeze %dma_wait3A_683 : memref<1x16xf32, #tpu.memory_space<vmem>> -> memref<16xf32, #tpu.memory_space<vmem>>
    %dma_wait3A_685 = arith.constant 0 : i32
    %dma_wait3A_686 = tpu.memref_slice %arg4[%dma_wait3A_685] : memref<2097152xf32, #tpu.memory_space<hbm>> -> memref<2097152xf32, #tpu.memory_space<hbm>>
    tpu.wait_indirect_dma semaphore(%arg14 : memref<!tpu.dma_semaphore, #tpu.memory_space<semaphore_mem>>) src(%dma_wait3A_686 : memref<2097152xf32, #tpu.memory_space<hbm>>) dst(%dma_wait3A_684 : memref<16xf32, #tpu.memory_space<vmem>>)
    %dma_wait3A_687 = arith.constant 2 : i32
    %dma_wait3A_688 = arith.constant 0 : i32
    %dma_wait3A_689 = tpu.memref_slice %arg12[%dma_wait3A_687, %dma_wait3A_688] : memref<10x64xf32, #tpu.memory_space<vmem>> -> memref<1x16xf32, #tpu.memory_space<vmem>>
    %dma_wait3A_690 = tpu.memref_squeeze %dma_wait3A_689 : memref<1x16xf32, #tpu.memory_space<vmem>> -> memref<16xf32, #tpu.memory_space<vmem>>
    %dma_wait3A_691 = arith.constant 0 : i32
    %dma_wait3A_692 = tpu.memref_slice %arg4[%dma_wait3A_691] : memref<2097152xf32, #tpu.memory_space<hbm>> -> memref<2097152xf32, #tpu.memory_space<hbm>>
    tpu.wait_indirect_dma semaphore(%arg14 : memref<!tpu.dma_semaphore, #tpu.memory_space<semaphore_mem>>) src(%dma_wait3A_692 : memref<2097152xf32, #tpu.memory_space<hbm>>) dst(%dma_wait3A_690 : memref<16xf32, #tpu.memory_space<vmem>>)
    %dma_wait3A_693 = arith.constant 3 : i32
    %dma_wait3A_694 = arith.constant 0 : i32
    %dma_wait3A_695 = tpu.memref_slice %arg12[%dma_wait3A_693, %dma_wait3A_694] : memref<10x64xf32, #tpu.memory_space<vmem>> -> memref<1x16xf32, #tpu.memory_space<vmem>>
    %dma_wait3A_696 = tpu.memref_squeeze %dma_wait3A_695 : memref<1x16xf32, #tpu.memory_space<vmem>> -> memref<16xf32, #tpu.memory_space<vmem>>
    %dma_wait3A_697 = arith.constant 0 : i32
    %dma_wait3A_698 = tpu.memref_slice %arg4[%dma_wait3A_697] : memref<2097152xf32, #tpu.memory_space<hbm>> -> memref<2097152xf32, #tpu.memory_space<hbm>>
    tpu.wait_indirect_dma semaphore(%arg14 : memref<!tpu.dma_semaphore, #tpu.memory_space<semaphore_mem>>) src(%dma_wait3A_698 : memref<2097152xf32, #tpu.memory_space<hbm>>) dst(%dma_wait3A_696 : memref<16xf32, #tpu.memory_space<vmem>>)
    %dma_wait3A_699 = arith.constant 4 : i32
    %dma_wait3A_700 = arith.constant 0 : i32
    %dma_wait3A_701 = tpu.memref_slice %arg12[%dma_wait3A_699, %dma_wait3A_700] : memref<10x64xf32, #tpu.memory_space<vmem>> -> memref<1x16xf32, #tpu.memory_space<vmem>>
    %dma_wait3A_702 = tpu.memref_squeeze %dma_wait3A_701 : memref<1x16xf32, #tpu.memory_space<vmem>> -> memref<16xf32, #tpu.memory_space<vmem>>
    %dma_wait3A_703 = arith.constant 0 : i32
    %dma_wait3A_704 = tpu.memref_slice %arg4[%dma_wait3A_703] : memref<2097152xf32, #tpu.memory_space<hbm>> -> memref<2097152xf32, #tpu.memory_space<hbm>>
    tpu.wait_indirect_dma semaphore(%arg14 : memref<!tpu.dma_semaphore, #tpu.memory_space<semaphore_mem>>) src(%dma_wait3A_704 : memref<2097152xf32, #tpu.memory_space<hbm>>) dst(%dma_wait3A_702 : memref<16xf32, #tpu.memory_space<vmem>>)
    %dma_wait3A_705 = arith.constant 5 : i32
    %dma_wait3A_706 = arith.constant 0 : i32
    %dma_wait3A_707 = tpu.memref_slice %arg12[%dma_wait3A_705, %dma_wait3A_706] : memref<10x64xf32, #tpu.memory_space<vmem>> -> memref<1x16xf32, #tpu.memory_space<vmem>>
    %dma_wait3A_708 = tpu.memref_squeeze %dma_wait3A_707 : memref<1x16xf32, #tpu.memory_space<vmem>> -> memref<16xf32, #tpu.memory_space<vmem>>
    %dma_wait3A_709 = arith.constant 0 : i32
    %dma_wait3A_710 = tpu.memref_slice %arg4[%dma_wait3A_709] : memref<2097152xf32, #tpu.memory_space<hbm>> -> memref<2097152xf32, #tpu.memory_space<hbm>>
    tpu.wait_indirect_dma semaphore(%arg14 : memref<!tpu.dma_semaphore, #tpu.memory_space<semaphore_mem>>) src(%dma_wait3A_710 : memref<2097152xf32, #tpu.memory_space<hbm>>) dst(%dma_wait3A_708 : memref<16xf32, #tpu.memory_space<vmem>>)
    %dma_wait3A_711 = arith.constant 6 : i32
    %dma_wait3A_712 = arith.constant 0 : i32
    %dma_wait3A_713 = tpu.memref_slice %arg12[%dma_wait3A_711, %dma_wait3A_712] : memref<10x64xf32, #tpu.memory_space<vmem>> -> memref<1x16xf32, #tpu.memory_space<vmem>>
    %dma_wait3A_714 = tpu.memref_squeeze %dma_wait3A_713 : memref<1x16xf32, #tpu.memory_space<vmem>> -> memref<16xf32, #tpu.memory_space<vmem>>
    %dma_wait3A_715 = arith.constant 0 : i32
    %dma_wait3A_716 = tpu.memref_slice %arg4[%dma_wait3A_715] : memref<2097152xf32, #tpu.memory_space<hbm>> -> memref<2097152xf32, #tpu.memory_space<hbm>>
    tpu.wait_indirect_dma semaphore(%arg14 : memref<!tpu.dma_semaphore, #tpu.memory_space<semaphore_mem>>) src(%dma_wait3A_716 : memref<2097152xf32, #tpu.memory_space<hbm>>) dst(%dma_wait3A_714 : memref<16xf32, #tpu.memory_space<vmem>>)
    %dma_wait3A_717 = arith.constant 7 : i32
    %dma_wait3A_718 = arith.constant 0 : i32
    %dma_wait3A_719 = tpu.memref_slice %arg12[%dma_wait3A_717, %dma_wait3A_718] : memref<10x64xf32, #tpu.memory_space<vmem>> -> memref<1x16xf32, #tpu.memory_space<vmem>>
    %dma_wait3A_720 = tpu.memref_squeeze %dma_wait3A_719 : memref<1x16xf32, #tpu.memory_space<vmem>> -> memref<16xf32, #tpu.memory_space<vmem>>
    %dma_wait3A_721 = arith.constant 0 : i32
    %dma_wait3A_722 = tpu.memref_slice %arg4[%dma_wait3A_721] : memref<2097152xf32, #tpu.memory_space<hbm>> -> memref<2097152xf32, #tpu.memory_space<hbm>>
    tpu.wait_indirect_dma semaphore(%arg14 : memref<!tpu.dma_semaphore, #tpu.memory_space<semaphore_mem>>) src(%dma_wait3A_722 : memref<2097152xf32, #tpu.memory_space<hbm>>) dst(%dma_wait3A_720 : memref<16xf32, #tpu.memory_space<vmem>>)
    %dma_wait3A_723 = arith.constant 8 : i32
    %dma_wait3A_724 = arith.constant 0 : i32
    %dma_wait3A_725 = tpu.memref_slice %arg12[%dma_wait3A_723, %dma_wait3A_724] : memref<10x64xf32, #tpu.memory_space<vmem>> -> memref<1x16xf32, #tpu.memory_space<vmem>>
    %dma_wait3A_726 = tpu.memref_squeeze %dma_wait3A_725 : memref<1x16xf32, #tpu.memory_space<vmem>> -> memref<16xf32, #tpu.memory_space<vmem>>
    %dma_wait3A_727 = arith.constant 0 : i32
    %dma_wait3A_728 = tpu.memref_slice %arg4[%dma_wait3A_727] : memref<2097152xf32, #tpu.memory_space<hbm>> -> memref<2097152xf32, #tpu.memory_space<hbm>>
    tpu.wait_indirect_dma semaphore(%arg14 : memref<!tpu.dma_semaphore, #tpu.memory_space<semaphore_mem>>) src(%dma_wait3A_728 : memref<2097152xf32, #tpu.memory_space<hbm>>) dst(%dma_wait3A_726 : memref<16xf32, #tpu.memory_space<vmem>>)
    %dma_wait3A_729 = arith.constant 9 : i32
    %dma_wait3A_730 = arith.constant 0 : i32
    %dma_wait3A_731 = tpu.memref_slice %arg12[%dma_wait3A_729, %dma_wait3A_730] : memref<10x64xf32, #tpu.memory_space<vmem>> -> memref<1x16xf32, #tpu.memory_space<vmem>>
    %dma_wait3A_732 = tpu.memref_squeeze %dma_wait3A_731 : memref<1x16xf32, #tpu.memory_space<vmem>> -> memref<16xf32, #tpu.memory_space<vmem>>
    %dma_wait3A_733 = arith.constant 0 : i32
    %dma_wait3A_734 = tpu.memref_slice %arg4[%dma_wait3A_733] : memref<2097152xf32, #tpu.memory_space<hbm>> -> memref<2097152xf32, #tpu.memory_space<hbm>>
    tpu.wait_indirect_dma semaphore(%arg14 : memref<!tpu.dma_semaphore, #tpu.memory_space<semaphore_mem>>) src(%dma_wait3A_734 : memref<2097152xf32, #tpu.memory_space<hbm>>) dst(%dma_wait3A_732 : memref<16xf32, #tpu.memory_space<vmem>>)
    %dma_wait3A_735 = arith.constant 0 : i32
    %dma_wait3A_736 = arith.constant 16 : i32
    %dma_wait3A_737 = tpu.memref_slice %arg12[%dma_wait3A_735, %dma_wait3A_736] : memref<10x64xf32, #tpu.memory_space<vmem>> -> memref<1x16xf32, #tpu.memory_space<vmem>>
    %dma_wait3A_738 = tpu.memref_squeeze %dma_wait3A_737 : memref<1x16xf32, #tpu.memory_space<vmem>> -> memref<16xf32, #tpu.memory_space<vmem>>
    %dma_wait3A_739 = arith.constant 0 : i32
    %dma_wait3A_740 = tpu.memref_slice %arg4[%dma_wait3A_739] : memref<2097152xf32, #tpu.memory_space<hbm>> -> memref<2097152xf32, #tpu.memory_space<hbm>>
    tpu.wait_indirect_dma semaphore(%arg14 : memref<!tpu.dma_semaphore, #tpu.memory_space<semaphore_mem>>) src(%dma_wait3A_740 : memref<2097152xf32, #tpu.memory_space<hbm>>) dst(%dma_wait3A_738 : memref<16xf32, #tpu.memory_space<vmem>>)
    %dma_wait3A_741 = arith.constant 1 : i32
    %dma_wait3A_742 = arith.constant 16 : i32
    %dma_wait3A_743 = tpu.memref_slice %arg12[%dma_wait3A_741, %dma_wait3A_742] : memref<10x64xf32, #tpu.memory_space<vmem>> -> memref<1x16xf32, #tpu.memory_space<vmem>>
    %dma_wait3A_744 = tpu.memref_squeeze %dma_wait3A_743 : memref<1x16xf32, #tpu.memory_space<vmem>> -> memref<16xf32, #tpu.memory_space<vmem>>
    %dma_wait3A_745 = arith.constant 0 : i32
    %dma_wait3A_746 = tpu.memref_slice %arg4[%dma_wait3A_745] : memref<2097152xf32, #tpu.memory_space<hbm>> -> memref<2097152xf32, #tpu.memory_space<hbm>>
    tpu.wait_indirect_dma semaphore(%arg14 : memref<!tpu.dma_semaphore, #tpu.memory_space<semaphore_mem>>) src(%dma_wait3A_746 : memref<2097152xf32, #tpu.memory_space<hbm>>) dst(%dma_wait3A_744 : memref<16xf32, #tpu.memory_space<vmem>>)
    %dma_wait3A_747 = arith.constant 2 : i32
    %dma_wait3A_748 = arith.constant 16 : i32
    %dma_wait3A_749 = tpu.memref_slice %arg12[%dma_wait3A_747, %dma_wait3A_748] : memref<10x64xf32, #tpu.memory_space<vmem>> -> memref<1x16xf32, #tpu.memory_space<vmem>>
    %dma_wait3A_750 = tpu.memref_squeeze %dma_wait3A_749 : memref<1x16xf32, #tpu.memory_space<vmem>> -> memref<16xf32, #tpu.memory_space<vmem>>
    %dma_wait3A_751 = arith.constant 0 : i32
    %dma_wait3A_752 = tpu.memref_slice %arg4[%dma_wait3A_751] : memref<2097152xf32, #tpu.memory_space<hbm>> -> memref<2097152xf32, #tpu.memory_space<hbm>>
    tpu.wait_indirect_dma semaphore(%arg14 : memref<!tpu.dma_semaphore, #tpu.memory_space<semaphore_mem>>) src(%dma_wait3A_752 : memref<2097152xf32, #tpu.memory_space<hbm>>) dst(%dma_wait3A_750 : memref<16xf32, #tpu.memory_space<vmem>>)
    %dma_wait3A_753 = arith.constant 3 : i32
    %dma_wait3A_754 = arith.constant 16 : i32
    %dma_wait3A_755 = tpu.memref_slice %arg12[%dma_wait3A_753, %dma_wait3A_754] : memref<10x64xf32, #tpu.memory_space<vmem>> -> memref<1x16xf32, #tpu.memory_space<vmem>>
    %dma_wait3A_756 = tpu.memref_squeeze %dma_wait3A_755 : memref<1x16xf32, #tpu.memory_space<vmem>> -> memref<16xf32, #tpu.memory_space<vmem>>
    %dma_wait3A_757 = arith.constant 0 : i32
    %dma_wait3A_758 = tpu.memref_slice %arg4[%dma_wait3A_757] : memref<2097152xf32, #tpu.memory_space<hbm>> -> memref<2097152xf32, #tpu.memory_space<hbm>>
    tpu.wait_indirect_dma semaphore(%arg14 : memref<!tpu.dma_semaphore, #tpu.memory_space<semaphore_mem>>) src(%dma_wait3A_758 : memref<2097152xf32, #tpu.memory_space<hbm>>) dst(%dma_wait3A_756 : memref<16xf32, #tpu.memory_space<vmem>>)
    %dma_wait3A_759 = arith.constant 4 : i32
    %dma_wait3A_760 = arith.constant 16 : i32
    %dma_wait3A_761 = tpu.memref_slice %arg12[%dma_wait3A_759, %dma_wait3A_760] : memref<10x64xf32, #tpu.memory_space<vmem>> -> memref<1x16xf32, #tpu.memory_space<vmem>>
    %dma_wait3A_762 = tpu.memref_squeeze %dma_wait3A_761 : memref<1x16xf32, #tpu.memory_space<vmem>> -> memref<16xf32, #tpu.memory_space<vmem>>
    %dma_wait3A_763 = arith.constant 0 : i32
    %dma_wait3A_764 = tpu.memref_slice %arg4[%dma_wait3A_763] : memref<2097152xf32, #tpu.memory_space<hbm>> -> memref<2097152xf32, #tpu.memory_space<hbm>>
    tpu.wait_indirect_dma semaphore(%arg14 : memref<!tpu.dma_semaphore, #tpu.memory_space<semaphore_mem>>) src(%dma_wait3A_764 : memref<2097152xf32, #tpu.memory_space<hbm>>) dst(%dma_wait3A_762 : memref<16xf32, #tpu.memory_space<vmem>>)
    %dma_wait3A_765 = arith.constant 5 : i32
    %dma_wait3A_766 = arith.constant 16 : i32
    %dma_wait3A_767 = tpu.memref_slice %arg12[%dma_wait3A_765, %dma_wait3A_766] : memref<10x64xf32, #tpu.memory_space<vmem>> -> memref<1x16xf32, #tpu.memory_space<vmem>>
    %dma_wait3A_768 = tpu.memref_squeeze %dma_wait3A_767 : memref<1x16xf32, #tpu.memory_space<vmem>> -> memref<16xf32, #tpu.memory_space<vmem>>
    %dma_wait3A_769 = arith.constant 0 : i32
    %dma_wait3A_770 = tpu.memref_slice %arg4[%dma_wait3A_769] : memref<2097152xf32, #tpu.memory_space<hbm>> -> memref<2097152xf32, #tpu.memory_space<hbm>>
    tpu.wait_indirect_dma semaphore(%arg14 : memref<!tpu.dma_semaphore, #tpu.memory_space<semaphore_mem>>) src(%dma_wait3A_770 : memref<2097152xf32, #tpu.memory_space<hbm>>) dst(%dma_wait3A_768 : memref<16xf32, #tpu.memory_space<vmem>>)
    %dma_wait3A_771 = arith.constant 6 : i32
    %dma_wait3A_772 = arith.constant 16 : i32
    %dma_wait3A_773 = tpu.memref_slice %arg12[%dma_wait3A_771, %dma_wait3A_772] : memref<10x64xf32, #tpu.memory_space<vmem>> -> memref<1x16xf32, #tpu.memory_space<vmem>>
    %dma_wait3A_774 = tpu.memref_squeeze %dma_wait3A_773 : memref<1x16xf32, #tpu.memory_space<vmem>> -> memref<16xf32, #tpu.memory_space<vmem>>
    %dma_wait3A_775 = arith.constant 0 : i32
    %dma_wait3A_776 = tpu.memref_slice %arg4[%dma_wait3A_775] : memref<2097152xf32, #tpu.memory_space<hbm>> -> memref<2097152xf32, #tpu.memory_space<hbm>>
    tpu.wait_indirect_dma semaphore(%arg14 : memref<!tpu.dma_semaphore, #tpu.memory_space<semaphore_mem>>) src(%dma_wait3A_776 : memref<2097152xf32, #tpu.memory_space<hbm>>) dst(%dma_wait3A_774 : memref<16xf32, #tpu.memory_space<vmem>>)
    %dma_wait3A_777 = arith.constant 7 : i32
    %dma_wait3A_778 = arith.constant 16 : i32
    %dma_wait3A_779 = tpu.memref_slice %arg12[%dma_wait3A_777, %dma_wait3A_778] : memref<10x64xf32, #tpu.memory_space<vmem>> -> memref<1x16xf32, #tpu.memory_space<vmem>>
    %dma_wait3A_780 = tpu.memref_squeeze %dma_wait3A_779 : memref<1x16xf32, #tpu.memory_space<vmem>> -> memref<16xf32, #tpu.memory_space<vmem>>
    %dma_wait3A_781 = arith.constant 0 : i32
    %dma_wait3A_782 = tpu.memref_slice %arg4[%dma_wait3A_781] : memref<2097152xf32, #tpu.memory_space<hbm>> -> memref<2097152xf32, #tpu.memory_space<hbm>>
    tpu.wait_indirect_dma semaphore(%arg14 : memref<!tpu.dma_semaphore, #tpu.memory_space<semaphore_mem>>) src(%dma_wait3A_782 : memref<2097152xf32, #tpu.memory_space<hbm>>) dst(%dma_wait3A_780 : memref<16xf32, #tpu.memory_space<vmem>>)
    %dma_wait3A_783 = arith.constant 8 : i32
    %dma_wait3A_784 = arith.constant 16 : i32
    %dma_wait3A_785 = tpu.memref_slice %arg12[%dma_wait3A_783, %dma_wait3A_784] : memref<10x64xf32, #tpu.memory_space<vmem>> -> memref<1x16xf32, #tpu.memory_space<vmem>>
    %dma_wait3A_786 = tpu.memref_squeeze %dma_wait3A_785 : memref<1x16xf32, #tpu.memory_space<vmem>> -> memref<16xf32, #tpu.memory_space<vmem>>
    %dma_wait3A_787 = arith.constant 0 : i32
    %dma_wait3A_788 = tpu.memref_slice %arg4[%dma_wait3A_787] : memref<2097152xf32, #tpu.memory_space<hbm>> -> memref<2097152xf32, #tpu.memory_space<hbm>>
    tpu.wait_indirect_dma semaphore(%arg14 : memref<!tpu.dma_semaphore, #tpu.memory_space<semaphore_mem>>) src(%dma_wait3A_788 : memref<2097152xf32, #tpu.memory_space<hbm>>) dst(%dma_wait3A_786 : memref<16xf32, #tpu.memory_space<vmem>>)
    %dma_wait3A_789 = arith.constant 9 : i32
    %dma_wait3A_790 = arith.constant 16 : i32
    %dma_wait3A_791 = tpu.memref_slice %arg12[%dma_wait3A_789, %dma_wait3A_790] : memref<10x64xf32, #tpu.memory_space<vmem>> -> memref<1x16xf32, #tpu.memory_space<vmem>>
    %dma_wait3A_792 = tpu.memref_squeeze %dma_wait3A_791 : memref<1x16xf32, #tpu.memory_space<vmem>> -> memref<16xf32, #tpu.memory_space<vmem>>
    %dma_wait3A_793 = arith.constant 0 : i32
    %dma_wait3A_794 = tpu.memref_slice %arg4[%dma_wait3A_793] : memref<2097152xf32, #tpu.memory_space<hbm>> -> memref<2097152xf32, #tpu.memory_space<hbm>>
    tpu.wait_indirect_dma semaphore(%arg14 : memref<!tpu.dma_semaphore, #tpu.memory_space<semaphore_mem>>) src(%dma_wait3A_794 : memref<2097152xf32, #tpu.memory_space<hbm>>) dst(%dma_wait3A_792 : memref<16xf32, #tpu.memory_space<vmem>>)
    %dma_wait3A_795 = arith.constant 0 : i32
    %dma_wait3A_796 = arith.constant 32 : i32
    %dma_wait3A_797 = tpu.memref_slice %arg12[%dma_wait3A_795, %dma_wait3A_796] : memref<10x64xf32, #tpu.memory_space<vmem>> -> memref<1x16xf32, #tpu.memory_space<vmem>>
    %dma_wait3A_798 = tpu.memref_squeeze %dma_wait3A_797 : memref<1x16xf32, #tpu.memory_space<vmem>> -> memref<16xf32, #tpu.memory_space<vmem>>
    %dma_wait3A_799 = arith.constant 0 : i32
    %dma_wait3A_800 = tpu.memref_slice %arg4[%dma_wait3A_799] : memref<2097152xf32, #tpu.memory_space<hbm>> -> memref<2097152xf32, #tpu.memory_space<hbm>>
    tpu.wait_indirect_dma semaphore(%arg14 : memref<!tpu.dma_semaphore, #tpu.memory_space<semaphore_mem>>) src(%dma_wait3A_800 : memref<2097152xf32, #tpu.memory_space<hbm>>) dst(%dma_wait3A_798 : memref<16xf32, #tpu.memory_space<vmem>>)
    %dma_wait3A_801 = arith.constant 1 : i32
    %dma_wait3A_802 = arith.constant 32 : i32
    %dma_wait3A_803 = tpu.memref_slice %arg12[%dma_wait3A_801, %dma_wait3A_802] : memref<10x64xf32, #tpu.memory_space<vmem>> -> memref<1x16xf32, #tpu.memory_space<vmem>>
    %dma_wait3A_804 = tpu.memref_squeeze %dma_wait3A_803 : memref<1x16xf32, #tpu.memory_space<vmem>> -> memref<16xf32, #tpu.memory_space<vmem>>
    %dma_wait3A_805 = arith.constant 0 : i32
    %dma_wait3A_806 = tpu.memref_slice %arg4[%dma_wait3A_805] : memref<2097152xf32, #tpu.memory_space<hbm>> -> memref<2097152xf32, #tpu.memory_space<hbm>>
    tpu.wait_indirect_dma semaphore(%arg14 : memref<!tpu.dma_semaphore, #tpu.memory_space<semaphore_mem>>) src(%dma_wait3A_806 : memref<2097152xf32, #tpu.memory_space<hbm>>) dst(%dma_wait3A_804 : memref<16xf32, #tpu.memory_space<vmem>>)
    %dma_wait3A_807 = arith.constant 2 : i32
    %dma_wait3A_808 = arith.constant 32 : i32
    %dma_wait3A_809 = tpu.memref_slice %arg12[%dma_wait3A_807, %dma_wait3A_808] : memref<10x64xf32, #tpu.memory_space<vmem>> -> memref<1x16xf32, #tpu.memory_space<vmem>>
    %dma_wait3A_810 = tpu.memref_squeeze %dma_wait3A_809 : memref<1x16xf32, #tpu.memory_space<vmem>> -> memref<16xf32, #tpu.memory_space<vmem>>
    %dma_wait3A_811 = arith.constant 0 : i32
    %dma_wait3A_812 = tpu.memref_slice %arg4[%dma_wait3A_811] : memref<2097152xf32, #tpu.memory_space<hbm>> -> memref<2097152xf32, #tpu.memory_space<hbm>>
    tpu.wait_indirect_dma semaphore(%arg14 : memref<!tpu.dma_semaphore, #tpu.memory_space<semaphore_mem>>) src(%dma_wait3A_812 : memref<2097152xf32, #tpu.memory_space<hbm>>) dst(%dma_wait3A_810 : memref<16xf32, #tpu.memory_space<vmem>>)
    %dma_wait3A_813 = arith.constant 3 : i32
    %dma_wait3A_814 = arith.constant 32 : i32
    %dma_wait3A_815 = tpu.memref_slice %arg12[%dma_wait3A_813, %dma_wait3A_814] : memref<10x64xf32, #tpu.memory_space<vmem>> -> memref<1x16xf32, #tpu.memory_space<vmem>>
    %dma_wait3A_816 = tpu.memref_squeeze %dma_wait3A_815 : memref<1x16xf32, #tpu.memory_space<vmem>> -> memref<16xf32, #tpu.memory_space<vmem>>
    %dma_wait3A_817 = arith.constant 0 : i32
    %dma_wait3A_818 = tpu.memref_slice %arg4[%dma_wait3A_817] : memref<2097152xf32, #tpu.memory_space<hbm>> -> memref<2097152xf32, #tpu.memory_space<hbm>>
    tpu.wait_indirect_dma semaphore(%arg14 : memref<!tpu.dma_semaphore, #tpu.memory_space<semaphore_mem>>) src(%dma_wait3A_818 : memref<2097152xf32, #tpu.memory_space<hbm>>) dst(%dma_wait3A_816 : memref<16xf32, #tpu.memory_space<vmem>>)
    %dma_wait3A_819 = arith.constant 4 : i32
    %dma_wait3A_820 = arith.constant 32 : i32
    %dma_wait3A_821 = tpu.memref_slice %arg12[%dma_wait3A_819, %dma_wait3A_820] : memref<10x64xf32, #tpu.memory_space<vmem>> -> memref<1x16xf32, #tpu.memory_space<vmem>>
    %dma_wait3A_822 = tpu.memref_squeeze %dma_wait3A_821 : memref<1x16xf32, #tpu.memory_space<vmem>> -> memref<16xf32, #tpu.memory_space<vmem>>
    %dma_wait3A_823 = arith.constant 0 : i32
    %dma_wait3A_824 = tpu.memref_slice %arg4[%dma_wait3A_823] : memref<2097152xf32, #tpu.memory_space<hbm>> -> memref<2097152xf32, #tpu.memory_space<hbm>>
    tpu.wait_indirect_dma semaphore(%arg14 : memref<!tpu.dma_semaphore, #tpu.memory_space<semaphore_mem>>) src(%dma_wait3A_824 : memref<2097152xf32, #tpu.memory_space<hbm>>) dst(%dma_wait3A_822 : memref<16xf32, #tpu.memory_space<vmem>>)
    %dma_wait3A_825 = arith.constant 5 : i32
    %dma_wait3A_826 = arith.constant 32 : i32
    %dma_wait3A_827 = tpu.memref_slice %arg12[%dma_wait3A_825, %dma_wait3A_826] : memref<10x64xf32, #tpu.memory_space<vmem>> -> memref<1x16xf32, #tpu.memory_space<vmem>>
    %dma_wait3A_828 = tpu.memref_squeeze %dma_wait3A_827 : memref<1x16xf32, #tpu.memory_space<vmem>> -> memref<16xf32, #tpu.memory_space<vmem>>
    %dma_wait3A_829 = arith.constant 0 : i32
    %dma_wait3A_830 = tpu.memref_slice %arg4[%dma_wait3A_829] : memref<2097152xf32, #tpu.memory_space<hbm>> -> memref<2097152xf32, #tpu.memory_space<hbm>>
    tpu.wait_indirect_dma semaphore(%arg14 : memref<!tpu.dma_semaphore, #tpu.memory_space<semaphore_mem>>) src(%dma_wait3A_830 : memref<2097152xf32, #tpu.memory_space<hbm>>) dst(%dma_wait3A_828 : memref<16xf32, #tpu.memory_space<vmem>>)
    %dma_wait3A_831 = arith.constant 6 : i32
    %dma_wait3A_832 = arith.constant 32 : i32
    %dma_wait3A_833 = tpu.memref_slice %arg12[%dma_wait3A_831, %dma_wait3A_832] : memref<10x64xf32, #tpu.memory_space<vmem>> -> memref<1x16xf32, #tpu.memory_space<vmem>>
    %dma_wait3A_834 = tpu.memref_squeeze %dma_wait3A_833 : memref<1x16xf32, #tpu.memory_space<vmem>> -> memref<16xf32, #tpu.memory_space<vmem>>
    %dma_wait3A_835 = arith.constant 0 : i32
    %dma_wait3A_836 = tpu.memref_slice %arg4[%dma_wait3A_835] : memref<2097152xf32, #tpu.memory_space<hbm>> -> memref<2097152xf32, #tpu.memory_space<hbm>>
    tpu.wait_indirect_dma semaphore(%arg14 : memref<!tpu.dma_semaphore, #tpu.memory_space<semaphore_mem>>) src(%dma_wait3A_836 : memref<2097152xf32, #tpu.memory_space<hbm>>) dst(%dma_wait3A_834 : memref<16xf32, #tpu.memory_space<vmem>>)
    %dma_wait3A_837 = arith.constant 7 : i32
    %dma_wait3A_838 = arith.constant 32 : i32
    %dma_wait3A_839 = tpu.memref_slice %arg12[%dma_wait3A_837, %dma_wait3A_838] : memref<10x64xf32, #tpu.memory_space<vmem>> -> memref<1x16xf32, #tpu.memory_space<vmem>>
    %dma_wait3A_840 = tpu.memref_squeeze %dma_wait3A_839 : memref<1x16xf32, #tpu.memory_space<vmem>> -> memref<16xf32, #tpu.memory_space<vmem>>
    %dma_wait3A_841 = arith.constant 0 : i32
    %dma_wait3A_842 = tpu.memref_slice %arg4[%dma_wait3A_841] : memref<2097152xf32, #tpu.memory_space<hbm>> -> memref<2097152xf32, #tpu.memory_space<hbm>>
    tpu.wait_indirect_dma semaphore(%arg14 : memref<!tpu.dma_semaphore, #tpu.memory_space<semaphore_mem>>) src(%dma_wait3A_842 : memref<2097152xf32, #tpu.memory_space<hbm>>) dst(%dma_wait3A_840 : memref<16xf32, #tpu.memory_space<vmem>>)
    %dma_wait3A_843 = arith.constant 8 : i32
    %dma_wait3A_844 = arith.constant 32 : i32
    %dma_wait3A_845 = tpu.memref_slice %arg12[%dma_wait3A_843, %dma_wait3A_844] : memref<10x64xf32, #tpu.memory_space<vmem>> -> memref<1x16xf32, #tpu.memory_space<vmem>>
    %dma_wait3A_846 = tpu.memref_squeeze %dma_wait3A_845 : memref<1x16xf32, #tpu.memory_space<vmem>> -> memref<16xf32, #tpu.memory_space<vmem>>
    %dma_wait3A_847 = arith.constant 0 : i32
    %dma_wait3A_848 = tpu.memref_slice %arg4[%dma_wait3A_847] : memref<2097152xf32, #tpu.memory_space<hbm>> -> memref<2097152xf32, #tpu.memory_space<hbm>>
    tpu.wait_indirect_dma semaphore(%arg14 : memref<!tpu.dma_semaphore, #tpu.memory_space<semaphore_mem>>) src(%dma_wait3A_848 : memref<2097152xf32, #tpu.memory_space<hbm>>) dst(%dma_wait3A_846 : memref<16xf32, #tpu.memory_space<vmem>>)
    %dma_wait3A_849 = arith.constant 9 : i32
    %dma_wait3A_850 = arith.constant 32 : i32
    %dma_wait3A_851 = tpu.memref_slice %arg12[%dma_wait3A_849, %dma_wait3A_850] : memref<10x64xf32, #tpu.memory_space<vmem>> -> memref<1x16xf32, #tpu.memory_space<vmem>>
    %dma_wait3A_852 = tpu.memref_squeeze %dma_wait3A_851 : memref<1x16xf32, #tpu.memory_space<vmem>> -> memref<16xf32, #tpu.memory_space<vmem>>
    %dma_wait3A_853 = arith.constant 0 : i32
    %dma_wait3A_854 = tpu.memref_slice %arg4[%dma_wait3A_853] : memref<2097152xf32, #tpu.memory_space<hbm>> -> memref<2097152xf32, #tpu.memory_space<hbm>>
    tpu.wait_indirect_dma semaphore(%arg14 : memref<!tpu.dma_semaphore, #tpu.memory_space<semaphore_mem>>) src(%dma_wait3A_854 : memref<2097152xf32, #tpu.memory_space<hbm>>) dst(%dma_wait3A_852 : memref<16xf32, #tpu.memory_space<vmem>>)
    %dma_wait3A_855 = arith.constant 0 : i32
    %dma_wait3A_856 = arith.constant 48 : i32
    %dma_wait3A_857 = tpu.memref_slice %arg12[%dma_wait3A_855, %dma_wait3A_856] : memref<10x64xf32, #tpu.memory_space<vmem>> -> memref<1x16xf32, #tpu.memory_space<vmem>>
    %dma_wait3A_858 = tpu.memref_squeeze %dma_wait3A_857 : memref<1x16xf32, #tpu.memory_space<vmem>> -> memref<16xf32, #tpu.memory_space<vmem>>
    %dma_wait3A_859 = arith.constant 0 : i32
    %dma_wait3A_860 = tpu.memref_slice %arg4[%dma_wait3A_859] : memref<2097152xf32, #tpu.memory_space<hbm>> -> memref<2097152xf32, #tpu.memory_space<hbm>>
    tpu.wait_indirect_dma semaphore(%arg14 : memref<!tpu.dma_semaphore, #tpu.memory_space<semaphore_mem>>) src(%dma_wait3A_860 : memref<2097152xf32, #tpu.memory_space<hbm>>) dst(%dma_wait3A_858 : memref<16xf32, #tpu.memory_space<vmem>>)
    %dma_wait3A_861 = arith.constant 1 : i32
    %dma_wait3A_862 = arith.constant 48 : i32
    %dma_wait3A_863 = tpu.memref_slice %arg12[%dma_wait3A_861, %dma_wait3A_862] : memref<10x64xf32, #tpu.memory_space<vmem>> -> memref<1x16xf32, #tpu.memory_space<vmem>>
    %dma_wait3A_864 = tpu.memref_squeeze %dma_wait3A_863 : memref<1x16xf32, #tpu.memory_space<vmem>> -> memref<16xf32, #tpu.memory_space<vmem>>
    %dma_wait3A_865 = arith.constant 0 : i32
    %dma_wait3A_866 = tpu.memref_slice %arg4[%dma_wait3A_865] : memref<2097152xf32, #tpu.memory_space<hbm>> -> memref<2097152xf32, #tpu.memory_space<hbm>>
    tpu.wait_indirect_dma semaphore(%arg14 : memref<!tpu.dma_semaphore, #tpu.memory_space<semaphore_mem>>) src(%dma_wait3A_866 : memref<2097152xf32, #tpu.memory_space<hbm>>) dst(%dma_wait3A_864 : memref<16xf32, #tpu.memory_space<vmem>>)
    %dma_wait3A_867 = arith.constant 2 : i32
    %dma_wait3A_868 = arith.constant 48 : i32
    %dma_wait3A_869 = tpu.memref_slice %arg12[%dma_wait3A_867, %dma_wait3A_868] : memref<10x64xf32, #tpu.memory_space<vmem>> -> memref<1x16xf32, #tpu.memory_space<vmem>>
    %dma_wait3A_870 = tpu.memref_squeeze %dma_wait3A_869 : memref<1x16xf32, #tpu.memory_space<vmem>> -> memref<16xf32, #tpu.memory_space<vmem>>
    %dma_wait3A_871 = arith.constant 0 : i32
    %dma_wait3A_872 = tpu.memref_slice %arg4[%dma_wait3A_871] : memref<2097152xf32, #tpu.memory_space<hbm>> -> memref<2097152xf32, #tpu.memory_space<hbm>>
    tpu.wait_indirect_dma semaphore(%arg14 : memref<!tpu.dma_semaphore, #tpu.memory_space<semaphore_mem>>) src(%dma_wait3A_872 : memref<2097152xf32, #tpu.memory_space<hbm>>) dst(%dma_wait3A_870 : memref<16xf32, #tpu.memory_space<vmem>>)
    %dma_wait3A_873 = arith.constant 3 : i32
    %dma_wait3A_874 = arith.constant 48 : i32
    %dma_wait3A_875 = tpu.memref_slice %arg12[%dma_wait3A_873, %dma_wait3A_874] : memref<10x64xf32, #tpu.memory_space<vmem>> -> memref<1x16xf32, #tpu.memory_space<vmem>>
    %dma_wait3A_876 = tpu.memref_squeeze %dma_wait3A_875 : memref<1x16xf32, #tpu.memory_space<vmem>> -> memref<16xf32, #tpu.memory_space<vmem>>
    %dma_wait3A_877 = arith.constant 0 : i32
    %dma_wait3A_878 = tpu.memref_slice %arg4[%dma_wait3A_877] : memref<2097152xf32, #tpu.memory_space<hbm>> -> memref<2097152xf32, #tpu.memory_space<hbm>>
    tpu.wait_indirect_dma semaphore(%arg14 : memref<!tpu.dma_semaphore, #tpu.memory_space<semaphore_mem>>) src(%dma_wait3A_878 : memref<2097152xf32, #tpu.memory_space<hbm>>) dst(%dma_wait3A_876 : memref<16xf32, #tpu.memory_space<vmem>>)
    %dma_wait3A_879 = arith.constant 4 : i32
    %dma_wait3A_880 = arith.constant 48 : i32
    %dma_wait3A_881 = tpu.memref_slice %arg12[%dma_wait3A_879, %dma_wait3A_880] : memref<10x64xf32, #tpu.memory_space<vmem>> -> memref<1x16xf32, #tpu.memory_space<vmem>>
    %dma_wait3A_882 = tpu.memref_squeeze %dma_wait3A_881 : memref<1x16xf32, #tpu.memory_space<vmem>> -> memref<16xf32, #tpu.memory_space<vmem>>
    %dma_wait3A_883 = arith.constant 0 : i32
    %dma_wait3A_884 = tpu.memref_slice %arg4[%dma_wait3A_883] : memref<2097152xf32, #tpu.memory_space<hbm>> -> memref<2097152xf32, #tpu.memory_space<hbm>>
    tpu.wait_indirect_dma semaphore(%arg14 : memref<!tpu.dma_semaphore, #tpu.memory_space<semaphore_mem>>) src(%dma_wait3A_884 : memref<2097152xf32, #tpu.memory_space<hbm>>) dst(%dma_wait3A_882 : memref<16xf32, #tpu.memory_space<vmem>>)
    %dma_wait3A_885 = arith.constant 5 : i32
    %dma_wait3A_886 = arith.constant 48 : i32
    %dma_wait3A_887 = tpu.memref_slice %arg12[%dma_wait3A_885, %dma_wait3A_886] : memref<10x64xf32, #tpu.memory_space<vmem>> -> memref<1x16xf32, #tpu.memory_space<vmem>>
    %dma_wait3A_888 = tpu.memref_squeeze %dma_wait3A_887 : memref<1x16xf32, #tpu.memory_space<vmem>> -> memref<16xf32, #tpu.memory_space<vmem>>
    %dma_wait3A_889 = arith.constant 0 : i32
    %dma_wait3A_890 = tpu.memref_slice %arg4[%dma_wait3A_889] : memref<2097152xf32, #tpu.memory_space<hbm>> -> memref<2097152xf32, #tpu.memory_space<hbm>>
    tpu.wait_indirect_dma semaphore(%arg14 : memref<!tpu.dma_semaphore, #tpu.memory_space<semaphore_mem>>) src(%dma_wait3A_890 : memref<2097152xf32, #tpu.memory_space<hbm>>) dst(%dma_wait3A_888 : memref<16xf32, #tpu.memory_space<vmem>>)
    %dma_wait3A_891 = arith.constant 6 : i32
    %dma_wait3A_892 = arith.constant 48 : i32
    %dma_wait3A_893 = tpu.memref_slice %arg12[%dma_wait3A_891, %dma_wait3A_892] : memref<10x64xf32, #tpu.memory_space<vmem>> -> memref<1x16xf32, #tpu.memory_space<vmem>>
    %dma_wait3A_894 = tpu.memref_squeeze %dma_wait3A_893 : memref<1x16xf32, #tpu.memory_space<vmem>> -> memref<16xf32, #tpu.memory_space<vmem>>
    %dma_wait3A_895 = arith.constant 0 : i32
    %dma_wait3A_896 = tpu.memref_slice %arg4[%dma_wait3A_895] : memref<2097152xf32, #tpu.memory_space<hbm>> -> memref<2097152xf32, #tpu.memory_space<hbm>>
    tpu.wait_indirect_dma semaphore(%arg14 : memref<!tpu.dma_semaphore, #tpu.memory_space<semaphore_mem>>) src(%dma_wait3A_896 : memref<2097152xf32, #tpu.memory_space<hbm>>) dst(%dma_wait3A_894 : memref<16xf32, #tpu.memory_space<vmem>>)
    %dma_wait3A_897 = arith.constant 7 : i32
    %dma_wait3A_898 = arith.constant 48 : i32
    %dma_wait3A_899 = tpu.memref_slice %arg12[%dma_wait3A_897, %dma_wait3A_898] : memref<10x64xf32, #tpu.memory_space<vmem>> -> memref<1x16xf32, #tpu.memory_space<vmem>>
    %dma_wait3A_900 = tpu.memref_squeeze %dma_wait3A_899 : memref<1x16xf32, #tpu.memory_space<vmem>> -> memref<16xf32, #tpu.memory_space<vmem>>
    %dma_wait3A_901 = arith.constant 0 : i32
    %dma_wait3A_902 = tpu.memref_slice %arg4[%dma_wait3A_901] : memref<2097152xf32, #tpu.memory_space<hbm>> -> memref<2097152xf32, #tpu.memory_space<hbm>>
    tpu.wait_indirect_dma semaphore(%arg14 : memref<!tpu.dma_semaphore, #tpu.memory_space<semaphore_mem>>) src(%dma_wait3A_902 : memref<2097152xf32, #tpu.memory_space<hbm>>) dst(%dma_wait3A_900 : memref<16xf32, #tpu.memory_space<vmem>>)
    %dma_wait3A_903 = arith.constant 8 : i32
    %dma_wait3A_904 = arith.constant 48 : i32
    %dma_wait3A_905 = tpu.memref_slice %arg12[%dma_wait3A_903, %dma_wait3A_904] : memref<10x64xf32, #tpu.memory_space<vmem>> -> memref<1x16xf32, #tpu.memory_space<vmem>>
    %dma_wait3A_906 = tpu.memref_squeeze %dma_wait3A_905 : memref<1x16xf32, #tpu.memory_space<vmem>> -> memref<16xf32, #tpu.memory_space<vmem>>
    %dma_wait3A_907 = arith.constant 0 : i32
    %dma_wait3A_908 = tpu.memref_slice %arg4[%dma_wait3A_907] : memref<2097152xf32, #tpu.memory_space<hbm>> -> memref<2097152xf32, #tpu.memory_space<hbm>>
    tpu.wait_indirect_dma semaphore(%arg14 : memref<!tpu.dma_semaphore, #tpu.memory_space<semaphore_mem>>) src(%dma_wait3A_908 : memref<2097152xf32, #tpu.memory_space<hbm>>) dst(%dma_wait3A_906 : memref<16xf32, #tpu.memory_space<vmem>>)
    %dma_wait3A_909 = arith.constant 9 : i32
    %dma_wait3A_910 = arith.constant 48 : i32
    %dma_wait3A_911 = tpu.memref_slice %arg12[%dma_wait3A_909, %dma_wait3A_910] : memref<10x64xf32, #tpu.memory_space<vmem>> -> memref<1x16xf32, #tpu.memory_space<vmem>>
    %dma_wait3A_912 = tpu.memref_squeeze %dma_wait3A_911 : memref<1x16xf32, #tpu.memory_space<vmem>> -> memref<16xf32, #tpu.memory_space<vmem>>
    %dma_wait3A_913 = arith.constant 0 : i32
    %dma_wait3A_914 = tpu.memref_slice %arg4[%dma_wait3A_913] : memref<2097152xf32, #tpu.memory_space<hbm>> -> memref<2097152xf32, #tpu.memory_space<hbm>>
    tpu.wait_indirect_dma semaphore(%arg14 : memref<!tpu.dma_semaphore, #tpu.memory_space<semaphore_mem>>) src(%dma_wait3A_914 : memref<2097152xf32, #tpu.memory_space<hbm>>) dst(%dma_wait3A_912 : memref<16xf32, #tpu.memory_space<vmem>>)
    %get3A_915 = arith.constant 0 : index
    %get3A_916 = tpu.vector_load %arg11[%get3A_915] {strides = array<i32>} : memref<64xi32, #tpu.memory_space<vmem>>, vector<16xi32>,
    %get3A_917 = arith.constant 0 : index
    %get3A_918 = tpu.vector_load %arg10[%get3A_917] {strides = array<i32>} : memref<64xf32, #tpu.memory_space<vmem>>, vector<16xf32>,
    %and3A_919 = arith.constant 262143 : i32
    %and3A_920 = vector.broadcast %and3A_919 : i32 to vector<16xi32>
    %and3A_921 = arith.andi %get3A_916, %and3A_920 : vector<16xi32>
    %shift_right_logical3A_922 = arith.constant 18 : i32
    %shift_right_logical3A_923 = vector.broadcast %shift_right_logical3A_922 : i32 to vector<16xi32>
    %shift_right_logical3A_924 = arith.shrui %get3A_916, %shift_right_logical3A_923 : vector<16xi32>
    %convert_element_type3A = arith.sitofp %shift_right_logical3A_924 : vector<16xi32> to vector<16xf32>
    %shift_right_logical3A_925 = arith.constant 9 : i32
    %shift_right_logical3A_926 = vector.broadcast %shift_right_logical3A_925 : i32 to vector<16xi32>
    %shift_right_logical3A_927 = arith.shrui %and3A_921, %shift_right_logical3A_926 : vector<16xi32>
    %convert_element_type3A_928 = arith.sitofp %shift_right_logical3A_927 : vector<16xi32> to vector<16xf32>
    %and3A_929 = arith.constant 511 : i32
    %and3A_930 = vector.broadcast %and3A_929 : i32 to vector<16xi32>
    %and3A_931 = arith.andi %and3A_921, %and3A_930 : vector<16xi32>
    %convert_element_type3A_932 = arith.sitofp %and3A_931 : vector<16xi32> to vector<16xf32>
    %get3A_933 = arith.constant 0 : i32
    %get3A_934 = arith.index_cast %get3A_933 : i32 to index
    %get3A_935 = arith.constant 0 : index
    %get3A_936 = tpu.vector_load %arg12[%get3A_934, %get3A_935] {strides = array<i32>} : memref<10x64xf32, #tpu.memory_space<vmem>>, vector<16xf32>,
    %get3A_937 = arith.constant 1 : i32
    %get3A_938 = arith.index_cast %get3A_937 : i32 to index
    %get3A_939 = arith.constant 0 : index
    %get3A_940 = tpu.vector_load %arg12[%get3A_938, %get3A_939] {strides = array<i32>} : memref<10x64xf32, #tpu.memory_space<vmem>>, vector<16xf32>,
    %get3A_941 = arith.constant 2 : i32
    %get3A_942 = arith.index_cast %get3A_941 : i32 to index
    %get3A_943 = arith.constant 0 : index
    %get3A_944 = tpu.vector_load %arg12[%get3A_942, %get3A_943] {strides = array<i32>} : memref<10x64xf32, #tpu.memory_space<vmem>>, vector<16xf32>,
    %get3A_945 = arith.constant 3 : i32
    %get3A_946 = arith.index_cast %get3A_945 : i32 to index
    %get3A_947 = arith.constant 0 : index
    %get3A_948 = tpu.vector_load %arg12[%get3A_946, %get3A_947] {strides = array<i32>} : memref<10x64xf32, #tpu.memory_space<vmem>>, vector<16xf32>,
    %exp3A = math.exp %get3A_948 : vector<16xf32>
    %get3A_949 = arith.constant 4 : i32
    %get3A_950 = arith.index_cast %get3A_949 : i32 to index
    %get3A_951 = arith.constant 0 : index
    %get3A_952 = tpu.vector_load %arg12[%get3A_950, %get3A_951] {strides = array<i32>} : memref<10x64xf32, #tpu.memory_space<vmem>>, vector<16xf32>,
    %exp3A_953 = math.exp %get3A_952 : vector<16xf32>
    %get3A_954 = arith.constant 5 : i32
    %get3A_955 = arith.index_cast %get3A_954 : i32 to index
    %get3A_956 = arith.constant 0 : index
    %get3A_957 = tpu.vector_load %arg12[%get3A_955, %get3A_956] {strides = array<i32>} : memref<10x64xf32, #tpu.memory_space<vmem>>, vector<16xf32>,
    %exp3A_958 = math.exp %get3A_957 : vector<16xf32>
    %get3A_959 = arith.constant 6 : i32
    %get3A_960 = arith.index_cast %get3A_959 : i32 to index
    %get3A_961 = arith.constant 0 : index
    %get3A_962 = tpu.vector_load %arg12[%get3A_960, %get3A_961] {strides = array<i32>} : memref<10x64xf32, #tpu.memory_space<vmem>>, vector<16xf32>,
    %get3A_963 = arith.constant 7 : i32
    %get3A_964 = arith.index_cast %get3A_963 : i32 to index
    %get3A_965 = arith.constant 0 : index
    %get3A_966 = tpu.vector_load %arg12[%get3A_964, %get3A_965] {strides = array<i32>} : memref<10x64xf32, #tpu.memory_space<vmem>>, vector<16xf32>,
    %abs3A = math.absf %get3A_962 : vector<16xf32>
    %abs3A_967 = math.absf %get3A_966 : vector<16xf32>
    %max3A = arith.maximumf %abs3A, %abs3A_967 : vector<16xf32>
    %min3A = arith.minimumf %abs3A, %abs3A_967 : vector<16xf32>
    %max3A_968 = arith.constant 1.000000e-30 : f32
    %max3A_969 = vector.broadcast %max3A_968 : f32 to vector<16xf32>
    %max3A_970 = arith.maximumf %max3A, %max3A_969 : vector<16xf32>
    %div3A_971 = arith.divf %min3A, %max3A_970 : vector<16xf32>
    %mul3A_972 = arith.mulf %div3A_971, %div3A_971 : vector<16xf32>
    %broadcast_in_dim3A = arith.constant -0.00187735213 : f32
    %broadcast_in_dim3A_973 = vector.broadcast %broadcast_in_dim3A : f32 to vector<16xf32>
    %mul3A_974 = arith.mulf %broadcast_in_dim3A_973, %mul3A_972 : vector<16xf32>
    %add3A_975 = arith.constant 0.0112567721 : f32
    %add3A_976 = vector.broadcast %add3A_975 : f32 to vector<16xf32>
    %add3A_977 = arith.addf %mul3A_974, %add3A_976 : vector<16xf32>
    %mul3A_978 = arith.mulf %add3A_977, %mul3A_972 : vector<16xf32>
    %add3A_979 = arith.constant -0.0317490809 : f32
    %add3A_980 = vector.broadcast %add3A_979 : f32 to vector<16xf32>
    %add3A_981 = arith.addf %mul3A_978, %add3A_980 : vector<16xf32>
    %mul3A_982 = arith.mulf %add3A_981, %mul3A_972 : vector<16xf32>
    %add3A_983 = arith.constant 0.0584565066 : f32
    %add3A_984 = vector.broadcast %add3A_983 : f32 to vector<16xf32>
    %add3A_985 = arith.addf %mul3A_982, %add3A_984 : vector<16xf32>
    %mul3A_986 = arith.mulf %add3A_985, %mul3A_972 : vector<16xf32>
    %add3A_987 = arith.constant -0.0842756107 : f32
    %add3A_988 = vector.broadcast %add3A_987 : f32 to vector<16xf32>
    %add3A_989 = arith.addf %mul3A_986, %add3A_988 : vector<16xf32>
    %mul3A_990 = arith.mulf %add3A_989, %mul3A_972 : vector<16xf32>
    %add3A_991 = arith.constant 0.109583415 : f32
    %add3A_992 = vector.broadcast %add3A_991 : f32 to vector<16xf32>
    %add3A_993 = arith.addf %mul3A_990, %add3A_992 : vector<16xf32>
    %mul3A_994 = arith.mulf %add3A_993, %mul3A_972 : vector<16xf32>
    %add3A_995 = arith.constant -0.142648891 : f32
    %add3A_996 = vector.broadcast %add3A_995 : f32 to vector<16xf32>
    %add3A_997 = arith.addf %mul3A_994, %add3A_996 : vector<16xf32>
    %mul3A_998 = arith.mulf %add3A_997, %mul3A_972 : vector<16xf32>
    %add3A_999 = arith.constant 0.199985325 : f32
    %add3A_1000 = vector.broadcast %add3A_999 : f32 to vector<16xf32>
    %add3A_1001 = arith.addf %mul3A_998, %add3A_1000 : vector<16xf32>
    %mul3A_1002 = arith.mulf %add3A_1001, %mul3A_972 : vector<16xf32>
    %add3A_1003 = arith.constant -0.333332926 : f32
    %add3A_1004 = vector.broadcast %add3A_1003 : f32 to vector<16xf32>
    %add3A_1005 = arith.addf %mul3A_1002, %add3A_1004 : vector<16xf32>
    %mul3A_1006 = arith.mulf %add3A_1005, %mul3A_972 : vector<16xf32>
    %add3A_1007 = arith.constant 1.000000e+00 : f32
    %add3A_1008 = vector.broadcast %add3A_1007 : f32 to vector<16xf32>
    %add3A_1009 = arith.addf %mul3A_1006, %add3A_1008 : vector<16xf32>
    %mul3A_1010 = arith.mulf %div3A_971, %add3A_1009 : vector<16xf32>
    %gt3A = arith.cmpf ogt, %abs3A, %abs3A_967 : vector<16xf32>
    %sub3A_1011 = arith.constant 1.57079637 : f32
    %sub3A_1012 = vector.broadcast %sub3A_1011 : f32 to vector<16xf32>
    %sub3A_1013 = arith.subf %sub3A_1012, %mul3A_1010 : vector<16xf32>
    %select_n3A_1014 = arith.select %gt3A, %sub3A_1013, %mul3A_1010 : vector<16xi1>, vector<16xf32>
    %lt3A = arith.constant 0.000000e+00 : f32
    %lt3A_1015 = vector.broadcast %lt3A : f32 to vector<16xf32>
    %lt3A_1016 = arith.cmpf olt, %get3A_966, %lt3A_1015 : vector<16xf32>
    %sub3A_1017 = arith.constant 3.14159274 : f32
    %sub3A_1018 = vector.broadcast %sub3A_1017 : f32 to vector<16xf32>
    %sub3A_1019 = arith.subf %sub3A_1018, %select_n3A_1014 : vector<16xf32>
    %select_n3A_1020 = arith.select %lt3A_1016, %sub3A_1019, %select_n3A_1014 : vector<16xi1>, vector<16xf32>
    %lt3A_1021 = arith.constant 0.000000e+00 : f32
    %lt3A_1022 = vector.broadcast %lt3A_1021 : f32 to vector<16xf32>
    %lt3A_1023 = arith.cmpf olt, %get3A_962, %lt3A_1022 : vector<16xf32>
    %neg3A = arith.constant 0.000000e+00 : f32
    %neg3A_1024 = vector.broadcast %neg3A : f32 to vector<16xf32>
    %neg3A_1025 = arith.subf %neg3A_1024, %select_n3A_1020 : vector<16xf32>
    %select_n3A_1026 = arith.select %lt3A_1023, %neg3A_1025, %select_n3A_1020 : vector<16xi1>, vector<16xf32>
    %get3A_1027 = arith.constant 8 : i32
    %get3A_1028 = arith.index_cast %get3A_1027 : i32 to index
    %get3A_1029 = arith.constant 0 : index
    %get3A_1030 = tpu.vector_load %arg12[%get3A_1028, %get3A_1029] {strides = array<i32>} : memref<10x64xf32, #tpu.memory_space<vmem>>, vector<16xf32>,
    %get3A_1031 = arith.constant 9 : i32
    %get3A_1032 = arith.index_cast %get3A_1031 : i32 to index
    %get3A_1033 = arith.constant 0 : index
    %get3A_1034 = tpu.vector_load %arg12[%get3A_1032, %get3A_1033] {strides = array<i32>} : memref<10x64xf32, #tpu.memory_space<vmem>>, vector<16xf32>,
    %add3A_1035 = arith.addf %convert_element_type3A_932, %get3A_936 : vector<16xf32>
    %mul3A_1036 = arith.constant 4.000000e+00 : f32
    %mul3A_1037 = vector.broadcast %mul3A_1036 : f32 to vector<16xf32>
    %mul3A_1038 = arith.mulf %add3A_1035, %mul3A_1037 : vector<16xf32>
    %add3A_1039 = arith.addf %convert_element_type3A_928, %get3A_940 : vector<16xf32>
    %mul3A_1040 = arith.constant 4.000000e+00 : f32
    %mul3A_1041 = vector.broadcast %mul3A_1040 : f32 to vector<16xf32>
    %mul3A_1042 = arith.mulf %add3A_1039, %mul3A_1041 : vector<16xf32>
    %gt3A_1043 = arith.constant 1.000000e-01 : f32
    %gt3A_1044 = vector.broadcast %gt3A_1043 : f32 to vector<16xf32>
    %gt3A_1045 = arith.cmpf ogt, %get3A_918, %gt3A_1044 : vector<16xf32>
    %gt3A_1046 = arith.constant 0.000000e+00 : f32
    %gt3A_1047 = vector.broadcast %gt3A_1046 : f32 to vector<16xf32>
    %gt3A_1048 = arith.cmpf ogt, %mul3A_1038, %gt3A_1047 : vector<16xf32>
    %and3A_1049 = arith.andi %gt3A_1045, %gt3A_1048 : vector<16xi1>
    %lt3A_1050 = arith.constant 2.048000e+03 : f32
    %lt3A_1051 = vector.broadcast %lt3A_1050 : f32 to vector<16xf32>
    %lt3A_1052 = arith.cmpf olt, %mul3A_1038, %lt3A_1051 : vector<16xf32>
    %and3A_1053 = arith.andi %and3A_1049, %lt3A_1052 : vector<16xi1>
    %gt3A_1054 = arith.constant 0.000000e+00 : f32
    %gt3A_1055 = vector.broadcast %gt3A_1054 : f32 to vector<16xf32>
    %gt3A_1056 = arith.cmpf ogt, %mul3A_1042, %gt3A_1055 : vector<16xf32>
    %and3A_1057 = arith.andi %and3A_1053, %gt3A_1056 : vector<16xi1>
    %lt3A_1058 = arith.constant 2.048000e+03 : f32
    %lt3A_1059 = vector.broadcast %lt3A_1058 : f32 to vector<16xf32>
    %lt3A_1060 = arith.cmpf olt, %mul3A_1042, %lt3A_1059 : vector<16xf32>
    %and3A_1061 = arith.andi %and3A_1057, %lt3A_1060 : vector<16xi1>
    %jit3A_1062 = arith.constant 0.000000e+00 : f32
    %broadcast_in_dim3A_1063 = vector.broadcast %jit3A_1062 : f32 to vector<16xf32>
    %select_n3A_1064 = arith.select %and3A_1061, %get3A_918, %broadcast_in_dim3A_1063 : vector<16xi1>, vector<16xf32>
    %add3A_1065 = arith.constant 0 : i32
    %add3A_1066 = vector.broadcast %add3A_1065 : i32 to vector<16xi32>
    %add3A_1067 = arith.addi %add3A_1066, %iota3A : vector<16xi32>
    %broadcast_in_dim3A_1068 = arith.constant 0 : i32
    %broadcast_in_dim3A_1069 = vector.broadcast %broadcast_in_dim3A_1068 : i32 to vector<16xi32>
    tpu.vector_store_idx %arg13[%add3A_1067, %broadcast_in_dim3A_1069], %mul3A_1038 : memref<64x16xf32, #tpu.memory_space<vmem>>[vector<16xi32>, vector<16xi32>], vector<16xf32>,
    %add3A_1070 = arith.constant 0 : i32
    %add3A_1071 = vector.broadcast %add3A_1070 : i32 to vector<16xi32>
    %add3A_1072 = arith.addi %add3A_1071, %iota3A : vector<16xi32>
    %broadcast_in_dim3A_1073 = arith.constant 1 : i32
    %broadcast_in_dim3A_1074 = vector.broadcast %broadcast_in_dim3A_1073 : i32 to vector<16xi32>
    tpu.vector_store_idx %arg13[%add3A_1072, %broadcast_in_dim3A_1074], %mul3A_1042 : memref<64x16xf32, #tpu.memory_space<vmem>>[vector<16xi32>, vector<16xi32>], vector<16xf32>,
    %add3A_1075 = arith.constant 0 : i32
    %add3A_1076 = vector.broadcast %add3A_1075 : i32 to vector<16xi32>
    %add3A_1077 = arith.addi %add3A_1076, %iota3A : vector<16xi32>
    %broadcast_in_dim3A_1078 = arith.constant 2 : i32
    %broadcast_in_dim3A_1079 = vector.broadcast %broadcast_in_dim3A_1078 : i32 to vector<16xi32>
    tpu.vector_store_idx %arg13[%add3A_1077, %broadcast_in_dim3A_1079], %get3A_944 : memref<64x16xf32, #tpu.memory_space<vmem>>[vector<16xi32>, vector<16xi32>], vector<16xf32>,
    %add3A_1080 = arith.constant 0 : i32
    %add3A_1081 = vector.broadcast %add3A_1080 : i32 to vector<16xi32>
    %add3A_1082 = arith.addi %add3A_1081, %iota3A : vector<16xi32>
    %broadcast_in_dim3A_1083 = arith.constant 3 : i32
    %broadcast_in_dim3A_1084 = vector.broadcast %broadcast_in_dim3A_1083 : i32 to vector<16xi32>
    tpu.vector_store_idx %arg13[%add3A_1082, %broadcast_in_dim3A_1084], %exp3A : memref<64x16xf32, #tpu.memory_space<vmem>>[vector<16xi32>, vector<16xi32>], vector<16xf32>,
    %add3A_1085 = arith.constant 0 : i32
    %add3A_1086 = vector.broadcast %add3A_1085 : i32 to vector<16xi32>
    %add3A_1087 = arith.addi %add3A_1086, %iota3A : vector<16xi32>
    %broadcast_in_dim3A_1088 = arith.constant 4 : i32
    %broadcast_in_dim3A_1089 = vector.broadcast %broadcast_in_dim3A_1088 : i32 to vector<16xi32>
    tpu.vector_store_idx %arg13[%add3A_1087, %broadcast_in_dim3A_1089], %exp3A_953 : memref<64x16xf32, #tpu.memory_space<vmem>>[vector<16xi32>, vector<16xi32>], vector<16xf32>,
    %add3A_1090 = arith.constant 0 : i32
    %add3A_1091 = vector.broadcast %add3A_1090 : i32 to vector<16xi32>
    %add3A_1092 = arith.addi %add3A_1091, %iota3A : vector<16xi32>
    %broadcast_in_dim3A_1093 = arith.constant 5 : i32
    %broadcast_in_dim3A_1094 = vector.broadcast %broadcast_in_dim3A_1093 : i32 to vector<16xi32>
    tpu.vector_store_idx %arg13[%add3A_1092, %broadcast_in_dim3A_1094], %exp3A_958 : memref<64x16xf32, #tpu.memory_space<vmem>>[vector<16xi32>, vector<16xi32>], vector<16xf32>,
    %add3A_1095 = arith.constant 0 : i32
    %add3A_1096 = vector.broadcast %add3A_1095 : i32 to vector<16xi32>
    %add3A_1097 = arith.addi %add3A_1096, %iota3A : vector<16xi32>
    %broadcast_in_dim3A_1098 = arith.constant 6 : i32
    %broadcast_in_dim3A_1099 = vector.broadcast %broadcast_in_dim3A_1098 : i32 to vector<16xi32>
    tpu.vector_store_idx %arg13[%add3A_1097, %broadcast_in_dim3A_1099], %select_n3A_1026 : memref<64x16xf32, #tpu.memory_space<vmem>>[vector<16xi32>, vector<16xi32>], vector<16xf32>,
    %add3A_1100 = arith.constant 0 : i32
    %add3A_1101 = vector.broadcast %add3A_1100 : i32 to vector<16xi32>
    %add3A_1102 = arith.addi %add3A_1101, %iota3A : vector<16xi32>
    %broadcast_in_dim3A_1103 = arith.constant 7 : i32
    %broadcast_in_dim3A_1104 = vector.broadcast %broadcast_in_dim3A_1103 : i32 to vector<16xi32>
    tpu.vector_store_idx %arg13[%add3A_1102, %broadcast_in_dim3A_1104], %get3A_1030 : memref<64x16xf32, #tpu.memory_space<vmem>>[vector<16xi32>, vector<16xi32>], vector<16xf32>,
    %add3A_1105 = arith.constant 0 : i32
    %add3A_1106 = vector.broadcast %add3A_1105 : i32 to vector<16xi32>
    %add3A_1107 = arith.addi %add3A_1106, %iota3A : vector<16xi32>
    %broadcast_in_dim3A_1108 = arith.constant 8 : i32
    %broadcast_in_dim3A_1109 = vector.broadcast %broadcast_in_dim3A_1108 : i32 to vector<16xi32>
    tpu.vector_store_idx %arg13[%add3A_1107, %broadcast_in_dim3A_1109], %get3A_1034 : memref<64x16xf32, #tpu.memory_space<vmem>>[vector<16xi32>, vector<16xi32>], vector<16xf32>,
    %add3A_1110 = arith.constant 0 : i32
    %add3A_1111 = vector.broadcast %add3A_1110 : i32 to vector<16xi32>
    %add3A_1112 = arith.addi %add3A_1111, %iota3A : vector<16xi32>
    %broadcast_in_dim3A_1113 = arith.constant 9 : i32
    %broadcast_in_dim3A_1114 = vector.broadcast %broadcast_in_dim3A_1113 : i32 to vector<16xi32>
    tpu.vector_store_idx %arg13[%add3A_1112, %broadcast_in_dim3A_1114], %select_n3A_1064 : memref<64x16xf32, #tpu.memory_space<vmem>>[vector<16xi32>, vector<16xi32>], vector<16xf32>,
    %add3A_1115 = arith.constant 0 : i32
    %add3A_1116 = vector.broadcast %add3A_1115 : i32 to vector<16xi32>
    %add3A_1117 = arith.addi %add3A_1116, %iota3A : vector<16xi32>
    %broadcast_in_dim3A_1118 = arith.constant 10 : i32
    %broadcast_in_dim3A_1119 = vector.broadcast %broadcast_in_dim3A_1118 : i32 to vector<16xi32>
    tpu.vector_store_idx %arg13[%add3A_1117, %broadcast_in_dim3A_1119], %convert_element_type3A : memref<64x16xf32, #tpu.memory_space<vmem>>[vector<16xi32>, vector<16xi32>], vector<16xf32>,
    %add3A_1120 = arith.constant 0 : i32
    %add3A_1121 = vector.broadcast %add3A_1120 : i32 to vector<16xi32>
    %add3A_1122 = arith.addi %add3A_1121, %iota3A : vector<16xi32>
    %broadcast_in_dim3A_1123 = arith.constant 11 : i32
    %broadcast_in_dim3A_1124 = vector.broadcast %broadcast_in_dim3A_1123 : i32 to vector<16xi32>
    %broadcast_in_dim3A_1125 = arith.constant 0.000000e+00 : f32
    %broadcast_in_dim3A_1126 = vector.broadcast %broadcast_in_dim3A_1125 : f32 to vector<16xf32>
    tpu.vector_store_idx %arg13[%add3A_1122, %broadcast_in_dim3A_1124], %broadcast_in_dim3A_1126 : memref<64x16xf32, #tpu.memory_space<vmem>>[vector<16xi32>, vector<16xi32>], vector<16xf32>,
    %add3A_1127 = arith.constant 0 : i32
    %add3A_1128 = vector.broadcast %add3A_1127 : i32 to vector<16xi32>
    %add3A_1129 = arith.addi %add3A_1128, %iota3A : vector<16xi32>
    %broadcast_in_dim3A_1130 = arith.constant 12 : i32
    %broadcast_in_dim3A_1131 = vector.broadcast %broadcast_in_dim3A_1130 : i32 to vector<16xi32>
    %broadcast_in_dim3A_1132 = arith.constant 0.000000e+00 : f32
    %broadcast_in_dim3A_1133 = vector.broadcast %broadcast_in_dim3A_1132 : f32 to vector<16xf32>
    tpu.vector_store_idx %arg13[%add3A_1129, %broadcast_in_dim3A_1131], %broadcast_in_dim3A_1133 : memref<64x16xf32, #tpu.memory_space<vmem>>[vector<16xi32>, vector<16xi32>], vector<16xf32>,
    %add3A_1134 = arith.constant 0 : i32
    %add3A_1135 = vector.broadcast %add3A_1134 : i32 to vector<16xi32>
    %add3A_1136 = arith.addi %add3A_1135, %iota3A : vector<16xi32>
    %broadcast_in_dim3A_1137 = arith.constant 13 : i32
    %broadcast_in_dim3A_1138 = vector.broadcast %broadcast_in_dim3A_1137 : i32 to vector<16xi32>
    %broadcast_in_dim3A_1139 = arith.constant 0.000000e+00 : f32
    %broadcast_in_dim3A_1140 = vector.broadcast %broadcast_in_dim3A_1139 : f32 to vector<16xf32>
    tpu.vector_store_idx %arg13[%add3A_1136, %broadcast_in_dim3A_1138], %broadcast_in_dim3A_1140 : memref<64x16xf32, #tpu.memory_space<vmem>>[vector<16xi32>, vector<16xi32>], vector<16xf32>,
    %add3A_1141 = arith.constant 0 : i32
    %add3A_1142 = vector.broadcast %add3A_1141 : i32 to vector<16xi32>
    %add3A_1143 = arith.addi %add3A_1142, %iota3A : vector<16xi32>
    %broadcast_in_dim3A_1144 = arith.constant 14 : i32
    %broadcast_in_dim3A_1145 = vector.broadcast %broadcast_in_dim3A_1144 : i32 to vector<16xi32>
    %broadcast_in_dim3A_1146 = arith.constant 0.000000e+00 : f32
    %broadcast_in_dim3A_1147 = vector.broadcast %broadcast_in_dim3A_1146 : f32 to vector<16xf32>
    tpu.vector_store_idx %arg13[%add3A_1143, %broadcast_in_dim3A_1145], %broadcast_in_dim3A_1147 : memref<64x16xf32, #tpu.memory_space<vmem>>[vector<16xi32>, vector<16xi32>], vector<16xf32>,
    %add3A_1148 = arith.constant 0 : i32
    %add3A_1149 = vector.broadcast %add3A_1148 : i32 to vector<16xi32>
    %add3A_1150 = arith.addi %add3A_1149, %iota3A : vector<16xi32>
    %broadcast_in_dim3A_1151 = arith.constant 15 : i32
    %broadcast_in_dim3A_1152 = vector.broadcast %broadcast_in_dim3A_1151 : i32 to vector<16xi32>
    %broadcast_in_dim3A_1153 = arith.constant 0.000000e+00 : f32
    %broadcast_in_dim3A_1154 = vector.broadcast %broadcast_in_dim3A_1153 : f32 to vector<16xf32>
    tpu.vector_store_idx %arg13[%add3A_1150, %broadcast_in_dim3A_1152], %broadcast_in_dim3A_1154 : memref<64x16xf32, #tpu.memory_space<vmem>>[vector<16xi32>, vector<16xi32>], vector<16xf32>,
    %get3A_1155 = arith.constant 16 : index
    %get3A_1156 = tpu.vector_load %arg11[%get3A_1155] {strides = array<i32>} : memref<64xi32, #tpu.memory_space<vmem>>, vector<16xi32>,
    %get3A_1157 = arith.constant 16 : index
    %get3A_1158 = tpu.vector_load %arg10[%get3A_1157] {strides = array<i32>} : memref<64xf32, #tpu.memory_space<vmem>>, vector<16xf32>,
    %and3A_1159 = arith.constant 262143 : i32
    %and3A_1160 = vector.broadcast %and3A_1159 : i32 to vector<16xi32>
    %and3A_1161 = arith.andi %get3A_1156, %and3A_1160 : vector<16xi32>
    %shift_right_logical3A_1162 = arith.constant 18 : i32
    %shift_right_logical3A_1163 = vector.broadcast %shift_right_logical3A_1162 : i32 to vector<16xi32>
    %shift_right_logical3A_1164 = arith.shrui %get3A_1156, %shift_right_logical3A_1163 : vector<16xi32>
    %convert_element_type3A_1165 = arith.sitofp %shift_right_logical3A_1164 : vector<16xi32> to vector<16xf32>
    %shift_right_logical3A_1166 = arith.constant 9 : i32
    %shift_right_logical3A_1167 = vector.broadcast %shift_right_logical3A_1166 : i32 to vector<16xi32>
    %shift_right_logical3A_1168 = arith.shrui %and3A_1161, %shift_right_logical3A_1167 : vector<16xi32>
    %convert_element_type3A_1169 = arith.sitofp %shift_right_logical3A_1168 : vector<16xi32> to vector<16xf32>
    %and3A_1170 = arith.constant 511 : i32
    %and3A_1171 = vector.broadcast %and3A_1170 : i32 to vector<16xi32>
    %and3A_1172 = arith.andi %and3A_1161, %and3A_1171 : vector<16xi32>
    %convert_element_type3A_1173 = arith.sitofp %and3A_1172 : vector<16xi32> to vector<16xf32>
    %get3A_1174 = arith.constant 0 : i32
    %get3A_1175 = arith.index_cast %get3A_1174 : i32 to index
    %get3A_1176 = arith.constant 16 : index
    %get3A_1177 = tpu.vector_load %arg12[%get3A_1175, %get3A_1176] {strides = array<i32>} : memref<10x64xf32, #tpu.memory_space<vmem>>, vector<16xf32>,
    %get3A_1178 = arith.constant 1 : i32
    %get3A_1179 = arith.index_cast %get3A_1178 : i32 to index
    %get3A_1180 = arith.constant 16 : index
    %get3A_1181 = tpu.vector_load %arg12[%get3A_1179, %get3A_1180] {strides = array<i32>} : memref<10x64xf32, #tpu.memory_space<vmem>>, vector<16xf32>,
    %get3A_1182 = arith.constant 2 : i32
    %get3A_1183 = arith.index_cast %get3A_1182 : i32 to index
    %get3A_1184 = arith.constant 16 : index
    %get3A_1185 = tpu.vector_load %arg12[%get3A_1183, %get3A_1184] {strides = array<i32>} : memref<10x64xf32, #tpu.memory_space<vmem>>, vector<16xf32>,
    %get3A_1186 = arith.constant 3 : i32
    %get3A_1187 = arith.index_cast %get3A_1186 : i32 to index
    %get3A_1188 = arith.constant 16 : index
    %get3A_1189 = tpu.vector_load %arg12[%get3A_1187, %get3A_1188] {strides = array<i32>} : memref<10x64xf32, #tpu.memory_space<vmem>>, vector<16xf32>,
    %exp3A_1190 = math.exp %get3A_1189 : vector<16xf32>
    %get3A_1191 = arith.constant 4 : i32
    %get3A_1192 = arith.index_cast %get3A_1191 : i32 to index
    %get3A_1193 = arith.constant 16 : index
    %get3A_1194 = tpu.vector_load %arg12[%get3A_1192, %get3A_1193] {strides = array<i32>} : memref<10x64xf32, #tpu.memory_space<vmem>>, vector<16xf32>,
    %exp3A_1195 = math.exp %get3A_1194 : vector<16xf32>
    %get3A_1196 = arith.constant 5 : i32
    %get3A_1197 = arith.index_cast %get3A_1196 : i32 to index
    %get3A_1198 = arith.constant 16 : index
    %get3A_1199 = tpu.vector_load %arg12[%get3A_1197, %get3A_1198] {strides = array<i32>} : memref<10x64xf32, #tpu.memory_space<vmem>>, vector<16xf32>,
    %exp3A_1200 = math.exp %get3A_1199 : vector<16xf32>
    %get3A_1201 = arith.constant 6 : i32
    %get3A_1202 = arith.index_cast %get3A_1201 : i32 to index
    %get3A_1203 = arith.constant 16 : index
    %get3A_1204 = tpu.vector_load %arg12[%get3A_1202, %get3A_1203] {strides = array<i32>} : memref<10x64xf32, #tpu.memory_space<vmem>>, vector<16xf32>,
    %get3A_1205 = arith.constant 7 : i32
    %get3A_1206 = arith.index_cast %get3A_1205 : i32 to index
    %get3A_1207 = arith.constant 16 : index
    %get3A_1208 = tpu.vector_load %arg12[%get3A_1206, %get3A_1207] {strides = array<i32>} : memref<10x64xf32, #tpu.memory_space<vmem>>, vector<16xf32>,
    %abs3A_1209 = math.absf %get3A_1204 : vector<16xf32>
    %abs3A_1210 = math.absf %get3A_1208 : vector<16xf32>
    %max3A_1211 = arith.maximumf %abs3A_1209, %abs3A_1210 : vector<16xf32>
    %min3A_1212 = arith.minimumf %abs3A_1209, %abs3A_1210 : vector<16xf32>
    %max3A_1213 = arith.constant 1.000000e-30 : f32
    %max3A_1214 = vector.broadcast %max3A_1213 : f32 to vector<16xf32>
    %max3A_1215 = arith.maximumf %max3A_1211, %max3A_1214 : vector<16xf32>
    %div3A_1216 = arith.divf %min3A_1212, %max3A_1215 : vector<16xf32>
    %mul3A_1217 = arith.mulf %div3A_1216, %div3A_1216 : vector<16xf32>
    %broadcast_in_dim3A_1218 = arith.constant -0.00187735213 : f32
    %broadcast_in_dim3A_1219 = vector.broadcast %broadcast_in_dim3A_1218 : f32 to vector<16xf32>
    %mul3A_1220 = arith.mulf %broadcast_in_dim3A_1219, %mul3A_1217 : vector<16xf32>
    %add3A_1221 = arith.constant 0.0112567721 : f32
    %add3A_1222 = vector.broadcast %add3A_1221 : f32 to vector<16xf32>
    %add3A_1223 = arith.addf %mul3A_1220, %add3A_1222 : vector<16xf32>
    %mul3A_1224 = arith.mulf %add3A_1223, %mul3A_1217 : vector<16xf32>
    %add3A_1225 = arith.constant -0.0317490809 : f32
    %add3A_1226 = vector.broadcast %add3A_1225 : f32 to vector<16xf32>
    %add3A_1227 = arith.addf %mul3A_1224, %add3A_1226 : vector<16xf32>
    %mul3A_1228 = arith.mulf %add3A_1227, %mul3A_1217 : vector<16xf32>
    %add3A_1229 = arith.constant 0.0584565066 : f32
    %add3A_1230 = vector.broadcast %add3A_1229 : f32 to vector<16xf32>
    %add3A_1231 = arith.addf %mul3A_1228, %add3A_1230 : vector<16xf32>
    %mul3A_1232 = arith.mulf %add3A_1231, %mul3A_1217 : vector<16xf32>
    %add3A_1233 = arith.constant -0.0842756107 : f32
    %add3A_1234 = vector.broadcast %add3A_1233 : f32 to vector<16xf32>
    %add3A_1235 = arith.addf %mul3A_1232, %add3A_1234 : vector<16xf32>
    %mul3A_1236 = arith.mulf %add3A_1235, %mul3A_1217 : vector<16xf32>
    %add3A_1237 = arith.constant 0.109583415 : f32
    %add3A_1238 = vector.broadcast %add3A_1237 : f32 to vector<16xf32>
    %add3A_1239 = arith.addf %mul3A_1236, %add3A_1238 : vector<16xf32>
    %mul3A_1240 = arith.mulf %add3A_1239, %mul3A_1217 : vector<16xf32>
    %add3A_1241 = arith.constant -0.142648891 : f32
    %add3A_1242 = vector.broadcast %add3A_1241 : f32 to vector<16xf32>
    %add3A_1243 = arith.addf %mul3A_1240, %add3A_1242 : vector<16xf32>
    %mul3A_1244 = arith.mulf %add3A_1243, %mul3A_1217 : vector<16xf32>
    %add3A_1245 = arith.constant 0.199985325 : f32
    %add3A_1246 = vector.broadcast %add3A_1245 : f32 to vector<16xf32>
    %add3A_1247 = arith.addf %mul3A_1244, %add3A_1246 : vector<16xf32>
    %mul3A_1248 = arith.mulf %add3A_1247, %mul3A_1217 : vector<16xf32>
    %add3A_1249 = arith.constant -0.333332926 : f32
    %add3A_1250 = vector.broadcast %add3A_1249 : f32 to vector<16xf32>
    %add3A_1251 = arith.addf %mul3A_1248, %add3A_1250 : vector<16xf32>
    %mul3A_1252 = arith.mulf %add3A_1251, %mul3A_1217 : vector<16xf32>
    %add3A_1253 = arith.constant 1.000000e+00 : f32
    %add3A_1254 = vector.broadcast %add3A_1253 : f32 to vector<16xf32>
    %add3A_1255 = arith.addf %mul3A_1252, %add3A_1254 : vector<16xf32>
    %mul3A_1256 = arith.mulf %div3A_1216, %add3A_1255 : vector<16xf32>
    %gt3A_1257 = arith.cmpf ogt, %abs3A_1209, %abs3A_1210 : vector<16xf32>
    %sub3A_1258 = arith.constant 1.57079637 : f32
    %sub3A_1259 = vector.broadcast %sub3A_1258 : f32 to vector<16xf32>
    %sub3A_1260 = arith.subf %sub3A_1259, %mul3A_1256 : vector<16xf32>
    %select_n3A_1261 = arith.select %gt3A_1257, %sub3A_1260, %mul3A_1256 : vector<16xi1>, vector<16xf32>
    %lt3A_1262 = arith.constant 0.000000e+00 : f32
    %lt3A_1263 = vector.broadcast %lt3A_1262 : f32 to vector<16xf32>
    %lt3A_1264 = arith.cmpf olt, %get3A_1208, %lt3A_1263 : vector<16xf32>
    %sub3A_1265 = arith.constant 3.14159274 : f32
    %sub3A_1266 = vector.broadcast %sub3A_1265 : f32 to vector<16xf32>
    %sub3A_1267 = arith.subf %sub3A_1266, %select_n3A_1261 : vector<16xf32>
    %select_n3A_1268 = arith.select %lt3A_1264, %sub3A_1267, %select_n3A_1261 : vector<16xi1>, vector<16xf32>
    %lt3A_1269 = arith.constant 0.000000e+00 : f32
    %lt3A_1270 = vector.broadcast %lt3A_1269 : f32 to vector<16xf32>
    %lt3A_1271 = arith.cmpf olt, %get3A_1204, %lt3A_1270 : vector<16xf32>
    %neg3A_1272 = arith.constant 0.000000e+00 : f32
    %neg3A_1273 = vector.broadcast %neg3A_1272 : f32 to vector<16xf32>
    %neg3A_1274 = arith.subf %neg3A_1273, %select_n3A_1268 : vector<16xf32>
    %select_n3A_1275 = arith.select %lt3A_1271, %neg3A_1274, %select_n3A_1268 : vector<16xi1>, vector<16xf32>
    %get3A_1276 = arith.constant 8 : i32
    %get3A_1277 = arith.index_cast %get3A_1276 : i32 to index
    %get3A_1278 = arith.constant 16 : index
    %get3A_1279 = tpu.vector_load %arg12[%get3A_1277, %get3A_1278] {strides = array<i32>} : memref<10x64xf32, #tpu.memory_space<vmem>>, vector<16xf32>,
    %get3A_1280 = arith.constant 9 : i32
    %get3A_1281 = arith.index_cast %get3A_1280 : i32 to index
    %get3A_1282 = arith.constant 16 : index
    %get3A_1283 = tpu.vector_load %arg12[%get3A_1281, %get3A_1282] {strides = array<i32>} : memref<10x64xf32, #tpu.memory_space<vmem>>, vector<16xf32>,
    %add3A_1284 = arith.addf %convert_element_type3A_1173, %get3A_1177 : vector<16xf32>
    %mul3A_1285 = arith.constant 4.000000e+00 : f32
    %mul3A_1286 = vector.broadcast %mul3A_1285 : f32 to vector<16xf32>
    %mul3A_1287 = arith.mulf %add3A_1284, %mul3A_1286 : vector<16xf32>
    %add3A_1288 = arith.addf %convert_element_type3A_1169, %get3A_1181 : vector<16xf32>
    %mul3A_1289 = arith.constant 4.000000e+00 : f32
    %mul3A_1290 = vector.broadcast %mul3A_1289 : f32 to vector<16xf32>
    %mul3A_1291 = arith.mulf %add3A_1288, %mul3A_1290 : vector<16xf32>
    %gt3A_1292 = arith.constant 1.000000e-01 : f32
    %gt3A_1293 = vector.broadcast %gt3A_1292 : f32 to vector<16xf32>
    %gt3A_1294 = arith.cmpf ogt, %get3A_1158, %gt3A_1293 : vector<16xf32>
    %gt3A_1295 = arith.constant 0.000000e+00 : f32
    %gt3A_1296 = vector.broadcast %gt3A_1295 : f32 to vector<16xf32>
    %gt3A_1297 = arith.cmpf ogt, %mul3A_1287, %gt3A_1296 : vector<16xf32>
    %and3A_1298 = arith.andi %gt3A_1294, %gt3A_1297 : vector<16xi1>
    %lt3A_1299 = arith.constant 2.048000e+03 : f32
    %lt3A_1300 = vector.broadcast %lt3A_1299 : f32 to vector<16xf32>
    %lt3A_1301 = arith.cmpf olt, %mul3A_1287, %lt3A_1300 : vector<16xf32>
    %and3A_1302 = arith.andi %and3A_1298, %lt3A_1301 : vector<16xi1>
    %gt3A_1303 = arith.constant 0.000000e+00 : f32
    %gt3A_1304 = vector.broadcast %gt3A_1303 : f32 to vector<16xf32>
    %gt3A_1305 = arith.cmpf ogt, %mul3A_1291, %gt3A_1304 : vector<16xf32>
    %and3A_1306 = arith.andi %and3A_1302, %gt3A_1305 : vector<16xi1>
    %lt3A_1307 = arith.constant 2.048000e+03 : f32
    %lt3A_1308 = vector.broadcast %lt3A_1307 : f32 to vector<16xf32>
    %lt3A_1309 = arith.cmpf olt, %mul3A_1291, %lt3A_1308 : vector<16xf32>
    %and3A_1310 = arith.andi %and3A_1306, %lt3A_1309 : vector<16xi1>
    %jit3A_1311 = arith.constant 0.000000e+00 : f32
    %broadcast_in_dim3A_1312 = vector.broadcast %jit3A_1311 : f32 to vector<16xf32>
    %select_n3A_1313 = arith.select %and3A_1310, %get3A_1158, %broadcast_in_dim3A_1312 : vector<16xi1>, vector<16xf32>
    %add3A_1314 = arith.constant 16 : i32
    %add3A_1315 = vector.broadcast %add3A_1314 : i32 to vector<16xi32>
    %add3A_1316 = arith.addi %add3A_1315, %iota3A : vector<16xi32>
    %broadcast_in_dim3A_1317 = arith.constant 0 : i32
    %broadcast_in_dim3A_1318 = vector.broadcast %broadcast_in_dim3A_1317 : i32 to vector<16xi32>
    tpu.vector_store_idx %arg13[%add3A_1316, %broadcast_in_dim3A_1318], %mul3A_1287 : memref<64x16xf32, #tpu.memory_space<vmem>>[vector<16xi32>, vector<16xi32>], vector<16xf32>,
    %add3A_1319 = arith.constant 16 : i32
    %add3A_1320 = vector.broadcast %add3A_1319 : i32 to vector<16xi32>
    %add3A_1321 = arith.addi %add3A_1320, %iota3A : vector<16xi32>
    %broadcast_in_dim3A_1322 = arith.constant 1 : i32
    %broadcast_in_dim3A_1323 = vector.broadcast %broadcast_in_dim3A_1322 : i32 to vector<16xi32>
    tpu.vector_store_idx %arg13[%add3A_1321, %broadcast_in_dim3A_1323], %mul3A_1291 : memref<64x16xf32, #tpu.memory_space<vmem>>[vector<16xi32>, vector<16xi32>], vector<16xf32>,
    %add3A_1324 = arith.constant 16 : i32
    %add3A_1325 = vector.broadcast %add3A_1324 : i32 to vector<16xi32>
    %add3A_1326 = arith.addi %add3A_1325, %iota3A : vector<16xi32>
    %broadcast_in_dim3A_1327 = arith.constant 2 : i32
    %broadcast_in_dim3A_1328 = vector.broadcast %broadcast_in_dim3A_1327 : i32 to vector<16xi32>
    tpu.vector_store_idx %arg13[%add3A_1326, %broadcast_in_dim3A_1328], %get3A_1185 : memref<64x16xf32, #tpu.memory_space<vmem>>[vector<16xi32>, vector<16xi32>], vector<16xf32>,
    %add3A_1329 = arith.constant 16 : i32
    %add3A_1330 = vector.broadcast %add3A_1329 : i32 to vector<16xi32>
    %add3A_1331 = arith.addi %add3A_1330, %iota3A : vector<16xi32>
    %broadcast_in_dim3A_1332 = arith.constant 3 : i32
    %broadcast_in_dim3A_1333 = vector.broadcast %broadcast_in_dim3A_1332 : i32 to vector<16xi32>
    tpu.vector_store_idx %arg13[%add3A_1331, %broadcast_in_dim3A_1333], %exp3A_1190 : memref<64x16xf32, #tpu.memory_space<vmem>>[vector<16xi32>, vector<16xi32>], vector<16xf32>,
    %add3A_1334 = arith.constant 16 : i32
    %add3A_1335 = vector.broadcast %add3A_1334 : i32 to vector<16xi32>
    %add3A_1336 = arith.addi %add3A_1335, %iota3A : vector<16xi32>
    %broadcast_in_dim3A_1337 = arith.constant 4 : i32
    %broadcast_in_dim3A_1338 = vector.broadcast %broadcast_in_dim3A_1337 : i32 to vector<16xi32>
    tpu.vector_store_idx %arg13[%add3A_1336, %broadcast_in_dim3A_1338], %exp3A_1195 : memref<64x16xf32, #tpu.memory_space<vmem>>[vector<16xi32>, vector<16xi32>], vector<16xf32>,
    %add3A_1339 = arith.constant 16 : i32
    %add3A_1340 = vector.broadcast %add3A_1339 : i32 to vector<16xi32>
    %add3A_1341 = arith.addi %add3A_1340, %iota3A : vector<16xi32>
    %broadcast_in_dim3A_1342 = arith.constant 5 : i32
    %broadcast_in_dim3A_1343 = vector.broadcast %broadcast_in_dim3A_1342 : i32 to vector<16xi32>
    tpu.vector_store_idx %arg13[%add3A_1341, %broadcast_in_dim3A_1343], %exp3A_1200 : memref<64x16xf32, #tpu.memory_space<vmem>>[vector<16xi32>, vector<16xi32>], vector<16xf32>,
    %add3A_1344 = arith.constant 16 : i32
    %add3A_1345 = vector.broadcast %add3A_1344 : i32 to vector<16xi32>
    %add3A_1346 = arith.addi %add3A_1345, %iota3A : vector<16xi32>
    %broadcast_in_dim3A_1347 = arith.constant 6 : i32
    %broadcast_in_dim3A_1348 = vector.broadcast %broadcast_in_dim3A_1347 : i32 to vector<16xi32>
    tpu.vector_store_idx %arg13[%add3A_1346, %broadcast_in_dim3A_1348], %select_n3A_1275 : memref<64x16xf32, #tpu.memory_space<vmem>>[vector<16xi32>, vector<16xi32>], vector<16xf32>,
    %add3A_1349 = arith.constant 16 : i32
    %add3A_1350 = vector.broadcast %add3A_1349 : i32 to vector<16xi32>
    %add3A_1351 = arith.addi %add3A_1350, %iota3A : vector<16xi32>
    %broadcast_in_dim3A_1352 = arith.constant 7 : i32
    %broadcast_in_dim3A_1353 = vector.broadcast %broadcast_in_dim3A_1352 : i32 to vector<16xi32>
    tpu.vector_store_idx %arg13[%add3A_1351, %broadcast_in_dim3A_1353], %get3A_1279 : memref<64x16xf32, #tpu.memory_space<vmem>>[vector<16xi32>, vector<16xi32>], vector<16xf32>,
    %add3A_1354 = arith.constant 16 : i32
    %add3A_1355 = vector.broadcast %add3A_1354 : i32 to vector<16xi32>
    %add3A_1356 = arith.addi %add3A_1355, %iota3A : vector<16xi32>
    %broadcast_in_dim3A_1357 = arith.constant 8 : i32
    %broadcast_in_dim3A_1358 = vector.broadcast %broadcast_in_dim3A_1357 : i32 to vector<16xi32>
    tpu.vector_store_idx %arg13[%add3A_1356, %broadcast_in_dim3A_1358], %get3A_1283 : memref<64x16xf32, #tpu.memory_space<vmem>>[vector<16xi32>, vector<16xi32>], vector<16xf32>,
    %add3A_1359 = arith.constant 16 : i32
    %add3A_1360 = vector.broadcast %add3A_1359 : i32 to vector<16xi32>
    %add3A_1361 = arith.addi %add3A_1360, %iota3A : vector<16xi32>
    %broadcast_in_dim3A_1362 = arith.constant 9 : i32
    %broadcast_in_dim3A_1363 = vector.broadcast %broadcast_in_dim3A_1362 : i32 to vector<16xi32>
    tpu.vector_store_idx %arg13[%add3A_1361, %broadcast_in_dim3A_1363], %select_n3A_1313 : memref<64x16xf32, #tpu.memory_space<vmem>>[vector<16xi32>, vector<16xi32>], vector<16xf32>,
    %add3A_1364 = arith.constant 16 : i32
    %add3A_1365 = vector.broadcast %add3A_1364 : i32 to vector<16xi32>
    %add3A_1366 = arith.addi %add3A_1365, %iota3A : vector<16xi32>
    %broadcast_in_dim3A_1367 = arith.constant 10 : i32
    %broadcast_in_dim3A_1368 = vector.broadcast %broadcast_in_dim3A_1367 : i32 to vector<16xi32>
    tpu.vector_store_idx %arg13[%add3A_1366, %broadcast_in_dim3A_1368], %convert_element_type3A_1165 : memref<64x16xf32, #tpu.memory_space<vmem>>[vector<16xi32>, vector<16xi32>], vector<16xf32>,
    %add3A_1369 = arith.constant 16 : i32
    %add3A_1370 = vector.broadcast %add3A_1369 : i32 to vector<16xi32>
    %add3A_1371 = arith.addi %add3A_1370, %iota3A : vector<16xi32>
    %broadcast_in_dim3A_1372 = arith.constant 11 : i32
    %broadcast_in_dim3A_1373 = vector.broadcast %broadcast_in_dim3A_1372 : i32 to vector<16xi32>
    %broadcast_in_dim3A_1374 = arith.constant 0.000000e+00 : f32
    %broadcast_in_dim3A_1375 = vector.broadcast %broadcast_in_dim3A_1374 : f32 to vector<16xf32>
    tpu.vector_store_idx %arg13[%add3A_1371, %broadcast_in_dim3A_1373], %broadcast_in_dim3A_1375 : memref<64x16xf32, #tpu.memory_space<vmem>>[vector<16xi32>, vector<16xi32>], vector<16xf32>,
    %add3A_1376 = arith.constant 16 : i32
    %add3A_1377 = vector.broadcast %add3A_1376 : i32 to vector<16xi32>
    %add3A_1378 = arith.addi %add3A_1377, %iota3A : vector<16xi32>
    %broadcast_in_dim3A_1379 = arith.constant 12 : i32
    %broadcast_in_dim3A_1380 = vector.broadcast %broadcast_in_dim3A_1379 : i32 to vector<16xi32>
    %broadcast_in_dim3A_1381 = arith.constant 0.000000e+00 : f32
    %broadcast_in_dim3A_1382 = vector.broadcast %broadcast_in_dim3A_1381 : f32 to vector<16xf32>
    tpu.vector_store_idx %arg13[%add3A_1378, %broadcast_in_dim3A_1380], %broadcast_in_dim3A_1382 : memref<64x16xf32, #tpu.memory_space<vmem>>[vector<16xi32>, vector<16xi32>], vector<16xf32>,
    %add3A_1383 = arith.constant 16 : i32
    %add3A_1384 = vector.broadcast %add3A_1383 : i32 to vector<16xi32>
    %add3A_1385 = arith.addi %add3A_1384, %iota3A : vector<16xi32>
    %broadcast_in_dim3A_1386 = arith.constant 13 : i32
    %broadcast_in_dim3A_1387 = vector.broadcast %broadcast_in_dim3A_1386 : i32 to vector<16xi32>
    %broadcast_in_dim3A_1388 = arith.constant 0.000000e+00 : f32
    %broadcast_in_dim3A_1389 = vector.broadcast %broadcast_in_dim3A_1388 : f32 to vector<16xf32>
    tpu.vector_store_idx %arg13[%add3A_1385, %broadcast_in_dim3A_1387], %broadcast_in_dim3A_1389 : memref<64x16xf32, #tpu.memory_space<vmem>>[vector<16xi32>, vector<16xi32>], vector<16xf32>,
    %add3A_1390 = arith.constant 16 : i32
    %add3A_1391 = vector.broadcast %add3A_1390 : i32 to vector<16xi32>
    %add3A_1392 = arith.addi %add3A_1391, %iota3A : vector<16xi32>
    %broadcast_in_dim3A_1393 = arith.constant 14 : i32
    %broadcast_in_dim3A_1394 = vector.broadcast %broadcast_in_dim3A_1393 : i32 to vector<16xi32>
    %broadcast_in_dim3A_1395 = arith.constant 0.000000e+00 : f32
    %broadcast_in_dim3A_1396 = vector.broadcast %broadcast_in_dim3A_1395 : f32 to vector<16xf32>
    tpu.vector_store_idx %arg13[%add3A_1392, %broadcast_in_dim3A_1394], %broadcast_in_dim3A_1396 : memref<64x16xf32, #tpu.memory_space<vmem>>[vector<16xi32>, vector<16xi32>], vector<16xf32>,
    %add3A_1397 = arith.constant 16 : i32
    %add3A_1398 = vector.broadcast %add3A_1397 : i32 to vector<16xi32>
    %add3A_1399 = arith.addi %add3A_1398, %iota3A : vector<16xi32>
    %broadcast_in_dim3A_1400 = arith.constant 15 : i32
    %broadcast_in_dim3A_1401 = vector.broadcast %broadcast_in_dim3A_1400 : i32 to vector<16xi32>
    %broadcast_in_dim3A_1402 = arith.constant 0.000000e+00 : f32
    %broadcast_in_dim3A_1403 = vector.broadcast %broadcast_in_dim3A_1402 : f32 to vector<16xf32>
    tpu.vector_store_idx %arg13[%add3A_1399, %broadcast_in_dim3A_1401], %broadcast_in_dim3A_1403 : memref<64x16xf32, #tpu.memory_space<vmem>>[vector<16xi32>, vector<16xi32>], vector<16xf32>,
    %get3A_1404 = arith.constant 32 : index
    %get3A_1405 = tpu.vector_load %arg11[%get3A_1404] {strides = array<i32>} : memref<64xi32, #tpu.memory_space<vmem>>, vector<16xi32>,
    %get3A_1406 = arith.constant 32 : index
    %get3A_1407 = tpu.vector_load %arg10[%get3A_1406] {strides = array<i32>} : memref<64xf32, #tpu.memory_space<vmem>>, vector<16xf32>,
    %and3A_1408 = arith.constant 262143 : i32
    %and3A_1409 = vector.broadcast %and3A_1408 : i32 to vector<16xi32>
    %and3A_1410 = arith.andi %get3A_1405, %and3A_1409 : vector<16xi32>
    %shift_right_logical3A_1411 = arith.constant 18 : i32
    %shift_right_logical3A_1412 = vector.broadcast %shift_right_logical3A_1411 : i32 to vector<16xi32>
    %shift_right_logical3A_1413 = arith.shrui %get3A_1405, %shift_right_logical3A_1412 : vector<16xi32>
    %convert_element_type3A_1414 = arith.sitofp %shift_right_logical3A_1413 : vector<16xi32> to vector<16xf32>
    %shift_right_logical3A_1415 = arith.constant 9 : i32
    %shift_right_logical3A_1416 = vector.broadcast %shift_right_logical3A_1415 : i32 to vector<16xi32>
    %shift_right_logical3A_1417 = arith.shrui %and3A_1410, %shift_right_logical3A_1416 : vector<16xi32>
    %convert_element_type3A_1418 = arith.sitofp %shift_right_logical3A_1417 : vector<16xi32> to vector<16xf32>
    %and3A_1419 = arith.constant 511 : i32
    %and3A_1420 = vector.broadcast %and3A_1419 : i32 to vector<16xi32>
    %and3A_1421 = arith.andi %and3A_1410, %and3A_1420 : vector<16xi32>
    %convert_element_type3A_1422 = arith.sitofp %and3A_1421 : vector<16xi32> to vector<16xf32>
    %get3A_1423 = arith.constant 0 : i32
    %get3A_1424 = arith.index_cast %get3A_1423 : i32 to index
    %get3A_1425 = arith.constant 32 : index
    %get3A_1426 = tpu.vector_load %arg12[%get3A_1424, %get3A_1425] {strides = array<i32>} : memref<10x64xf32, #tpu.memory_space<vmem>>, vector<16xf32>,
    %get3A_1427 = arith.constant 1 : i32
    %get3A_1428 = arith.index_cast %get3A_1427 : i32 to index
    %get3A_1429 = arith.constant 32 : index
    %get3A_1430 = tpu.vector_load %arg12[%get3A_1428, %get3A_1429] {strides = array<i32>} : memref<10x64xf32, #tpu.memory_space<vmem>>, vector<16xf32>,
    %get3A_1431 = arith.constant 2 : i32
    %get3A_1432 = arith.index_cast %get3A_1431 : i32 to index
    %get3A_1433 = arith.constant 32 : index
    %get3A_1434 = tpu.vector_load %arg12[%get3A_1432, %get3A_1433] {strides = array<i32>} : memref<10x64xf32, #tpu.memory_space<vmem>>, vector<16xf32>,
    %get3A_1435 = arith.constant 3 : i32
    %get3A_1436 = arith.index_cast %get3A_1435 : i32 to index
    %get3A_1437 = arith.constant 32 : index
    %get3A_1438 = tpu.vector_load %arg12[%get3A_1436, %get3A_1437] {strides = array<i32>} : memref<10x64xf32, #tpu.memory_space<vmem>>, vector<16xf32>,
    %exp3A_1439 = math.exp %get3A_1438 : vector<16xf32>
    %get3A_1440 = arith.constant 4 : i32
    %get3A_1441 = arith.index_cast %get3A_1440 : i32 to index
    %get3A_1442 = arith.constant 32 : index
    %get3A_1443 = tpu.vector_load %arg12[%get3A_1441, %get3A_1442] {strides = array<i32>} : memref<10x64xf32, #tpu.memory_space<vmem>>, vector<16xf32>,
    %exp3A_1444 = math.exp %get3A_1443 : vector<16xf32>
    %get3A_1445 = arith.constant 5 : i32
    %get3A_1446 = arith.index_cast %get3A_1445 : i32 to index
    %get3A_1447 = arith.constant 32 : index
    %get3A_1448 = tpu.vector_load %arg12[%get3A_1446, %get3A_1447] {strides = array<i32>} : memref<10x64xf32, #tpu.memory_space<vmem>>, vector<16xf32>,
    %exp3A_1449 = math.exp %get3A_1448 : vector<16xf32>
    %get3A_1450 = arith.constant 6 : i32
    %get3A_1451 = arith.index_cast %get3A_1450 : i32 to index
    %get3A_1452 = arith.constant 32 : index
    %get3A_1453 = tpu.vector_load %arg12[%get3A_1451, %get3A_1452] {strides = array<i32>} : memref<10x64xf32, #tpu.memory_space<vmem>>, vector<16xf32>,
    %get3A_1454 = arith.constant 7 : i32
    %get3A_1455 = arith.index_cast %get3A_1454 : i32 to index
    %get3A_1456 = arith.constant 32 : index
    %get3A_1457 = tpu.vector_load %arg12[%get3A_1455, %get3A_1456] {strides = array<i32>} : memref<10x64xf32, #tpu.memory_space<vmem>>, vector<16xf32>,
    %abs3A_1458 = math.absf %get3A_1453 : vector<16xf32>
    %abs3A_1459 = math.absf %get3A_1457 : vector<16xf32>
    %max3A_1460 = arith.maximumf %abs3A_1458, %abs3A_1459 : vector<16xf32>
    %min3A_1461 = arith.minimumf %abs3A_1458, %abs3A_1459 : vector<16xf32>
    %max3A_1462 = arith.constant 1.000000e-30 : f32
    %max3A_1463 = vector.broadcast %max3A_1462 : f32 to vector<16xf32>
    %max3A_1464 = arith.maximumf %max3A_1460, %max3A_1463 : vector<16xf32>
    %div3A_1465 = arith.divf %min3A_1461, %max3A_1464 : vector<16xf32>
    %mul3A_1466 = arith.mulf %div3A_1465, %div3A_1465 : vector<16xf32>
    %broadcast_in_dim3A_1467 = arith.constant -0.00187735213 : f32
    %broadcast_in_dim3A_1468 = vector.broadcast %broadcast_in_dim3A_1467 : f32 to vector<16xf32>
    %mul3A_1469 = arith.mulf %broadcast_in_dim3A_1468, %mul3A_1466 : vector<16xf32>
    %add3A_1470 = arith.constant 0.0112567721 : f32
    %add3A_1471 = vector.broadcast %add3A_1470 : f32 to vector<16xf32>
    %add3A_1472 = arith.addf %mul3A_1469, %add3A_1471 : vector<16xf32>
    %mul3A_1473 = arith.mulf %add3A_1472, %mul3A_1466 : vector<16xf32>
    %add3A_1474 = arith.constant -0.0317490809 : f32
    %add3A_1475 = vector.broadcast %add3A_1474 : f32 to vector<16xf32>
    %add3A_1476 = arith.addf %mul3A_1473, %add3A_1475 : vector<16xf32>
    %mul3A_1477 = arith.mulf %add3A_1476, %mul3A_1466 : vector<16xf32>
    %add3A_1478 = arith.constant 0.0584565066 : f32
    %add3A_1479 = vector.broadcast %add3A_1478 : f32 to vector<16xf32>
    %add3A_1480 = arith.addf %mul3A_1477, %add3A_1479 : vector<16xf32>
    %mul3A_1481 = arith.mulf %add3A_1480, %mul3A_1466 : vector<16xf32>
    %add3A_1482 = arith.constant -0.0842756107 : f32
    %add3A_1483 = vector.broadcast %add3A_1482 : f32 to vector<16xf32>
    %add3A_1484 = arith.addf %mul3A_1481, %add3A_1483 : vector<16xf32>
    %mul3A_1485 = arith.mulf %add3A_1484, %mul3A_1466 : vector<16xf32>
    %add3A_1486 = arith.constant 0.109583415 : f32
    %add3A_1487 = vector.broadcast %add3A_1486 : f32 to vector<16xf32>
    %add3A_1488 = arith.addf %mul3A_1485, %add3A_1487 : vector<16xf32>
    %mul3A_1489 = arith.mulf %add3A_1488, %mul3A_1466 : vector<16xf32>
    %add3A_1490 = arith.constant -0.142648891 : f32
    %add3A_1491 = vector.broadcast %add3A_1490 : f32 to vector<16xf32>
    %add3A_1492 = arith.addf %mul3A_1489, %add3A_1491 : vector<16xf32>
    %mul3A_1493 = arith.mulf %add3A_1492, %mul3A_1466 : vector<16xf32>
    %add3A_1494 = arith.constant 0.199985325 : f32
    %add3A_1495 = vector.broadcast %add3A_1494 : f32 to vector<16xf32>
    %add3A_1496 = arith.addf %mul3A_1493, %add3A_1495 : vector<16xf32>
    %mul3A_1497 = arith.mulf %add3A_1496, %mul3A_1466 : vector<16xf32>
    %add3A_1498 = arith.constant -0.333332926 : f32
    %add3A_1499 = vector.broadcast %add3A_1498 : f32 to vector<16xf32>
    %add3A_1500 = arith.addf %mul3A_1497, %add3A_1499 : vector<16xf32>
    %mul3A_1501 = arith.mulf %add3A_1500, %mul3A_1466 : vector<16xf32>
    %add3A_1502 = arith.constant 1.000000e+00 : f32
    %add3A_1503 = vector.broadcast %add3A_1502 : f32 to vector<16xf32>
    %add3A_1504 = arith.addf %mul3A_1501, %add3A_1503 : vector<16xf32>
    %mul3A_1505 = arith.mulf %div3A_1465, %add3A_1504 : vector<16xf32>
    %gt3A_1506 = arith.cmpf ogt, %abs3A_1458, %abs3A_1459 : vector<16xf32>
    %sub3A_1507 = arith.constant 1.57079637 : f32
    %sub3A_1508 = vector.broadcast %sub3A_1507 : f32 to vector<16xf32>
    %sub3A_1509 = arith.subf %sub3A_1508, %mul3A_1505 : vector<16xf32>
    %select_n3A_1510 = arith.select %gt3A_1506, %sub3A_1509, %mul3A_1505 : vector<16xi1>, vector<16xf32>
    %lt3A_1511 = arith.constant 0.000000e+00 : f32
    %lt3A_1512 = vector.broadcast %lt3A_1511 : f32 to vector<16xf32>
    %lt3A_1513 = arith.cmpf olt, %get3A_1457, %lt3A_1512 : vector<16xf32>
    %sub3A_1514 = arith.constant 3.14159274 : f32
    %sub3A_1515 = vector.broadcast %sub3A_1514 : f32 to vector<16xf32>
    %sub3A_1516 = arith.subf %sub3A_1515, %select_n3A_1510 : vector<16xf32>
    %select_n3A_1517 = arith.select %lt3A_1513, %sub3A_1516, %select_n3A_1510 : vector<16xi1>, vector<16xf32>
    %lt3A_1518 = arith.constant 0.000000e+00 : f32
    %lt3A_1519 = vector.broadcast %lt3A_1518 : f32 to vector<16xf32>
    %lt3A_1520 = arith.cmpf olt, %get3A_1453, %lt3A_1519 : vector<16xf32>
    %neg3A_1521 = arith.constant 0.000000e+00 : f32
    %neg3A_1522 = vector.broadcast %neg3A_1521 : f32 to vector<16xf32>
    %neg3A_1523 = arith.subf %neg3A_1522, %select_n3A_1517 : vector<16xf32>
    %select_n3A_1524 = arith.select %lt3A_1520, %neg3A_1523, %select_n3A_1517 : vector<16xi1>, vector<16xf32>
    %get3A_1525 = arith.constant 8 : i32
    %get3A_1526 = arith.index_cast %get3A_1525 : i32 to index
    %get3A_1527 = arith.constant 32 : index
    %get3A_1528 = tpu.vector_load %arg12[%get3A_1526, %get3A_1527] {strides = array<i32>} : memref<10x64xf32, #tpu.memory_space<vmem>>, vector<16xf32>,
    %get3A_1529 = arith.constant 9 : i32
    %get3A_1530 = arith.index_cast %get3A_1529 : i32 to index
    %get3A_1531 = arith.constant 32 : index
    %get3A_1532 = tpu.vector_load %arg12[%get3A_1530, %get3A_1531] {strides = array<i32>} : memref<10x64xf32, #tpu.memory_space<vmem>>, vector<16xf32>,
    %add3A_1533 = arith.addf %convert_element_type3A_1422, %get3A_1426 : vector<16xf32>
    %mul3A_1534 = arith.constant 4.000000e+00 : f32
    %mul3A_1535 = vector.broadcast %mul3A_1534 : f32 to vector<16xf32>
    %mul3A_1536 = arith.mulf %add3A_1533, %mul3A_1535 : vector<16xf32>
    %add3A_1537 = arith.addf %convert_element_type3A_1418, %get3A_1430 : vector<16xf32>
    %mul3A_1538 = arith.constant 4.000000e+00 : f32
    %mul3A_1539 = vector.broadcast %mul3A_1538 : f32 to vector<16xf32>
    %mul3A_1540 = arith.mulf %add3A_1537, %mul3A_1539 : vector<16xf32>
    %gt3A_1541 = arith.constant 1.000000e-01 : f32
    %gt3A_1542 = vector.broadcast %gt3A_1541 : f32 to vector<16xf32>
    %gt3A_1543 = arith.cmpf ogt, %get3A_1407, %gt3A_1542 : vector<16xf32>
    %gt3A_1544 = arith.constant 0.000000e+00 : f32
    %gt3A_1545 = vector.broadcast %gt3A_1544 : f32 to vector<16xf32>
    %gt3A_1546 = arith.cmpf ogt, %mul3A_1536, %gt3A_1545 : vector<16xf32>
    %and3A_1547 = arith.andi %gt3A_1543, %gt3A_1546 : vector<16xi1>
    %lt3A_1548 = arith.constant 2.048000e+03 : f32
    %lt3A_1549 = vector.broadcast %lt3A_1548 : f32 to vector<16xf32>
    %lt3A_1550 = arith.cmpf olt, %mul3A_1536, %lt3A_1549 : vector<16xf32>
    %and3A_1551 = arith.andi %and3A_1547, %lt3A_1550 : vector<16xi1>
    %gt3A_1552 = arith.constant 0.000000e+00 : f32
    %gt3A_1553 = vector.broadcast %gt3A_1552 : f32 to vector<16xf32>
    %gt3A_1554 = arith.cmpf ogt, %mul3A_1540, %gt3A_1553 : vector<16xf32>
    %and3A_1555 = arith.andi %and3A_1551, %gt3A_1554 : vector<16xi1>
    %lt3A_1556 = arith.constant 2.048000e+03 : f32
    %lt3A_1557 = vector.broadcast %lt3A_1556 : f32 to vector<16xf32>
    %lt3A_1558 = arith.cmpf olt, %mul3A_1540, %lt3A_1557 : vector<16xf32>
    %and3A_1559 = arith.andi %and3A_1555, %lt3A_1558 : vector<16xi1>
    %jit3A_1560 = arith.constant 0.000000e+00 : f32
    %broadcast_in_dim3A_1561 = vector.broadcast %jit3A_1560 : f32 to vector<16xf32>
    %select_n3A_1562 = arith.select %and3A_1559, %get3A_1407, %broadcast_in_dim3A_1561 : vector<16xi1>, vector<16xf32>
    %add3A_1563 = arith.constant 32 : i32
    %add3A_1564 = vector.broadcast %add3A_1563 : i32 to vector<16xi32>
    %add3A_1565 = arith.addi %add3A_1564, %iota3A : vector<16xi32>
    %broadcast_in_dim3A_1566 = arith.constant 0 : i32
    %broadcast_in_dim3A_1567 = vector.broadcast %broadcast_in_dim3A_1566 : i32 to vector<16xi32>
    tpu.vector_store_idx %arg13[%add3A_1565, %broadcast_in_dim3A_1567], %mul3A_1536 : memref<64x16xf32, #tpu.memory_space<vmem>>[vector<16xi32>, vector<16xi32>], vector<16xf32>,
    %add3A_1568 = arith.constant 32 : i32
    %add3A_1569 = vector.broadcast %add3A_1568 : i32 to vector<16xi32>
    %add3A_1570 = arith.addi %add3A_1569, %iota3A : vector<16xi32>
    %broadcast_in_dim3A_1571 = arith.constant 1 : i32
    %broadcast_in_dim3A_1572 = vector.broadcast %broadcast_in_dim3A_1571 : i32 to vector<16xi32>
    tpu.vector_store_idx %arg13[%add3A_1570, %broadcast_in_dim3A_1572], %mul3A_1540 : memref<64x16xf32, #tpu.memory_space<vmem>>[vector<16xi32>, vector<16xi32>], vector<16xf32>,
    %add3A_1573 = arith.constant 32 : i32
    %add3A_1574 = vector.broadcast %add3A_1573 : i32 to vector<16xi32>
    %add3A_1575 = arith.addi %add3A_1574, %iota3A : vector<16xi32>
    %broadcast_in_dim3A_1576 = arith.constant 2 : i32
    %broadcast_in_dim3A_1577 = vector.broadcast %broadcast_in_dim3A_1576 : i32 to vector<16xi32>
    tpu.vector_store_idx %arg13[%add3A_1575, %broadcast_in_dim3A_1577], %get3A_1434 : memref<64x16xf32, #tpu.memory_space<vmem>>[vector<16xi32>, vector<16xi32>], vector<16xf32>,
    %add3A_1578 = arith.constant 32 : i32
    %add3A_1579 = vector.broadcast %add3A_1578 : i32 to vector<16xi32>
    %add3A_1580 = arith.addi %add3A_1579, %iota3A : vector<16xi32>
    %broadcast_in_dim3A_1581 = arith.constant 3 : i32
    %broadcast_in_dim3A_1582 = vector.broadcast %broadcast_in_dim3A_1581 : i32 to vector<16xi32>
    tpu.vector_store_idx %arg13[%add3A_1580, %broadcast_in_dim3A_1582], %exp3A_1439 : memref<64x16xf32, #tpu.memory_space<vmem>>[vector<16xi32>, vector<16xi32>], vector<16xf32>,
    %add3A_1583 = arith.constant 32 : i32
    %add3A_1584 = vector.broadcast %add3A_1583 : i32 to vector<16xi32>
    %add3A_1585 = arith.addi %add3A_1584, %iota3A : vector<16xi32>
    %broadcast_in_dim3A_1586 = arith.constant 4 : i32
    %broadcast_in_dim3A_1587 = vector.broadcast %broadcast_in_dim3A_1586 : i32 to vector<16xi32>
    tpu.vector_store_idx %arg13[%add3A_1585, %broadcast_in_dim3A_1587], %exp3A_1444 : memref<64x16xf32, #tpu.memory_space<vmem>>[vector<16xi32>, vector<16xi32>], vector<16xf32>,
    %add3A_1588 = arith.constant 32 : i32
    %add3A_1589 = vector.broadcast %add3A_1588 : i32 to vector<16xi32>
    %add3A_1590 = arith.addi %add3A_1589, %iota3A : vector<16xi32>
    %broadcast_in_dim3A_1591 = arith.constant 5 : i32
    %broadcast_in_dim3A_1592 = vector.broadcast %broadcast_in_dim3A_1591 : i32 to vector<16xi32>
    tpu.vector_store_idx %arg13[%add3A_1590, %broadcast_in_dim3A_1592], %exp3A_1449 : memref<64x16xf32, #tpu.memory_space<vmem>>[vector<16xi32>, vector<16xi32>], vector<16xf32>,
    %add3A_1593 = arith.constant 32 : i32
    %add3A_1594 = vector.broadcast %add3A_1593 : i32 to vector<16xi32>
    %add3A_1595 = arith.addi %add3A_1594, %iota3A : vector<16xi32>
    %broadcast_in_dim3A_1596 = arith.constant 6 : i32
    %broadcast_in_dim3A_1597 = vector.broadcast %broadcast_in_dim3A_1596 : i32 to vector<16xi32>
    tpu.vector_store_idx %arg13[%add3A_1595, %broadcast_in_dim3A_1597], %select_n3A_1524 : memref<64x16xf32, #tpu.memory_space<vmem>>[vector<16xi32>, vector<16xi32>], vector<16xf32>,
    %add3A_1598 = arith.constant 32 : i32
    %add3A_1599 = vector.broadcast %add3A_1598 : i32 to vector<16xi32>
    %add3A_1600 = arith.addi %add3A_1599, %iota3A : vector<16xi32>
    %broadcast_in_dim3A_1601 = arith.constant 7 : i32
    %broadcast_in_dim3A_1602 = vector.broadcast %broadcast_in_dim3A_1601 : i32 to vector<16xi32>
    tpu.vector_store_idx %arg13[%add3A_1600, %broadcast_in_dim3A_1602], %get3A_1528 : memref<64x16xf32, #tpu.memory_space<vmem>>[vector<16xi32>, vector<16xi32>], vector<16xf32>,
    %add3A_1603 = arith.constant 32 : i32
    %add3A_1604 = vector.broadcast %add3A_1603 : i32 to vector<16xi32>
    %add3A_1605 = arith.addi %add3A_1604, %iota3A : vector<16xi32>
    %broadcast_in_dim3A_1606 = arith.constant 8 : i32
    %broadcast_in_dim3A_1607 = vector.broadcast %broadcast_in_dim3A_1606 : i32 to vector<16xi32>
    tpu.vector_store_idx %arg13[%add3A_1605, %broadcast_in_dim3A_1607], %get3A_1532 : memref<64x16xf32, #tpu.memory_space<vmem>>[vector<16xi32>, vector<16xi32>], vector<16xf32>,
    %add3A_1608 = arith.constant 32 : i32
    %add3A_1609 = vector.broadcast %add3A_1608 : i32 to vector<16xi32>
    %add3A_1610 = arith.addi %add3A_1609, %iota3A : vector<16xi32>
    %broadcast_in_dim3A_1611 = arith.constant 9 : i32
    %broadcast_in_dim3A_1612 = vector.broadcast %broadcast_in_dim3A_1611 : i32 to vector<16xi32>
    tpu.vector_store_idx %arg13[%add3A_1610, %broadcast_in_dim3A_1612], %select_n3A_1562 : memref<64x16xf32, #tpu.memory_space<vmem>>[vector<16xi32>, vector<16xi32>], vector<16xf32>,
    %add3A_1613 = arith.constant 32 : i32
    %add3A_1614 = vector.broadcast %add3A_1613 : i32 to vector<16xi32>
    %add3A_1615 = arith.addi %add3A_1614, %iota3A : vector<16xi32>
    %broadcast_in_dim3A_1616 = arith.constant 10 : i32
    %broadcast_in_dim3A_1617 = vector.broadcast %broadcast_in_dim3A_1616 : i32 to vector<16xi32>
    tpu.vector_store_idx %arg13[%add3A_1615, %broadcast_in_dim3A_1617], %convert_element_type3A_1414 : memref<64x16xf32, #tpu.memory_space<vmem>>[vector<16xi32>, vector<16xi32>], vector<16xf32>,
    %add3A_1618 = arith.constant 32 : i32
    %add3A_1619 = vector.broadcast %add3A_1618 : i32 to vector<16xi32>
    %add3A_1620 = arith.addi %add3A_1619, %iota3A : vector<16xi32>
    %broadcast_in_dim3A_1621 = arith.constant 11 : i32
    %broadcast_in_dim3A_1622 = vector.broadcast %broadcast_in_dim3A_1621 : i32 to vector<16xi32>
    %broadcast_in_dim3A_1623 = arith.constant 0.000000e+00 : f32
    %broadcast_in_dim3A_1624 = vector.broadcast %broadcast_in_dim3A_1623 : f32 to vector<16xf32>
    tpu.vector_store_idx %arg13[%add3A_1620, %broadcast_in_dim3A_1622], %broadcast_in_dim3A_1624 : memref<64x16xf32, #tpu.memory_space<vmem>>[vector<16xi32>, vector<16xi32>], vector<16xf32>,
    %add3A_1625 = arith.constant 32 : i32
    %add3A_1626 = vector.broadcast %add3A_1625 : i32 to vector<16xi32>
    %add3A_1627 = arith.addi %add3A_1626, %iota3A : vector<16xi32>
    %broadcast_in_dim3A_1628 = arith.constant 12 : i32
    %broadcast_in_dim3A_1629 = vector.broadcast %broadcast_in_dim3A_1628 : i32 to vector<16xi32>
    %broadcast_in_dim3A_1630 = arith.constant 0.000000e+00 : f32
    %broadcast_in_dim3A_1631 = vector.broadcast %broadcast_in_dim3A_1630 : f32 to vector<16xf32>
    tpu.vector_store_idx %arg13[%add3A_1627, %broadcast_in_dim3A_1629], %broadcast_in_dim3A_1631 : memref<64x16xf32, #tpu.memory_space<vmem>>[vector<16xi32>, vector<16xi32>], vector<16xf32>,
    %add3A_1632 = arith.constant 32 : i32
    %add3A_1633 = vector.broadcast %add3A_1632 : i32 to vector<16xi32>
    %add3A_1634 = arith.addi %add3A_1633, %iota3A : vector<16xi32>
    %broadcast_in_dim3A_1635 = arith.constant 13 : i32
    %broadcast_in_dim3A_1636 = vector.broadcast %broadcast_in_dim3A_1635 : i32 to vector<16xi32>
    %broadcast_in_dim3A_1637 = arith.constant 0.000000e+00 : f32
    %broadcast_in_dim3A_1638 = vector.broadcast %broadcast_in_dim3A_1637 : f32 to vector<16xf32>
    tpu.vector_store_idx %arg13[%add3A_1634, %broadcast_in_dim3A_1636], %broadcast_in_dim3A_1638 : memref<64x16xf32, #tpu.memory_space<vmem>>[vector<16xi32>, vector<16xi32>], vector<16xf32>,
    %add3A_1639 = arith.constant 32 : i32
    %add3A_1640 = vector.broadcast %add3A_1639 : i32 to vector<16xi32>
    %add3A_1641 = arith.addi %add3A_1640, %iota3A : vector<16xi32>
    %broadcast_in_dim3A_1642 = arith.constant 14 : i32
    %broadcast_in_dim3A_1643 = vector.broadcast %broadcast_in_dim3A_1642 : i32 to vector<16xi32>
    %broadcast_in_dim3A_1644 = arith.constant 0.000000e+00 : f32
    %broadcast_in_dim3A_1645 = vector.broadcast %broadcast_in_dim3A_1644 : f32 to vector<16xf32>
    tpu.vector_store_idx %arg13[%add3A_1641, %broadcast_in_dim3A_1643], %broadcast_in_dim3A_1645 : memref<64x16xf32, #tpu.memory_space<vmem>>[vector<16xi32>, vector<16xi32>], vector<16xf32>,
    %add3A_1646 = arith.constant 32 : i32
    %add3A_1647 = vector.broadcast %add3A_1646 : i32 to vector<16xi32>
    %add3A_1648 = arith.addi %add3A_1647, %iota3A : vector<16xi32>
    %broadcast_in_dim3A_1649 = arith.constant 15 : i32
    %broadcast_in_dim3A_1650 = vector.broadcast %broadcast_in_dim3A_1649 : i32 to vector<16xi32>
    %broadcast_in_dim3A_1651 = arith.constant 0.000000e+00 : f32
    %broadcast_in_dim3A_1652 = vector.broadcast %broadcast_in_dim3A_1651 : f32 to vector<16xf32>
    tpu.vector_store_idx %arg13[%add3A_1648, %broadcast_in_dim3A_1650], %broadcast_in_dim3A_1652 : memref<64x16xf32, #tpu.memory_space<vmem>>[vector<16xi32>, vector<16xi32>], vector<16xf32>,
    %get3A_1653 = arith.constant 48 : index
    %get3A_1654 = tpu.vector_load %arg11[%get3A_1653] {strides = array<i32>} : memref<64xi32, #tpu.memory_space<vmem>>, vector<16xi32>,
    %get3A_1655 = arith.constant 48 : index
    %get3A_1656 = tpu.vector_load %arg10[%get3A_1655] {strides = array<i32>} : memref<64xf32, #tpu.memory_space<vmem>>, vector<16xf32>,
    %and3A_1657 = arith.constant 262143 : i32
    %and3A_1658 = vector.broadcast %and3A_1657 : i32 to vector<16xi32>
    %and3A_1659 = arith.andi %get3A_1654, %and3A_1658 : vector<16xi32>
    %shift_right_logical3A_1660 = arith.constant 18 : i32
    %shift_right_logical3A_1661 = vector.broadcast %shift_right_logical3A_1660 : i32 to vector<16xi32>
    %shift_right_logical3A_1662 = arith.shrui %get3A_1654, %shift_right_logical3A_1661 : vector<16xi32>
    %convert_element_type3A_1663 = arith.sitofp %shift_right_logical3A_1662 : vector<16xi32> to vector<16xf32>
    %shift_right_logical3A_1664 = arith.constant 9 : i32
    %shift_right_logical3A_1665 = vector.broadcast %shift_right_logical3A_1664 : i32 to vector<16xi32>
    %shift_right_logical3A_1666 = arith.shrui %and3A_1659, %shift_right_logical3A_1665 : vector<16xi32>
    %convert_element_type3A_1667 = arith.sitofp %shift_right_logical3A_1666 : vector<16xi32> to vector<16xf32>
    %and3A_1668 = arith.constant 511 : i32
    %and3A_1669 = vector.broadcast %and3A_1668 : i32 to vector<16xi32>
    %and3A_1670 = arith.andi %and3A_1659, %and3A_1669 : vector<16xi32>
    %convert_element_type3A_1671 = arith.sitofp %and3A_1670 : vector<16xi32> to vector<16xf32>
    %get3A_1672 = arith.constant 0 : i32
    %get3A_1673 = arith.index_cast %get3A_1672 : i32 to index
    %get3A_1674 = arith.constant 48 : index
    %get3A_1675 = tpu.vector_load %arg12[%get3A_1673, %get3A_1674] {strides = array<i32>} : memref<10x64xf32, #tpu.memory_space<vmem>>, vector<16xf32>,
    %get3A_1676 = arith.constant 1 : i32
    %get3A_1677 = arith.index_cast %get3A_1676 : i32 to index
    %get3A_1678 = arith.constant 48 : index
    %get3A_1679 = tpu.vector_load %arg12[%get3A_1677, %get3A_1678] {strides = array<i32>} : memref<10x64xf32, #tpu.memory_space<vmem>>, vector<16xf32>,
    %get3A_1680 = arith.constant 2 : i32
    %get3A_1681 = arith.index_cast %get3A_1680 : i32 to index
    %get3A_1682 = arith.constant 48 : index
    %get3A_1683 = tpu.vector_load %arg12[%get3A_1681, %get3A_1682] {strides = array<i32>} : memref<10x64xf32, #tpu.memory_space<vmem>>, vector<16xf32>,
    %get3A_1684 = arith.constant 3 : i32
    %get3A_1685 = arith.index_cast %get3A_1684 : i32 to index
    %get3A_1686 = arith.constant 48 : index
    %get3A_1687 = tpu.vector_load %arg12[%get3A_1685, %get3A_1686] {strides = array<i32>} : memref<10x64xf32, #tpu.memory_space<vmem>>, vector<16xf32>,
    %exp3A_1688 = math.exp %get3A_1687 : vector<16xf32>
    %get3A_1689 = arith.constant 4 : i32
    %get3A_1690 = arith.index_cast %get3A_1689 : i32 to index
    %get3A_1691 = arith.constant 48 : index
    %get3A_1692 = tpu.vector_load %arg12[%get3A_1690, %get3A_1691] {strides = array<i32>} : memref<10x64xf32, #tpu.memory_space<vmem>>, vector<16xf32>,
    %exp3A_1693 = math.exp %get3A_1692 : vector<16xf32>
    %get3A_1694 = arith.constant 5 : i32
    %get3A_1695 = arith.index_cast %get3A_1694 : i32 to index
    %get3A_1696 = arith.constant 48 : index
    %get3A_1697 = tpu.vector_load %arg12[%get3A_1695, %get3A_1696] {strides = array<i32>} : memref<10x64xf32, #tpu.memory_space<vmem>>, vector<16xf32>,
    %exp3A_1698 = math.exp %get3A_1697 : vector<16xf32>
    %get3A_1699 = arith.constant 6 : i32
    %get3A_1700 = arith.index_cast %get3A_1699 : i32 to index
    %get3A_1701 = arith.constant 48 : index
    %get3A_1702 = tpu.vector_load %arg12[%get3A_1700, %get3A_1701] {strides = array<i32>} : memref<10x64xf32, #tpu.memory_space<vmem>>, vector<16xf32>,
    %get3A_1703 = arith.constant 7 : i32
    %get3A_1704 = arith.index_cast %get3A_1703 : i32 to index
    %get3A_1705 = arith.constant 48 : index
    %get3A_1706 = tpu.vector_load %arg12[%get3A_1704, %get3A_1705] {strides = array<i32>} : memref<10x64xf32, #tpu.memory_space<vmem>>, vector<16xf32>,
    %abs3A_1707 = math.absf %get3A_1702 : vector<16xf32>
    %abs3A_1708 = math.absf %get3A_1706 : vector<16xf32>
    %max3A_1709 = arith.maximumf %abs3A_1707, %abs3A_1708 : vector<16xf32>
    %min3A_1710 = arith.minimumf %abs3A_1707, %abs3A_1708 : vector<16xf32>
    %max3A_1711 = arith.constant 1.000000e-30 : f32
    %max3A_1712 = vector.broadcast %max3A_1711 : f32 to vector<16xf32>
    %max3A_1713 = arith.maximumf %max3A_1709, %max3A_1712 : vector<16xf32>
    %div3A_1714 = arith.divf %min3A_1710, %max3A_1713 : vector<16xf32>
    %mul3A_1715 = arith.mulf %div3A_1714, %div3A_1714 : vector<16xf32>
    %broadcast_in_dim3A_1716 = arith.constant -0.00187735213 : f32
    %broadcast_in_dim3A_1717 = vector.broadcast %broadcast_in_dim3A_1716 : f32 to vector<16xf32>
    %mul3A_1718 = arith.mulf %broadcast_in_dim3A_1717, %mul3A_1715 : vector<16xf32>
    %add3A_1719 = arith.constant 0.0112567721 : f32
    %add3A_1720 = vector.broadcast %add3A_1719 : f32 to vector<16xf32>
    %add3A_1721 = arith.addf %mul3A_1718, %add3A_1720 : vector<16xf32>
    %mul3A_1722 = arith.mulf %add3A_1721, %mul3A_1715 : vector<16xf32>
    %add3A_1723 = arith.constant -0.0317490809 : f32
    %add3A_1724 = vector.broadcast %add3A_1723 : f32 to vector<16xf32>
    %add3A_1725 = arith.addf %mul3A_1722, %add3A_1724 : vector<16xf32>
    %mul3A_1726 = arith.mulf %add3A_1725, %mul3A_1715 : vector<16xf32>
    %add3A_1727 = arith.constant 0.0584565066 : f32
    %add3A_1728 = vector.broadcast %add3A_1727 : f32 to vector<16xf32>
    %add3A_1729 = arith.addf %mul3A_1726, %add3A_1728 : vector<16xf32>
    %mul3A_1730 = arith.mulf %add3A_1729, %mul3A_1715 : vector<16xf32>
    %add3A_1731 = arith.constant -0.0842756107 : f32
    %add3A_1732 = vector.broadcast %add3A_1731 : f32 to vector<16xf32>
    %add3A_1733 = arith.addf %mul3A_1730, %add3A_1732 : vector<16xf32>
    %mul3A_1734 = arith.mulf %add3A_1733, %mul3A_1715 : vector<16xf32>
    %add3A_1735 = arith.constant 0.109583415 : f32
    %add3A_1736 = vector.broadcast %add3A_1735 : f32 to vector<16xf32>
    %add3A_1737 = arith.addf %mul3A_1734, %add3A_1736 : vector<16xf32>
    %mul3A_1738 = arith.mulf %add3A_1737, %mul3A_1715 : vector<16xf32>
    %add3A_1739 = arith.constant -0.142648891 : f32
    %add3A_1740 = vector.broadcast %add3A_1739 : f32 to vector<16xf32>
    %add3A_1741 = arith.addf %mul3A_1738, %add3A_1740 : vector<16xf32>
    %mul3A_1742 = arith.mulf %add3A_1741, %mul3A_1715 : vector<16xf32>
    %add3A_1743 = arith.constant 0.199985325 : f32
    %add3A_1744 = vector.broadcast %add3A_1743 : f32 to vector<16xf32>
    %add3A_1745 = arith.addf %mul3A_1742, %add3A_1744 : vector<16xf32>
    %mul3A_1746 = arith.mulf %add3A_1745, %mul3A_1715 : vector<16xf32>
    %add3A_1747 = arith.constant -0.333332926 : f32
    %add3A_1748 = vector.broadcast %add3A_1747 : f32 to vector<16xf32>
    %add3A_1749 = arith.addf %mul3A_1746, %add3A_1748 : vector<16xf32>
    %mul3A_1750 = arith.mulf %add3A_1749, %mul3A_1715 : vector<16xf32>
    %add3A_1751 = arith.constant 1.000000e+00 : f32
    %add3A_1752 = vector.broadcast %add3A_1751 : f32 to vector<16xf32>
    %add3A_1753 = arith.addf %mul3A_1750, %add3A_1752 : vector<16xf32>
    %mul3A_1754 = arith.mulf %div3A_1714, %add3A_1753 : vector<16xf32>
    %gt3A_1755 = arith.cmpf ogt, %abs3A_1707, %abs3A_1708 : vector<16xf32>
    %sub3A_1756 = arith.constant 1.57079637 : f32
    %sub3A_1757 = vector.broadcast %sub3A_1756 : f32 to vector<16xf32>
    %sub3A_1758 = arith.subf %sub3A_1757, %mul3A_1754 : vector<16xf32>
    %select_n3A_1759 = arith.select %gt3A_1755, %sub3A_1758, %mul3A_1754 : vector<16xi1>, vector<16xf32>
    %lt3A_1760 = arith.constant 0.000000e+00 : f32
    %lt3A_1761 = vector.broadcast %lt3A_1760 : f32 to vector<16xf32>
    %lt3A_1762 = arith.cmpf olt, %get3A_1706, %lt3A_1761 : vector<16xf32>
    %sub3A_1763 = arith.constant 3.14159274 : f32
    %sub3A_1764 = vector.broadcast %sub3A_1763 : f32 to vector<16xf32>
    %sub3A_1765 = arith.subf %sub3A_1764, %select_n3A_1759 : vector<16xf32>
    %select_n3A_1766 = arith.select %lt3A_1762, %sub3A_1765, %select_n3A_1759 : vector<16xi1>, vector<16xf32>
    %lt3A_1767 = arith.constant 0.000000e+00 : f32
    %lt3A_1768 = vector.broadcast %lt3A_1767 : f32 to vector<16xf32>
    %lt3A_1769 = arith.cmpf olt, %get3A_1702, %lt3A_1768 : vector<16xf32>
    %neg3A_1770 = arith.constant 0.000000e+00 : f32
    %neg3A_1771 = vector.broadcast %neg3A_1770 : f32 to vector<16xf32>
    %neg3A_1772 = arith.subf %neg3A_1771, %select_n3A_1766 : vector<16xf32>
    %select_n3A_1773 = arith.select %lt3A_1769, %neg3A_1772, %select_n3A_1766 : vector<16xi1>, vector<16xf32>
    %get3A_1774 = arith.constant 8 : i32
    %get3A_1775 = arith.index_cast %get3A_1774 : i32 to index
    %get3A_1776 = arith.constant 48 : index
    %get3A_1777 = tpu.vector_load %arg12[%get3A_1775, %get3A_1776] {strides = array<i32>} : memref<10x64xf32, #tpu.memory_space<vmem>>, vector<16xf32>,
    %get3A_1778 = arith.constant 9 : i32
    %get3A_1779 = arith.index_cast %get3A_1778 : i32 to index
    %get3A_1780 = arith.constant 48 : index
    %get3A_1781 = tpu.vector_load %arg12[%get3A_1779, %get3A_1780] {strides = array<i32>} : memref<10x64xf32, #tpu.memory_space<vmem>>, vector<16xf32>,
    %add3A_1782 = arith.addf %convert_element_type3A_1671, %get3A_1675 : vector<16xf32>
    %mul3A_1783 = arith.constant 4.000000e+00 : f32
    %mul3A_1784 = vector.broadcast %mul3A_1783 : f32 to vector<16xf32>
    %mul3A_1785 = arith.mulf %add3A_1782, %mul3A_1784 : vector<16xf32>
    %add3A_1786 = arith.addf %convert_element_type3A_1667, %get3A_1679 : vector<16xf32>
    %mul3A_1787 = arith.constant 4.000000e+00 : f32
    %mul3A_1788 = vector.broadcast %mul3A_1787 : f32 to vector<16xf32>
    %mul3A_1789 = arith.mulf %add3A_1786, %mul3A_1788 : vector<16xf32>
    %gt3A_1790 = arith.constant 1.000000e-01 : f32
    %gt3A_1791 = vector.broadcast %gt3A_1790 : f32 to vector<16xf32>
    %gt3A_1792 = arith.cmpf ogt, %get3A_1656, %gt3A_1791 : vector<16xf32>
    %gt3A_1793 = arith.constant 0.000000e+00 : f32
    %gt3A_1794 = vector.broadcast %gt3A_1793 : f32 to vector<16xf32>
    %gt3A_1795 = arith.cmpf ogt, %mul3A_1785, %gt3A_1794 : vector<16xf32>
    %and3A_1796 = arith.andi %gt3A_1792, %gt3A_1795 : vector<16xi1>
    %lt3A_1797 = arith.constant 2.048000e+03 : f32
    %lt3A_1798 = vector.broadcast %lt3A_1797 : f32 to vector<16xf32>
    %lt3A_1799 = arith.cmpf olt, %mul3A_1785, %lt3A_1798 : vector<16xf32>
    %and3A_1800 = arith.andi %and3A_1796, %lt3A_1799 : vector<16xi1>
    %gt3A_1801 = arith.constant 0.000000e+00 : f32
    %gt3A_1802 = vector.broadcast %gt3A_1801 : f32 to vector<16xf32>
    %gt3A_1803 = arith.cmpf ogt, %mul3A_1789, %gt3A_1802 : vector<16xf32>
    %and3A_1804 = arith.andi %and3A_1800, %gt3A_1803 : vector<16xi1>
    %lt3A_1805 = arith.constant 2.048000e+03 : f32
    %lt3A_1806 = vector.broadcast %lt3A_1805 : f32 to vector<16xf32>
    %lt3A_1807 = arith.cmpf olt, %mul3A_1789, %lt3A_1806 : vector<16xf32>
    %and3A_1808 = arith.andi %and3A_1804, %lt3A_1807 : vector<16xi1>
    %jit3A_1809 = arith.constant 0.000000e+00 : f32
    %broadcast_in_dim3A_1810 = vector.broadcast %jit3A_1809 : f32 to vector<16xf32>
    %select_n3A_1811 = arith.select %and3A_1808, %get3A_1656, %broadcast_in_dim3A_1810 : vector<16xi1>, vector<16xf32>
    %add3A_1812 = arith.constant 48 : i32
    %add3A_1813 = vector.broadcast %add3A_1812 : i32 to vector<16xi32>
    %add3A_1814 = arith.addi %add3A_1813, %iota3A : vector<16xi32>
    %broadcast_in_dim3A_1815 = arith.constant 0 : i32
    %broadcast_in_dim3A_1816 = vector.broadcast %broadcast_in_dim3A_1815 : i32 to vector<16xi32>
    tpu.vector_store_idx %arg13[%add3A_1814, %broadcast_in_dim3A_1816], %mul3A_1785 : memref<64x16xf32, #tpu.memory_space<vmem>>[vector<16xi32>, vector<16xi32>], vector<16xf32>,
    %add3A_1817 = arith.constant 48 : i32
    %add3A_1818 = vector.broadcast %add3A_1817 : i32 to vector<16xi32>
    %add3A_1819 = arith.addi %add3A_1818, %iota3A : vector<16xi32>
    %broadcast_in_dim3A_1820 = arith.constant 1 : i32
    %broadcast_in_dim3A_1821 = vector.broadcast %broadcast_in_dim3A_1820 : i32 to vector<16xi32>
    tpu.vector_store_idx %arg13[%add3A_1819, %broadcast_in_dim3A_1821], %mul3A_1789 : memref<64x16xf32, #tpu.memory_space<vmem>>[vector<16xi32>, vector<16xi32>], vector<16xf32>,
    %add3A_1822 = arith.constant 48 : i32
    %add3A_1823 = vector.broadcast %add3A_1822 : i32 to vector<16xi32>
    %add3A_1824 = arith.addi %add3A_1823, %iota3A : vector<16xi32>
    %broadcast_in_dim3A_1825 = arith.constant 2 : i32
    %broadcast_in_dim3A_1826 = vector.broadcast %broadcast_in_dim3A_1825 : i32 to vector<16xi32>
    tpu.vector_store_idx %arg13[%add3A_1824, %broadcast_in_dim3A_1826], %get3A_1683 : memref<64x16xf32, #tpu.memory_space<vmem>>[vector<16xi32>, vector<16xi32>], vector<16xf32>,
    %add3A_1827 = arith.constant 48 : i32
    %add3A_1828 = vector.broadcast %add3A_1827 : i32 to vector<16xi32>
    %add3A_1829 = arith.addi %add3A_1828, %iota3A : vector<16xi32>
    %broadcast_in_dim3A_1830 = arith.constant 3 : i32
    %broadcast_in_dim3A_1831 = vector.broadcast %broadcast_in_dim3A_1830 : i32 to vector<16xi32>
    tpu.vector_store_idx %arg13[%add3A_1829, %broadcast_in_dim3A_1831], %exp3A_1688 : memref<64x16xf32, #tpu.memory_space<vmem>>[vector<16xi32>, vector<16xi32>], vector<16xf32>,
    %add3A_1832 = arith.constant 48 : i32
    %add3A_1833 = vector.broadcast %add3A_1832 : i32 to vector<16xi32>
    %add3A_1834 = arith.addi %add3A_1833, %iota3A : vector<16xi32>
    %broadcast_in_dim3A_1835 = arith.constant 4 : i32
    %broadcast_in_dim3A_1836 = vector.broadcast %broadcast_in_dim3A_1835 : i32 to vector<16xi32>
    tpu.vector_store_idx %arg13[%add3A_1834, %broadcast_in_dim3A_1836], %exp3A_1693 : memref<64x16xf32, #tpu.memory_space<vmem>>[vector<16xi32>, vector<16xi32>], vector<16xf32>,
    %add3A_1837 = arith.constant 48 : i32
    %add3A_1838 = vector.broadcast %add3A_1837 : i32 to vector<16xi32>
    %add3A_1839 = arith.addi %add3A_1838, %iota3A : vector<16xi32>
    %broadcast_in_dim3A_1840 = arith.constant 5 : i32
    %broadcast_in_dim3A_1841 = vector.broadcast %broadcast_in_dim3A_1840 : i32 to vector<16xi32>
    tpu.vector_store_idx %arg13[%add3A_1839, %broadcast_in_dim3A_1841], %exp3A_1698 : memref<64x16xf32, #tpu.memory_space<vmem>>[vector<16xi32>, vector<16xi32>], vector<16xf32>,
    %add3A_1842 = arith.constant 48 : i32
    %add3A_1843 = vector.broadcast %add3A_1842 : i32 to vector<16xi32>
    %add3A_1844 = arith.addi %add3A_1843, %iota3A : vector<16xi32>
    %broadcast_in_dim3A_1845 = arith.constant 6 : i32
    %broadcast_in_dim3A_1846 = vector.broadcast %broadcast_in_dim3A_1845 : i32 to vector<16xi32>
    tpu.vector_store_idx %arg13[%add3A_1844, %broadcast_in_dim3A_1846], %select_n3A_1773 : memref<64x16xf32, #tpu.memory_space<vmem>>[vector<16xi32>, vector<16xi32>], vector<16xf32>,
    %add3A_1847 = arith.constant 48 : i32
    %add3A_1848 = vector.broadcast %add3A_1847 : i32 to vector<16xi32>
    %add3A_1849 = arith.addi %add3A_1848, %iota3A : vector<16xi32>
    %broadcast_in_dim3A_1850 = arith.constant 7 : i32
    %broadcast_in_dim3A_1851 = vector.broadcast %broadcast_in_dim3A_1850 : i32 to vector<16xi32>
    tpu.vector_store_idx %arg13[%add3A_1849, %broadcast_in_dim3A_1851], %get3A_1777 : memref<64x16xf32, #tpu.memory_space<vmem>>[vector<16xi32>, vector<16xi32>], vector<16xf32>,
    %add3A_1852 = arith.constant 48 : i32
    %add3A_1853 = vector.broadcast %add3A_1852 : i32 to vector<16xi32>
    %add3A_1854 = arith.addi %add3A_1853, %iota3A : vector<16xi32>
    %broadcast_in_dim3A_1855 = arith.constant 8 : i32
    %broadcast_in_dim3A_1856 = vector.broadcast %broadcast_in_dim3A_1855 : i32 to vector<16xi32>
    tpu.vector_store_idx %arg13[%add3A_1854, %broadcast_in_dim3A_1856], %get3A_1781 : memref<64x16xf32, #tpu.memory_space<vmem>>[vector<16xi32>, vector<16xi32>], vector<16xf32>,
    %add3A_1857 = arith.constant 48 : i32
    %add3A_1858 = vector.broadcast %add3A_1857 : i32 to vector<16xi32>
    %add3A_1859 = arith.addi %add3A_1858, %iota3A : vector<16xi32>
    %broadcast_in_dim3A_1860 = arith.constant 9 : i32
    %broadcast_in_dim3A_1861 = vector.broadcast %broadcast_in_dim3A_1860 : i32 to vector<16xi32>
    tpu.vector_store_idx %arg13[%add3A_1859, %broadcast_in_dim3A_1861], %select_n3A_1811 : memref<64x16xf32, #tpu.memory_space<vmem>>[vector<16xi32>, vector<16xi32>], vector<16xf32>,
    %add3A_1862 = arith.constant 48 : i32
    %add3A_1863 = vector.broadcast %add3A_1862 : i32 to vector<16xi32>
    %add3A_1864 = arith.addi %add3A_1863, %iota3A : vector<16xi32>
    %broadcast_in_dim3A_1865 = arith.constant 10 : i32
    %broadcast_in_dim3A_1866 = vector.broadcast %broadcast_in_dim3A_1865 : i32 to vector<16xi32>
    tpu.vector_store_idx %arg13[%add3A_1864, %broadcast_in_dim3A_1866], %convert_element_type3A_1663 : memref<64x16xf32, #tpu.memory_space<vmem>>[vector<16xi32>, vector<16xi32>], vector<16xf32>,
    %add3A_1867 = arith.constant 48 : i32
    %add3A_1868 = vector.broadcast %add3A_1867 : i32 to vector<16xi32>
    %add3A_1869 = arith.addi %add3A_1868, %iota3A : vector<16xi32>
    %broadcast_in_dim3A_1870 = arith.constant 11 : i32
    %broadcast_in_dim3A_1871 = vector.broadcast %broadcast_in_dim3A_1870 : i32 to vector<16xi32>
    %broadcast_in_dim3A_1872 = arith.constant 0.000000e+00 : f32
    %broadcast_in_dim3A_1873 = vector.broadcast %broadcast_in_dim3A_1872 : f32 to vector<16xf32>
    tpu.vector_store_idx %arg13[%add3A_1869, %broadcast_in_dim3A_1871], %broadcast_in_dim3A_1873 : memref<64x16xf32, #tpu.memory_space<vmem>>[vector<16xi32>, vector<16xi32>], vector<16xf32>,
    %add3A_1874 = arith.constant 48 : i32
    %add3A_1875 = vector.broadcast %add3A_1874 : i32 to vector<16xi32>
    %add3A_1876 = arith.addi %add3A_1875, %iota3A : vector<16xi32>
    %broadcast_in_dim3A_1877 = arith.constant 12 : i32
    %broadcast_in_dim3A_1878 = vector.broadcast %broadcast_in_dim3A_1877 : i32 to vector<16xi32>
    %broadcast_in_dim3A_1879 = arith.constant 0.000000e+00 : f32
    %broadcast_in_dim3A_1880 = vector.broadcast %broadcast_in_dim3A_1879 : f32 to vector<16xf32>
    tpu.vector_store_idx %arg13[%add3A_1876, %broadcast_in_dim3A_1878], %broadcast_in_dim3A_1880 : memref<64x16xf32, #tpu.memory_space<vmem>>[vector<16xi32>, vector<16xi32>], vector<16xf32>,
    %add3A_1881 = arith.constant 48 : i32
    %add3A_1882 = vector.broadcast %add3A_1881 : i32 to vector<16xi32>
    %add3A_1883 = arith.addi %add3A_1882, %iota3A : vector<16xi32>
    %broadcast_in_dim3A_1884 = arith.constant 13 : i32
    %broadcast_in_dim3A_1885 = vector.broadcast %broadcast_in_dim3A_1884 : i32 to vector<16xi32>
    %broadcast_in_dim3A_1886 = arith.constant 0.000000e+00 : f32
    %broadcast_in_dim3A_1887 = vector.broadcast %broadcast_in_dim3A_1886 : f32 to vector<16xf32>
    tpu.vector_store_idx %arg13[%add3A_1883, %broadcast_in_dim3A_1885], %broadcast_in_dim3A_1887 : memref<64x16xf32, #tpu.memory_space<vmem>>[vector<16xi32>, vector<16xi32>], vector<16xf32>,
    %add3A_1888 = arith.constant 48 : i32
    %add3A_1889 = vector.broadcast %add3A_1888 : i32 to vector<16xi32>
    %add3A_1890 = arith.addi %add3A_1889, %iota3A : vector<16xi32>
    %broadcast_in_dim3A_1891 = arith.constant 14 : i32
    %broadcast_in_dim3A_1892 = vector.broadcast %broadcast_in_dim3A_1891 : i32 to vector<16xi32>
    %broadcast_in_dim3A_1893 = arith.constant 0.000000e+00 : f32
    %broadcast_in_dim3A_1894 = vector.broadcast %broadcast_in_dim3A_1893 : f32 to vector<16xf32>
    tpu.vector_store_idx %arg13[%add3A_1890, %broadcast_in_dim3A_1892], %broadcast_in_dim3A_1894 : memref<64x16xf32, #tpu.memory_space<vmem>>[vector<16xi32>, vector<16xi32>], vector<16xf32>,
    %add3A_1895 = arith.constant 48 : i32
    %add3A_1896 = vector.broadcast %add3A_1895 : i32 to vector<16xi32>
    %add3A_1897 = arith.addi %add3A_1896, %iota3A : vector<16xi32>
    %broadcast_in_dim3A_1898 = arith.constant 15 : i32
    %broadcast_in_dim3A_1899 = vector.broadcast %broadcast_in_dim3A_1898 : i32 to vector<16xi32>
    %broadcast_in_dim3A_1900 = arith.constant 0.000000e+00 : f32
    %broadcast_in_dim3A_1901 = vector.broadcast %broadcast_in_dim3A_1900 : f32 to vector<16xf32>
    tpu.vector_store_idx %arg13[%add3A_1897, %broadcast_in_dim3A_1899], %broadcast_in_dim3A_1901 : memref<64x16xf32, #tpu.memory_space<vmem>>[vector<16xi32>, vector<16xi32>], vector<16xf32>,
    "tpu.region"() ({
      %run_scoped3A = tpu.sem_alloc : memref<!tpu.dma_semaphore, #tpu.memory_space<semaphore_mem>>
      %dma_start3A_1902 = arith.constant 0 : i32
      %dma_start3A_1903 = tpu.memref_slice %arg9[%mul3A_18, %dma_start3A_1902] : memref<2048x16xf32, #tpu.memory_space<hbm>> -> memref<64x16xf32, #tpu.memory_space<hbm>>
      %dma_start3A_1904 = arith.constant 0 : i32
      %dma_start3A_1905 = tpu.memref_slice %arg9[%mul3A_18, %dma_start3A_1904] : memref<2048x16xf32, #tpu.memory_space<hbm>> -> memref<64x16xf32, #tpu.memory_space<hbm>>
      tpu.enqueue_dma source(%arg13 : memref<64x16xf32, #tpu.memory_space<vmem>>) target(%dma_start3A_1905 : memref<64x16xf32, #tpu.memory_space<hbm>>) target_semaphore(%run_scoped3A : memref<!tpu.dma_semaphore, #tpu.memory_space<semaphore_mem>>)
      %dma_wait3A_1906 = arith.constant 0 : i32
      %dma_wait3A_1907 = tpu.memref_slice %arg9[%mul3A_18, %dma_wait3A_1906] : memref<2048x16xf32, #tpu.memory_space<hbm>> -> memref<64x16xf32, #tpu.memory_space<hbm>>
      %dma_wait3A_1908 = arith.constant 0 : i32
      %dma_wait3A_1909 = tpu.memref_slice %arg9[%mul3A_18, %dma_wait3A_1908] : memref<2048x16xf32, #tpu.memory_space<hbm>> -> memref<64x16xf32, #tpu.memory_space<hbm>>
      tpu.wait_dma2 semaphore(%run_scoped3A : memref<!tpu.dma_semaphore, #tpu.memory_space<semaphore_mem>>) src(%arg13 : memref<64x16xf32, #tpu.memory_space<vmem>>) dst(%dma_wait3A_1909 : memref<64x16xf32, #tpu.memory_space<hbm>>)
      tpu.yield
    }) : () -> ()
    return
  }
}

module attributes {stable_mosaic.version = 14 : i64} {
  func.func @_suppress_body(%arg0: i32, %arg1: memref<1x512x512xf32, #tpu.memory_space<vmem>>, %arg2: memref<1x4x512x128xf32, #tpu.memory_space<vmem>>) attributes {dimension_semantics = [#tpu.dimension_semantics<arbitrary>], iteration_bounds = array<i64: 8>, scalar_prefetch = 0 : i64, scratch_operands = 0 : i64, tpu.core_type = #tpu.core_type<tc>, window_params = [{transform_indices = @transform_0, window_bounds = array<i64: 1, 512, 512>}, {transform_indices = @transform_1, window_bounds = array<i64: 1, 4, 512, 128>}]} {
    %get3A = arith.constant 0 : index
    %get3A_0 = arith.constant 0 : index
    %get3A_1 = arith.constant 0 : index
    %get3A_2 = vector.load %arg1[%get3A, %get3A_0, %get3A_1] : memref<1x512x512xf32, #tpu.memory_space<vmem>>, vector<1x512x512xf32>
    %get3A_3 = vector.shape_cast %get3A_2 : vector<1x512x512xf32> to vector<512x512xf32>
    %neg3A = arith.constant 0.000000e+00 : f32
    %neg3A_4 = vector.broadcast %neg3A : f32 to vector<512x512xf32>
    %neg3A_5 = arith.subf %neg3A_4, %get3A_3 : vector<512x512xf32>
    %exp3A = math.exp %neg3A_5 : vector<512x512xf32>
    %add3A = arith.constant 1.000000e+00 : f32
    %add3A_6 = vector.broadcast %add3A : f32 to vector<512x512xf32>
    %add3A_7 = arith.addf %add3A_6, %exp3A : vector<512x512xf32>
    %div3A = arith.constant 1.000000e+00 : f32
    %div3A_8 = vector.broadcast %div3A : f32 to vector<512x512xf32>
    %div3A_9 = arith.divf %div3A_8, %add3A_7 : vector<512x512xf32>
    %broadcast_in_dim3A = arith.constant 0xFF800000 : f32
    %broadcast_in_dim3A_10 = vector.broadcast %broadcast_in_dim3A : f32 to vector<1x512xf32>
    %slice3A = vector.extract_strided_slice %div3A_9 {offsets = [1, 0], sizes = [511, 512], strides = [1, 1]} : vector<512x512xf32> to vector<511x512xf32>
    %concatenate3A = tpu.concatenate %slice3A, %broadcast_in_dim3A_10 in 0 : vector<511x512xf32>, vector<1x512xf32> -> vector<512x512xf32>
    %slice3A_11 = vector.extract_strided_slice %div3A_9 {offsets = [0, 0], sizes = [511, 512], strides = [1, 1]} : vector<512x512xf32> to vector<511x512xf32>
    %concatenate3A_12 = tpu.concatenate %broadcast_in_dim3A_10, %slice3A_11 in 0 : vector<1x512xf32>, vector<511x512xf32> -> vector<512x512xf32>
    %max3A = arith.maximumf %div3A_9, %concatenate3A : vector<512x512xf32>
    %max3A_13 = arith.maximumf %max3A, %concatenate3A_12 : vector<512x512xf32>
    %broadcast_in_dim3A_14 = arith.constant 0xFF800000 : f32
    %broadcast_in_dim3A_15 = vector.broadcast %broadcast_in_dim3A_14 : f32 to vector<512x1xf32>
    %slice3A_16 = vector.extract_strided_slice %max3A_13 {offsets = [0, 1], sizes = [512, 511], strides = [1, 1]} : vector<512x512xf32> to vector<512x511xf32>
    %concatenate3A_17 = tpu.concatenate %slice3A_16, %broadcast_in_dim3A_15 in 1 : vector<512x511xf32>, vector<512x1xf32> -> vector<512x512xf32>
    %slice3A_18 = vector.extract_strided_slice %max3A_13 {offsets = [0, 0], sizes = [512, 511], strides = [1, 1]} : vector<512x512xf32> to vector<512x511xf32>
    %concatenate3A_19 = tpu.concatenate %broadcast_in_dim3A_15, %slice3A_18 in 1 : vector<512x1xf32>, vector<512x511xf32> -> vector<512x512xf32>
    %max3A_20 = arith.maximumf %max3A_13, %concatenate3A_17 : vector<512x512xf32>
    %max3A_21 = arith.maximumf %max3A_20, %concatenate3A_19 : vector<512x512xf32>
    %eq3A = arith.cmpf oeq, %div3A_9, %max3A_21 : vector<512x512xf32>
    %jit3A = arith.constant 0.000000e+00 : f32
    %broadcast_in_dim3A_22 = vector.broadcast %jit3A : f32 to vector<512x512xf32>
    %select_n3A = arith.select %eq3A, %div3A_9, %broadcast_in_dim3A_22 : vector<512x512xi1>, vector<512x512xf32>
    %slice3A_23 = vector.extract_strided_slice %select_n3A {offsets = [0, 0], sizes = [512, 128], strides = [1, 1]} : vector<512x512xf32> to vector<512x128xf32>
    %swap3A = arith.constant 0 : index
    %swap3A_24 = arith.constant 0 : index
    %swap3A_25 = arith.constant 0 : index
    %swap3A_26 = arith.constant 0 : index
    %swap3A_27 = vector.load %arg2[%swap3A, %swap3A_24, %swap3A_25, %swap3A_26] : memref<1x4x512x128xf32, #tpu.memory_space<vmem>>, vector<1x1x512x128xf32>
    %swap3A_28 = vector.shape_cast %swap3A_27 : vector<1x1x512x128xf32> to vector<512x128xf32>
    %swap3A_29 = vector.shape_cast %slice3A_23 : vector<512x128xf32> to vector<1x1x512x128xf32>
    tpu.vector_store %arg2[%swap3A, %swap3A_24, %swap3A_25, %swap3A_26], %swap3A_29 {strides = array<i32>} : memref<1x4x512x128xf32, #tpu.memory_space<vmem>>, vector<1x1x512x128xf32>,
    %slice3A_30 = vector.extract_strided_slice %select_n3A {offsets = [0, 128], sizes = [512, 128], strides = [1, 1]} : vector<512x512xf32> to vector<512x128xf32>
    %swap3A_31 = arith.constant 0 : index
    %swap3A_32 = arith.constant 1 : index
    %swap3A_33 = arith.constant 0 : index
    %swap3A_34 = arith.constant 0 : index
    %swap3A_35 = vector.load %arg2[%swap3A_31, %swap3A_32, %swap3A_33, %swap3A_34] : memref<1x4x512x128xf32, #tpu.memory_space<vmem>>, vector<1x1x512x128xf32>
    %swap3A_36 = vector.shape_cast %swap3A_35 : vector<1x1x512x128xf32> to vector<512x128xf32>
    %swap3A_37 = vector.shape_cast %slice3A_30 : vector<512x128xf32> to vector<1x1x512x128xf32>
    tpu.vector_store %arg2[%swap3A_31, %swap3A_32, %swap3A_33, %swap3A_34], %swap3A_37 {strides = array<i32>} : memref<1x4x512x128xf32, #tpu.memory_space<vmem>>, vector<1x1x512x128xf32>,
    %slice3A_38 = vector.extract_strided_slice %select_n3A {offsets = [0, 256], sizes = [512, 128], strides = [1, 1]} : vector<512x512xf32> to vector<512x128xf32>
    %swap3A_39 = arith.constant 0 : index
    %swap3A_40 = arith.constant 2 : index
    %swap3A_41 = arith.constant 0 : index
    %swap3A_42 = arith.constant 0 : index
    %swap3A_43 = vector.load %arg2[%swap3A_39, %swap3A_40, %swap3A_41, %swap3A_42] : memref<1x4x512x128xf32, #tpu.memory_space<vmem>>, vector<1x1x512x128xf32>
    %swap3A_44 = vector.shape_cast %swap3A_43 : vector<1x1x512x128xf32> to vector<512x128xf32>
    %swap3A_45 = vector.shape_cast %slice3A_38 : vector<512x128xf32> to vector<1x1x512x128xf32>
    tpu.vector_store %arg2[%swap3A_39, %swap3A_40, %swap3A_41, %swap3A_42], %swap3A_45 {strides = array<i32>} : memref<1x4x512x128xf32, #tpu.memory_space<vmem>>, vector<1x1x512x128xf32>,
    %slice3A_46 = vector.extract_strided_slice %select_n3A {offsets = [0, 384], sizes = [512, 128], strides = [1, 1]} : vector<512x512xf32> to vector<512x128xf32>
    %swap3A_47 = arith.constant 0 : index
    %swap3A_48 = arith.constant 3 : index
    %swap3A_49 = arith.constant 0 : index
    %swap3A_50 = arith.constant 0 : index
    %swap3A_51 = vector.load %arg2[%swap3A_47, %swap3A_48, %swap3A_49, %swap3A_50] : memref<1x4x512x128xf32, #tpu.memory_space<vmem>>, vector<1x1x512x128xf32>
    %swap3A_52 = vector.shape_cast %swap3A_51 : vector<1x1x512x128xf32> to vector<512x128xf32>
    %swap3A_53 = vector.shape_cast %slice3A_46 : vector<512x128xf32> to vector<1x1x512x128xf32>
    tpu.vector_store %arg2[%swap3A_47, %swap3A_48, %swap3A_49, %swap3A_50], %swap3A_53 {strides = array<i32>} : memref<1x4x512x128xf32, #tpu.memory_space<vmem>>, vector<1x1x512x128xf32>,
    return
  }
  func.func @transform_0(%arg0: i32) -> (i32, i32, i32) {
    %c0_i32 = arith.constant 0 : i32
    %c0_i32_0 = arith.constant 0 : i32
    %c0_i32_1 = arith.constant 0 : i32
    return %arg0, %c0_i32, %c0_i32_0 : i32, i32, i32
  }
  func.func @transform_1(%arg0: i32) -> (i32, i32, i32, i32) {
    %c0_i32 = arith.constant 0 : i32
    %c0_i32_0 = arith.constant 0 : i32
    %c0_i32_1 = arith.constant 0 : i32
    %c0_i32_2 = arith.constant 0 : i32
    return %arg0, %c0_i32, %c0_i32_0, %c0_i32_1 : i32, i32, i32, i32
  }
}

module attributes {stable_mosaic.version = 14 : i64} {
  func.func @_relayout_body(%arg0: i32, %arg1: i32, %arg2: memref<1x2x512x128xf32, #tpu.memory_space<vmem>>, %arg3: memref<1x1x512x128xf32, #tpu.memory_space<vmem>>, %arg4: memref<1x3x512x128xf32, #tpu.memory_space<vmem>>, %arg5: memref<1x2x512x128xf32, #tpu.memory_space<vmem>>, %arg6: memref<1x2x512x128xf32, #tpu.memory_space<vmem>>, %arg7: memref<1x2x1x512x128xf32, #tpu.memory_space<vmem>>, %arg8: memref<1x1x1x512x128xf32, #tpu.memory_space<vmem>>, %arg9: memref<1x3x1x512x128xf32, #tpu.memory_space<vmem>>, %arg10: memref<1x2x1x512x128xf32, #tpu.memory_space<vmem>>, %arg11: memref<1x2x1x512x128xf32, #tpu.memory_space<vmem>>) attributes {dimension_semantics = [#tpu.dimension_semantics<arbitrary>, #tpu.dimension_semantics<arbitrary>], iteration_bounds = array<i64: 4, 4>, scalar_prefetch = 0 : i64, scratch_operands = 0 : i64, tpu.core_type = #tpu.core_type<tc>, window_params = [{transform_indices = @transform_0, window_bounds = array<i64: 1, 2, 512, 128>}, {transform_indices = @transform_1, window_bounds = array<i64: 1, 1, 512, 128>}, {transform_indices = @transform_2, window_bounds = array<i64: 1, 3, 512, 128>}, {transform_indices = @transform_3, window_bounds = array<i64: 1, 2, 512, 128>}, {transform_indices = @transform_4, window_bounds = array<i64: 1, 2, 512, 128>}, {transform_indices = @transform_5, window_bounds = array<i64: 1, 2, 1, 512, 128>}, {transform_indices = @transform_6, window_bounds = array<i64: 1, 1, 1, 512, 128>}, {transform_indices = @transform_7, window_bounds = array<i64: 1, 3, 1, 512, 128>}, {transform_indices = @transform_8, window_bounds = array<i64: 1, 2, 1, 512, 128>}, {transform_indices = @transform_9, window_bounds = array<i64: 1, 2, 1, 512, 128>}]} {
    %get3A = arith.constant 0 : index
    %get3A_0 = arith.constant 0 : index
    %get3A_1 = arith.constant 0 : index
    %get3A_2 = arith.constant 0 : index
    %get3A_3 = vector.load %arg2[%get3A, %get3A_0, %get3A_1, %get3A_2] : memref<1x2x512x128xf32, #tpu.memory_space<vmem>>, vector<1x2x512x128xf32>
    %get3A_4 = vector.shape_cast %get3A_3 : vector<1x2x512x128xf32> to vector<2x512x128xf32>
    %swap3A = arith.constant 0 : index
    %swap3A_5 = arith.constant 0 : index
    %swap3A_6 = arith.constant 0 : index
    %swap3A_7 = arith.constant 0 : index
    %swap3A_8 = arith.constant 0 : index
    %swap3A_9 = vector.load %arg7[%swap3A, %swap3A_5, %swap3A_6, %swap3A_7, %swap3A_8] : memref<1x2x1x512x128xf32, #tpu.memory_space<vmem>>, vector<1x2x1x512x128xf32>
    %swap3A_10 = vector.shape_cast %swap3A_9 : vector<1x2x1x512x128xf32> to vector<2x512x128xf32>
    %swap3A_11 = vector.shape_cast %get3A_4 : vector<2x512x128xf32> to vector<1x2x1x512x128xf32>
    tpu.vector_store %arg7[%swap3A, %swap3A_5, %swap3A_6, %swap3A_7, %swap3A_8], %swap3A_11 {strides = array<i32>} : memref<1x2x1x512x128xf32, #tpu.memory_space<vmem>>, vector<1x2x1x512x128xf32>,
    %get3A_12 = arith.constant 0 : index
    %get3A_13 = arith.constant 0 : index
    %get3A_14 = arith.constant 0 : index
    %get3A_15 = arith.constant 0 : index
    %get3A_16 = vector.load %arg3[%get3A_12, %get3A_13, %get3A_14, %get3A_15] : memref<1x1x512x128xf32, #tpu.memory_space<vmem>>, vector<1x1x512x128xf32>
    %get3A_17 = vector.shape_cast %get3A_16 : vector<1x1x512x128xf32> to vector<1x512x128xf32>
    %swap3A_18 = arith.constant 0 : index
    %swap3A_19 = arith.constant 0 : index
    %swap3A_20 = arith.constant 0 : index
    %swap3A_21 = arith.constant 0 : index
    %swap3A_22 = arith.constant 0 : index
    %swap3A_23 = vector.load %arg8[%swap3A_18, %swap3A_19, %swap3A_20, %swap3A_21, %swap3A_22] : memref<1x1x1x512x128xf32, #tpu.memory_space<vmem>>, vector<1x1x1x512x128xf32>
    %swap3A_24 = vector.shape_cast %swap3A_23 : vector<1x1x1x512x128xf32> to vector<1x512x128xf32>
    %swap3A_25 = vector.shape_cast %get3A_17 : vector<1x512x128xf32> to vector<1x1x1x512x128xf32>
    tpu.vector_store %arg8[%swap3A_18, %swap3A_19, %swap3A_20, %swap3A_21, %swap3A_22], %swap3A_25 {strides = array<i32>} : memref<1x1x1x512x128xf32, #tpu.memory_space<vmem>>, vector<1x1x1x512x128xf32>,
    %get3A_26 = arith.constant 0 : index
    %get3A_27 = arith.constant 0 : index
    %get3A_28 = arith.constant 0 : index
    %get3A_29 = arith.constant 0 : index
    %get3A_30 = vector.load %arg4[%get3A_26, %get3A_27, %get3A_28, %get3A_29] : memref<1x3x512x128xf32, #tpu.memory_space<vmem>>, vector<1x3x512x128xf32>
    %get3A_31 = vector.shape_cast %get3A_30 : vector<1x3x512x128xf32> to vector<3x512x128xf32>
    %swap3A_32 = arith.constant 0 : index
    %swap3A_33 = arith.constant 0 : index
    %swap3A_34 = arith.constant 0 : index
    %swap3A_35 = arith.constant 0 : index
    %swap3A_36 = arith.constant 0 : index
    %swap3A_37 = vector.load %arg9[%swap3A_32, %swap3A_33, %swap3A_34, %swap3A_35, %swap3A_36] : memref<1x3x1x512x128xf32, #tpu.memory_space<vmem>>, vector<1x3x1x512x128xf32>
    %swap3A_38 = vector.shape_cast %swap3A_37 : vector<1x3x1x512x128xf32> to vector<3x512x128xf32>
    %swap3A_39 = vector.shape_cast %get3A_31 : vector<3x512x128xf32> to vector<1x3x1x512x128xf32>
    tpu.vector_store %arg9[%swap3A_32, %swap3A_33, %swap3A_34, %swap3A_35, %swap3A_36], %swap3A_39 {strides = array<i32>} : memref<1x3x1x512x128xf32, #tpu.memory_space<vmem>>, vector<1x3x1x512x128xf32>,
    %get3A_40 = arith.constant 0 : index
    %get3A_41 = arith.constant 0 : index
    %get3A_42 = arith.constant 0 : index
    %get3A_43 = arith.constant 0 : index
    %get3A_44 = vector.load %arg5[%get3A_40, %get3A_41, %get3A_42, %get3A_43] : memref<1x2x512x128xf32, #tpu.memory_space<vmem>>, vector<1x2x512x128xf32>
    %get3A_45 = vector.shape_cast %get3A_44 : vector<1x2x512x128xf32> to vector<2x512x128xf32>
    %swap3A_46 = arith.constant 0 : index
    %swap3A_47 = arith.constant 0 : index
    %swap3A_48 = arith.constant 0 : index
    %swap3A_49 = arith.constant 0 : index
    %swap3A_50 = arith.constant 0 : index
    %swap3A_51 = vector.load %arg10[%swap3A_46, %swap3A_47, %swap3A_48, %swap3A_49, %swap3A_50] : memref<1x2x1x512x128xf32, #tpu.memory_space<vmem>>, vector<1x2x1x512x128xf32>
    %swap3A_52 = vector.shape_cast %swap3A_51 : vector<1x2x1x512x128xf32> to vector<2x512x128xf32>
    %swap3A_53 = vector.shape_cast %get3A_45 : vector<2x512x128xf32> to vector<1x2x1x512x128xf32>
    tpu.vector_store %arg10[%swap3A_46, %swap3A_47, %swap3A_48, %swap3A_49, %swap3A_50], %swap3A_53 {strides = array<i32>} : memref<1x2x1x512x128xf32, #tpu.memory_space<vmem>>, vector<1x2x1x512x128xf32>,
    %get3A_54 = arith.constant 0 : index
    %get3A_55 = arith.constant 0 : index
    %get3A_56 = arith.constant 0 : index
    %get3A_57 = arith.constant 0 : index
    %get3A_58 = vector.load %arg6[%get3A_54, %get3A_55, %get3A_56, %get3A_57] : memref<1x2x512x128xf32, #tpu.memory_space<vmem>>, vector<1x2x512x128xf32>
    %get3A_59 = vector.shape_cast %get3A_58 : vector<1x2x512x128xf32> to vector<2x512x128xf32>
    %swap3A_60 = arith.constant 0 : index
    %swap3A_61 = arith.constant 0 : index
    %swap3A_62 = arith.constant 0 : index
    %swap3A_63 = arith.constant 0 : index
    %swap3A_64 = arith.constant 0 : index
    %swap3A_65 = vector.load %arg11[%swap3A_60, %swap3A_61, %swap3A_62, %swap3A_63, %swap3A_64] : memref<1x2x1x512x128xf32, #tpu.memory_space<vmem>>, vector<1x2x1x512x128xf32>
    %swap3A_66 = vector.shape_cast %swap3A_65 : vector<1x2x1x512x128xf32> to vector<2x512x128xf32>
    %swap3A_67 = vector.shape_cast %get3A_59 : vector<2x512x128xf32> to vector<1x2x1x512x128xf32>
    tpu.vector_store %arg11[%swap3A_60, %swap3A_61, %swap3A_62, %swap3A_63, %swap3A_64], %swap3A_67 {strides = array<i32>} : memref<1x2x1x512x128xf32, #tpu.memory_space<vmem>>, vector<1x2x1x512x128xf32>,
    return
  }
  func.func @transform_0(%arg0: i32, %arg1: i32) -> (i32, i32, i32, i32) {
    %c0_i32 = arith.constant 0 : i32
    %c0_i32_0 = arith.constant 0 : i32
    %c0_i32_1 = arith.constant 0 : i32
    return %arg0, %c0_i32, %c0_i32_0, %arg1 : i32, i32, i32, i32
  }
  func.func @transform_1(%arg0: i32, %arg1: i32) -> (i32, i32, i32, i32) {
    %c0_i32 = arith.constant 0 : i32
    %c0_i32_0 = arith.constant 0 : i32
    %c0_i32_1 = arith.constant 0 : i32
    return %arg0, %c0_i32, %c0_i32_0, %arg1 : i32, i32, i32, i32
  }
  func.func @transform_2(%arg0: i32, %arg1: i32) -> (i32, i32, i32, i32) {
    %c0_i32 = arith.constant 0 : i32
    %c0_i32_0 = arith.constant 0 : i32
    %c0_i32_1 = arith.constant 0 : i32
    return %arg0, %c0_i32, %c0_i32_0, %arg1 : i32, i32, i32, i32
  }
  func.func @transform_3(%arg0: i32, %arg1: i32) -> (i32, i32, i32, i32) {
    %c0_i32 = arith.constant 0 : i32
    %c0_i32_0 = arith.constant 0 : i32
    %c0_i32_1 = arith.constant 0 : i32
    return %arg0, %c0_i32, %c0_i32_0, %arg1 : i32, i32, i32, i32
  }
  func.func @transform_4(%arg0: i32, %arg1: i32) -> (i32, i32, i32, i32) {
    %c0_i32 = arith.constant 0 : i32
    %c0_i32_0 = arith.constant 0 : i32
    %c0_i32_1 = arith.constant 0 : i32
    return %arg0, %c0_i32, %c0_i32_0, %arg1 : i32, i32, i32, i32
  }
  func.func @transform_5(%arg0: i32, %arg1: i32) -> (i32, i32, i32, i32, i32) {
    %c0_i32 = arith.constant 0 : i32
    %c0_i32_0 = arith.constant 0 : i32
    %c0_i32_1 = arith.constant 0 : i32
    %c0_i32_2 = arith.constant 0 : i32
    return %arg0, %c0_i32, %arg1, %c0_i32_0, %c0_i32_1 : i32, i32, i32, i32, i32
  }
  func.func @transform_6(%arg0: i32, %arg1: i32) -> (i32, i32, i32, i32, i32) {
    %c0_i32 = arith.constant 0 : i32
    %c0_i32_0 = arith.constant 0 : i32
    %c0_i32_1 = arith.constant 0 : i32
    %c0_i32_2 = arith.constant 0 : i32
    return %arg0, %c0_i32, %arg1, %c0_i32_0, %c0_i32_1 : i32, i32, i32, i32, i32
  }
  func.func @transform_7(%arg0: i32, %arg1: i32) -> (i32, i32, i32, i32, i32) {
    %c0_i32 = arith.constant 0 : i32
    %c0_i32_0 = arith.constant 0 : i32
    %c0_i32_1 = arith.constant 0 : i32
    %c0_i32_2 = arith.constant 0 : i32
    return %arg0, %c0_i32, %arg1, %c0_i32_0, %c0_i32_1 : i32, i32, i32, i32, i32
  }
  func.func @transform_8(%arg0: i32, %arg1: i32) -> (i32, i32, i32, i32, i32) {
    %c0_i32 = arith.constant 0 : i32
    %c0_i32_0 = arith.constant 0 : i32
    %c0_i32_1 = arith.constant 0 : i32
    %c0_i32_2 = arith.constant 0 : i32
    return %arg0, %c0_i32, %arg1, %c0_i32_0, %c0_i32_1 : i32, i32, i32, i32, i32
  }
  func.func @transform_9(%arg0: i32, %arg1: i32) -> (i32, i32, i32, i32, i32) {
    %c0_i32 = arith.constant 0 : i32
    %c0_i32_0 = arith.constant 0 : i32
    %c0_i32_1 = arith.constant 0 : i32
    %c0_i32_2 = arith.constant 0 : i32
    return %arg0, %c0_i32, %arg1, %c0_i32_0, %c0_i32_1 : i32, i32, i32, i32, i32
  }
}

</mosaic_0001>

<sc_bundles>
// kernel: kernel.6.cloned.1.call-start
scs
__scs_entry_jumppad:
0x0: {  	(pc) =	sbr.rel $0x88, $3  }
0x1: {  	(tag) =	ssettag $0x0;
	lr =	simm.s32 $0x1  }
0x2: {  	[smem:$0x3F9B] =	sst lr;
	_ =	strace $0xD0000000  }
0x3: {  	_ = 	snop  }
0x4: {  	_ = 	snop  }
0x5: {  	_ = 	snop  }
0x6: {  	_ = 	snop  }
0x7: {  	_ = 	snop  }
__scs_overlays_trampoline_lowered:
0x8: {  	[smem:$0x3FAA] =	sst s0  }
0x9: {  	[smem:$0x3FAB] =	sst s1  }
0xa: {  	[smem:$0x3FAC] =	sst s2  }
0xb: {  	[smem:$0x3FAD] =	sst s3  }
0xc: {  	[smem:$0x3FAE] =	sst s4  }
0xd: {  	[smem:$0x3FAF] =	sst s5  }
0xe: {  	[smem:$0x3FB0] =	sst s6  }
0xf: {  	[smem:$0x3FB1] =	sst s7  }
0x10: {  	[smem:$0x3FB2] =	sst s8  }
0x11: {  	[smem:$0x3FB3] =	sst s9;
	s0 =	simm.s32 @!p0 $0x0  }
0x12: {  	s1 =	sld [smem:$0x3F99];
	s0 =	simm.s32 @p0 $0x1  }
0x13: {  	[smem:$0x3FB4] =	sst s0;
	s0 =	simm.s32 @!p1 $0x0  }
0x14: {  	s2 =	sld [smem:$0x3F98];
	s0 =	simm.s32 @p1 $0x1  }
0x15: {  	[smem:$0x3FB5] =	sst s0;
	s0 =	simm.s32 @!p2 $0x0  }
0x16: {  	s3 =	sld [smem:$0x3FDB];
	s0 =	simm.s32 @p2 $0x1  }
0x17: {  	s4 =	simm.s32 $0x1BF5;
	[smem:$0x3FB7] =	sst s0  }
0x18: {  	s0 =	sld [smem:$0x3F9A];
	_ =	swait.ge [sflag:s4], $0x0  }
0x19: {  	s7 =	sld [smem:$0x3F9B]  }
0x1a: {  	s8 =	sadd.s32 $0xFFFFE003, lr  }
0x1b: {  	s9 =	sadd.s32 $0xFFFFFEF7, lr;
	s5 =	simm.s32 $0xFFFFFFFF;
	p2 =	slt.u32 s8, $0xFFFFF086  }
0x1c: {  	p1 =	slt.u32 s9, $0xF7A;
	s5 =	simm.s32 @!p2 $0x0  }
0x1d: {  	s5 =	simm.s32 @p1 $0x1;
	p0 =	seq.s32 s7, s2  }
0x1e: {  	s7 =	smul.u32 @!p0 $0xF7A, s2;
	p2 =	seq.s32 @!p0 s5, $0x0  }
0x1f: {  	s9 =	smul.u32 $0xF7A, s1;
	s8 =	simm.s32 @!p0 $0x1BF5;
	p2 =	por !p2, p0  }
0x20: {  	[sflag:s8] =	ssyncset.s32 @!p0 $0xFFFFF086;
	s6 =	sadd.s32 @!p0 s3, s7;
	s7 =	simm.s32 @!p0 $0x108  }
0x21: {  	s3 =	sadd.s32 s3, s9;
	s6 =	sadd.s32 @!p0 $0x88, s6;
	s7 =	simm.s32 @p2 $0x1082  }
0x22: {  	[simem:s7], [sflag:s8] =	dma.local @!p0 [hbm:s6], $0xF7A  }
0x23: {  	s9 =	sor.u32 $0xD0000000, s2;
	s6 =	simm.s32 $0x108;
	_ =	swait.ge @!p0 [sflag:s8], $0x0  }
0x24: {  	s3 =	sadd.s32 $0x88, s3;
	s6 =	simm.s32 @!p1 $0x1082;
	[sflag:s4] =	ssyncset.s32 $0xFFFFF086  }
0x25: {  	[simem:s6], [sflag:s4] =	dma.local [hbm:s3], $0xF7A  }
0x26: {  	[smem:$0x3F9B] =	sst s1;
	(tag) =	ssettag s2;
	_ =	strace s9  }
0x27: {  	s1 =	sld [smem:$0x3FAB]  }
0x28: {  	s2 =	sld [smem:$0x3FAC]  }
0x29: {  	s4 =	sld [smem:$0x3FAE]  }
0x2a: {  	p0 =	seq.s32 s5, $0x0;
	s5 =	sld [smem:$0x3FAF]  }
0x2b: {  	s6 =	sld [smem:$0x3FB0]  }
0x2c: {  	s7 =	sld [smem:$0x3FB1]  }
0x2d: {  	s3 =	simm.s32 $0x108;
	s8 =	sld [smem:$0x3FB2]  }
0x2e: {  	s3 =	simm.s32 @!p0 $0x1082;
	s9 =	sld [smem:$0x3FB3]  }
0x2f: {  	lr =	sadd.s32 s0, s3;
	s0 =	sld [smem:$0x3FAA]  }
0x30: {  	s3 =	sld [smem:$0x3FAD]  }
0x31: {  	[smem:$0x3FB6] =	sst s10  }
0x32: {  	s10 =	sld [smem:$0x3FB4];
	_ =	sdelay $0x3  }
0x33: {  	p0 =	seq.s32 s10, $0x1;
	s10 =	sld [smem:$0x3FB6];
	_ =	sdelay $0x3  }
0x34: {  	[smem:$0x3FB6] =	sst s10  }
0x35: {  	s10 =	sld [smem:$0x3FB5];
	_ =	sdelay $0x3  }
0x36: {  	p1 =	seq.s32 s10, $0x1;
	s10 =	sld [smem:$0x3FB6];
	_ =	sdelay $0x3  }
0x37: {  	[smem:$0x3FB6] =	sst s10  }
0x38: {  	s10 =	sld [smem:$0x3FB7]  }
0x39: {  	_ = 	snop;
	(pc) =	sbr.ind lr, $3  }
0x3a: {  	_ = 	snop  }
0x3b: {  	_ = 	snop  }
0x3c: {  	p2 =	seq.s32 s10, $0x1;
	s10 =	sld [smem:$0x3FB6]  }
0x3d: {  	_ =	shalt  }
0x3e: {  	_ =	shalt  }
0x3f: {  	_ =	shalt  }
0x40: {  	_ =	shalt  }
0x41: {  	_ =	shalt  }
0x42: {  	_ =	shalt  }
0x43: {  	_ =	shalt  }
0x44: {  	_ =	shalt  }
0x45: {  	_ =	shalt  }
0x46: {  	_ =	shalt  }
0x47: {  	_ =	shalt  }
0x48: {  	_ =	shalt  }
0x49: {  	_ =	shalt  }
0x4a: {  	_ =	shalt  }
0x4b: {  	_ =	shalt  }
0x4c: {  	_ =	shalt  }
0x4d: {  	_ =	shalt  }
0x4e: {  	_ =	shalt  }
0x4f: {  	_ =	shalt  }
0x50: {  	_ =	shalt  }
0x51: {  	_ =	shalt  }
0x52: {  	_ =	shalt  }
0x53: {  	_ =	shalt  }
0x54: {  	_ =	shalt  }
0x55: {  	_ =	shalt  }
0x56: {  	_ =	shalt  }
0x57: {  	_ =	shalt  }
0x58: {  	_ =	shalt  }
0x59: {  	_ =	shalt  }
0x5a: {  	_ =	shalt  }
0x5b: {  	_ =	shalt  }
0x5c: {  	_ =	shalt  }
0x5d: {  	_ =	shalt  }
0x5e: {  	_ =	shalt  }
0x5f: {  	_ =	shalt  }
0x60: {  	_ =	shalt  }
0x61: {  	_ =	shalt  }
0x62: {  	_ =	shalt  }
0x63: {  	_ =	shalt  }
0x64: {  	_ =	shalt  }
0x65: {  	_ =	shalt  }
0x66: {  	_ =	shalt  }
0x67: {  	_ =	shalt  }
0x68: {  	_ =	shalt  }
0x69: {  	_ =	shalt  }
0x6a: {  	_ =	shalt  }
0x6b: {  	_ =	shalt  }
0x6c: {  	_ =	shalt  }
0x6d: {  	_ =	shalt  }
0x6e: {  	_ =	shalt  }
0x6f: {  	_ =	shalt  }
0x70: {  	_ =	shalt  }
0x71: {  	_ =	shalt  }
0x72: {  	_ =	shalt  }
0x73: {  	_ =	shalt  }
0x74: {  	_ =	shalt  }
0x75: {  	_ =	shalt  }
0x76: {  	_ =	shalt  }
0x77: {  	_ =	shalt  }
0x78: {  	_ =	shalt  }
0x79: {  	_ =	shalt  }
0x7a: {  	_ =	shalt  }
0x7b: {  	_ =	shalt  }
0x7c: {  	_ =	shalt  }
0x7d: {  	_ =	shalt  }
0x7e: {  	_ =	shalt  }
0x7f: {  	_ =	shalt  }
0x80: {  	_ =	shalt  }
0x81: {  	_ =	shalt  }
0x82: {  	_ =	shalt  }
0x83: {  	_ =	shalt  }
0x84: {  	_ =	shalt  }
0x85: {  	_ =	shalt  }
0x86: {  	_ =	shalt  }
0x87: {  	_ =	shalt  }
.Lfunc_end0:
.L_simem_size_0:
called_computation_lowered:
.L_overlay_start_0:
0x88: {  	s2 =	sld [smem:$0x3FD9]  }
0x89: {  	s3 =	sld [smem:$0x3FFE];
	_ =	sdelay $0x1  }
0x8a: {  	s1 =	srdreg.scid  }
0x8b: {  	s0 =	sand.u32 $0x1, s1  }
0x8c: {  	s17 =	sshll.u32 s0, $0xA;
	s2 =	sadd.s32 s3, s2  }
0x8d: {  	s2 =	sadd.s32 s2, s17  }
0x8e: {  	[smem:$0x3FC2] =	sst s2  }
0x8f: {  	_ = 	snop  }
0x90: {  	s2 =	sld [smem:$0x3FD0];
	(tm) =	ssettm $0x1  }
0x91: {  	s18 =	sld [smem:$0x3FFB];
	_ =	sdelay $0x3  }
0x92: {  	_ =	strace s18  }
0x93: {  	s3 =	sld [smem:$0x3FFC];
	_ =	sdelay $0x3  }
0x94: {  	_ =	strace s3  }
0x95: {  	s3 =	sld [smem:$0x3FFD];
	_ =	sdelay $0x3  }
0x96: {  	_ =	strace s3  }
0x97: {  	_ =	strace $0x8FFFFFFF  }
0x98: {  	s19 =	sld [smem:$0x3FDB];
	_ =	sdelay $0x1  }
0x99: {  	s4 =	simm.s32 $_scs_section_size  }
0x9a: {  	s5 =	simm.s32 $_size__tile_overlayer_lowered;
	s6 =	simm.s32 $_tile_overlayer_lowered  }
0x9b: {  	s22 =	simm.s32 $0x1BFF;
	s21 =	sshll.u32 s6, $0x1;
	s3 =	sadd.s32 s4, s19  }
0x9c: {  	s7 =	simm.s32 $0x0;
	s20 =	sshll.u32 s5, $0x1;
	s5 =	sadd.s32 s21, s3  }
0x9d: {  	[timem:s7], [sflag:s22] =	dma.local [hbm:s5], s20  }
0x9e: {  	_ =	swait.ge [sflag:s22], s20  }
0x9f: {  	s4 =	ssub.s32 $0x0, s20;
	[sflag:s22] =	ssyncset.done $0x0  }
0xa0: {  	[sflag:s22] =	ssyncadd.s32 s4;
	_ =	sdelay $0x1  }
0xa1: {  	s23 =	simm.s32 $0x1B8B  }
0xa2: {  	_ =	swait.ge [sflag:s23], $0x1  }
0xa3: {  	[sflag:s23] =	ssyncset.done $0x0  }
0xa4: {  	s25 =	simm.s32 $0x1B8E;
	s24 =	sld [smem:$0x3FFE];
	[sflag:s23] =	ssyncadd.s32 $0xFFFFFFFF  }
0xa5: {  	s26 =	simm.s32 $execute0_lowered;
	[smem:$0x3FD2] =	sst s25  }
0xa6: {  	s5 =	sshll.u32 s26, $0x1;
	_ =	strace $0x80000046;
	[dreg:$0x1] =	wrdreg $0xFFFFFFFF  }
0xa7: {  	s28 =	simm.s32 $_size_execute0_lowered;
	s3 =	sadd.s32 s3, s5;
	[dreg:$0x0] =	wrdreg $0x0  }
0xa8: {  	s5 =	sshll.u32 s28, $0x1;
	[dreg:$0x2] =	wrdreg s3  }
0xa9: {  	[dreg:$0x3] =	wrdreg s5  }
0xaa: {  	[dreg:$0x4] =	wrdreg $0xC0  }
0xab: {  	_ =	task [dreg:s7], $0x5FFFF  }
0xac: {  	[dreg:$0x1] =	wrdreg $0xFFFFFFFF  }
0xad: {  	[dreg:$0x0] =	wrdreg $0x60  }
0xae: {  	[dreg:$0x2] =	wrdreg s24  }
0xaf: {  	[dreg:$0x3] =	wrdreg s2  }
0xb0: {  	[dreg:$0x4] =	wrdreg $0x174A00  }
0xb1: {  	[dreg:$0x5] =	wrdreg $0x176A00  }
0xb2: {  	[dreg:$0x6] =	wrdreg $0x178A00  }
0xb3: {  	[dreg:$0x7] =	wrdreg $0x179200  }
0xb4: {  	[dreg:$0x8] =	wrdreg $0x172900  }
0xb5: {  	[dreg:$0x9] =	wrdreg $0x174900  }
0xb6: {  	[dreg:$0xa] =	wrdreg $0x9  }
0xb7: {  	_ =	task.clear_ibuf [dreg:s7], $0xBFFFF;
	_ =	strace $0x90000046  }
0xb8: {  	s29 =	simm.s32 $0x9;
	_ =	strace $0x80000048  }
0xb9: {  	_ =	swait.ge [sflag:s29], $0x1  }
0xba: {  	[sflag:s29] =	ssyncadd.s32 $0xFFFFFFFF  }
0xbb: {  	_ =	strace $0x90000048  }
0xbc: {  	_ =	sfence  }
0xbd: {  	s30 =	sld [smem:$0x0];
	_ =	sdelay $0x2  }
0xbe: {  	s31 =	sshll.u32 s1, $0xD;
	s1 =	sshrl.u32 s1, $0x2  }
0xbf: {  	s3 =	sand.u32 $0x4000, s31;
	s1 =	sadd.s32 s1, s30  }
0xc0: {  	s0 =	sor.u32 s3, s0;
	s1 =	sshll.u32 s1, $0x11  }
0xc1: {  	s0 =	sor.u32 s1, s0  }
0xc2: {  	s0 =	sadd.s32 $0x8F2B, s0  }
0xc3: {  	[sflag:s0] =	ssyncadd.remote.s32 $0x1  }
0xc4: {  	_ =	sfence.sel $0xFFFF  }
0xc5: {  	[dreg:$0x0] =	wrdreg $0xFFFFFFFF;
	(pc) =	sbr.abs _section_cstart, $3  }
0xc6: {  	[dreg:$0x1] =	wrdreg $0xFFFFFFFF  }
0xc7: {  	_ =	task.clear_ibuf [dreg:s7], $0x2FFFF;
	_ =	strace $0x9FFFFFFF  }
0xc8: {  	(tm) =	ssettm $0x7FFFFFFF  }
0xc9: {  	_ =	shalt  }
tec
execute0_lowered:
.L_overlay_start_1:
0x0: {  	(tag) =	ssettag $0x1  }
0x1: {  	s1 =	rddreg [dreg:$0x0]  }
0x2: {  	s2 =	rddreg [dreg:$0x1]  }
0x3: {  	s4 =	rddreg [dreg:$0x2]  }
0x4: {  	s5 =	rddreg [dreg:$0x3]  }
0x5: {  	s0 =	rddreg [dreg:$0x4]  }
0x6: {  	s3 =	rddreg [dreg:$0x5]  }
0x7: {  	s6 =	rddreg [dreg:$0x6];
	s7 =	srdreg.scid  }
0x8: {  	s8 =	rddreg [dreg:$0x7];
	s18 =	stileid.u32;
	s10 =	simm.s32 $0x0  }
0x9: {  	s31 =	simm.s32 $0x12C00;
	s7 =	sand.u32 $0x1, s7;
	s11 =	sshrl.u32 s18, $0x3  }
0xa: {  	s13 =	sand.u32 $0x7, s18;
	[smem:$0x7FF] =	sst s10;
	s26 =	sshll.u32 s18, $0x7  }
0xb: {  	s14 =	sshll.u32 s18, $0x10;
	s9 =	sshll.u32 s7, $0x1;
	s16 =	sshll.u32 s13, $0x6  }
0xc: {  	_ =	strace $0x80000047;
	s12 =	sshll.u32 s13, $0xD;
	s7 =	ssub.s32 $0x2, s7  }
0xd: {  	s15 =	sshll.u32 s11, $0xC;
	s23 =	sshll.u32 s13, $0x9;
	s28 =	sadd.s32 s26, s0  }
0xe: {  	s29 =	sadd.s32 s26, s3;
	s14 =	sor.u32 s26, s14;
	s19 =	sshll.u32 s11, $0x7  }
0xf: {  	p0 =	seq.s32 s13, $0x7;
	p4 =	sgt.u32 s13, $0x2;
	p5 =	sgt.u32 s13, $0x1  }
0x10: {  	p6 =	seq.s32 s13, $0x0;
	s9 =	sor.u32 s11, s9;
	s12 =	sadd.s32 s12, s1  }
0x11: {  	s22 =	sshrl.u32 s7, $0x1;
	s24 =	sor.u32 s23, s15;
	[dreg:$0xc] =	wrdreg s28  }
0x12: {  	[dreg:$0xd] =	wrdreg s29;
	s6 =	sadd.s32 s15, s6;
	s20 =	sadd.s32 s19, s8  }
0x13: {  	s30 =	sadd.s32 s15, s5;
	s21 =	sshll.u32 s9, $0x9;
	s9 =	sshll.u32 s9, $0x10  }
0x14: {  	s7 =	ssub.s32 s7, s22;
	s25 =	sadd.s32 s24, s4;
	[dreg:$0xe] =	wrdreg s6  }
0x15: {  	s22 =	sshll.u32 s11, $0xA;
	[dreg:$0x10] =	wrdreg s20;
	s10 =	sor.u32 s16, s21  }
0x16: {  	s9 =	sadd.s32 s9, s12;
	[dreg:$0xa] =	wrdreg s25;
	s21 =	sshrl.u32 s16, $0x2  }
0x17: {  	s12 =	sadd.s32 s15, s4;
	s25 =	sor.u32 s16, s22;
	s29 =	smax.u32 s7, $0x1  }
0x18: {  	s15 =	simm.s32 $0x12400;
	s17 =	sshrl.u32 s10, $0x3;
	s9 =	sadd.s32 $0x1800, s9  }
0x19: {  	s10 =	sadd.s32 s23, s6;
	s6 =	sand.u32 $0x40180, s14;
	s23 =	sshll.u32 s18, $0x4  }
0x1a: {  	s8 =	sadd.s32 s21, s20;
	s26 =	sadd.s32 s25, s0;
	[dreg:$0x14] =	wrdreg s29  }
0x1b: {  	s28 =	sadd.s32 s25, s3;
	s20 =	simm.s32 $0x2;
	[dreg:$0x9] =	wrdreg s9  }
0x1c: {  	s25 =	simm.s32 $0x10000;
	s1 =	sadd.s32 s17, s1;
	[dreg:$0xf] =	wrdreg s10  }
0x1d: {  	s9 =	sadd.s32 s24, s5;
	[dreg:$0x11] =	wrdreg s8;
	s24 =	sor.u32 s23, s22  }
0x1e: {  	s2 =	sadd.s32 s2, s17;
	s5 =	simm.s32 @!p0 $0x0;
	[dreg:$0xb] =	wrdreg s9  }
0x1f: {  	s4 =	sor.u32 $0x200, s24;
	[dreg:$0x12] =	wrdreg s2;
	s1 =	sadd.s32 $0x41800, s1  }
0x20: {  	s5 =	simm.s32 @p0 $0x1;
	p0 =	sgt.u32 s13, $0x5;
	s2 =	sshrl.u32 s26, $0x3  }
0x21: {  	s24 =	simm.s32 $0x1;
	[smem:$0x7FA] =	sst s5;
	s5 =	simm.s32 @!p0 $0x0  }
0x22: {  	[dreg:$0x13] =	wrdreg s1;
	s5 =	simm.s32 @p0 $0x1;
	p0 =	sgt.u32 s13, $0x4  }
.Ltmp0:
0x23: {  	[smem:$0x7FB] =	sst s5;
	s5 =	simm.s32 @!p0 $0x0;
	(pc) =	sbr.rel .LBB2_1-.Ltmp0, $4  }
0x24: {  	[dreg:$0x15] =	wrdreg s2;
	s5 =	simm.s32 @p0 $0x1;
	p0 =	sgt.u32 s13, $0x3  }
0x25: {  	v2 =	vlaneseq.u32;
	v4 =	vimm.f32 $0.0e+00;
	v5 =	vimm.s32 $0x0;
	s1 =	sshrl.u32 s28, $0x3;
	[smem:$0x7FC] =	sst s5;
	s5 =	simm.s32 @!p0 $0x0  }
0x26: {  	v7 =	vimm.s32 $0x1;
	vm0 =	vmmov $0xffff;
	v6 =	vmul.u32 $0x200, v2;
	s26 =	simm.s32 $0x12000;
	[dreg:$0x16] =	wrdreg s1;
	s5 =	simm.s32 @p0 $0x1  }
0x27: {  	v1 =	vmov s22;
	v0 =	vmov s6;
	v3 =	vor.u32 s4, v2;
	s4 =	simm.s32 $0x0;
	s1 =	simm.s32 $0x16690;
	[smem:$0x7FD] =	sst s5  }
.LBB2_44:
0x28: {  	[sflag:s24] =	ssyncadd.s32 $0xFFFFFFF0  }
.LBB2_45:
0x29: {  	s2 =	stileid.u32;
	[bflag:$0x0] =	sbarrier.arrive $0xFFFF  }
0x2a: {  	s2 =	sshll.u32 s2, $0x6;
	s5 =	rddreg [dreg:$0x12]  }
0x2b: {  	s6 =	rddreg [dreg:$0x15];
	s2 =	sor.u32 $0x1C02, s2  }
0x2c: {  	[hbm:s5], [sflag:s2] =	dma.local [spmem:s6], $0x8  }
0x2d: {  	_ =	swait.ge [sflag:s20], $0x8  }
0x2e: {  	[sflag:s20] =	ssyncset.done $0x0;
	s23 =	rddreg [dreg:$0x13]  }
0x2f: {  	s28 =	rddreg [dreg:$0x16];
	[sflag:s20] =	ssyncadd.s32 $0xFFFFFFF8  }
0x30: {  	[hbm:s23], [sflag:s2] =	dma.local [spmem:s28], $0x8  }
0x31: {  	_ =	swait.ge [sflag:s20], $0x8  }
0x32: {  	s4 =	sadd.s32 $0x1, s4;
	s29 =	rddreg [dreg:$0x14]  }
0x33: {  	p0 =	sne.s32 s4, s29  }
.Ltmp1:
0x34: {  	_ = 	snop;
	(pc) =	sbr.rel @!p0 .LBB2_46-.Ltmp1, $3  }
0x35: {  	_ =	sdelay $0x1  }
0x36: {  	[sflag:s20] =	ssyncset.done $0x0  }
0x37: {  	[sflag:s20] =	ssyncadd.s32 $0xFFFFFFF8  }
.LBB2_1:
0x38: {  	s2 =	simm.s32 $0x0;
	s5 =	rddreg [dreg:$0x9]  }
0x39: {  	[tilespmem:s2], [sflag:$0x1] =	stream.linear.gather [hbm4b:s5+s2], $0x10000, $0x38;
	[tilespmem:$0x179A0] =	vst v63  }
0x3a: {  	s2 =	simm.s32 $0x0  }
.LBB2_2:
0x3b: {  	p0 =	sne.s32 s2, $0x7C0  }
.Ltmp2:
0x3c: {  	_ = 	snop;
	(pc) =	sbr.rel @p0 .LBB2_2-.Ltmp2, $4  }
0x3d: {  	_ = 	snop  }
0x3e: {  	s5 =	sshra.s32 s2, $0x2  }
0x3f: {  	[tilespmem:s5+$0x16E90] =	vst v4  }
0x40: {  	s2 =	sadd.s32 $0x40, s2;
	[tilespmem:s5+$0x17090] =	vst v5  }
0x41: {  	s2 =	simm.s32 $0x0;
	s5 =	simm.s32 $0x200  }
.LBB2_4:
0x42: {  	p0 =	sne.s32 s5, $0x7E00;
	[tilespmem:s2+$0x10070] =	vst v5  }
0x43: {  	[tilespmem:s2+$0x10000] =	vst v5  }
0x44: {  	[tilespmem:s2+$0x10010] =	vst v5  }
.Ltmp3:
0x45: {  	[tilespmem:s2+$0x10020] =	vst v5;
	(pc) =	sbr.rel @p0 .LBB2_4-.Ltmp3, $4  }
0x46: {  	[tilespmem:s2+$0x10030] =	vst v5  }
0x47: {  	[tilespmem:s2+$0x10040] =	vst v5  }
0x48: {  	[tilespmem:s2+$0x10050] =	vst v5  }
0x49: {  	[tilespmem:s2+$0x10060] =	vst v5;
	s2 =	sshra.s32 s5, $0x2;
	s5 =	sadd.s32 $0x200, s5  }
0x4a: {  	[tilespmem:s2+$0x10070] =	vst v5  }
0x4b: {  	[tilespmem:s2+$0x10000] =	vst v5  }
0x4c: {  	[tilespmem:s2+$0x10010] =	vst v5  }
0x4d: {  	[tilespmem:s2+$0x10020] =	vst v5  }
0x4e: {  	[tilespmem:s2+$0x10030] =	vst v5  }
0x4f: {  	[tilespmem:s2+$0x10040] =	vst v5  }
0x50: {  	[tilespmem:s2+$0x10050] =	vst v5  }
0x51: {  	[tilespmem:s2+$0x10060] =	vst v5;
	s22 =	rddreg [dreg:$0xa];
	s5 =	simm.s32 $0x16E90  }
0x52: {  	[spmem:s22] =	stream.linear.scatter [tilespmem:s5], [sflag:$0x2], $0x200, $0x38;
	[tilespmem:$0x179A0] =	vst v63  }
0x53: {  	_ =	swait.ge [sflag:s20], $0x200  }
0x54: {  	[sflag:s20] =	ssyncset.done $0x0  }
0x55: {  	s6 =	simm.s32 $0x17090;
	s23 =	rddreg [dreg:$0xb];
	[sflag:s20] =	ssyncadd.s32 $0xFFFFFE00  }
0x56: {  	[spmem:s23] =	stream.linear.scatter [tilespmem:s6], [sflag:$0x2], $0x200, $0x38;
	[tilespmem:$0x179A0] =	vst v63  }
0x57: {  	_ =	swait.ge [sflag:s20], $0x200  }
0x58: {  	[sflag:s20] =	ssyncset.done $0x0  }
0x59: {  	s28 =	rddreg [dreg:$0xc];
	[sflag:s20] =	ssyncadd.s32 $0xFFFFFE00  }
0x5a: {  	[spmem:s28] =	stream.linear.scatter [tilespmem:s5], [sflag:$0x2], $0x80, $0x38;
	[tilespmem:$0x179A0] =	vst v63  }
0x5b: {  	_ =	swait.ge [sflag:s20], $0x80  }
0x5c: {  	[sflag:s20] =	ssyncset.done $0x0  }
0x5d: {  	s29 =	rddreg [dreg:$0xd];
	[sflag:s20] =	ssyncadd.s32 $0xFFFFFF80  }
0x5e: {  	[spmem:s29] =	stream.linear.scatter [tilespmem:s6], [sflag:$0x2], $0x80, $0x38;
	[tilespmem:$0x179A0] =	vst v63  }
0x5f: {  	_ =	swait.ge [sflag:s20], $0x80  }
0x60: {  	[sflag:s20] =	ssyncset.done $0x0  }
0x61: {  	[sflag:s20] =	ssyncadd.s32 $0xFFFFFF80  }
0x62: {  	_ =	swait.ge [sflag:s24], $0x10000  }
0x63: {  	[sflag:s24] =	ssyncset.done $0x0  }
0x64: {  	s2 =	simm.s32 $0x0;
	s5 =	simm.s32 $0x20;
	[sflag:s24] =	ssyncadd.s32 $0xFFFF0000  }
.LBB2_6:
0x65: {  	v8 =	vld [tilespmem:s5+$0xFFFFFFE0];
	_ =	sdelay $0x4  }
0x66: {  	v9 =	vmax.f32 v8, $9.999999970e-07  }
0x67: {  	v9 =	vsub.f32 $2.000000000e+00, v9;
	_ =	sdelay $0x1  }
0x68: {  	v9 =	vshrl.u32 v9, $0xE  }
0x69: {  	vm1 =	vgt.f32 v8, $0.0e+00;
	v9 =	vand.u32 $0x1FF, v9  }
0x6a: {  	v9 =	vor.u32 v6, v9;
	_ =	sdelay $0x4  }
0x6b: {  	[tilespmem:v9+s25+$0x0] =	vst.idx.add.s32.msk vm1, v7  }
0x6c: {  	v9 =	vld [tilespmem:s5+$0xFFFFFFF0];
	_ =	sdelay $0x4  }
0x6d: {  	v10 =	vmax.f32 v9, $9.999999970e-07  }
0x6e: {  	v10 =	vsub.f32 $2.000000000e+00, v10;
	_ =	sdelay $0x1  }
0x6f: {  	v10 =	vshrl.u32 v10, $0xE  }
0x70: {  	vm1 =	vgt.f32 v9, $0.0e+00;
	v10 =	vand.u32 $0x1FF, v10  }
0x71: {  	v10 =	vor.u32 v6, v10;
	_ =	sdelay $0x4  }
0x72: {  	[tilespmem:v10+s25+$0x0] =	vst.idx.add.s32.msk vm1, v7  }
0x73: {  	v10 =	vld [tilespmem:s5+$0x0];
	_ =	sdelay $0x4  }
0x74: {  	v11 =	vmax.f32 v10, $9.999999970e-07  }
0x75: {  	v11 =	vsub.f32 $2.000000000e+00, v11;
	_ =	sdelay $0x1  }
0x76: {  	v11 =	vshrl.u32 v11, $0xE  }
0x77: {  	vm1 =	vgt.f32 v10, $0.0e+00;
	v11 =	vand.u32 $0x1FF, v11  }
0x78: {  	v11 =	vor.u32 v6, v11;
	_ =	sdelay $0x4  }
0x79: {  	[tilespmem:v11+s25+$0x0] =	vst.idx.add.s32.msk vm1, v7  }
0x7a: {  	v11 =	vld [tilespmem:s5+$0x10];
	_ =	sdelay $0x4  }
0x7b: {  	v8 =	vmax.f32 v8, v9;
	v12 =	vmax.f32 v11, $9.999999970e-07;
	v60 =	vmax.f32 v10, v11  }
0x7c: {  	v61 =	vsub.f32 $2.000000000e+00, v12;
	v8 =	vmax.f32 v8, v60  }
0x7d: {  	(xrf0) =	vmax.scan.msk.f32 $0xffff, v8  }
0x7e: {  	v8 =	vshrl.u32 v61, $0xE  }
0x7f: {  	vm1 =	vgt.f32 v11, $0.0e+00;
	v8 =	vand.u32 $0x1FF, v8  }
0x80: {  	v8 =	vor.u32 v6, v8  }
0x81: {  	v62 =	vmov s2;
	p0 =	sne.s32 s2, $0x3FF  }
.Ltmp4:
0x82: {  	_ = 	snop;
	(pc) =	sbr.rel @p0 .LBB2_6-.Ltmp4, $4  }
0x83: {  	v63, _, _ =	vpop (xrf0)  }
0x84: {  	v10 =	vbroadcast v63, $0xF  }
0x85: {  	[tilespmem:v8+s25+$0x0] =	vst.idx.add.s32.msk vm1, v7  }
0x86: {  	s2 =	sadd.s32 $0x1, s2;
	s5 =	sadd.s32 $0x40, s5;
	[tilespmem:v62+s26+$0x0] =	vst.idx.msk $0x1, v10  }
0x87: {  	s2 =	simm.s32 $0x0  }
0x88: {  	v8 =	vld [tilespmem:s2+$0x10000]  }
0x89: {  	v9 =	vld [tilespmem:s2+$0x10200]  }
0x8a: {  	v10 =	vld [tilespmem:s2+$0x10400]  }
0x8b: {  	v11 =	vld [tilespmem:s2+$0x10600]  }
0x8c: {  	v12 =	vld [tilespmem:s2+$0x10800]  }
0x8d: {  	v13 =	vld [tilespmem:s2+$0x10A00]  }
0x8e: {  	v8 =	vadd.s32 v8, v9;
	v9 =	vld [tilespmem:s2+$0x10C00]  }
0x8f: {  	v8 =	vadd.s32 v8, v10;
	v10 =	vld [tilespmem:s2+$0x10E00]  }
0x90: {  	v8 =	vadd.s32 v8, v11;
	v11 =	vld [tilespmem:s2+$0x11000]  }
0x91: {  	v8 =	vadd.s32 v8, v12;
	v12 =	vld [tilespmem:s2+$0x11200]  }
0x92: {  	v8 =	vadd.s32 v8, v13;
	v13 =	vld [tilespmem:s2+$0x11400]  }
0x93: {  	v14 =	vld [tilespmem:s2+$0x11600];
	v8 =	vadd.s32 v8, v9  }
0x94: {  	v9 =	vld [tilespmem:s2+$0x11800];
	v8 =	vadd.s32 v8, v10  }
0x95: {  	v10 =	vld [tilespmem:s2+$0x11A00];
	v8 =	vadd.s32 v8, v11  }
0x96: {  	v11 =	vld [tilespmem:s2+$0x11C00];
	v8 =	vadd.s32 v8, v12  }
0x97: {  	s5 =	simm.s32 $0x10;
	v12 =	vld [tilespmem:s2+$0x11E00];
	v13 =	vadd.s32 v8, v13  }
0x98: {  	s6 =	simm.s32 $0x80;
	v8 =	vld [tilespmem:s5+$0x10000];
	v13 =	vadd.s32 v13, v14  }
.LBB2_8:
0x99: {  	p0 =	sne.s32 s6, $0x7C0;
	v14 =	vld [tilespmem:s5+$0x10200];
	v9 =	vadd.s32 v13, v9  }
0x9a: {  	v13 =	vld [tilespmem:s5+$0x10400];
	v9 =	vadd.s32 v9, v10  }
0x9b: {  	v10 =	vld [tilespmem:s5+$0x10600];
	v9 =	vadd.s32 v9, v11  }
0x9c: {  	v11 =	vld [tilespmem:s5+$0x10800];
	v9 =	vadd.s32 v9, v12  }
0x9d: {  	v12 =	vld [tilespmem:s5+$0x10A00];
	[tilespmem:s2+$0x14400] =	vst v9;
	s2 =	smov.u32 s5  }
0x9e: {  	v8 =	vadd.s32 v8, v14;
	v9 =	vld [tilespmem:s2+$0x10C00]  }
0x9f: {  	v8 =	vadd.s32 v8, v13;
	v13 =	vld [tilespmem:s2+$0x10E00]  }
0xa0: {  	v8 =	vadd.s32 v8, v10;
	v10 =	vld [tilespmem:s2+$0x11000]  }
0xa1: {  	v8 =	vadd.s32 v8, v11;
	v11 =	vld [tilespmem:s2+$0x11200]  }
0xa2: {  	v8 =	vadd.s32 v8, v12;
	v12 =	vld [tilespmem:s2+$0x11400]  }
0xa3: {  	v8 =	vadd.s32 v8, v9;
	v14 =	vld [tilespmem:s2+$0x11600]  }
.Ltmp5:
0xa4: {  	v8 =	vadd.s32 v8, v13;
	v9 =	vld [tilespmem:s2+$0x11800];
	(pc) =	sbr.rel @p0 .LBB2_8-.Ltmp5, $4  }
0xa5: {  	v8 =	vadd.s32 v8, v10;
	v10 =	vld [tilespmem:s2+$0x11A00]  }
0xa6: {  	v8 =	vadd.s32 v8, v11;
	v11 =	vld [tilespmem:s2+$0x11C00]  }
0xa7: {  	s5 =	sshra.s32 s6, $0x2;
	v13 =	vadd.s32 v8, v12;
	v12 =	vld [tilespmem:s2+$0x11E00]  }
0xa8: {  	s6 =	sadd.s32 $0x40, s6;
	v8 =	vld [tilespmem:s5+$0x10000];
	v13 =	vadd.s32 v13, v14  }
0xa9: {  	v14 =	vld [tilespmem:s5+$0x10200];
	v9 =	vadd.s32 v13, v9  }
0xaa: {  	v58 =	vld [tilespmem:s5+$0x10400];
	v9 =	vadd.s32 v9, v10  }
0xab: {  	v10 =	vld [tilespmem:s5+$0x10600];
	v9 =	vadd.s32 v9, v11  }
0xac: {  	v11 =	vld [tilespmem:s5+$0x10800];
	v9 =	vadd.s32 v9, v12  }
0xad: {  	v59 =	vld [tilespmem:s5+$0x10A00];
	[tilespmem:s2+$0x14400] =	vst v9  }
0xae: {  	v8 =	vadd.s32 v8, v14;
	v9 =	vld [tilespmem:s5+$0x10C00]  }
0xaf: {  	v60 =	vld [tilespmem:s5+$0x10E00];
	v8 =	vadd.s32 v8, v58  }
0xb0: {  	v8 =	vadd.s32 v8, v10;
	v10 =	vld [tilespmem:s5+$0x11000]  }
0xb1: {  	v8 =	vadd.s32 v8, v11;
	v11 =	vld [tilespmem:s5+$0x11200]  }
0xb2: {  	v61 =	vld [tilespmem:s5+$0x11400];
	v8 =	vadd.s32 v8, v59  }
0xb3: {  	v8 =	vadd.s32 v8, v9;
	v9 =	vld [tilespmem:s5+$0x11600]  }
0xb4: {  	v62 =	vld [tilespmem:s5+$0x11800];
	v8 =	vadd.s32 v8, v60  }
0xb5: {  	v8 =	vadd.s32 v8, v10;
	v10 =	vld [tilespmem:s5+$0x11A00]  }
0xb6: {  	v8 =	vadd.s32 v8, v11;
	v11 =	vld [tilespmem:s5+$0x11C00]  }
0xb7: {  	v63 =	vld [tilespmem:s5+$0x11E00];
	v8 =	vadd.s32 v8, v61  }
0xb8: {  	v8 =	vadd.s32 v8, v9  }
0xb9: {  	v8 =	vadd.s32 v8, v62  }
0xba: {  	v8 =	vadd.s32 v8, v10  }
0xbb: {  	v8 =	vadd.s32 v8, v11  }
0xbc: {  	v8 =	vadd.s32 v8, v63  }
0xbd: {  	s22 =	rddreg [dreg:$0xf];
	s23 =	simm.s32 $0x14400;
	[tilespmem:s5+$0x14400] =	vst v8  }
0xbe: {  	[spmem:s22] =	stream.linear.scatter [tilespmem:s23], [sflag:$0x2], $0x200, $0x38;
	[tilespmem:$0x179A0] =	vst v63  }
0xbf: {  	_ =	swait.ge [sflag:s20], $0x200  }
0xc0: {  	[sflag:s20] =	ssyncset.done $0x0  }
0xc1: {  	[sflag:s20] =	ssyncadd.s32 $0xFFFFFE00  }
0xc2: {  	[bflag:$0x0] =	sbarrier.arrive $0xFFFF  }
0xc3: {  	s29 =	simm.s32 $0x13400;
	p1 =	por $0x0, $0x0;
	s28 =	rddreg [dreg:$0xe]  }
0xc4: {  	[tilespmem:s29], [sflag:$0x2] =	stream.linear.gather [spmem:s28], $0x1000, $0x38;
	[tilespmem:$0x179A0] =	vst v63  }
.Ltmp6:
0xc5: {  	_ = 	snop;
	(pc) =	sbr.rel @p1 .LBB2_10-.Ltmp6, $4  }
0xc6: {  	_ =	swait.ge [sflag:s20], $0x1000  }
0xc7: {  	[sflag:s20] =	ssyncset.done $0x0  }
0xc8: {  	s2 =	simm.s32 $0x0;
	[sflag:s20] =	ssyncadd.s32 $0xFFFFF000  }
0xc9: {  	s6 =	simm.s32 $0x0;
	p0 =	por $0x0, $0x0;
	v8 =	vld [tilespmem:s2+$0x13400]  }
0xca: {  	v11 =	vld [tilespmem:s2+$0x13600]  }
0xcb: {  	v12 =	vld [tilespmem:s2+$0x13800]  }
0xcc: {  	v13 =	vld [tilespmem:s2+$0x13A00];
	p1 =	por $0x0, $0x0  }
.Ltmp7:
0xcd: {  	v9 =	vld [tilespmem:s2+$0x13C00];
	(pc) =	sbr.rel @p1 .LBB2_13-.Ltmp7, $4  }
0xce: {  	v10 =	vld [tilespmem:s2+$0x13E00]  }
0xcf: {  	v8 =	vadd.s32 v8, v11;
	v11 =	vld [tilespmem:s2+$0x14000]  }
0xd0: {  	s5 =	simm.s32 $0x10;
	v14 =	vadd.s32 v8, v12;
	v12 =	vld [tilespmem:s2+$0x14200]  }
0xd1: {  	s7 =	simm.s32 $0x80;
	p0 =	por $0x1, $0x1;
	v8 =	vld [tilespmem:s5+$0x13400];
	v13 =	vadd.s32 v14, v13  }
.LBB2_12:
0xd2: {  	p1 =	seq.s32 s7, $0x7C0;
	v14 =	vld [tilespmem:s5+$0x13600];
	v9 =	vadd.s32 v13, v9  }
0xd3: {  	v13 =	vld [tilespmem:s5+$0x13800];
	v9 =	vadd.s32 v9, v10  }
0xd4: {  	v15 =	vld [tilespmem:s5+$0x13A00];
	v10 =	vadd.s32 v9, v11  }
.Ltmp8:
0xd5: {  	v9 =	vld [tilespmem:s5+$0x13C00];
	v11 =	vadd.s32 v10, v12;
	(pc) =	sbr.rel @!p1 .LBB2_12-.Ltmp8, $4  }
0xd6: {  	v10 =	vld [tilespmem:s5+$0x13E00];
	[tilespmem:s2+$0x14400] =	vst v11;
	s2 =	smov.u32 s5  }
0xd7: {  	v8 =	vadd.s32 v8, v14;
	v11 =	vld [tilespmem:s2+$0x14000]  }
0xd8: {  	s5 =	sshra.s32 s7, $0x2;
	v13 =	vadd.s32 v8, v13;
	v12 =	vld [tilespmem:s2+$0x14200]  }
0xd9: {  	s7 =	sadd.s32 $0x40, s7;
	v8 =	vld [tilespmem:s5+$0x13400];
	v13 =	vadd.s32 v13, v15  }
.LBB2_13:
0xda: {  	v14 =	vld [tilespmem:s5+$0x13600];
	v9 =	vadd.s32 @p0 v13, v9  }
0xdb: {  	v56 =	vld [tilespmem:s5+$0x13800];
	v9 =	vadd.s32 @p0 v9, v10  }
0xdc: {  	v57 =	vld [tilespmem:s5+$0x13A00];
	v9 =	vadd.s32 @p0 v9, v11  }
0xdd: {  	v58 =	vld [tilespmem:s5+$0x13C00];
	v9 =	vadd.s32 @p0 v9, v12  }
0xde: {  	v59 =	vld [tilespmem:s5+$0x13E00];
	[tilespmem:s2+$0x14400] =	vst @p0 v9  }
0xdf: {  	v8 =	vadd.s32 v8, v14;
	v9 =	vld [tilespmem:s5+$0x14000]  }
0xe0: {  	v60 =	vld [tilespmem:s5+$0x14200];
	v8 =	vadd.s32 v8, v56  }
0xe1: {  	v8 =	vadd.s32 v8, v57  }
0xe2: {  	v8 =	vadd.s32 v8, v58  }
0xe3: {  	v8 =	vadd.s32 v8, v59  }
0xe4: {  	v8 =	vadd.s32 v8, v9  }
0xe5: {  	v8 =	vadd.s32 v8, v60  }
0xe6: {  	s7 =	simm.s32 $0x14400;
	[tilespmem:s5+$0x14400] =	vst v8  }
0xe7: {  	v8 =	vld [tilespmem:s7+$0x0];
	_ =	sdelay $0x4  }
0xe8: {  	(xrf0) =	vadd.scan.msk.s32 $0xffff, v8;
	_ =	sdelay $0x5  }
0xe9: {  	v8, _, _ =	vpop (xrf0)  }
0xea: {  	v8 =	vadd.s32 s6, v8  }
0xeb: {  	v61 =	vxor.u32 $0x80000000, v8  }
0xec: {  	(xrf0) =	vmax.scan.msk.u32 $0xffff, v61;
	_ =	sdelay $0x1  }
0xed: {  	vm1 =	vgt.s32 v8, $0x1FF  }
0xee: {  	v8 =	vmctz.xlane vm1  }
0xef: {  	v62 =	vsel vm1, $0x3F800000, v4  }
0xf0: {  	(xrf0) =	vmax.scan.msk.f32 $0xffff, v62;
	v8 =	vxor.u32 $0x80000000, v8  }
0xf1: {  	v63, _, _ =	vpop (xrf0);
	(xrf0) =	vmax.scan.msk.u32 $0xffff, v8;
	_ =	sdelay $0x2  }
0xf2: {  	s8 =	simm.s32 $0x80000020  }
0xf3: {  	s2 =	simm.s32 $0x201;
	s5 =	simm.s32 $0x80000000;
	s6 =	simm.s32 $0x80000010;
	(v2sf) =	vpush v63, $0xF  }
.LBB2_14:
0xf4: {  	p0 =	seq.s32 s8, $0x800001F0;
	v8, _, _ =	vpop (xrf0)  }
0xf5: {  	(v2sf) =	vpush v8, $0xF;
	v8, _, _ =	vpop (xrf0)  }
0xf6: {  	(v2sf) =	vpush v8, $0xF  }
0xf7: {  	s7 =	sadd.s32 $0x10, s7  }
0xf8: {  	v8 =	vld [tilespmem:s7+$0x0];
	_ =	sdelay $0x4  }
0xf9: {  	(xrf0) =	vadd.scan.msk.s32 $0xffff, v8;
	_ =	sdelay $0x4  }
0xfa: {  	s9 =	spop (v2sf)  }
0xfb: {  	v8, _, _ =	vpop (xrf0);
	s9 =	sxor.u32 $0x80000000, s9  }
0xfc: {  	v8 =	vadd.s32 s9, v8;
	s9 =	spop (v2sf)  }
0xfd: {  	s11 =	smov.u32 s2;
	vm1 =	vgt.s32 v8, $0x1FF;
	v8 =	vxor.u32 $0x80000000, v8;
	p1 =	sgt.f32 s9, $0.0e+00;
	s9 =	spop (v2sf)  }
0xfe: {  	v9 =	vsel vm1, $0x3F800000, v4;
	v10 =	vmctz.xlane vm1;
	(xrf0) =	vmax.scan.msk.u32 $0xffff, v8;
	s9 =	sadd.s32 s5, s9;
	s5 =	smov.u32 s6;
	s6 =	smov.u32 s8  }
0xff: {  	p2 =	sgt.s32 s2, $0x1FF;
	s11 =	smov.u32 @p1 s9  }
0x100: {  	v8 =	vxor.u32 $0x80000000, v10;
	(xrf0) =	vmax.scan.msk.f32 $0xffff, v9;
	s2 =	smov.u32 @p2 s11  }
.Ltmp9:
0x101: {  	(xrf0) =	vmax.scan.msk.u32 $0xffff, v8;
	(pc) =	sbr.rel @!p0 .LBB2_14-.Ltmp9, $3  }
0x102: {  	_ =	sdelay $0x1  }
0x103: {  	v8, _, _ =	vpop (xrf0)  }
0x104: {  	s8 =	sadd.s32 $0x10, s8;
	(v2sf) =	vpush v8, $0xF  }
0x105: {  	_ =	sdelay $0x2  }
0x106: {  	s7 =	sadd.s32 $0x10, s7  }
0x107: {  	v8 =	vld [tilespmem:s7+$0x0];
	_ =	sdelay $0x4  }
0x108: {  	(xrf0) =	vadd.scan.msk.s32 $0xffff, v8;
	_ =	sdelay $0x3  }
0x109: {  	v8, _, _ =	vpop (xrf0)  }
0x10a: {  	v9, _, _ =	vpop (xrf0);
	s19 =	spop (v2sf)  }
0x10b: {  	v10, _, _ =	vpop (xrf0);
	s7 =	sxor.u32 $0x80000000, s19  }
0x10c: {  	v10 =	vadd.s32 s7, v10  }
0x10d: {  	vm1 =	vgt.s32 v10, $0x1FF;
	v10 =	vxor.u32 $0x80000000, v10  }
0x10e: {  	v11 =	vmctz.xlane vm1;
	(xrf0) =	vmax.scan.msk.u32 $0xffff, v10;
	v10 =	vsel vm1, $0x3F800000, v4  }
0x10f: {  	(xrf0) =	vmax.scan.msk.f32 $0xffff, v10  }
0x110: {  	v10 =	vxor.u32 $0x80000000, v11  }
0x111: {  	(xrf0) =	vmax.scan.msk.u32 $0xffff, v10;
	_ =	sdelay $0x1  }
0x112: {  	(v2sf) =	vpush v8, $0xF  }
0x113: {  	(v2sf) =	vpush v9, $0xF;
	v8, _, _ =	vpop (xrf0)  }
0x114: {  	(v2sf) =	vpush v8, $0xF;
	v8, _, _ =	vpop (xrf0)  }
0x115: {  	(v2sf) =	vpush v8, $0xF  }
0x116: {  	v8, _, _ =	vpop (xrf0)  }
0x117: {  	(v2sf) =	vpush v8, $0xF;
	_ =	sdelay $0x9  }
0x118: {  	s21 =	spop (v2sf)  }
0x119: {  	p0 =	sgt.f32 s21, $0.0e+00;
	s22 =	spop (v2sf)  }
0x11a: {  	s7 =	smov.u32 s2;
	s5 =	sadd.s32 s5, s22;
	s23 =	spop (v2sf)  }
0x11b: {  	s7 =	smov.u32 @p0 s5;
	s5 =	spop (v2sf)  }
0x11c: {  	p1 =	sgt.s32 s2, $0x1FF;
	p0 =	sgt.f32 s5, $0.0e+00  }
.Ltmp10:
0x11d: {  	s2 =	smov.u32 @p1 s7;
	s29 =	spop (v2sf);
	(pc) =	sbr.rel .LBB2_16-.Ltmp10, $4  }
0x11e: {  	s5 =	sadd.s32 s6, s29;
	s6 =	smov.u32 s2  }
0x11f: {  	p1 =	sgt.s32 s2, $0x1FF;
	s6 =	smov.u32 @p0 s5  }
0x120: {  	s2 =	smov.u32 @p1 s6  }
0x121: {  	s28 =	simm.s32 $0x0;
	s6 =	simm.s32 $0x0;
	v8 =	vmov s2  }
.LBB2_18:
0x122: {  	s28 =	sadd.s32 $0x1, s28  }
0x123: {  	p0 =	sne.s32 s28, $0x40  }
.Ltmp11:
0x124: {  	_ = 	snop;
	(pc) =	sbr.rel @!p0 .LBB2_19-.Ltmp11, $1  }
0x125: {  	_ =	sdelay $0x3  }
.LBB2_16:
0x126: {  	s29 =	sshll.u32 s28, $0x4  }
0x127: {  	v9 =	vld [tilespmem:s29+$0x12000];
	_ =	sdelay $0x4  }
0x128: {  	v10 =	vmax.f32 v9, $9.999999970e-07  }
0x129: {  	v10 =	vsub.f32 $2.000000000e+00, v10;
	_ =	sdelay $0x1  }
0x12a: {  	v10 =	vshrl.u32 v10, $0xE  }
0x12b: {  	v10 =	vand.u32 $0x1FF, v10  }
0x12c: {  	vm1 =	vgt.f32 v9, $0.0e+00;
	vm2 =	vle.s32 v10, v8  }
0x12d: {  	vm1 =	vmand vm1, vm2  }
0x12e: {  	v9 =	vsel vm1, $0x3F800000, v4  }
0x12f: {  	(xrf0) =	vmax.scan.msk.f32 $0xffff, v9;
	_ =	sdelay $0x5  }
0x130: {  	v9, _, _ =	vpop (xrf0)  }
0x131: {  	(v2sf) =	vpush v9, $0xF;
	_ =	sdelay $0xe  }
0x132: {  	s2 =	spop (v2sf)  }
0x133: {  	p0 =	sgt.f32 s2, $0.0e+00  }
.Ltmp12:
0x134: {  	_ = 	snop;
	(pc) =	sbr.rel @!p0 .LBB2_18-.Ltmp12, $1  }
0x135: {  	_ =	sdelay $0x3  }
.LBB2_17:
0x136: {  	v9 =	vmctz.xlane vm1;
	_ =	sdelay $0x1  }
0x137: {  	v9 =	vxor.u32 $0x80000000, v9  }
0x138: {  	(xrf0) =	vmax.scan.msk.u32 $0xffff, v9;
	_ =	sdelay $0x5  }
0x139: {  	v9, _, _ =	vpop (xrf0)  }
0x13a: {  	(v2sf) =	vpush v9, $0xF;
	_ =	sdelay $0xe  }
0x13b: {  	s2 =	spop (v2sf)  }
0x13c: {  	s5 =	sadd.s32 s29, s2  }
0x13d: {  	s5 =	sshll.u32 s5, $0x6  }
0x13e: {  	v9 =	vld [tilespmem:s5+$0x0];
	_ =	sdelay $0x4  }
0x13f: {  	v10 =	vmax.f32 v9, $9.999999970e-07  }
0x140: {  	v10 =	vsub.f32 $2.000000000e+00, v10;
	_ =	sdelay $0x1  }
0x141: {  	v10 =	vshrl.u32 v10, $0xE  }
0x142: {  	v10 =	vand.u32 $0x1FF, v10  }
0x143: {  	vm2 =	vgt.f32 v9, $0.0e+00;
	vm3 =	vle.s32 v10, v8  }
0x144: {  	vm2 =	vmand vm2, vm3  }
0x145: {  	v10 =	vsel vm2, $0x1, v5  }
0x146: {  	(xrf0) =	vadd.scan.msk.s32 $0xffff, v10;
	_ =	sdelay $0x5  }
0x147: {  	v10, _, _ =	vpop (xrf0)  }
0x148: {  	(v2sf) =	vpush v10, $0xF;
	_ =	sdelay $0xe  }
0x149: {  	p0 =	sgt.s32 s6, $0x7DF;
	s7 =	spop (v2sf)  }
0x14a: {  	p1 =	slt.s32 @!p0 s7, $0x1  }
0x14b: {  	p0 =	por p1, p0  }
0x14c: {  	v11 =	vmov @!p0 s6  }
0x14d: {  	v11 =	vadd.s32 @!p0 $0xFFFFFFFF, v11  }
0x14e: {  	v11 =	vbroadcast @!p0 v11, $0x0  }
0x14f: {  	v12 =	vmov @!p0 s5  }
0x150: {  	v10 =	vadd.s32 @!p0 v10, v11;
	v11 =	vshll.u32 @!p0 v12, $0x2  }
0x151: {  	v11 =	vand.u32 @!p0 $0xFFFFFE00, v11  }
0x152: {  	v12 =	vlaneseq.u32 @!p0;
	v11 =	vadd.s32 @!p0 v11, v0  }
0x153: {  	v12 =	vor.u32 @!p0 s5, v12;
	v11 =	vbroadcast @!p0 v11, $0x0  }
0x154: {  	s8 =	simm.s32 @!p0 $0x12400;
	v12 =	vand.u32 @!p0 $0x4F, v12  }
0x155: {  	v11 =	vor.u32 @!p0 v12, v11;
	[tilespmem:v10+s8+$0x0] =	vst.idx.msk @!p0 vm2, v9;
	s8 =	simm.s32 @!p0 $0x12C00  }
0x156: {  	[tilespmem:v10+s8+$0x0] =	vst.idx.msk @!p0 vm2, v11;
	s8 =	sor.u32 $0x10, s5  }
0x157: {  	v9 =	vld [tilespmem:s8+$0x0];
	_ =	sdelay $0x4  }
0x158: {  	v10 =	vmax.f32 v9, $9.999999970e-07  }
0x159: {  	v10 =	vsub.f32 $2.000000000e+00, v10;
	_ =	sdelay $0x1  }
0x15a: {  	v10 =	vshrl.u32 v10, $0xE  }
0x15b: {  	v10 =	vand.u32 $0x1FF, v10  }
0x15c: {  	vm2 =	vgt.f32 v9, $0.0e+00;
	vm3 =	vle.s32 v10, v8  }
0x15d: {  	vm2 =	vmand vm2, vm3  }
0x15e: {  	v10 =	vsel vm2, $0x1, v5  }
0x15f: {  	(xrf0) =	vadd.scan.msk.s32 $0xffff, v10;
	_ =	sdelay $0x5  }
0x160: {  	v10, _, _ =	vpop (xrf0)  }
0x161: {  	(v2sf) =	vpush v10, $0xF;
	_ =	sdelay $0xb  }
0x162: {  	p0 =	slt.s32 s6, $0x7E0  }
0x163: {  	s7 =	simm.s32 @!p0 $0x0  }
0x164: {  	s6 =	sadd.s32 s6, s7  }
0x165: {  	p0 =	sgt.s32 s6, $0x7DF;
	s7 =	spop (v2sf)  }
0x166: {  	p1 =	slt.s32 @!p0 s7, $0x1  }
0x167: {  	p0 =	por p1, p0  }
0x168: {  	v11 =	vmov @!p0 s6  }
0x169: {  	v11 =	vadd.s32 @!p0 $0xFFFFFFFF, v11  }
0x16a: {  	v11 =	vbroadcast @!p0 v11, $0x0  }
0x16b: {  	v12 =	vmov @!p0 s8  }
0x16c: {  	v10 =	vadd.s32 @!p0 v10, v11;
	v11 =	vshll.u32 @!p0 v12, $0x2  }
0x16d: {  	v11 =	vand.u32 @!p0 $0xFFFFFE00, v11  }
0x16e: {  	v12 =	vlaneseq.u32 @!p0;
	v11 =	vadd.s32 @!p0 v11, v0  }
0x16f: {  	v12 =	vor.u32 @!p0 s8, v12;
	v11 =	vbroadcast @!p0 v11, $0x0  }
0x170: {  	s8 =	simm.s32 @!p0 $0x12400;
	v12 =	vand.u32 @!p0 $0x5F, v12  }
0x171: {  	v11 =	vor.u32 @!p0 v12, v11;
	[tilespmem:v10+s8+$0x0] =	vst.idx.msk @!p0 vm2, v9;
	s8 =	simm.s32 @!p0 $0x12C00  }
0x172: {  	[tilespmem:v10+s8+$0x0] =	vst.idx.msk @!p0 vm2, v11;
	s8 =	sor.u32 $0x20, s5  }
0x173: {  	v9 =	vld [tilespmem:s8+$0x0];
	_ =	sdelay $0x4  }
0x174: {  	v10 =	vmax.f32 v9, $9.999999970e-07  }
0x175: {  	v10 =	vsub.f32 $2.000000000e+00, v10;
	_ =	sdelay $0x1  }
0x176: {  	v10 =	vshrl.u32 v10, $0xE  }
0x177: {  	v10 =	vand.u32 $0x1FF, v10  }
0x178: {  	vm2 =	vgt.f32 v9, $0.0e+00;
	vm3 =	vle.s32 v10, v8  }
0x179: {  	vm2 =	vmand vm2, vm3  }
0x17a: {  	v10 =	vsel vm2, $0x1, v5  }
0x17b: {  	(xrf0) =	vadd.scan.msk.s32 $0xffff, v10;
	_ =	sdelay $0x5  }
0x17c: {  	v10, _, _ =	vpop (xrf0)  }
0x17d: {  	(v2sf) =	vpush v10, $0xF;
	_ =	sdelay $0xb  }
0x17e: {  	p0 =	slt.s32 s6, $0x7E0  }
0x17f: {  	s7 =	simm.s32 @!p0 $0x0  }
0x180: {  	s6 =	sadd.s32 s6, s7  }
0x181: {  	p0 =	sgt.s32 s6, $0x7DF;
	s7 =	spop (v2sf)  }
0x182: {  	p1 =	slt.s32 @!p0 s7, $0x1  }
0x183: {  	p0 =	por p1, p0  }
0x184: {  	v11 =	vmov @!p0 s6  }
0x185: {  	v11 =	vadd.s32 @!p0 $0xFFFFFFFF, v11  }
0x186: {  	v11 =	vbroadcast @!p0 v11, $0x0  }
0x187: {  	v12 =	vmov @!p0 s8  }
0x188: {  	v10 =	vadd.s32 @!p0 v10, v11;
	v11 =	vshll.u32 @!p0 v12, $0x2  }
0x189: {  	v11 =	vand.u32 @!p0 $0xFFFFFE00, v11  }
0x18a: {  	v12 =	vlaneseq.u32 @!p0;
	v11 =	vadd.s32 @!p0 v11, v0  }
0x18b: {  	v12 =	vor.u32 @!p0 s8, v12;
	v11 =	vbroadcast @!p0 v11, $0x0  }
0x18c: {  	s8 =	simm.s32 @!p0 $0x12400;
	v12 =	vand.u32 @!p0 $0x6F, v12  }
0x18d: {  	v11 =	vor.u32 @!p0 v12, v11;
	[tilespmem:v10+s8+$0x0] =	vst.idx.msk @!p0 vm2, v9;
	s8 =	simm.s32 @!p0 $0x12C00  }
0x18e: {  	s5 =	sor.u32 $0x30, s5;
	[tilespmem:v10+s8+$0x0] =	vst.idx.msk @!p0 vm2, v11  }
0x18f: {  	v9 =	vld [tilespmem:s5+$0x0];
	_ =	sdelay $0x4  }
0x190: {  	v10 =	vmax.f32 v9, $9.999999970e-07  }
0x191: {  	v10 =	vsub.f32 $2.000000000e+00, v10;
	_ =	sdelay $0x1  }
0x192: {  	v10 =	vshrl.u32 v10, $0xE  }
0x193: {  	v10 =	vand.u32 $0x1FF, v10  }
0x194: {  	vm2 =	vgt.f32 v9, $0.0e+00;
	vm3 =	vle.s32 v10, v8  }
0x195: {  	vm2 =	vmand vm2, vm3  }
0x196: {  	v10 =	vsel vm2, $0x1, v5  }
0x197: {  	(xrf0) =	vadd.scan.msk.s32 $0xffff, v10;
	_ =	sdelay $0x1  }
0x198: {  	s2 =	sxor.u32 $0x80000000, s2  }
0x199: {  	v11 =	vmov s2  }
0x19a: {  	vm3 =	vne.s32 v11, v2  }
0x19b: {  	vm1 =	vmand vm1, vm3  }
0x19c: {  	v11 =	vsel vm1, $0x3F800000, v4;
	v10, _, _ =	vpop (xrf0)  }
0x19d: {  	(xrf0) =	vmax.scan.msk.f32 $0xffff, v11;
	(v2sf) =	vpush v10, $0xF;
	_ =	sdelay $0x5  }
0x19e: {  	v11, _, _ =	vpop (xrf0)  }
0x19f: {  	(v2sf) =	vpush v11, $0xF;
	_ =	sdelay $0x4  }
0x1a0: {  	p0 =	slt.s32 s6, $0x7E0  }
0x1a1: {  	s7 =	simm.s32 @!p0 $0x0  }
0x1a2: {  	s2 =	sadd.s32 s6, s7  }
0x1a3: {  	p0 =	sgt.s32 s2, $0x7DF;
	s6 =	spop (v2sf)  }
0x1a4: {  	p1 =	slt.s32 @!p0 s6, $0x1  }
0x1a5: {  	p0 =	por p1, p0  }
0x1a6: {  	v11 =	vmov @!p0 s2  }
0x1a7: {  	v11 =	vadd.s32 @!p0 $0xFFFFFFFF, v11  }
0x1a8: {  	v11 =	vbroadcast @!p0 v11, $0x0  }
0x1a9: {  	v12 =	vmov @!p0 s5  }
0x1aa: {  	s23 =	spop (v2sf);
	v10 =	vadd.s32 @!p0 v10, v11;
	v11 =	vshll.u32 @!p0 v12, $0x2  }
0x1ab: {  	p2 =	sgt.f32 s23, $0.0e+00;
	v11 =	vand.u32 @!p0 $0xFFFFFE00, v11  }
.Ltmp13:
0x1ac: {  	v12 =	vlaneseq.u32 @!p0;
	v11 =	vadd.s32 @!p0 v11, v0;
	(pc) =	sbr.rel @p2 .LBB2_17-.Ltmp13, $4  }
0x1ad: {  	v12 =	vor.u32 @!p0 s5, v12;
	v11 =	vbroadcast @!p0 v11, $0x0  }
0x1ae: {  	p1 =	slt.s32 s2, $0x7E0;
	s7 =	simm.s32 @!p0 $0x12400;
	v12 =	vand.u32 @!p0 $0x7F, v12  }
0x1af: {  	s6 =	simm.s32 @!p1 $0x0;
	s5 =	simm.s32 @!p0 $0x12C00;
	v11 =	vor.u32 @!p0 v12, v11;
	[tilespmem:v10+s7+$0x0] =	vst.idx.msk @!p0 vm2, v9  }
0x1b0: {  	s6 =	sadd.s32 s2, s6;
	[tilespmem:v10+s5+$0x0] =	vst.idx.msk @!p0 vm2, v11  }
.Ltmp14:
0x1b1: {  	_ = 	snop;
	(pc) =	sbr.rel .LBB2_18-.Ltmp14, $1  }
0x1b2: {  	_ =	sdelay $0x3  }
.LBB2_19:
0x1b3: {  	s2 =	sadd.s32 $0xF, s6  }
0x1b4: {  	s5 =	sand.u32 $0xF, s2  }
0x1b5: {  	s7 =	sshra.s32 s2, $0x1F;
	p0 =	slt.s32 s2, $0x1;
	p1 =	sne.s32 s5, $0x0  }
0x1b6: {  	s17 =	sshrl.u32 s7, $0x1C;
	p0 =	por !p0, !p1  }
0x1b7: {  	s5 =	simm.s32 $0x1;
	s2 =	sadd.s32 s17, s2;
	p0 =	por !p0, !p0  }
0x1b8: {  	s2 =	sshra.s32 s2, $0x4;
	s5 =	simm.s32 @!p0 $0x0  }
0x1b9: {  	s28 =	ssub.s32 s2, s5  }
0x1ba: {  	s29 =	sshll.u32 s28, $0x4  }
0x1bb: {  	s18 =	ssub.s32 s29, s6  }
0x1bc: {  	v8 =	vmov s18  }
0x1bd: {  	vm1 =	vgt.s32 v8, v2  }
0x1be: {  	v8 =	vadd.s32 s6, v2;
	_ =	sdelay $0x4  }
0x1bf: {  	[tilespmem:v8+s15+$0x0] =	vst.idx.msk vm1, v4  }
0x1c0: {  	[tilespmem:v8+s31+$0x0] =	vst.idx.msk vm1, v5;
	v8 =	vmov s28  }
0x1c1: {  	s19 =	rddreg [dreg:$0x11];
	s21 =	simm.s32 $0x16680;
	[tilespmem:$0x16680] =	vst v8  }
0x1c2: {  	[spmem:s19] =	stream.linear.scatter [tilespmem:s21], [sflag:$0x2], $0x10, $0x38;
	[tilespmem:$0x179A0] =	vst v63  }
0x1c3: {  	_ =	swait.ge [sflag:s20], $0x10  }
0x1c4: {  	[sflag:s20] =	ssyncset.done $0x0  }
0x1c5: {  	[sflag:s20] =	ssyncadd.s32 $0xFFFFFFF0  }
0x1c6: {  	[bflag:$0x0] =	sbarrier.arrive $0xFFFF  }
0x1c7: {  	s23 =	simm.s32 $0x16600;
	s22 =	rddreg [dreg:$0x10]  }
0x1c8: {  	[tilespmem:s23], [sflag:$0x2] =	stream.linear.gather [spmem:s22], $0x80, $0x38;
	[tilespmem:$0x179A0] =	vst v63  }
0x1c9: {  	_ =	swait.ge [sflag:s20], $0x80  }
0x1ca: {  	[sflag:s20] =	ssyncset.done $0x0  }
0x1cb: {  	[sflag:s20] =	ssyncadd.s32 $0xFFFFFF80  }
0x1cc: {  	v8 =	vld [tilespmem:$0x16600]  }
0x1cd: {  	v9 =	vld [tilespmem:$0x16610]  }
0x1ce: {  	v10 =	vld [tilespmem:$0x16620]  }
0x1cf: {  	v11 =	vld [tilespmem:$0x16630]  }
0x1d0: {  	v12 =	vld [tilespmem:$0x16640]  }
0x1d1: {  	(v2sf) =	vpush v8, $0x0;
	v8 =	vld [tilespmem:$0x16650]  }
0x1d2: {  	v62 =	vld [tilespmem:$0x16660];
	(v2sf) =	vpush v9, $0x0  }
0x1d3: {  	v63 =	vld [tilespmem:$0x16670];
	(v2sf) =	vpush v10, $0x0  }
0x1d4: {  	(v2sf) =	vpush v11, $0x0  }
0x1d5: {  	(v2sf) =	vpush v12, $0x0  }
0x1d6: {  	(v2sf) =	vpush v8, $0x0  }
0x1d7: {  	(v2sf) =	vpush v62, $0x0  }
0x1d8: {  	(v2sf) =	vpush v63, $0x0;
	_ =	sdelay $0x7  }
0x1d9: {  	s2 =	spop (v2sf)  }
0x1da: {  	s5 =	spop (v2sf)  }
0x1db: {  	p0 =	slt.s32 s28, $0x1;
	s6 =	spop (v2sf)  }
.Ltmp15:
0x1dc: {  	s7 =	spop (v2sf);
	(pc) =	sbr.rel @p0 .LBB2_27-.Ltmp15, $4  }
0x1dd: {  	s8 =	spop (v2sf)  }
0x1de: {  	s9 =	spop (v2sf)  }
0x1df: {  	s19 =	spop (v2sf)  }
0x1e0: {  	s11 =	spop (v2sf)  }
0x1e1: {  	s13 =	smov.u32 s2;
	s10 =	sld [smem:$0x7FD]  }
0x1e2: {  	s16 =	smov.u32 s5;
	s17 =	smov.u32 s6;
	s21 =	sld [smem:$0x7FC]  }
0x1e3: {  	s22 =	sld [smem:$0x7FB];
	s13 =	simm.s32 @p6 $0x0;
	s16 =	simm.s32 @!p5 $0x0  }
0x1e4: {  	s23 =	sld [smem:$0x7FA];
	s17 =	simm.s32 @!p4 $0x0;
	s13 =	sadd.s32 s13, s16  }
0x1e5: {  	s16 =	smov.u32 s7;
	s13 =	sadd.s32 s13, s17;
	p0 =	seq.s32 s10, $0x1  }
0x1e6: {  	s17 =	smov.u32 s8;
	s16 =	simm.s32 @!p0 $0x0;
	p0 =	seq.s32 s21, $0x1  }
0x1e7: {  	s13 =	sadd.s32 s13, s16;
	s17 =	simm.s32 @!p0 $0x0  }
0x1e8: {  	s16 =	smov.u32 s9;
	p0 =	seq.s32 s22, $0x1;
	s13 =	sadd.s32 s13, s17  }
0x1e9: {  	s16 =	simm.s32 @!p0 $0x0;
	s17 =	smov.u32 s19;
	p0 =	seq.s32 s23, $0x1  }
0x1ea: {  	s13 =	sadd.s32 s13, s16;
	s17 =	simm.s32 @!p0 $0x0  }
0x1eb: {  	s16 =	sadd.s32 s13, s17;
	s17 =	sadd.s32 $0xFFFFFFFF, s28  }
0x1ec: {  	p0 =	sne.s32 s17, $0x0  }
.Ltmp16:
0x1ed: {  	_ = 	snop;
	(pc) =	sbr.rel @!p0 .LBB2_21-.Ltmp16, $4  }
0x1ee: {  	_ = 	snop  }
0x1ef: {  	p1 =	por $0x0, $0x0;
	s13 =	sshll.u32 s16, $0x6  }
0x1f0: {  	s22 =	simm.s32 $0x12C00;
	s23 =	sshll.u32 s16, $0x4;
	s18 =	sshra.s32 s13, $0x2  }
0x1f1: {  	s16 =	simm.s32 $0x12400;
	s13 =	sadd.s32 s18, s12;
	s21 =	sadd.s32 s18, s30  }
0x1f2: {  	s15 =	smov.u32 s12;
	p0 =	sgt.s32 s23, $0xFF0;
	s17 =	sadd.s32 $0xFFFFFFFF, s17  }
0x1f3: {  	[spmem:s13] =	stream.linear.scatter @!p0 [tilespmem:s16], [sflag:$0x3], $0x10, $0x38;
	[tilespmem:$0x179A0] =	vst v63  }
0x1f4: {  	s23 =	sadd.s32 $0x10, s23;
	s18 =	simm.s32 @!p0 $0x3;
	p2 =	sne.s32 s17, $0x0  }
.Ltmp17:
0x1f5: {  	_ =	swait.ge @!p0 [sflag:s18], $0x10;
	p0 =	por p0, p0;
	(pc) =	sbr.rel @!p2 .LBB2_23-.Ltmp17, $4  }
0x1f6: {  	p1 =	por $0x1, $0x1;
	s13 =	sadd.s32 $0x10, s13;
	[sflag:s18] =	ssyncset.done @!p0 $0x0  }
0x1f7: {  	s16 =	simm.s32 $0x12410;
	[sflag:s18] =	ssyncadd.s32 @!p0 $0xFFFFFFF0;
	s18 =	simm.s32 @!p0 $0x2  }
0x1f8: {  	[spmem:s21] =	stream.linear.scatter @!p0 [tilespmem:s22], [sflag:$0x2], $0x10, $0x38;
	[tilespmem:$0x179A0] =	vst v63  }
0x1f9: {  	s21 =	sadd.s32 $0x10, s21;
	s22 =	simm.s32 $0x12C10;
	_ =	swait.ge @!p0 [sflag:s18], $0x10  }
.LBB2_24:
0x1fa: {  	s17 =	sadd.s32 $0xFFFFFFFF, s17;
	p3 =	sgt.s32 s23, $0xFF0  }
0x1fb: {  	[sflag:s18] =	ssyncset.done @!p0 $0x0;
	s10 =	smov.u32 s21;
	s12 =	smov.u32 s22  }
0x1fc: {  	p2 =	sne.s32 s17, $0x0;
	s14 =	simm.s32 @!p3 $0x3;
	[sflag:s18] =	ssyncadd.s32 @!p0 $0xFFFFFFF0  }
0x1fd: {  	[spmem:s13] =	stream.linear.scatter @!p3 [tilespmem:s16], [sflag:$0x3], $0x10, $0x38;
	[tilespmem:$0x179A0] =	vst v63  }
.Ltmp18:
0x1fe: {  	p0 =	por p3, p3;
	_ =	swait.ge @!p3 [sflag:s14], $0x10;
	(pc) =	sbr.rel @p2 .LBB2_24-.Ltmp18, $4  }
0x1ff: {  	s21 =	sadd.s32 $0x10, s21;
	s13 =	sadd.s32 $0x10, s13;
	[sflag:s14] =	ssyncset.done @!p0 $0x0  }
0x200: {  	s22 =	sadd.s32 $0x10, s22;
	s18 =	simm.s32 @!p0 $0x2;
	[sflag:s14] =	ssyncadd.s32 @!p0 $0xFFFFFFF0  }
0x201: {  	[spmem:s10] =	stream.linear.scatter @!p0 [tilespmem:s12], [sflag:$0x2], $0x10, $0x38;
	[tilespmem:$0x179A0] =	vst v63  }
0x202: {  	s23 =	sadd.s32 $0x10, s23;
	s16 =	sadd.s32 $0x10, s16;
	_ =	swait.ge @!p0 [sflag:s18], $0x10  }
0x203: {  	s12 =	smov.u32 s15;
	s15 =	simm.s32 $0x12400  }
.LBB2_26:
0x204: {  	p0 =	por p0, !p1  }
0x205: {  	p1 =	sgt.s32 s23, $0xFF0;
	[sflag:s18] =	ssyncset.done @!p0 $0x0  }
0x206: {  	s10 =	simm.s32 @!p1 $0x3;
	[sflag:s18] =	ssyncadd.s32 @!p0 $0xFFFFFFF0  }
0x207: {  	[spmem:s13] =	stream.linear.scatter @!p1 [tilespmem:s16], [sflag:$0x3], $0x10, $0x38;
	[tilespmem:$0x179A0] =	vst v63  }
0x208: {  	p0 =	por p1, p1;
	_ =	swait.ge @!p1 [sflag:s10], $0x10  }
0x209: {  	[sflag:s10] =	ssyncset.done @!p0 $0x0  }
0x20a: {  	[sflag:s10] =	ssyncadd.s32 @!p0 $0xFFFFFFF0;
	s10 =	simm.s32 @!p0 $0x2  }
0x20b: {  	[spmem:s21] =	stream.linear.scatter @!p0 [tilespmem:s22], [sflag:$0x2], $0x10, $0x38;
	[tilespmem:$0x179A0] =	vst v63  }
0x20c: {  	_ =	swait.ge @!p0 [sflag:s10], $0x10  }
0x20d: {  	[sflag:s10] =	ssyncset.done @!p0 $0x0  }
0x20e: {  	[sflag:s10] =	ssyncadd.s32 @!p0 $0xFFFFFFF0  }
.LBB2_27:
0x20f: {  	[bflag:$0x0] =	sbarrier.arrive $0xFFFF;
	s10 =	simm.s32 $0x14600  }
0x210: {  	[tilespmem:s10], [sflag:$0x2] =	stream.linear.gather [spmem:s12], $0x1000, $0x38;
	[tilespmem:$0x179A0] =	vst v63  }
0x211: {  	_ =	swait.ge [sflag:s20], $0x1000  }
0x212: {  	p0 =	slt.s32 s29, $0x1;
	[sflag:s20] =	ssyncset.done $0x0  }
.Ltmp19:
0x213: {  	s23 =	simm.s32 $0x15600;
	[sflag:s20] =	ssyncadd.s32 $0xFFFFF000;
	(pc) =	sbr.rel @p0 .LBB2_32-.Ltmp19, $4  }
0x214: {  	[tilespmem:s23], [sflag:$0x2] =	stream.linear.gather [spmem:s30], $0x1000, $0x38;
	[tilespmem:$0x179A0] =	vst v63  }
0x215: {  	_ =	swait.ge [sflag:s20], $0x1000  }
0x216: {  	[sflag:s20] =	ssyncset.done $0x0  }
0x217: {  	[sflag:s20] =	ssyncadd.s32 $0xFFFFF000  }
0x218: {  	s2 =	sadd.s32 s2, s5  }
0x219: {  	s2 =	sadd.s32 s2, s6  }
0x21a: {  	s2 =	sadd.s32 s2, s7  }
0x21b: {  	s2 =	sadd.s32 s2, s8  }
0x21c: {  	s2 =	sadd.s32 s2, s9  }
0x21d: {  	s2 =	sadd.s32 s2, s19  }
0x21e: {  	s2 =	sadd.s32 s2, s11  }
0x21f: {  	p0 =	slt.s32 s2, $0x100  }
0x220: {  	p1 =	slt.s32 s2, $0xFFFFFFFE;
	s2 =	simm.s32 @!p0 $0x100  }
0x221: {  	s2 =	sadd.s32 $0x3, s2  }
0x222: {  	s21 =	sand.u32 $0x3, s2  }
0x223: {  	s22 =	sshra.s32 s2, $0x1F;
	p3 =	sne.s32 s21, $0x0  }
.Ltmp20:
0x224: {  	s23 =	sshrl.u32 s22, $0x1E;
	p0 =	por !p1, !p3;
	(pc) =	sbr.rel .LBB2_29-.Ltmp20, $4  }
0x225: {  	s5 =	simm.s32 $0x1;
	s2 =	sadd.s32 s23, s2;
	p0 =	por !p0, !p0  }
0x226: {  	s2 =	sshra.s32 s2, $0x2;
	s5 =	simm.s32 @!p0 $0x0  }
0x227: {  	s2 =	ssub.s32 s2, s5  }
0x228: {  	s5 =	simm.s32 $0x0;
	p0 =	slt.s32 s2, $0x1  }
.LBB2_31:
0x229: {  	_ = 	snop  }
.LBB2_37:
0x22a: {  	v21 =	vld [tilespmem:s6+$0xFFFFFFF0];
	v19 =	vadd.s32 @p1 v20, v19;
	v20 =	vsel @p1 vm1, $0x1, v5  }
0x22b: {  	vm1 =	vgt.f32 v12, v10;
	vm2 =	vgt.f32 v14, v10;
	vm3 =	veq.f32 v12, v10  }
0x22c: {  	vm4 =	vlt.s32 v15, v11;
	vm5 =	vgt.f32 v13, v10;
	vm6 =	veq.f32 v14, v10  }
0x22d: {  	vm7 =	veq.f32 v17, v10;
	vm8 =	vlt.s32 v18, v11;
	vm9 =	vlt.s32 v16, v11  }
0x22e: {  	vm10 =	vgt.f32 v17, v10;
	vm13 =	veq.f32 v13, v10;
	v19 =	vadd.s32 @p1 v20, v19  }
0x22f: {  	vm7 =	vmand vm7, vm8;
	vm3 =	vmand vm3, vm4;
	vm11 =	vlt.s32 v21, v11  }
0x230: {  	vm15 =	vmand vm6, vm9;
	vm7 =	vmor vm10, vm7;
	vm8 =	vmand vm13, vm11  }
0x231: {  	v9 =	vpsel p1, v19, v9;
	v10 =	vsel vm7, $0x1, v5;
	vm14 =	vmor vm5, vm8  }
0x232: {  	vm2 =	vmor vm2, vm15;
	v9 =	vadd.s32 v10, v9;
	v10 =	vsel vm14, $0x1, v5  }
0x233: {  	vm1 =	vmor vm1, vm3;
	v9 =	vadd.s32 v10, v9;
	v10 =	vsel vm2, $0x1, v5  }
0x234: {  	v9 =	vadd.s32 v10, v9;
	v10 =	vsel vm1, $0x1, v5  }
0x235: {  	v9 =	vadd.s32 v10, v9  }
.LBB2_38:
0x236: {  	(xrf0) =	vadd.scan.msk.s32 $0xffff, v9;
	_ =	sdelay $0x2  }
0x237: {  	s5 =	sadd.s32 $0x1, s5  }
0x238: {  	p1 =	seq.s32 s5, s29  }
.Ltmp21:
0x239: {  	_ = 	snop;
	(pc) =	sbr.rel @p1 .LBB2_32-.Ltmp21, $3  }
0x23a: {  	v9, _, _ =	vpop (xrf0)  }
0x23b: {  	v9 =	vbroadcast v9, $0xF;
	_ =	sdelay $0x1  }
0x23c: {  	[tilespmem:v8+s1+$0x0] =	vst.idx.msk $0x1, v9  }
.LBB2_29:
.Ltmp22:
0x23d: {  	(pc) =	sbr.rel @p0 .LBB2_38-.Ltmp22, $2  }
0x23e: {  	_ =	sdelay $0x2  }
0x23f: {  	v8 =	vmov s5;
	v9 =	vimm.s32 $0x0  }
0x240: {  	_ =	sdelay $0x3  }
0x241: {  	v10 =	vld.idx.msk [tilespmem:v8+s15+$0x0], $0xffff  }
0x242: {  	v11 =	vld.idx.msk [tilespmem:v8+s31+$0x0], $0xffff;
	s7 =	simm.s32 $0x14620  }
0x243: {  	s6 =	simm.s32 $0x15620;
	v12 =	vld [tilespmem:s7+$0x10]  }
0x244: {  	v15 =	vld [tilespmem:s6+$0x10]  }
0x245: {  	p2 =	sne.s32 s2, $0x1;
	v14 =	vld [tilespmem:s7+$0x0]  }
.Ltmp23:
0x246: {  	v16 =	vld [tilespmem:s6+$0x0];
	(pc) =	sbr.rel @!p2 .LBB2_31-.Ltmp23, $4  }
0x247: {  	v13 =	vld [tilespmem:s7+$0xFFFFFFF0]  }
0x248: {  	v17 =	vld [tilespmem:s7+$0xFFFFFFE0]  }
0x249: {  	v18 =	vld [tilespmem:s6+$0xFFFFFFE0]  }
0x24a: {  	s8 =	sadd.s32 $0xFFFFFFFF, s2;
	p1 =	por $0x0, $0x0  }
0x24b: {  	v19 =	vld [tilespmem:s6+$0xFFFFFFF0]  }
0x24c: {  	vm1 =	vgt.f32 v12, v10;
	s7 =	simm.s32 $0x14660  }
0x24d: {  	vm2 =	vgt.f32 v14, v10;
	vm3 =	veq.f32 v12, v10;
	vm4 =	vlt.s32 v15, v11;
	s6 =	simm.s32 $0x15660;
	v12 =	vld [tilespmem:s7+$0x10]  }
0x24e: {  	vm6 =	veq.f32 v14, v10;
	vm7 =	vlt.s32 v16, v11;
	vm5 =	vgt.f32 v13, v10;
	v15 =	vld [tilespmem:s6+$0x10]  }
0x24f: {  	p2 =	sne.s32 s8, $0x1;
	v14 =	vld [tilespmem:s7+$0x0];
	vm12 =	veq.f32 v13, v10;
	vm9 =	veq.f32 v17, v10;
	vm10 =	vlt.s32 v18, v11  }
.Ltmp24:
0x250: {  	v16 =	vld [tilespmem:s6+$0x0];
	vm8 =	vgt.f32 v17, v10;
	vm9 =	vmand vm9, vm10;
	vm11 =	vlt.s32 v19, v11;
	(pc) =	sbr.rel @!p2 .LBB2_37-.Ltmp24, $4  }
0x251: {  	vm3 =	vmand vm3, vm4;
	v13 =	vld [tilespmem:s7+$0xFFFFFFF0];
	vm8 =	vmor vm8, vm9;
	vm13 =	vmand vm12, vm11  }
0x252: {  	vm15 =	vmand vm6, vm7;
	v17 =	vld [tilespmem:s7+$0xFFFFFFE0];
	v18 =	vsel vm8, $0x1, v5;
	vm14 =	vmor vm5, vm13  }
0x253: {  	vm2 =	vmor vm2, vm15;
	v19 =	vadd.s32 v18, v9;
	v18 =	vld [tilespmem:s6+$0xFFFFFFE0];
	v20 =	vsel vm14, $0x1, v5  }
0x254: {  	s8 =	sadd.s32 $0xFFFFFFFF, s8;
	p1 =	por $0x1, $0x1;
	vm1 =	vmor vm1, vm3;
	v19 =	vadd.s32 v20, v19;
	v20 =	vsel vm2, $0x1, v5  }
.LBB2_36:
0x255: {  	p2 =	sne.s32 s8, $0x1;
	v21 =	vld [tilespmem:s6+$0xFFFFFFF0];
	v19 =	vadd.s32 v20, v19;
	v20 =	vsel vm1, $0x1, v5  }
0x256: {  	vm1 =	vgt.f32 v12, v10;
	v19 =	vadd.s32 v20, v19  }
0x257: {  	vm2 =	vgt.f32 v14, v10;
	vm3 =	veq.f32 v12, v10;
	vm4 =	vlt.s32 v15, v11;
	s7 =	sadd.s32 $0x40, s7  }
0x258: {  	vm5 =	vgt.f32 v13, v10;
	vm6 =	veq.f32 v14, v10;
	vm7 =	vlt.s32 v16, v11;
	s6 =	sadd.s32 $0x40, s6;
	v12 =	vld [tilespmem:s7+$0x10]  }
0x259: {  	vm8 =	vgt.f32 v17, v10;
	vm9 =	veq.f32 v17, v10;
	vm10 =	vlt.s32 v18, v11;
	v15 =	vld [tilespmem:s6+$0x10]  }
.Ltmp25:
0x25a: {  	vm9 =	vmand vm9, vm10;
	vm10 =	veq.f32 v13, v10;
	v14 =	vld [tilespmem:s7+$0x0];
	vm11 =	vlt.s32 v21, v11;
	(pc) =	sbr.rel @p2 .LBB2_36-.Ltmp25, $4  }
0x25b: {  	vm3 =	vmand vm3, vm4;
	vm8 =	vmor vm8, vm9;
	v16 =	vld [tilespmem:s6+$0x0];
	vm9 =	vmand vm10, vm11  }
0x25c: {  	v18 =	vsel vm8, $0x1, v5;
	v13 =	vld [tilespmem:s7+$0xFFFFFFF0];
	vm4 =	vmor vm5, vm9;
	vm5 =	vmand vm6, vm7  }
0x25d: {  	v19 =	vadd.s32 v18, v19;
	v17 =	vld [tilespmem:s7+$0xFFFFFFE0];
	v20 =	vsel vm4, $0x1, v5;
	vm2 =	vmor vm2, vm5  }
0x25e: {  	s8 =	sadd.s32 $0xFFFFFFFF, s8;
	vm1 =	vmor vm1, vm3;
	v18 =	vld [tilespmem:s6+$0xFFFFFFE0];
	v19 =	vadd.s32 v20, v19;
	v20 =	vsel vm2, $0x1, v5  }
.Ltmp26:
0x25f: {  	_ = 	snop;
	(pc) =	sbr.rel .LBB2_37-.Ltmp26, $1  }
0x260: {  	_ =	sdelay $0x3  }
.LBB2_32:
0x261: {  	p0 =	sgt.s32 s28, $0x0  }
.Ltmp27:
0x262: {  	_ = 	snop;
	(pc) =	sbr.rel @!p0 .LBB2_45-.Ltmp27, $1  }
0x263: {  	_ =	sdelay $0x3  }
0x264: {  	p0 =	sne.s32 s28, $0x1  }
.Ltmp28:
0x265: {  	_ = 	snop;
	(pc) =	sbr.rel @!p0 .LBB2_34-.Ltmp28, $3  }
0x266: {  	_ =	sdelay $0x1  }
0x267: {  	s2 =	simm.s32 $0x16690;
	s6 =	simm.s32 $0x12400  }
0x268: {  	s5 =	simm.s32 $0x12C00;
	p1 =	por $0x0, $0x0;
	v8 =	vld [tilespmem:s2+$0x0];
	s2 =	sadd.s32 $0xFFFFFFFF, s28  }
0x269: {  	_ =	sdelay $0x3  }
0x26a: {  	vm1 =	vlt.s32 v8, $0x200;
	v8 =	vadd.s32 v1, v8  }
0x26b: {  	v8 =	vsel vm1, v8, v3;
	_ =	sdelay $0x2  }
0x26c: {  	p2 =	sne.s32 s2, $0x1  }
.Ltmp29:
0x26d: {  	_ = 	snop;
	(pc) =	sbr.rel @!p2 .LBB2_40-.Ltmp29, $4  }
0x26e: {  	[spmem:s0] =	stream.indirect_vreg.scatter [tilespmem:s6], [sflag:$0x1], $0x1, v8, vm0, $0xb8;
	[tilespmem:$0x179A0] =	vst v63  }
0x26f: {  	s9 =	simm.s32 $0x166A0;
	s11 =	sadd.s32 $0xFFFFFFFF, s2  }
0x270: {  	[spmem:s3] =	stream.indirect_vreg.scatter [tilespmem:s5], [sflag:$0x1], $0x1, v8, vm0, $0xb8;
	[tilespmem:$0x179A0] =	vst v63  }
0x271: {  	p1 =	por $0x1, $0x1;
	s7 =	simm.s32 $0x12400;
	s8 =	simm.s32 $0x12C00;
	v8 =	vld [tilespmem:s9+$0x0]  }
.LBB2_41:
0x272: {  	p2 =	sne.s32 s11, $0x1;
	_ =	sdelay $0x3  }
0x273: {  	vm1 =	vlt.s32 v8, $0x200;
	v8 =	vadd.s32 v1, v8  }
0x274: {  	v8 =	vsel vm1, v8, v3;
	_ =	sdelay $0x3  }
.Ltmp30:
0x275: {  	s7 =	sadd.s32 $0x10, s7;
	(pc) =	sbr.rel @p2 .LBB2_41-.Ltmp30, $4  }
0x276: {  	[spmem:s0] =	stream.indirect_vreg.scatter [tilespmem:s7], [sflag:$0x1], $0x1, v8, vm0, $0xb8;
	[tilespmem:$0x179A0] =	vst v63  }
0x277: {  	s9 =	sadd.s32 $0x10, s9;
	s8 =	sadd.s32 $0x10, s8  }
0x278: {  	[spmem:s3] =	stream.indirect_vreg.scatter [tilespmem:s8], [sflag:$0x1], $0x1, v8, vm0, $0xb8;
	[tilespmem:$0x179A0] =	vst v63  }
0x279: {  	s11 =	sadd.s32 $0xFFFFFFFF, s11;
	v8 =	vld [tilespmem:s9+$0x0]  }
.LBB2_42:
0x27a: {  	_ =	sdelay $0x3  }
0x27b: {  	vm1 =	vlt.s32 v8, $0x200;
	v8 =	vadd.s32 v1, v8  }
0x27c: {  	v8 =	vsel vm1, v8, v3;
	_ =	sdelay $0x2  }
0x27d: {  	s7 =	sadd.s32 @p1 $0x10, s7  }
0x27e: {  	s6 =	smov.u32 @p1 s7  }
0x27f: {  	[spmem:s0] =	stream.indirect_vreg.scatter [tilespmem:s6], [sflag:$0x1], $0x1, v8, vm0, $0xb8;
	[tilespmem:$0x179A0] =	vst v63  }
0x280: {  	s6 =	sadd.s32 @p1 $0x10, s8  }
0x281: {  	s5 =	smov.u32 @p1 s6  }
0x282: {  	[spmem:s3] =	stream.indirect_vreg.scatter [tilespmem:s5], [sflag:$0x1], $0x1, v8, vm0, $0xb8;
	[tilespmem:$0x179A0] =	vst v63  }
.Ltmp31:
0x283: {  	_ =	swait.ge [sflag:s24], $0x10;
	(pc) =	sbr.rel @!p0 .LBB2_44-.Ltmp31, $4  }
0x284: {  	[sflag:s24] =	ssyncset.done $0x0  }
0x285: {  	[sflag:s24] =	ssyncadd.s32 $0xFFFFFFF0  }
0x286: {  	_ =	swait.ge [sflag:s24], $0x10  }
0x287: {  	[sflag:s24] =	ssyncset.done $0x0  }
.LBB2_43:
0x288: {  	p0 =	sne.s32 s2, $0x1;
	s2 =	sadd.s32 $0xFFFFFFFF, s2;
	[sflag:s24] =	ssyncadd.s32 $0xFFFFFFF0  }
.Ltmp32:
0x289: {  	_ =	swait.ge [sflag:s24], $0x10;
	(pc) =	sbr.rel @p0 .LBB2_43-.Ltmp32, $4  }
0x28a: {  	[sflag:s24] =	ssyncset.done $0x0  }
0x28b: {  	[sflag:s24] =	ssyncadd.s32 $0xFFFFFFF0  }
0x28c: {  	_ =	swait.ge [sflag:s24], $0x10  }
0x28d: {  	[sflag:s24] =	ssyncset.done $0x0  }
.Ltmp33:
0x28e: {  	_ = 	snop;
	(pc) =	sbr.rel .LBB2_44-.Ltmp33, $1  }
0x28f: {  	_ =	sdelay $0x3  }
.LBB2_10:
.Ltmp34:
0x290: {  	(pc) =	sbr.rel .LBB2_13-.Ltmp34, $2  }
0x291: {  	_ =	sdelay $0x2  }
0x292: {  	s5 =	simm.s32 $0x0  }
.LBB2_21:
.Ltmp35:
0x293: {  	(pc) =	sbr.rel .LBB2_26-.Ltmp35, $2  }
0x294: {  	_ =	sdelay $0x2  }
0x295: {  	_ = 	snop  }
.LBB2_34:
.Ltmp36:
0x296: {  	(pc) =	sbr.rel .LBB2_42-.Ltmp36, $2  }
0x297: {  	_ =	sdelay $0x2  }
0x298: {  	s7 =	simm.s32 $0x12400;
	s8 =	simm.s32 $0x12C00  }
.LBB2_23:
.Ltmp37:
0x299: {  	(pc) =	sbr.rel .LBB2_26-.Ltmp37, $2  }
0x29a: {  	_ =	sdelay $0x2  }
0x29b: {  	s22 =	simm.s32 $0x12C10;
	s12 =	smov.u32 s15;
	s15 =	simm.s32 $0x12400  }
.LBB2_40:
.Ltmp38:
0x29c: {  	(pc) =	sbr.rel .LBB2_42-.Ltmp38, $2  }
0x29d: {  	_ =	sdelay $0x2  }
0x29e: {  	s7 =	simm.s32 $0x12400;
	s8 =	simm.s32 $0x12C00  }
.LBB2_46:
0x29f: {  	_ =	sfence.sel $0x180000  }
0x2a0: {  	[bflag:$0x0] =	sbarrier.arrive $0xFFFF  }
0x2a1: {  	_ =	strace $0x90000047  }
0x2a2: {  	s0 =	stileid.u32;
	[bflag:$0x2] =	sbarrier.arrive $0xFFFF  }
0x2a3: {  	p0 =	sne.s32 s0, $0x0;
	s0 =	rddreg [dreg:$0x8]  }
0x2a4: {  	s0 =	sadd.s32 @!p0 $0x100000, s0  }
0x2a5: {  	[sflag:s0] =	ssyncadd.tile.s32 @!p0 $0x1;
	_ =	shalt  }
.Lfunc_end2:
_tile_overlayer_lowered:
.L_overlay_start_2:
0x2a6: {  	(tag) =	ssettag $0x2  }
0x2a7: {  	s0 =	rddreg [dreg:$0x0];
	s2 =	stileid.u32  }
0x2a8: {  	s1 =	rddreg [dreg:$0x1];
	p0 =	sne.s32 s2, $0x0  }
0x2a9: {  	s3 =	rddreg [dreg:$0x2];
	[bflag:$0x3] =	sbarrier.arrive $0xFFFF;
	s2 =	simm.s32 @!p0 $0x1C02  }
0x2aa: {  	[timem:s3], [sflag:s2] =	dma.local @!p0 [hbm:s0], s1  }
0x2ab: {  	s0 =	simm.s32 @!p0 $0x2  }
0x2ac: {  	_ =	swait.ge @!p0 [sflag:s0], s1  }
0x2ad: {  	s1 =	ssub.s32 @!p0 $0x0, s1;
	[sflag:s0] =	ssyncset.done @!p0 $0x0  }
0x2ae: {  	[sflag:s0] =	ssyncadd.s32 @!p0 s1  }
0x2af: {  	[bflag:$0x3] =	sbarrier.arrive $0xFFFF  }
0x2b0: {  	_ =	shalt  }

// kernel: kernel.9.cloned.1.call-start
scs
__scs_entry_jumppad:
0x0: {  	(pc) =	sbr.rel $0x88, $3  }
0x1: {  	(tag) =	ssettag $0x0;
	lr =	simm.s32 $0x1  }
0x2: {  	[smem:$0x3F9B] =	sst lr;
	_ =	strace $0xD0000000  }
0x3: {  	_ = 	snop  }
0x4: {  	_ = 	snop  }
0x5: {  	_ = 	snop  }
0x6: {  	_ = 	snop  }
0x7: {  	_ = 	snop  }
__scs_overlays_trampoline_lowered:
0x8: {  	[smem:$0x3FAA] =	sst s0  }
0x9: {  	[smem:$0x3FAB] =	sst s1  }
0xa: {  	[smem:$0x3FAC] =	sst s2  }
0xb: {  	[smem:$0x3FAD] =	sst s3  }
0xc: {  	[smem:$0x3FAE] =	sst s4  }
0xd: {  	[smem:$0x3FAF] =	sst s5  }
0xe: {  	[smem:$0x3FB0] =	sst s6  }
0xf: {  	[smem:$0x3FB1] =	sst s7  }
0x10: {  	[smem:$0x3FB2] =	sst s8  }
0x11: {  	[smem:$0x3FB3] =	sst s9;
	s0 =	simm.s32 @!p0 $0x0  }
0x12: {  	s1 =	sld [smem:$0x3F99];
	s0 =	simm.s32 @p0 $0x1  }
0x13: {  	[smem:$0x3FB4] =	sst s0;
	s0 =	simm.s32 @!p1 $0x0  }
0x14: {  	s2 =	sld [smem:$0x3F98];
	s0 =	simm.s32 @p1 $0x1  }
0x15: {  	[smem:$0x3FB5] =	sst s0;
	s0 =	simm.s32 @!p2 $0x0  }
0x16: {  	s3 =	sld [smem:$0x3FDB];
	s0 =	simm.s32 @p2 $0x1  }
0x17: {  	s4 =	simm.s32 $0x1BF5;
	[smem:$0x3FB7] =	sst s0  }
0x18: {  	s0 =	sld [smem:$0x3F9A];
	_ =	swait.ge [sflag:s4], $0x0  }
0x19: {  	s7 =	sld [smem:$0x3F9B]  }
0x1a: {  	s8 =	sadd.s32 $0xFFFFE003, lr  }
0x1b: {  	s9 =	sadd.s32 $0xFFFFFEF7, lr;
	s5 =	simm.s32 $0xFFFFFFFF;
	p2 =	slt.u32 s8, $0xFFFFF086  }
0x1c: {  	p1 =	slt.u32 s9, $0xF7A;
	s5 =	simm.s32 @!p2 $0x0  }
0x1d: {  	s5 =	simm.s32 @p1 $0x1;
	p0 =	seq.s32 s7, s2  }
0x1e: {  	s7 =	smul.u32 @!p0 $0xF7A, s2;
	p2 =	seq.s32 @!p0 s5, $0x0  }
0x1f: {  	s9 =	smul.u32 $0xF7A, s1;
	s8 =	simm.s32 @!p0 $0x1BF5;
	p2 =	por !p2, p0  }
0x20: {  	[sflag:s8] =	ssyncset.s32 @!p0 $0xFFFFF086;
	s6 =	sadd.s32 @!p0 s3, s7;
	s7 =	simm.s32 @!p0 $0x108  }
0x21: {  	s3 =	sadd.s32 s3, s9;
	s6 =	sadd.s32 @!p0 $0x88, s6;
	s7 =	simm.s32 @p2 $0x1082  }
0x22: {  	[simem:s7], [sflag:s8] =	dma.local @!p0 [hbm:s6], $0xF7A  }
0x23: {  	s9 =	sor.u32 $0xD0000000, s2;
	s6 =	simm.s32 $0x108;
	_ =	swait.ge @!p0 [sflag:s8], $0x0  }
0x24: {  	s3 =	sadd.s32 $0x88, s3;
	s6 =	simm.s32 @!p1 $0x1082;
	[sflag:s4] =	ssyncset.s32 $0xFFFFF086  }
0x25: {  	[simem:s6], [sflag:s4] =	dma.local [hbm:s3], $0xF7A  }
0x26: {  	[smem:$0x3F9B] =	sst s1;
	(tag) =	ssettag s2;
	_ =	strace s9  }
0x27: {  	s1 =	sld [smem:$0x3FAB]  }
0x28: {  	s2 =	sld [smem:$0x3FAC]  }
0x29: {  	s4 =	sld [smem:$0x3FAE]  }
0x2a: {  	p0 =	seq.s32 s5, $0x0;
	s5 =	sld [smem:$0x3FAF]  }
0x2b: {  	s6 =	sld [smem:$0x3FB0]  }
0x2c: {  	s7 =	sld [smem:$0x3FB1]  }
0x2d: {  	s3 =	simm.s32 $0x108;
	s8 =	sld [smem:$0x3FB2]  }
0x2e: {  	s3 =	simm.s32 @!p0 $0x1082;
	s9 =	sld [smem:$0x3FB3]  }
0x2f: {  	lr =	sadd.s32 s0, s3;
	s0 =	sld [smem:$0x3FAA]  }
0x30: {  	s3 =	sld [smem:$0x3FAD]  }
0x31: {  	[smem:$0x3FB6] =	sst s10  }
0x32: {  	s10 =	sld [smem:$0x3FB4];
	_ =	sdelay $0x3  }
0x33: {  	p0 =	seq.s32 s10, $0x1;
	s10 =	sld [smem:$0x3FB6];
	_ =	sdelay $0x3  }
0x34: {  	[smem:$0x3FB6] =	sst s10  }
0x35: {  	s10 =	sld [smem:$0x3FB5];
	_ =	sdelay $0x3  }
0x36: {  	p1 =	seq.s32 s10, $0x1;
	s10 =	sld [smem:$0x3FB6];
	_ =	sdelay $0x3  }
0x37: {  	[smem:$0x3FB6] =	sst s10  }
0x38: {  	s10 =	sld [smem:$0x3FB7]  }
0x39: {  	_ = 	snop;
	(pc) =	sbr.ind lr, $3  }
0x3a: {  	_ = 	snop  }
0x3b: {  	_ = 	snop  }
0x3c: {  	p2 =	seq.s32 s10, $0x1;
	s10 =	sld [smem:$0x3FB6]  }
0x3d: {  	_ =	shalt  }
0x3e: {  	_ =	shalt  }
0x3f: {  	_ =	shalt  }
0x40: {  	_ =	shalt  }
0x41: {  	_ =	shalt  }
0x42: {  	_ =	shalt  }
0x43: {  	_ =	shalt  }
0x44: {  	_ =	shalt  }
0x45: {  	_ =	shalt  }
0x46: {  	_ =	shalt  }
0x47: {  	_ =	shalt  }
0x48: {  	_ =	shalt  }
0x49: {  	_ =	shalt  }
0x4a: {  	_ =	shalt  }
0x4b: {  	_ =	shalt  }
0x4c: {  	_ =	shalt  }
0x4d: {  	_ =	shalt  }
0x4e: {  	_ =	shalt  }
0x4f: {  	_ =	shalt  }
0x50: {  	_ =	shalt  }
0x51: {  	_ =	shalt  }
0x52: {  	_ =	shalt  }
0x53: {  	_ =	shalt  }
0x54: {  	_ =	shalt  }
0x55: {  	_ =	shalt  }
0x56: {  	_ =	shalt  }
0x57: {  	_ =	shalt  }
0x58: {  	_ =	shalt  }
0x59: {  	_ =	shalt  }
0x5a: {  	_ =	shalt  }
0x5b: {  	_ =	shalt  }
0x5c: {  	_ =	shalt  }
0x5d: {  	_ =	shalt  }
0x5e: {  	_ =	shalt  }
0x5f: {  	_ =	shalt  }
0x60: {  	_ =	shalt  }
0x61: {  	_ =	shalt  }
0x62: {  	_ =	shalt  }
0x63: {  	_ =	shalt  }
0x64: {  	_ =	shalt  }
0x65: {  	_ =	shalt  }
0x66: {  	_ =	shalt  }
0x67: {  	_ =	shalt  }
0x68: {  	_ =	shalt  }
0x69: {  	_ =	shalt  }
0x6a: {  	_ =	shalt  }
0x6b: {  	_ =	shalt  }
0x6c: {  	_ =	shalt  }
0x6d: {  	_ =	shalt  }
0x6e: {  	_ =	shalt  }
0x6f: {  	_ =	shalt  }
0x70: {  	_ =	shalt  }
0x71: {  	_ =	shalt  }
0x72: {  	_ =	shalt  }
0x73: {  	_ =	shalt  }
0x74: {  	_ =	shalt  }
0x75: {  	_ =	shalt  }
0x76: {  	_ =	shalt  }
0x77: {  	_ =	shalt  }
0x78: {  	_ =	shalt  }
0x79: {  	_ =	shalt  }
0x7a: {  	_ =	shalt  }
0x7b: {  	_ =	shalt  }
0x7c: {  	_ =	shalt  }
0x7d: {  	_ =	shalt  }
0x7e: {  	_ =	shalt  }
0x7f: {  	_ =	shalt  }
0x80: {  	_ =	shalt  }
0x81: {  	_ =	shalt  }
0x82: {  	_ =	shalt  }
0x83: {  	_ =	shalt  }
0x84: {  	_ =	shalt  }
0x85: {  	_ =	shalt  }
0x86: {  	_ =	shalt  }
0x87: {  	_ =	shalt  }
.Lfunc_end0:
.L_simem_size_0:
called_computation.1_lowered:
.L_overlay_start_0:
0x88: {  	s2 =	sld [smem:$0x3FD9]  }
0x89: {  	s3 =	sld [smem:$0x3FFE];
	_ =	sdelay $0x1  }
0x8a: {  	s1 =	srdreg.scid  }
0x8b: {  	s0 =	sand.u32 $0x1, s1  }
0x8c: {  	s17 =	sshll.u32 s0, $0xA;
	s2 =	sadd.s32 s3, s2  }
0x8d: {  	s2 =	sadd.s32 s2, s17  }
0x8e: {  	[smem:$0x3FC2] =	sst s2  }
0x8f: {  	_ = 	snop  }
0x90: {  	s2 =	sld [smem:$0x3FD0];
	(tm) =	ssettm $0x1  }
0x91: {  	s18 =	sld [smem:$0x3FFB];
	_ =	sdelay $0x3  }
0x92: {  	_ =	strace s18  }
0x93: {  	s3 =	sld [smem:$0x3FFC];
	_ =	sdelay $0x3  }
0x94: {  	_ =	strace s3  }
0x95: {  	s3 =	sld [smem:$0x3FFD];
	_ =	sdelay $0x3  }
0x96: {  	_ =	strace s3  }
0x97: {  	_ =	strace $0x8FFFFFFF  }
0x98: {  	s19 =	sld [smem:$0x3FDB];
	_ =	sdelay $0x1  }
0x99: {  	s4 =	simm.s32 $_scs_section_size  }
0x9a: {  	s5 =	simm.s32 $_size__tile_overlayer_lowered;
	s6 =	simm.s32 $_tile_overlayer_lowered  }
0x9b: {  	s22 =	simm.s32 $0x1BFF;
	s21 =	sshll.u32 s6, $0x1;
	s3 =	sadd.s32 s4, s19  }
0x9c: {  	s7 =	simm.s32 $0x0;
	s20 =	sshll.u32 s5, $0x1;
	s5 =	sadd.s32 s21, s3  }
0x9d: {  	[timem:s7], [sflag:s22] =	dma.local [hbm:s5], s20  }
0x9e: {  	_ =	swait.ge [sflag:s22], s20  }
0x9f: {  	s4 =	ssub.s32 $0x0, s20;
	[sflag:s22] =	ssyncset.done $0x0  }
0xa0: {  	[sflag:s22] =	ssyncadd.s32 s4;
	_ =	sdelay $0x1  }
0xa1: {  	s23 =	simm.s32 $0x1B8B  }
0xa2: {  	_ =	swait.ge [sflag:s23], $0x1  }
0xa3: {  	[sflag:s23] =	ssyncset.done $0x0  }
0xa4: {  	s25 =	simm.s32 $0x1B8E;
	s24 =	sld [smem:$0x3FFE];
	[sflag:s23] =	ssyncadd.s32 $0xFFFFFFFF  }
0xa5: {  	s26 =	simm.s32 $execute0_lowered;
	[smem:$0x3FD2] =	sst s25  }
0xa6: {  	s5 =	sshll.u32 s26, $0x1;
	_ =	strace $0x80000049;
	[dreg:$0x1] =	wrdreg $0xFFFFFFFF  }
0xa7: {  	s28 =	simm.s32 $_size_execute0_lowered;
	s3 =	sadd.s32 s3, s5;
	[dreg:$0x0] =	wrdreg $0x0  }
0xa8: {  	s5 =	sshll.u32 s28, $0x1;
	[dreg:$0x2] =	wrdreg s3  }
0xa9: {  	[dreg:$0x3] =	wrdreg s5  }
0xaa: {  	[dreg:$0x4] =	wrdreg $0xC0  }
0xab: {  	_ =	task [dreg:s7], $0x5FFFF  }
0xac: {  	[dreg:$0x1] =	wrdreg $0xFFFFFFFF  }
0xad: {  	[dreg:$0x0] =	wrdreg $0x60  }
0xae: {  	[dreg:$0x2] =	wrdreg s2  }
0xaf: {  	[dreg:$0x3] =	wrdreg s24  }
0xb0: {  	[dreg:$0x4] =	wrdreg $0x9  }
0xb1: {  	_ =	task.clear_ibuf [dreg:s7], $0x5FFFF;
	_ =	strace $0x90000049  }
0xb2: {  	s29 =	simm.s32 $0x9;
	_ =	strace $0x8000004B  }
0xb3: {  	_ =	swait.ge [sflag:s29], $0x1  }
0xb4: {  	[sflag:s29] =	ssyncadd.s32 $0xFFFFFFFF  }
0xb5: {  	_ =	strace $0x9000004B  }
0xb6: {  	_ =	sfence  }
0xb7: {  	s30 =	sld [smem:$0x0];
	_ =	sdelay $0x2  }
0xb8: {  	s31 =	sshll.u32 s1, $0xD;
	s1 =	sshrl.u32 s1, $0x2  }
0xb9: {  	s3 =	sand.u32 $0x4000, s31;
	s1 =	sadd.s32 s1, s30  }
0xba: {  	s0 =	sor.u32 s3, s0;
	s1 =	sshll.u32 s1, $0x11  }
0xbb: {  	s0 =	sor.u32 s1, s0  }
0xbc: {  	s0 =	sadd.s32 $0x8F2B, s0  }
0xbd: {  	[sflag:s0] =	ssyncadd.remote.s32 $0x1  }
0xbe: {  	_ =	sfence.sel $0xFFFF  }
0xbf: {  	[dreg:$0x0] =	wrdreg $0xFFFFFFFF;
	(pc) =	sbr.abs _section_cstart, $3  }
0xc0: {  	[dreg:$0x1] =	wrdreg $0xFFFFFFFF  }
0xc1: {  	_ =	task.clear_ibuf [dreg:s7], $0x2FFFF;
	_ =	strace $0x9FFFFFFF  }
0xc2: {  	(tm) =	ssettm $0x7FFFFFFF  }
0xc3: {  	_ =	shalt  }
tec
execute0_lowered:
.L_overlay_start_1:
0x0: {  	(tag) =	ssettag $0x1  }
0x1: {  	s3 =	rddreg [dreg:$0x0]  }
0x2: {  	s7 =	rddreg [dreg:$0x1];
	s2 =	simm.s32 $0x0  }
0x3: {  	s0 =	srdreg.scid;
	s20 =	simm.s32 $0x40;
	[smem:$0x7FF] =	sst s2  }
0x4: {  	s21 =	simm.s32 $0x80;
	_ =	strace $0x8000004A;
	[dreg:$0x6] =	wrdreg s20  }
0x5: {  	s1 =	stileid.u32;
	s22 =	simm.s32 $0xC0;
	[dreg:$0x7] =	wrdreg s21  }
0x6: {  	s24 =	simm.s32 $0x100;
	s26 =	simm.s32 $0x140;
	[dreg:$0x8] =	wrdreg s22  }
0x7: {  	s12 =	simm.s32 $0x200;
	s14 =	simm.s32 $0x240;
	[dreg:$0x9] =	wrdreg s24  }
0x8: {  	s15 =	simm.s32 $0x280;
	s16 =	simm.s32 $0x2C0;
	[dreg:$0xa] =	wrdreg s26  }
0x9: {  	s17 =	simm.s32 $0x90;
	s28 =	simm.s32 $0x230;
	[dreg:$0xd] =	wrdreg s12  }
0xa: {  	s29 =	simm.s32 $0x270;
	s30 =	simm.s32 $0x2B0;
	[dreg:$0xe] =	wrdreg s14  }
0xb: {  	s31 =	simm.s32 $0x2F0;
	s0 =	sand.u32 $0x1, s0;
	[dreg:$0xf] =	wrdreg s15  }
0xc: {  	s10 =	sand.u32 $0x7, s1;
	s4 =	sshll.u32 s0, $0x4;
	[dreg:$0x10] =	wrdreg s16  }
0xd: {  	p1 =	sne.s32 s10, $0x0;
	s10 =	simm.s32 $0x1C0;
	[dreg:$0x11] =	wrdreg s17  }
0xe: {  	v4 =	vlaneseq.u32;
	s20 =	simm.s32 $0x150;
	s21 =	simm.s32 $0x190;
	s22 =	simm.s32 $0x1D0  }
0xf: {  	v4 =	vmul.u32 $0x10, v4;
	s0 =	ssub.s32 $0x2, s0;
	s26 =	simm.s32 $0x290;
	[dreg:$0xc] =	wrdreg s10  }
0x10: {  	vm0 =	vmmov $0xffff;
	s12 =	simm.s32 $0xE0;
	s14 =	simm.s32 $0x160;
	[dreg:$0x14] =	wrdreg s20  }
0x11: {  	s15 =	simm.s32 $0x1A0;
	s16 =	simm.s32 $0x1E0;
	v8 =	vor.u32 $0x1, v4;
	v22 =	vor.u32 $0xF, v4;
	v23 =	vor.u32 $0x100, v4;
	[dreg:$0x15] =	wrdreg s21  }
0x12: {  	s17 =	simm.s32 $0x220;
	s4 =	sor.u32 s1, s4;
	v24 =	vor.u32 $0x101, v4;
	v25 =	vor.u32 $0x102, v4;
	v26 =	vor.u32 $0x103, v4;
	[dreg:$0x16] =	wrdreg s22  }
0x13: {  	v27 =	vor.u32 $0x104, v4;
	v28 =	vor.u32 $0x105, v4;
	v29 =	vor.u32 $0x106, v4;
	s24 =	sshrl.u32 s0, $0x1;
	[dreg:$0x19] =	wrdreg s26;
	s10 =	simm.s32 $0x2  }
0x14: {  	v30 =	vor.u32 $0x107, v4;
	v31 =	vor.u32 $0x108, v4;
	v32 =	vor.u32 $0x109, v4;
	s20 =	simm.s32 $0x2E0;
	s21 =	simm.s32 $0xB0;
	s22 =	simm.s32 $0xF0  }
0x15: {  	v33 =	vor.u32 $0x10A, v4;
	v34 =	vor.u32 $0x10B, v4;
	v35 =	vor.u32 $0x10C, v4;
	s26 =	simm.s32 $0x1F0;
	s5 =	sshll.u32 s4, $0x3;
	s8 =	sshll.u32 s4, $0x7  }
0x16: {  	v36 =	vor.u32 $0x10D, v4;
	v37 =	vor.u32 $0x10E, v4;
	v38 =	vor.u32 $0x10F, v4;
	s9 =	sshrl.u32 s4, $0x3;
	p0 =	seq.s32 s4, $0x0;
	s4 =	simm.s32 $0x1  }
0x17: {  	v39 =	vor.u32 $0x200, v4;
	v40 =	vor.u32 $0x201, v4;
	v41 =	vor.u32 $0x202, v4;
	s0 =	ssub.s32 s0, s24;
	s24 =	simm.s32 $0x170;
	s6 =	sadd.s32 s5, s7  }
0x18: {  	v42 =	vor.u32 $0x203, v4;
	v43 =	vor.u32 $0x204, v4;
	[tilespmem:$0x1FF20] =	vst v8;
	v8 =	vor.u32 $0x2, v4;
	s8 =	sadd.s32 s8, s7;
	s3 =	sadd.s32 s3, s5;
	p0 =	por !p1, !p0  }
0x19: {  	v44 =	vor.u32 $0x205, v4;
	v45 =	vor.u32 $0x206, v4;
	[tilespmem:$0x1FF30] =	vst v8;
	v8 =	vor.u32 $0x3, v4;
	s5 =	sadd.s32 $0x41A00, s7;
	[dreg:$0x3] =	wrdreg s3;
	s18 =	sadd.s32 $0x41800, s6  }
0x1a: {  	v46 =	vor.u32 $0x207, v4;
	v47 =	vor.u32 $0x208, v4;
	p0 =	por !p0, !p0;
	s19 =	sadd.s32 $0x1800, s8;
	[tilespmem:$0x1FF40] =	vst v8;
	v8 =	vor.u32 $0x4, v4;
	s3 =	sadd.s32 $0x121A00, s7  }
0x1b: {  	v48 =	vor.u32 $0x209, v4;
	v49 =	vor.u32 $0x20A, v4;
	s6 =	sadd.s32 $0xA1A00, s7;
	s8 =	simm.s32 $0x1;
	[dreg:$0x4] =	wrdreg s18;
	[tilespmem:$0x1FF50] =	vst v8;
	v8 =	vor.u32 $0x5, v4  }
0x1c: {  	v50 =	vor.u32 $0x20B, v4;
	v51 =	vor.u32 $0x20C, v4;
	[dreg:$0x5] =	wrdreg s19;
	s4 =	simm.s32 @!p0 $0x0;
	s18 =	simm.s32 $0xD0;
	[tilespmem:$0x1FF60] =	vst v8;
	v8 =	vor.u32 $0x6, v4  }
0x1d: {  	v52 =	vor.u32 $0x20D, v4;
	v53 =	vor.u32 $0x20E, v4;
	s19 =	simm.s32 $0x110;
	s4 =	ssub.s32 s9, s4;
	[dreg:$0x12] =	wrdreg s18;
	[tilespmem:$0x1FF70] =	vst v8;
	v8 =	vor.u32 $0x7, v4  }
0x1e: {  	v54 =	vor.u32 $0x20F, v4;
	v56 =	vor.u32 $0x301, v4;
	s9 =	simm.s32 $0x180;
	[dreg:$0x13] =	wrdreg s19;
	s18 =	simm.s32 $0x260;
	[tilespmem:$0x1FF80] =	vst v8;
	v8 =	vor.u32 $0x8, v4  }
0x1f: {  	v7 =	vimm.f32 $0.0e+00;
	v57 =	vor.u32 $0x302, v4;
	s19 =	simm.s32 $0x2A0;
	s23 =	sshll.u32 s4, $0x13;
	s1 =	smul.u32 $0xC0000, s4;
	[tilespmem:$0x1FF90] =	vst v8;
	v8 =	vor.u32 $0x9, v4  }
0x20: {  	v58 =	vor.u32 $0x303, v4;
	v59 =	vor.u32 $0x304, v4;
	s4 =	sshll.u32 s4, $0x12;
	[dreg:$0xb] =	wrdreg s9;
	s9 =	smax.u32 s0, $0x1;
	[tilespmem:$0x1FFA0] =	vst v8;
	v8 =	vor.u32 $0xA, v4  }
0x21: {  	v55 =	vor.u32 $0x300, v4;
	s0 =	simm.s32 $0x300;
	s25 =	sor.u32 $0x40000, s23;
	v2 =	vmov s4;
	s4 =	sadd.s32 $0x161A00, s7;
	[tilespmem:$0x1FFB0] =	vst v8;
	v8 =	vor.u32 $0xB, v4  }
0x22: {  	v60 =	vor.u32 $0x305, v4;
	v0 =	vmov s23;
	s7 =	sadd.s32 $0xE1A00, s7;
	s23 =	simm.s32 $0x210;
	s11 =	sadd.s32 $0x40000, s1;
	[tilespmem:$0x1FFC0] =	vst v8;
	v8 =	vor.u32 $0xC, v4  }
0x23: {  	v61 =	vor.u32 $0x306, v4;
	v1 =	vmov s25;
	s13 =	sadd.s32 $0x80000, s1;
	[dreg:$0x17] =	wrdreg s23;
	s25 =	simm.s32 $0x250;
	[tilespmem:$0x1FFD0] =	vst v8;
	v8 =	vor.u32 $0xD, v4  }
0x24: {  	v62 =	vor.u32 $0x307, v4;
	s23 =	simm.s32 $0x130;
	v5 =	vmov s11;
	[dreg:$0x18] =	wrdreg s25;
	s11 =	simm.s32 $0x2D0;
	[tilespmem:$0x1FFE0] =	vst v8;
	v8 =	vor.u32 $0xE, v4  }
0x25: {  	v63 =	vor.u32 $0x308, v4;
	v3 =	vmov s1;
	v6 =	vmov s13;
	s13 =	simm.s32 $0x120;
	s25 =	simm.s32 $0x1B0;
	[dreg:$0x1a] =	wrdreg s11;
	[tilespmem:$0x1FFF0] =	vst v8  }
.LBB2_1:
0x26: {  	s1 =	rddreg [dreg:$0x3]  }
0x27: {  	[tilespmem:s2], [sflag:$0x2] =	stream.linear.gather [hbm4b:s1+s2], $0x40, $0x38;
	[tilespmem:$0x700] =	vst v63  }
0x28: {  	_ =	swait.ge [sflag:s10], $0x40  }
0x29: {  	s1 =	rddreg [dreg:$0x4];
	[sflag:s10] =	ssyncset.done $0x0  }
0x2a: {  	s11 =	rddreg [dreg:$0x6];
	[sflag:s10] =	ssyncadd.s32 $0xFFFFFFC0  }
0x2b: {  	[tilespmem:s11], [sflag:$0x2] =	stream.linear.gather [hbm4b:s1+s2], $0x40, $0x38;
	[tilespmem:$0x700] =	vst v63  }
0x2c: {  	_ =	swait.ge [sflag:s10], $0x40  }
0x2d: {  	[sflag:s10] =	ssyncset.done $0x0  }
0x2e: {  	[sflag:s10] =	ssyncadd.s32 $0xFFFFFFC0  }
0x2f: {  	v8 =	vld [tilespmem:$0x40];
	_ =	sdelay $0x4  }
0x30: {  	v9 =	vshrl.u32 v8, $0x2  }
0x31: {  	v10 =	vshll.u32 v8, $0x9;
	v8 =	vand.u32 $0x7F, v8;
	v9 =	vand.u32 $0xFF80, v9  }
0x32: {  	v10 =	vand.u32 $0x30000, v10;
	v8 =	vor.u32 v8, v9  }
0x33: {  	v8 =	vor.u32 v10, v8  }
0x34: {  	v19 =	vor.u32 v0, v8;
	_ =	sdelay $0x1  }
0x35: {  	v10 =	vor.u32 v1, v8;
	_ =	sdelay $0x1  }
0x36: {  	s1 =	rddreg [dreg:$0x7];
	v11 =	vor.u32 v2, v8  }
0x37: {  	[tilespmem:s1], [sflag:$0x1] =	stream.indirect_vreg.gather [hbm4b:s3+s2], $0x1, v19, vm0, $0xb8;
	[tilespmem:$0x700] =	vst v63  }
0x38: {  	s11 =	rddreg [dreg:$0x8];
	v12 =	vor.u32 v3, v8  }
0x39: {  	[tilespmem:s11], [sflag:$0x1] =	stream.indirect_vreg.gather [hbm4b:s3+s2], $0x1, v10, vm0, $0xb8;
	[tilespmem:$0x700] =	vst v63  }
0x3a: {  	v13 =	vor.u32 v5, v8;
	s1 =	rddreg [dreg:$0x9]  }
0x3b: {  	[tilespmem:s1], [sflag:$0x1] =	stream.indirect_vreg.gather [hbm4b:s4+s2], $0x1, v11, vm0, $0xb8;
	[tilespmem:$0x700] =	vst v63  }
0x3c: {  	v8 =	vor.u32 v6, v8;
	s11 =	rddreg [dreg:$0xa]  }
0x3d: {  	[tilespmem:s11], [sflag:$0x1] =	stream.indirect_vreg.gather [hbm4b:s5+s2], $0x1, v12, vm0, $0xb8;
	[tilespmem:$0x700] =	vst v63  }
0x3e: {  	s1 =	rddreg [dreg:$0xb]  }
0x3f: {  	[tilespmem:s1], [sflag:$0x1] =	stream.indirect_vreg.gather [hbm4b:s5+s2], $0x1, v13, vm0, $0xb8;
	[tilespmem:$0x700] =	vst v63  }
0x40: {  	s11 =	rddreg [dreg:$0xc]  }
0x41: {  	[tilespmem:s11], [sflag:$0x1] =	stream.indirect_vreg.gather [hbm4b:s5+s2], $0x1, v8, vm0, $0xb8;
	[tilespmem:$0x700] =	vst v63  }
0x42: {  	s1 =	rddreg [dreg:$0xd]  }
0x43: {  	[tilespmem:s1], [sflag:$0x1] =	stream.indirect_vreg.gather [hbm4b:s6+s2], $0x1, v19, vm0, $0xb8;
	[tilespmem:$0x700] =	vst v63  }
0x44: {  	s11 =	rddreg [dreg:$0xe]  }
0x45: {  	[tilespmem:s11], [sflag:$0x1] =	stream.indirect_vreg.gather [hbm4b:s6+s2], $0x1, v10, vm0, $0xb8;
	[tilespmem:$0x700] =	vst v63  }
0x46: {  	s1 =	rddreg [dreg:$0xf]  }
0x47: {  	[tilespmem:s1], [sflag:$0x1] =	stream.indirect_vreg.gather [hbm4b:s7+s2], $0x1, v19, vm0, $0xb8;
	[tilespmem:$0x700] =	vst v63  }
0x48: {  	s11 =	rddreg [dreg:$0x10]  }
0x49: {  	[tilespmem:s11], [sflag:$0x1] =	stream.indirect_vreg.gather [hbm4b:s7+s2], $0x1, v10, vm0, $0xb8;
	[tilespmem:$0x700] =	vst v63  }
0x4a: {  	v8 =	vld [tilespmem:$0x50];
	_ =	sdelay $0x4  }
0x4b: {  	v14 =	vshrl.u32 v8, $0x2  }
0x4c: {  	v15 =	vshll.u32 v8, $0x9;
	v8 =	vand.u32 $0x7F, v8;
	v9 =	vand.u32 $0xFF80, v14  }
0x4d: {  	v10 =	vand.u32 $0x30000, v15;
	v8 =	vor.u32 v8, v9  }
0x4e: {  	v8 =	vor.u32 v10, v8  }
0x4f: {  	v16 =	vor.u32 v0, v8;
	_ =	sdelay $0x1  }
0x50: {  	v10 =	vor.u32 v1, v8;
	_ =	sdelay $0x1  }
0x51: {  	s1 =	rddreg [dreg:$0x11];
	v17 =	vor.u32 v2, v8  }
0x52: {  	[tilespmem:s1], [sflag:$0x1] =	stream.indirect_vreg.gather [hbm4b:s3+s2], $0x1, v16, vm0, $0xb8;
	[tilespmem:$0x700] =	vst v63  }
0x53: {  	s11 =	rddreg [dreg:$0x12];
	v18 =	vor.u32 v3, v8  }
0x54: {  	[tilespmem:s11], [sflag:$0x1] =	stream.indirect_vreg.gather [hbm4b:s3+s2], $0x1, v10, vm0, $0xb8;
	[tilespmem:$0x700] =	vst v63  }
0x55: {  	v19 =	vor.u32 v5, v8;
	s1 =	rddreg [dreg:$0x13]  }
0x56: {  	[tilespmem:s1], [sflag:$0x1] =	stream.indirect_vreg.gather [hbm4b:s4+s2], $0x1, v17, vm0, $0xb8;
	[tilespmem:$0x700] =	vst v63  }
0x57: {  	v8 =	vor.u32 v6, v8;
	s11 =	rddreg [dreg:$0x14]  }
0x58: {  	[tilespmem:s11], [sflag:$0x1] =	stream.indirect_vreg.gather [hbm4b:s5+s2], $0x1, v18, vm0, $0xb8;
	[tilespmem:$0x700] =	vst v63  }
0x59: {  	s1 =	rddreg [dreg:$0x15]  }
0x5a: {  	[tilespmem:s1], [sflag:$0x1] =	stream.indirect_vreg.gather [hbm4b:s5+s2], $0x1, v19, vm0, $0xb8;
	[tilespmem:$0x700] =	vst v63  }
0x5b: {  	s11 =	rddreg [dreg:$0x16]  }
0x5c: {  	[tilespmem:s11], [sflag:$0x1] =	stream.indirect_vreg.gather [hbm4b:s5+s2], $0x1, v8, vm0, $0xb8;
	[tilespmem:$0x700] =	vst v63  }
0x5d: {  	s1 =	rddreg [dreg:$0x17]  }
0x5e: {  	[tilespmem:s1], [sflag:$0x1] =	stream.indirect_vreg.gather [hbm4b:s6+s2], $0x1, v16, vm0, $0xb8;
	[tilespmem:$0x700] =	vst v63  }
0x5f: {  	s11 =	rddreg [dreg:$0x18]  }
0x60: {  	[tilespmem:s11], [sflag:$0x1] =	stream.indirect_vreg.gather [hbm4b:s6+s2], $0x1, v10, vm0, $0xb8;
	[tilespmem:$0x700] =	vst v63  }
0x61: {  	s1 =	rddreg [dreg:$0x19]  }
0x62: {  	[tilespmem:s1], [sflag:$0x1] =	stream.indirect_vreg.gather [hbm4b:s7+s2], $0x1, v16, vm0, $0xb8;
	[tilespmem:$0x700] =	vst v63  }
0x63: {  	s11 =	rddreg [dreg:$0x1a]  }
0x64: {  	[tilespmem:s11], [sflag:$0x1] =	stream.indirect_vreg.gather [hbm4b:s7+s2], $0x1, v10, vm0, $0xb8;
	[tilespmem:$0x700] =	vst v63  }
0x65: {  	v8 =	vld [tilespmem:$0x60];
	_ =	sdelay $0x4  }
0x66: {  	v14 =	vshrl.u32 v8, $0x2  }
0x67: {  	v15 =	vshll.u32 v8, $0x9;
	v8 =	vand.u32 $0x7F, v8;
	v9 =	vand.u32 $0xFF80, v14  }
0x68: {  	v10 =	vand.u32 $0x30000, v15;
	v8 =	vor.u32 v8, v9  }
0x69: {  	v8 =	vor.u32 v10, v8  }
0x6a: {  	v16 =	vor.u32 v0, v8;
	_ =	sdelay $0x1  }
0x6b: {  	v10 =	vor.u32 v1, v8;
	_ =	sdelay $0x1  }
0x6c: {  	s11 =	simm.s32 $0xA0;
	v17 =	vor.u32 v2, v8  }
0x6d: {  	[tilespmem:s11], [sflag:$0x1] =	stream.indirect_vreg.gather [hbm4b:s3+s2], $0x1, v16, vm0, $0xb8;
	[tilespmem:$0x700] =	vst v63  }
0x6e: {  	v18 =	vor.u32 v3, v8  }
0x6f: {  	[tilespmem:s12], [sflag:$0x1] =	stream.indirect_vreg.gather [hbm4b:s3+s2], $0x1, v10, vm0, $0xb8;
	[tilespmem:$0x700] =	vst v63  }
0x70: {  	v19 =	vor.u32 v5, v8  }
0x71: {  	[tilespmem:s13], [sflag:$0x1] =	stream.indirect_vreg.gather [hbm4b:s4+s2], $0x1, v17, vm0, $0xb8;
	[tilespmem:$0x700] =	vst v63  }
0x72: {  	v8 =	vor.u32 v6, v8  }
0x73: {  	[tilespmem:s14], [sflag:$0x1] =	stream.indirect_vreg.gather [hbm4b:s5+s2], $0x1, v18, vm0, $0xb8;
	[tilespmem:$0x700] =	vst v63  }
0x74: {  	_ = 	snop  }
0x75: {  	[tilespmem:s15], [sflag:$0x1] =	stream.indirect_vreg.gather [hbm4b:s5+s2], $0x1, v19, vm0, $0xb8;
	[tilespmem:$0x700] =	vst v63  }
0x76: {  	_ = 	snop  }
0x77: {  	[tilespmem:s16], [sflag:$0x1] =	stream.indirect_vreg.gather [hbm4b:s5+s2], $0x1, v8, vm0, $0xb8;
	[tilespmem:$0x700] =	vst v63  }
0x78: {  	_ = 	snop  }
0x79: {  	[tilespmem:s17], [sflag:$0x1] =	stream.indirect_vreg.gather [hbm4b:s6+s2], $0x1, v16, vm0, $0xb8;
	[tilespmem:$0x700] =	vst v63  }
0x7a: {  	_ = 	snop  }
0x7b: {  	[tilespmem:s18], [sflag:$0x1] =	stream.indirect_vreg.gather [hbm4b:s6+s2], $0x1, v10, vm0, $0xb8;
	[tilespmem:$0x700] =	vst v63  }
0x7c: {  	_ = 	snop  }
0x7d: {  	[tilespmem:s19], [sflag:$0x1] =	stream.indirect_vreg.gather [hbm4b:s7+s2], $0x1, v16, vm0, $0xb8;
	[tilespmem:$0x700] =	vst v63  }
0x7e: {  	_ = 	snop  }
0x7f: {  	[tilespmem:s20], [sflag:$0x1] =	stream.indirect_vreg.gather [hbm4b:s7+s2], $0x1, v10, vm0, $0xb8;
	[tilespmem:$0x700] =	vst v63  }
0x80: {  	v8 =	vld [tilespmem:$0x70];
	_ =	sdelay $0x4  }
0x81: {  	v15 =	vshrl.u32 v8, $0x2  }
0x82: {  	v16 =	vshll.u32 v8, $0x9;
	v8 =	vand.u32 $0x7F, v8;
	v9 =	vand.u32 $0xFF80, v15  }
0x83: {  	v10 =	vand.u32 $0x30000, v16;
	v8 =	vor.u32 v8, v9  }
0x84: {  	v8 =	vor.u32 v10, v8  }
0x85: {  	v17 =	vor.u32 v0, v8;
	_ =	sdelay $0x1  }
0x86: {  	v10 =	vor.u32 v1, v8;
	_ =	sdelay $0x1  }
0x87: {  	v18 =	vor.u32 v2, v8  }
0x88: {  	[tilespmem:s21], [sflag:$0x1] =	stream.indirect_vreg.gather [hbm4b:s3+s2], $0x1, v17, vm0, $0xb8;
	[tilespmem:$0x700] =	vst v63  }
0x89: {  	v19 =	vor.u32 v3, v8  }
0x8a: {  	[tilespmem:s22], [sflag:$0x1] =	stream.indirect_vreg.gather [hbm4b:s3+s2], $0x1, v10, vm0, $0xb8;
	[tilespmem:$0x700] =	vst v63  }
0x8b: {  	v16 =	vor.u32 v5, v8  }
0x8c: {  	[tilespmem:s23], [sflag:$0x1] =	stream.indirect_vreg.gather [hbm4b:s4+s2], $0x1, v18, vm0, $0xb8;
	[tilespmem:$0x700] =	vst v63  }
0x8d: {  	v8 =	vor.u32 v6, v8  }
0x8e: {  	[tilespmem:s24], [sflag:$0x1] =	stream.indirect_vreg.gather [hbm4b:s5+s2], $0x1, v19, vm0, $0xb8;
	[tilespmem:$0x700] =	vst v63  }
0x8f: {  	_ = 	snop  }
0x90: {  	[tilespmem:s25], [sflag:$0x1] =	stream.indirect_vreg.gather [hbm4b:s5+s2], $0x1, v16, vm0, $0xb8;
	[tilespmem:$0x700] =	vst v63  }
0x91: {  	_ = 	snop  }
0x92: {  	[tilespmem:s26], [sflag:$0x1] =	stream.indirect_vreg.gather [hbm4b:s5+s2], $0x1, v8, vm0, $0xb8;
	[tilespmem:$0x700] =	vst v63  }
0x93: {  	_ = 	snop  }
0x94: {  	[tilespmem:s28], [sflag:$0x1] =	stream.indirect_vreg.gather [hbm4b:s6+s2], $0x1, v17, vm0, $0xb8;
	[tilespmem:$0x700] =	vst v63  }
0x95: {  	_ = 	snop  }
0x96: {  	[tilespmem:s29], [sflag:$0x1] =	stream.indirect_vreg.gather [hbm4b:s6+s2], $0x1, v10, vm0, $0xb8;
	[tilespmem:$0x700] =	vst v63  }
0x97: {  	_ = 	snop  }
0x98: {  	[tilespmem:s30], [sflag:$0x1] =	stream.indirect_vreg.gather [hbm4b:s7+s2], $0x1, v17, vm0, $0xb8;
	[tilespmem:$0x700] =	vst v63  }
0x99: {  	_ = 	snop  }
0x9a: {  	[tilespmem:s31], [sflag:$0x1] =	stream.indirect_vreg.gather [hbm4b:s7+s2], $0x1, v10, vm0, $0xb8;
	[tilespmem:$0x700] =	vst v63  }
0x9b: {  	_ =	swait.ge [sflag:s8], $0x10  }
0x9c: {  	[sflag:s8] =	ssyncset.done $0x0  }
0x9d: {  	[sflag:s8] =	ssyncadd.s32 $0xFFFFFFF0  }
0x9e: {  	_ =	swait.ge [sflag:s8], $0x10  }
0x9f: {  	[sflag:s8] =	ssyncset.done $0x0  }
0xa0: {  	[sflag:s8] =	ssyncadd.s32 $0xFFFFFFF0  }
0xa1: {  	_ =	swait.ge [sflag:s8], $0x10  }
0xa2: {  	[sflag:s8] =	ssyncset.done $0x0  }
0xa3: {  	[sflag:s8] =	ssyncadd.s32 $0xFFFFFFF0  }
0xa4: {  	_ =	swait.ge [sflag:s8], $0x10  }
0xa5: {  	[sflag:s8] =	ssyncset.done $0x0  }
0xa6: {  	[sflag:s8] =	ssyncadd.s32 $0xFFFFFFF0  }
0xa7: {  	_ =	swait.ge [sflag:s8], $0x10  }
0xa8: {  	[sflag:s8] =	ssyncset.done $0x0  }
0xa9: {  	[sflag:s8] =	ssyncadd.s32 $0xFFFFFFF0  }
0xaa: {  	_ =	swait.ge [sflag:s8], $0x10  }
0xab: {  	[sflag:s8] =	ssyncset.done $0x0  }
0xac: {  	[sflag:s8] =	ssyncadd.s32 $0xFFFFFFF0  }
0xad: {  	_ =	swait.ge [sflag:s8], $0x10  }
0xae: {  	[sflag:s8] =	ssyncset.done $0x0  }
0xaf: {  	[sflag:s8] =	ssyncadd.s32 $0xFFFFFFF0  }
0xb0: {  	_ =	swait.ge [sflag:s8], $0x10  }
0xb1: {  	[sflag:s8] =	ssyncset.done $0x0  }
0xb2: {  	[sflag:s8] =	ssyncadd.s32 $0xFFFFFFF0  }
0xb3: {  	_ =	swait.ge [sflag:s8], $0x10  }
0xb4: {  	[sflag:s8] =	ssyncset.done $0x0  }
0xb5: {  	[sflag:s8] =	ssyncadd.s32 $0xFFFFFFF0  }
0xb6: {  	_ =	swait.ge [sflag:s8], $0x10  }
0xb7: {  	[sflag:s8] =	ssyncset.done $0x0  }
0xb8: {  	[sflag:s8] =	ssyncadd.s32 $0xFFFFFFF0  }
0xb9: {  	_ =	swait.ge [sflag:s8], $0x10  }
0xba: {  	[sflag:s8] =	ssyncset.done $0x0  }
0xbb: {  	[sflag:s8] =	ssyncadd.s32 $0xFFFFFFF0  }
0xbc: {  	_ =	swait.ge [sflag:s8], $0x10  }
0xbd: {  	[sflag:s8] =	ssyncset.done $0x0  }
0xbe: {  	[sflag:s8] =	ssyncadd.s32 $0xFFFFFFF0  }
0xbf: {  	_ =	swait.ge [sflag:s8], $0x10  }
0xc0: {  	[sflag:s8] =	ssyncset.done $0x0  }
0xc1: {  	[sflag:s8] =	ssyncadd.s32 $0xFFFFFFF0  }
0xc2: {  	_ =	swait.ge [sflag:s8], $0x10  }
0xc3: {  	[sflag:s8] =	ssyncset.done $0x0  }
0xc4: {  	[sflag:s8] =	ssyncadd.s32 $0xFFFFFFF0  }
0xc5: {  	_ =	swait.ge [sflag:s8], $0x10  }
0xc6: {  	[sflag:s8] =	ssyncset.done $0x0  }
0xc7: {  	[sflag:s8] =	ssyncadd.s32 $0xFFFFFFF0  }
0xc8: {  	_ =	swait.ge [sflag:s8], $0x10  }
0xc9: {  	[sflag:s8] =	ssyncset.done $0x0  }
0xca: {  	[sflag:s8] =	ssyncadd.s32 $0xFFFFFFF0  }
0xcb: {  	_ =	swait.ge [sflag:s8], $0x10  }
0xcc: {  	[sflag:s8] =	ssyncset.done $0x0  }
0xcd: {  	[sflag:s8] =	ssyncadd.s32 $0xFFFFFFF0  }
0xce: {  	_ =	swait.ge [sflag:s8], $0x10  }
0xcf: {  	[sflag:s8] =	ssyncset.done $0x0  }
0xd0: {  	[sflag:s8] =	ssyncadd.s32 $0xFFFFFFF0  }
0xd1: {  	_ =	swait.ge [sflag:s8], $0x10  }
0xd2: {  	[sflag:s8] =	ssyncset.done $0x0  }
0xd3: {  	[sflag:s8] =	ssyncadd.s32 $0xFFFFFFF0  }
0xd4: {  	_ =	swait.ge [sflag:s8], $0x10  }
0xd5: {  	[sflag:s8] =	ssyncset.done $0x0  }
0xd6: {  	[sflag:s8] =	ssyncadd.s32 $0xFFFFFFF0  }
0xd7: {  	_ =	swait.ge [sflag:s8], $0x10  }
0xd8: {  	[sflag:s8] =	ssyncset.done $0x0  }
0xd9: {  	[sflag:s8] =	ssyncadd.s32 $0xFFFFFFF0  }
0xda: {  	_ =	swait.ge [sflag:s8], $0x10  }
0xdb: {  	[sflag:s8] =	ssyncset.done $0x0  }
0xdc: {  	[sflag:s8] =	ssyncadd.s32 $0xFFFFFFF0  }
0xdd: {  	_ =	swait.ge [sflag:s8], $0x10  }
0xde: {  	[sflag:s8] =	ssyncset.done $0x0  }
0xdf: {  	[sflag:s8] =	ssyncadd.s32 $0xFFFFFFF0  }
0xe0: {  	_ =	swait.ge [sflag:s8], $0x10  }
0xe1: {  	[sflag:s8] =	ssyncset.done $0x0  }
0xe2: {  	[sflag:s8] =	ssyncadd.s32 $0xFFFFFFF0  }
0xe3: {  	_ =	swait.ge [sflag:s8], $0x10  }
0xe4: {  	[sflag:s8] =	ssyncset.done $0x0  }
0xe5: {  	[sflag:s8] =	ssyncadd.s32 $0xFFFFFFF0  }
0xe6: {  	_ =	swait.ge [sflag:s8], $0x10  }
0xe7: {  	[sflag:s8] =	ssyncset.done $0x0  }
0xe8: {  	[sflag:s8] =	ssyncadd.s32 $0xFFFFFFF0  }
0xe9: {  	_ =	swait.ge [sflag:s8], $0x10  }
0xea: {  	[sflag:s8] =	ssyncset.done $0x0  }
0xeb: {  	[sflag:s8] =	ssyncadd.s32 $0xFFFFFFF0  }
0xec: {  	_ =	swait.ge [sflag:s8], $0x10  }
0xed: {  	[sflag:s8] =	ssyncset.done $0x0  }
0xee: {  	[sflag:s8] =	ssyncadd.s32 $0xFFFFFFF0  }
0xef: {  	_ =	swait.ge [sflag:s8], $0x10  }
0xf0: {  	[sflag:s8] =	ssyncset.done $0x0  }
0xf1: {  	[sflag:s8] =	ssyncadd.s32 $0xFFFFFFF0  }
0xf2: {  	_ =	swait.ge [sflag:s8], $0x10  }
0xf3: {  	[sflag:s8] =	ssyncset.done $0x0  }
0xf4: {  	[sflag:s8] =	ssyncadd.s32 $0xFFFFFFF0  }
0xf5: {  	_ =	swait.ge [sflag:s8], $0x10  }
0xf6: {  	[sflag:s8] =	ssyncset.done $0x0  }
0xf7: {  	[sflag:s8] =	ssyncadd.s32 $0xFFFFFFF0  }
0xf8: {  	_ =	swait.ge [sflag:s8], $0x10  }
0xf9: {  	[sflag:s8] =	ssyncset.done $0x0  }
0xfa: {  	[sflag:s8] =	ssyncadd.s32 $0xFFFFFFF0  }
0xfb: {  	_ =	swait.ge [sflag:s8], $0x10  }
0xfc: {  	[sflag:s8] =	ssyncset.done $0x0  }
0xfd: {  	[sflag:s8] =	ssyncadd.s32 $0xFFFFFFF0  }
0xfe: {  	_ =	swait.ge [sflag:s8], $0x10  }
0xff: {  	[sflag:s8] =	ssyncset.done $0x0  }
0x100: {  	[sflag:s8] =	ssyncadd.s32 $0xFFFFFFF0  }
0x101: {  	_ =	swait.ge [sflag:s8], $0x10  }
0x102: {  	[sflag:s8] =	ssyncset.done $0x0  }
0x103: {  	[sflag:s8] =	ssyncadd.s32 $0xFFFFFFF0  }
0x104: {  	_ =	swait.ge [sflag:s8], $0x10  }
0x105: {  	[sflag:s8] =	ssyncset.done $0x0  }
0x106: {  	[sflag:s8] =	ssyncadd.s32 $0xFFFFFFF0  }
0x107: {  	_ =	swait.ge [sflag:s8], $0x10  }
0x108: {  	[sflag:s8] =	ssyncset.done $0x0  }
0x109: {  	[sflag:s8] =	ssyncadd.s32 $0xFFFFFFF0  }
0x10a: {  	_ =	swait.ge [sflag:s8], $0x10  }
0x10b: {  	[sflag:s8] =	ssyncset.done $0x0  }
0x10c: {  	[sflag:s8] =	ssyncadd.s32 $0xFFFFFFF0  }
0x10d: {  	_ =	swait.ge [sflag:s8], $0x10  }
0x10e: {  	[sflag:s8] =	ssyncset.done $0x0  }
0x10f: {  	[sflag:s8] =	ssyncadd.s32 $0xFFFFFFF0  }
0x110: {  	_ =	swait.ge [sflag:s8], $0x10  }
0x111: {  	[sflag:s8] =	ssyncset.done $0x0  }
0x112: {  	[sflag:s8] =	ssyncadd.s32 $0xFFFFFFF0  }
0x113: {  	v8 =	vld [tilespmem:$0x140]  }
0x114: {  	v17 =	vld [tilespmem:$0x180]  }
0x115: {  	v18 =	vld [tilespmem:$0x1C0]  }
0x116: {  	v11 =	vld [tilespmem:$0x200]  }
0x117: {  	v12 =	vld [tilespmem:$0x240];
	_ =	sdelay $0x1  }
0x118: {  	v8 =	vmul.f32 $1.442695020e+00, v8;
	_ =	sdelay $0x1  }
0x119: {  	(erf) = vpow2.f32 v8;
	v8 =	vmul.f32 $1.442695020e+00, v17  }
0x11a: {  	v19 =	vmul.f32 $1.442695020e+00, v18;
	v10 =	vand.u32 $0x7FFFFFFF, v11;
	v13 =	vand.u32 $0x7FFFFFFF, v12  }
0x11b: {  	(erf) = vpow2.f32 v8;
	v8 =	vmax.f32 v10, v13  }
0x11c: {  	(erf) = vpow2.f32 v19;
	v8 =	vmax.f32 v8, $1.000000000e-30  }
0x11d: {  	(erf) = vrcp.f32 v8;
	_ =	sdelay $0x5  }
0x11e: {  	v8 =	vpop (erf)  }
0x11f: {  	v9 =	vpop (erf)  }
0x120: {  	v14 =	vpop (erf)  }
0x121: {  	v15 =	vmin.f32 v10, v13;
	v16 =	vpop (erf)  }
0x122: {  	v15 =	vmul.f32 v16, v15;
	_ =	sdelay $0x1  }
0x123: {  	v16 =	vmul.f32 v15, v15;
	_ =	sdelay $0x1  }
0x124: {  	v17 =	vmul.f32 $1.877352130e-03, v16;
	_ =	sdelay $0x1  }
0x125: {  	v17 =	vsub.f32 $1.125677210e-02, v17;
	_ =	sdelay $0x1  }
0x126: {  	v17 =	vmul.f32 v17, v16;
	_ =	sdelay $0x1  }
0x127: {  	v17 =	vadd.f32 $-3.174908090e-02, v17;
	_ =	sdelay $0x1  }
0x128: {  	v17 =	vmul.f32 v17, v16;
	_ =	sdelay $0x1  }
0x129: {  	v17 =	vadd.f32 $5.845650660e-02, v17;
	_ =	sdelay $0x1  }
0x12a: {  	v17 =	vmul.f32 v17, v16;
	_ =	sdelay $0x1  }
0x12b: {  	v17 =	vadd.f32 $-8.427561070e-02, v17;
	_ =	sdelay $0x1  }
0x12c: {  	v17 =	vmul.f32 v17, v16;
	_ =	sdelay $0x1  }
0x12d: {  	v17 =	vadd.f32 $1.095834150e-01, v17;
	_ =	sdelay $0x1  }
0x12e: {  	v17 =	vmul.f32 v17, v16;
	_ =	sdelay $0x1  }
0x12f: {  	v17 =	vadd.f32 $-1.426488910e-01, v17;
	_ =	sdelay $0x1  }
0x130: {  	v17 =	vmul.f32 v17, v16;
	_ =	sdelay $0x1  }
0x131: {  	v17 =	vadd.f32 $1.999853250e-01, v17;
	_ =	sdelay $0x1  }
0x132: {  	v17 =	vmul.f32 v17, v16  }
0x133: {  	v18 =	vld [tilespmem:$0x40]  }
0x134: {  	v17 =	vadd.f32 $-3.333329260e-01, v17;
	_ =	sdelay $0x1  }
0x135: {  	v16 =	vmul.f32 v17, v16  }
0x136: {  	v17 =	vld [tilespmem:$0xC0]  }
0x137: {  	v20 =	vshrl.u32 v18, $0x9;
	v16 =	vadd.f32 $1.000000000e+00, v16  }
0x138: {  	v20 =	vand.u32 $0x1FF, v20  }
0x139: {  	v20 =	vcvt.s32.f32 v20;
	v15 =	vmul.f32 v16, v15;
	_ =	sdelay $0x1  }
0x13a: {  	v19 =	vld [tilespmem:$0x80];
	v17 =	vadd.f32 v20, v17;
	v20 =	vsub.f32 $1.570796370e+00, v15  }
0x13b: {  	vm1 =	vgt.f32 v10, v13  }
0x13c: {  	v21 =	vand.u32 $0x1FF, v18;
	v15 =	vsel vm1, v20, v15;
	vm1 =	vlt.f32 v12, $0.0e+00;
	v12 =	vld [tilespmem:$0x1FF20]  }
0x13d: {  	v21 =	vcvt.s32.f32 v21;
	_ =	sdelay $0x1  }
0x13e: {  	v19 =	vadd.f32 v21, v19  }
0x13f: {  	v10 =	vld [tilespmem:$0x280]  }
0x140: {  	v21 =	vld [tilespmem:$0x100];
	v13 =	vmul.f32 $4.000000000e+00, v19  }
0x141: {  	v19 =	vld [tilespmem:$0x2C0];
	v17 =	vmul.f32 $4.000000000e+00, v17;
	v20 =	vsub.f32 $3.141592740e+00, v15  }
0x142: {  	v16 =	vld [tilespmem:$0x0];
	[tilespmem:v4+s0+$0x0] =	vst.idx.msk $0xffff, v13  }
0x143: {  	[tilespmem:v12+s0+$0x0] =	vst.idx.msk $0xffff, v17;
	v12 =	vsel vm1, v20, v15;
	v15 =	vld [tilespmem:$0x1FF30]  }
0x144: {  	v20 =	vld [tilespmem:$0x1FF40];
	_ =	sdelay $0x6  }
0x145: {  	[tilespmem:v15+s0+$0x0] =	vst.idx.msk $0xffff, v21  }
0x146: {  	[tilespmem:v20+s0+$0x0] =	vst.idx.msk $0xffff, v8;
	v8 =	vld [tilespmem:$0x1FF50];
	_ =	sdelay $0x5  }
0x147: {  	v15 =	vsub.f32 $0.0e+00, v12  }
0x148: {  	vm3 =	vlt.f32 v11, $0.0e+00  }
0x149: {  	[tilespmem:v8+s0+$0x0] =	vst.idx.msk $0xffff, v9;
	v8 =	vsel vm3, v15, v12;
	v12 =	vld [tilespmem:$0x1FF60];
	_ =	sdelay $0x1  }
0x14a: {  	vm2 =	vgt.f32 v13, $0.0e+00;
	vm1 =	vgt.f32 v16, $1.000000010e-01  }
0x14b: {  	vm1 =	vmand vm1, vm2;
	vm2 =	vlt.f32 v13, $2.048000000e+03;
	v13 =	vld [tilespmem:$0x1FF70];
	_ =	sdelay $0x2  }
0x14c: {  	vm1 =	vmand vm2, vm1;
	vm2 =	vgt.f32 v17, $0.0e+00  }
0x14d: {  	vm1 =	vmand vm2, vm1;
	vm2 =	vlt.f32 v17, $2.048000000e+03  }
0x14e: {  	vm1 =	vmand vm2, vm1;
	[tilespmem:v12+s0+$0x0] =	vst.idx.msk $0xffff, v14;
	v14 =	vld [tilespmem:$0x1FF80]  }
0x14f: {  	v15 =	vnsel vm1, $0x0, v16;
	v16 =	vld [tilespmem:$0x1FF90]  }
0x150: {  	v17 =	vld [tilespmem:$0x1FFA0]  }
0x151: {  	[tilespmem:v13+s0+$0x0] =	vst.idx.msk $0xffff, v8;
	v8 =	vshrl.u32 v18, $0x12;
	v18 =	vld [tilespmem:$0x1FFB0];
	_ =	sdelay $0x4  }
0x152: {  	[tilespmem:v14+s0+$0x0] =	vst.idx.msk $0xffff, v10  }
0x153: {  	v8 =	vcvt.s32.f32 v8;
	[tilespmem:v16+s0+$0x0] =	vst.idx.msk $0xffff, v19  }
0x154: {  	[tilespmem:v17+s0+$0x0] =	vst.idx.msk $0xffff, v15  }
0x155: {  	[tilespmem:v18+s0+$0x0] =	vst.idx.msk $0xffff, v8;
	v8 =	vld [tilespmem:$0x1FFC0];
	_ =	sdelay $0x7  }
0x156: {  	[tilespmem:v8+s0+$0x0] =	vst.idx.msk $0xffff, v7;
	v8 =	vld [tilespmem:$0x1FFD0];
	_ =	sdelay $0x7  }
0x157: {  	[tilespmem:v8+s0+$0x0] =	vst.idx.msk $0xffff, v7;
	v8 =	vld [tilespmem:$0x1FFE0];
	_ =	sdelay $0x7  }
0x158: {  	[tilespmem:v8+s0+$0x0] =	vst.idx.msk $0xffff, v7;
	v8 =	vld [tilespmem:$0x1FFF0];
	_ =	sdelay $0x7  }
0x159: {  	[tilespmem:v8+s0+$0x0] =	vst.idx.msk $0xffff, v7  }
0x15a: {  	[tilespmem:v22+s0+$0x0] =	vst.idx.msk $0xffff, v7  }
0x15b: {  	v8 =	vld [tilespmem:$0x150]  }
0x15c: {  	v9 =	vld [tilespmem:$0x190]  }
0x15d: {  	v10 =	vld [tilespmem:$0x1D0]  }
0x15e: {  	v11 =	vld [tilespmem:$0x210]  }
0x15f: {  	v12 =	vld [tilespmem:$0x250];
	_ =	sdelay $0x1  }
0x160: {  	v8 =	vmul.f32 $1.442695020e+00, v8;
	_ =	sdelay $0x1  }
0x161: {  	(erf) = vpow2.f32 v8;
	v8 =	vmul.f32 $1.442695020e+00, v9  }
0x162: {  	v19 =	vmul.f32 $1.442695020e+00, v10;
	v10 =	vand.u32 $0x7FFFFFFF, v11;
	v13 =	vand.u32 $0x7FFFFFFF, v12  }
0x163: {  	(erf) = vpow2.f32 v8;
	v8 =	vmax.f32 v10, v13  }
0x164: {  	(erf) = vpow2.f32 v19;
	v8 =	vmax.f32 v8, $1.000000000e-30  }
0x165: {  	(erf) = vrcp.f32 v8;
	_ =	sdelay $0x5  }
0x166: {  	v8 =	vpop (erf)  }
0x167: {  	v9 =	vpop (erf)  }
0x168: {  	v14 =	vpop (erf)  }
0x169: {  	v15 =	vmin.f32 v10, v13;
	v16 =	vpop (erf)  }
0x16a: {  	v15 =	vmul.f32 v16, v15;
	_ =	sdelay $0x1  }
0x16b: {  	v16 =	vmul.f32 v15, v15;
	_ =	sdelay $0x1  }
0x16c: {  	v17 =	vmul.f32 $1.877352130e-03, v16;
	_ =	sdelay $0x1  }
0x16d: {  	v17 =	vsub.f32 $1.125677210e-02, v17;
	_ =	sdelay $0x1  }
0x16e: {  	v17 =	vmul.f32 v17, v16;
	_ =	sdelay $0x1  }
0x16f: {  	v17 =	vadd.f32 $-3.174908090e-02, v17;
	_ =	sdelay $0x1  }
0x170: {  	v17 =	vmul.f32 v17, v16;
	_ =	sdelay $0x1  }
0x171: {  	v17 =	vadd.f32 $5.845650660e-02, v17;
	_ =	sdelay $0x1  }
0x172: {  	v17 =	vmul.f32 v17, v16;
	_ =	sdelay $0x1  }
0x173: {  	v17 =	vadd.f32 $-8.427561070e-02, v17;
	_ =	sdelay $0x1  }
0x174: {  	v17 =	vmul.f32 v17, v16;
	_ =	sdelay $0x1  }
0x175: {  	v17 =	vadd.f32 $1.095834150e-01, v17;
	_ =	sdelay $0x1  }
0x176: {  	v17 =	vmul.f32 v17, v16;
	_ =	sdelay $0x1  }
0x177: {  	v17 =	vadd.f32 $-1.426488910e-01, v17;
	_ =	sdelay $0x1  }
0x178: {  	v17 =	vmul.f32 v17, v16;
	_ =	sdelay $0x1  }
0x179: {  	v17 =	vadd.f32 $1.999853250e-01, v17;
	_ =	sdelay $0x1  }
0x17a: {  	v17 =	vmul.f32 v17, v16  }
0x17b: {  	v18 =	vld [tilespmem:$0x50]  }
0x17c: {  	v17 =	vadd.f32 $-3.333329260e-01, v17;
	_ =	sdelay $0x1  }
0x17d: {  	v19 =	vld [tilespmem:$0x90];
	v16 =	vmul.f32 v17, v16  }
0x17e: {  	v17 =	vld [tilespmem:$0xD0]  }
0x17f: {  	v20 =	vshrl.u32 v18, $0x9;
	v21 =	vand.u32 $0x1FF, v18;
	v16 =	vadd.f32 $1.000000000e+00, v16  }
0x180: {  	v20 =	vand.u32 $0x1FF, v20;
	v21 =	vcvt.s32.f32 v21  }
0x181: {  	v20 =	vcvt.s32.f32 v20;
	v15 =	vmul.f32 v16, v15  }
0x182: {  	v19 =	vadd.f32 v21, v19  }
0x183: {  	v21 =	vld [tilespmem:$0x110];
	v17 =	vadd.f32 v20, v17;
	v20 =	vsub.f32 $1.570796370e+00, v15  }
0x184: {  	vm1 =	vgt.f32 v10, v13;
	v13 =	vmul.f32 $4.000000000e+00, v19;
	v16 =	vld [tilespmem:$0x10]  }
0x185: {  	v10 =	vld [tilespmem:$0x290];
	v17 =	vmul.f32 $4.000000000e+00, v17;
	v15 =	vsel vm1, v20, v15  }
0x186: {  	v19 =	vld [tilespmem:$0x2D0];
	[tilespmem:v23+s0+$0x0] =	vst.idx.msk $0xffff, v13;
	v20 =	vsub.f32 $3.141592740e+00, v15  }
0x187: {  	vm1 =	vlt.f32 v12, $0.0e+00;
	[tilespmem:v24+s0+$0x0] =	vst.idx.msk $0xffff, v17  }
0x188: {  	[tilespmem:v25+s0+$0x0] =	vst.idx.msk $0xffff, v21;
	v12 =	vsel vm1, v20, v15  }
0x189: {  	vm2 =	vgt.f32 v13, $0.0e+00;
	vm1 =	vgt.f32 v16, $1.000000010e-01;
	[tilespmem:v26+s0+$0x0] =	vst.idx.msk $0xffff, v8;
	v15 =	vsub.f32 $0.0e+00, v12  }
0x18a: {  	vm3 =	vlt.f32 v11, $0.0e+00;
	vm1 =	vmand vm1, vm2;
	vm2 =	vlt.f32 v13, $2.048000000e+03;
	[tilespmem:v27+s0+$0x0] =	vst.idx.msk $0xffff, v9  }
0x18b: {  	vm1 =	vmand vm2, vm1;
	vm2 =	vgt.f32 v17, $0.0e+00;
	[tilespmem:v28+s0+$0x0] =	vst.idx.msk $0xffff, v14;
	v8 =	vsel vm3, v15, v12  }
0x18c: {  	vm1 =	vmand vm2, vm1;
	vm2 =	vlt.f32 v17, $2.048000000e+03;
	[tilespmem:v29+s0+$0x0] =	vst.idx.msk $0xffff, v8  }
0x18d: {  	v8 =	vshrl.u32 v18, $0x12;
	vm1 =	vmand vm2, vm1;
	[tilespmem:v30+s0+$0x0] =	vst.idx.msk $0xffff, v10  }
0x18e: {  	v8 =	vcvt.s32.f32 v8;
	v15 =	vnsel vm1, $0x0, v16;
	[tilespmem:v31+s0+$0x0] =	vst.idx.msk $0xffff, v19  }
0x18f: {  	[tilespmem:v32+s0+$0x0] =	vst.idx.msk $0xffff, v15  }
0x190: {  	[tilespmem:v33+s0+$0x0] =	vst.idx.msk $0xffff, v8  }
0x191: {  	[tilespmem:v34+s0+$0x0] =	vst.idx.msk $0xffff, v7  }
0x192: {  	[tilespmem:v35+s0+$0x0] =	vst.idx.msk $0xffff, v7  }
0x193: {  	[tilespmem:v36+s0+$0x0] =	vst.idx.msk $0xffff, v7  }
0x194: {  	[tilespmem:v37+s0+$0x0] =	vst.idx.msk $0xffff, v7  }
0x195: {  	[tilespmem:v38+s0+$0x0] =	vst.idx.msk $0xffff, v7  }
0x196: {  	v8 =	vld [tilespmem:$0x160]  }
0x197: {  	v9 =	vld [tilespmem:$0x1A0]  }
0x198: {  	v10 =	vld [tilespmem:$0x1E0]  }
0x199: {  	v11 =	vld [tilespmem:$0x220]  }
0x19a: {  	v12 =	vld [tilespmem:$0x260];
	_ =	sdelay $0x1  }
0x19b: {  	v8 =	vmul.f32 $1.442695020e+00, v8;
	_ =	sdelay $0x1  }
0x19c: {  	(erf) = vpow2.f32 v8;
	v8 =	vmul.f32 $1.442695020e+00, v9  }
0x19d: {  	v16 =	vmul.f32 $1.442695020e+00, v10;
	v10 =	vand.u32 $0x7FFFFFFF, v11;
	v13 =	vand.u32 $0x7FFFFFFF, v12  }
0x19e: {  	(erf) = vpow2.f32 v8;
	v8 =	vmax.f32 v10, v13  }
0x19f: {  	(erf) = vpow2.f32 v16;
	v8 =	vmax.f32 v8, $1.000000000e-30  }
0x1a0: {  	(erf) = vrcp.f32 v8;
	_ =	sdelay $0x5  }
0x1a1: {  	v8 =	vpop (erf)  }
0x1a2: {  	v9 =	vpop (erf)  }
0x1a3: {  	v14 =	vpop (erf)  }
0x1a4: {  	v15 =	vmin.f32 v10, v13;
	v16 =	vpop (erf)  }
0x1a5: {  	v15 =	vmul.f32 v16, v15;
	_ =	sdelay $0x1  }
0x1a6: {  	v16 =	vmul.f32 v15, v15;
	_ =	sdelay $0x1  }
0x1a7: {  	v17 =	vmul.f32 $1.877352130e-03, v16;
	_ =	sdelay $0x1  }
0x1a8: {  	v17 =	vsub.f32 $1.125677210e-02, v17;
	_ =	sdelay $0x1  }
0x1a9: {  	v17 =	vmul.f32 v17, v16;
	_ =	sdelay $0x1  }
0x1aa: {  	v17 =	vadd.f32 $-3.174908090e-02, v17;
	_ =	sdelay $0x1  }
0x1ab: {  	v17 =	vmul.f32 v17, v16;
	_ =	sdelay $0x1  }
0x1ac: {  	v17 =	vadd.f32 $5.845650660e-02, v17;
	_ =	sdelay $0x1  }
0x1ad: {  	v17 =	vmul.f32 v17, v16;
	_ =	sdelay $0x1  }
0x1ae: {  	v17 =	vadd.f32 $-8.427561070e-02, v17;
	_ =	sdelay $0x1  }
0x1af: {  	v17 =	vmul.f32 v17, v16;
	_ =	sdelay $0x1  }
0x1b0: {  	v17 =	vadd.f32 $1.095834150e-01, v17;
	_ =	sdelay $0x1  }
0x1b1: {  	v17 =	vmul.f32 v17, v16;
	_ =	sdelay $0x1  }
0x1b2: {  	v17 =	vadd.f32 $-1.426488910e-01, v17;
	_ =	sdelay $0x1  }
0x1b3: {  	v17 =	vmul.f32 v17, v16;
	_ =	sdelay $0x1  }
0x1b4: {  	v17 =	vadd.f32 $1.999853250e-01, v17;
	_ =	sdelay $0x1  }
0x1b5: {  	v17 =	vmul.f32 v17, v16  }
0x1b6: {  	v18 =	vld [tilespmem:$0x60]  }
0x1b7: {  	v17 =	vadd.f32 $-3.333329260e-01, v17;
	_ =	sdelay $0x1  }
0x1b8: {  	v19 =	vld [tilespmem:$0xA0];
	v16 =	vmul.f32 v17, v16  }
0x1b9: {  	v17 =	vld [tilespmem:$0xE0]  }
0x1ba: {  	v20 =	vshrl.u32 v18, $0x9;
	v21 =	vand.u32 $0x1FF, v18;
	v16 =	vadd.f32 $1.000000000e+00, v16  }
0x1bb: {  	v20 =	vand.u32 $0x1FF, v20;
	v21 =	vcvt.s32.f32 v21  }
0x1bc: {  	v20 =	vcvt.s32.f32 v20;
	v15 =	vmul.f32 v16, v15  }
0x1bd: {  	v19 =	vadd.f32 v21, v19  }
0x1be: {  	v21 =	vld [tilespmem:$0x120];
	v17 =	vadd.f32 v20, v17;
	v20 =	vsub.f32 $1.570796370e+00, v15  }
0x1bf: {  	vm1 =	vgt.f32 v10, v13;
	v13 =	vmul.f32 $4.000000000e+00, v19;
	v16 =	vld [tilespmem:$0x20]  }
0x1c0: {  	v10 =	vld [tilespmem:$0x2A0];
	v17 =	vmul.f32 $4.000000000e+00, v17;
	v15 =	vsel vm1, v20, v15  }
0x1c1: {  	v19 =	vld [tilespmem:$0x2E0];
	[tilespmem:v39+s0+$0x0] =	vst.idx.msk $0xffff, v13;
	v20 =	vsub.f32 $3.141592740e+00, v15  }
0x1c2: {  	vm1 =	vlt.f32 v12, $0.0e+00;
	[tilespmem:v40+s0+$0x0] =	vst.idx.msk $0xffff, v17  }
0x1c3: {  	[tilespmem:v41+s0+$0x0] =	vst.idx.msk $0xffff, v21;
	v12 =	vsel vm1, v20, v15  }
0x1c4: {  	vm2 =	vgt.f32 v13, $0.0e+00;
	vm1 =	vgt.f32 v16, $1.000000010e-01;
	[tilespmem:v42+s0+$0x0] =	vst.idx.msk $0xffff, v8;
	v15 =	vsub.f32 $0.0e+00, v12  }
0x1c5: {  	vm3 =	vlt.f32 v11, $0.0e+00;
	vm1 =	vmand vm1, vm2;
	vm2 =	vlt.f32 v13, $2.048000000e+03;
	[tilespmem:v43+s0+$0x0] =	vst.idx.msk $0xffff, v9  }
0x1c6: {  	vm1 =	vmand vm2, vm1;
	vm2 =	vgt.f32 v17, $0.0e+00;
	[tilespmem:v44+s0+$0x0] =	vst.idx.msk $0xffff, v14;
	v8 =	vsel vm3, v15, v12  }
0x1c7: {  	vm1 =	vmand vm2, vm1;
	vm2 =	vlt.f32 v17, $2.048000000e+03;
	[tilespmem:v45+s0+$0x0] =	vst.idx.msk $0xffff, v8  }
0x1c8: {  	v8 =	vshrl.u32 v18, $0x12;
	vm1 =	vmand vm2, vm1;
	[tilespmem:v46+s0+$0x0] =	vst.idx.msk $0xffff, v10  }
0x1c9: {  	v8 =	vcvt.s32.f32 v8;
	v17 =	vnsel vm1, $0x0, v16;
	[tilespmem:v47+s0+$0x0] =	vst.idx.msk $0xffff, v19  }
0x1ca: {  	[tilespmem:v48+s0+$0x0] =	vst.idx.msk $0xffff, v17  }
0x1cb: {  	[tilespmem:v49+s0+$0x0] =	vst.idx.msk $0xffff, v8  }
0x1cc: {  	[tilespmem:v50+s0+$0x0] =	vst.idx.msk $0xffff, v7  }
0x1cd: {  	[tilespmem:v51+s0+$0x0] =	vst.idx.msk $0xffff, v7  }
0x1ce: {  	[tilespmem:v52+s0+$0x0] =	vst.idx.msk $0xffff, v7  }
0x1cf: {  	[tilespmem:v53+s0+$0x0] =	vst.idx.msk $0xffff, v7  }
0x1d0: {  	[tilespmem:v54+s0+$0x0] =	vst.idx.msk $0xffff, v7  }
0x1d1: {  	v8 =	vld [tilespmem:$0x170]  }
0x1d2: {  	v9 =	vld [tilespmem:$0x1B0]  }
0x1d3: {  	v10 =	vld [tilespmem:$0x1F0]  }
0x1d4: {  	v11 =	vld [tilespmem:$0x230]  }
0x1d5: {  	v12 =	vld [tilespmem:$0x270];
	_ =	sdelay $0x1  }
0x1d6: {  	v8 =	vmul.f32 $1.442695020e+00, v8;
	_ =	sdelay $0x1  }
0x1d7: {  	(erf) = vpow2.f32 v8;
	v8 =	vmul.f32 $1.442695020e+00, v9  }
0x1d8: {  	v18 =	vmul.f32 $1.442695020e+00, v10;
	v10 =	vand.u32 $0x7FFFFFFF, v11;
	v13 =	vand.u32 $0x7FFFFFFF, v12  }
0x1d9: {  	(erf) = vpow2.f32 v8;
	v8 =	vmax.f32 v10, v13  }
0x1da: {  	(erf) = vpow2.f32 v18;
	v8 =	vmax.f32 v8, $1.000000000e-30  }
0x1db: {  	(erf) = vrcp.f32 v8;
	_ =	sdelay $0x5  }
0x1dc: {  	v8 =	vpop (erf)  }
0x1dd: {  	v9 =	vpop (erf)  }
0x1de: {  	v14 =	vpop (erf)  }
0x1df: {  	v15 =	vmin.f32 v10, v13;
	v16 =	vpop (erf)  }
0x1e0: {  	v15 =	vmul.f32 v16, v15;
	_ =	sdelay $0x1  }
0x1e1: {  	v16 =	vmul.f32 v15, v15;
	_ =	sdelay $0x1  }
0x1e2: {  	v17 =	vmul.f32 $1.877352130e-03, v16;
	_ =	sdelay $0x1  }
0x1e3: {  	v17 =	vsub.f32 $1.125677210e-02, v17;
	_ =	sdelay $0x1  }
0x1e4: {  	v17 =	vmul.f32 v17, v16;
	_ =	sdelay $0x1  }
0x1e5: {  	v17 =	vadd.f32 $-3.174908090e-02, v17;
	_ =	sdelay $0x1  }
0x1e6: {  	v17 =	vmul.f32 v17, v16;
	_ =	sdelay $0x1  }
0x1e7: {  	v17 =	vadd.f32 $5.845650660e-02, v17;
	_ =	sdelay $0x1  }
0x1e8: {  	v17 =	vmul.f32 v17, v16;
	_ =	sdelay $0x1  }
0x1e9: {  	v17 =	vadd.f32 $-8.427561070e-02, v17;
	_ =	sdelay $0x1  }
0x1ea: {  	v17 =	vmul.f32 v17, v16;
	_ =	sdelay $0x1  }
0x1eb: {  	v17 =	vadd.f32 $1.095834150e-01, v17;
	_ =	sdelay $0x1  }
0x1ec: {  	v17 =	vmul.f32 v17, v16;
	_ =	sdelay $0x1  }
0x1ed: {  	v17 =	vadd.f32 $-1.426488910e-01, v17;
	_ =	sdelay $0x1  }
0x1ee: {  	v17 =	vmul.f32 v17, v16;
	_ =	sdelay $0x1  }
0x1ef: {  	v17 =	vadd.f32 $1.999853250e-01, v17;
	_ =	sdelay $0x1  }
0x1f0: {  	v17 =	vmul.f32 v17, v16;
	_ =	sdelay $0x1  }
0x1f1: {  	v17 =	vadd.f32 $-3.333329260e-01, v17  }
0x1f2: {  	v18 =	vld [tilespmem:$0x70]  }
0x1f3: {  	v16 =	vmul.f32 v17, v16;
	_ =	sdelay $0x1  }
0x1f4: {  	v17 =	vld [tilespmem:$0xB0];
	v16 =	vadd.f32 $1.000000000e+00, v16  }
0x1f5: {  	v19 =	vld [tilespmem:$0xF0]  }
0x1f6: {  	v20 =	vshrl.u32 v18, $0x9;
	v21 =	vand.u32 $0x1FF, v18;
	v15 =	vmul.f32 v16, v15  }
0x1f7: {  	v16 =	vand.u32 $0x1FF, v20;
	v20 =	vcvt.s32.f32 v21  }
0x1f8: {  	v16 =	vcvt.s32.f32 v16;
	v21 =	vsub.f32 $1.570796370e+00, v15  }
0x1f9: {  	vm1 =	vgt.f32 v10, v13;
	v13 =	vadd.f32 v20, v17  }
0x1fa: {  	v17 =	vld [tilespmem:$0x130];
	v16 =	vadd.f32 v16, v19;
	v15 =	vsel vm1, v21, v15  }
0x1fb: {  	v10 =	vld [tilespmem:$0x30];
	v13 =	vmul.f32 $4.000000000e+00, v13;
	v19 =	vsub.f32 $3.141592740e+00, v15  }
0x1fc: {  	v20 =	vld [tilespmem:$0x2B0];
	vm1 =	vlt.f32 v12, $0.0e+00;
	v16 =	vmul.f32 $4.000000000e+00, v16  }
0x1fd: {  	v12 =	vld [tilespmem:$0x2F0];
	[tilespmem:v55+s0+$0x0] =	vst.idx.msk $0xffff, v13;
	v15 =	vsel vm1, v19, v15  }
0x1fe: {  	[tilespmem:v56+s0+$0x0] =	vst.idx.msk $0xffff, v16;
	v19 =	vsub.f32 $0.0e+00, v15  }
0x1ff: {  	vm1 =	vlt.f32 v11, $0.0e+00;
	[tilespmem:v57+s0+$0x0] =	vst.idx.msk $0xffff, v17  }
0x200: {  	vm2 =	vgt.f32 v13, $0.0e+00;
	[tilespmem:v58+s0+$0x0] =	vst.idx.msk $0xffff, v8;
	v11 =	vsel vm1, v19, v15;
	vm1 =	vgt.f32 v10, $1.000000010e-01  }
0x201: {  	vm3 =	vlt.f32 v13, $2.048000000e+03;
	v8 =	vor.u32 $0x309, v4;
	[tilespmem:v59+s0+$0x0] =	vst.idx.msk $0xffff, v9;
	vm1 =	vmand vm1, vm2  }
0x202: {  	v19 =	vor.u32 $0x30A, v4;
	vm2 =	vgt.f32 v16, $0.0e+00;
	[tilespmem:v60+s0+$0x0] =	vst.idx.msk $0xffff, v14;
	vm1 =	vmand vm3, vm1  }
0x203: {  	vm3 =	vlt.f32 v16, $2.048000000e+03;
	[tilespmem:v61+s0+$0x0] =	vst.idx.msk $0xffff, v11;
	v11 =	vor.u32 $0x30B, v4;
	vm1 =	vmand vm2, vm1  }
0x204: {  	v17 =	vor.u32 $0x30C, v4;
	v16 =	vshrl.u32 v18, $0x12;
	[tilespmem:v62+s0+$0x0] =	vst.idx.msk $0xffff, v20;
	vm1 =	vmand vm3, vm1  }
0x205: {  	v18 =	vor.u32 $0x30D, v4;
	v13 =	vcvt.s32.f32 v16;
	[tilespmem:v63+s0+$0x0] =	vst.idx.msk $0xffff, v12;
	v10 =	vnsel vm1, $0x0, v10  }
0x206: {  	[tilespmem:v8+s0+$0x0] =	vst.idx.msk $0xffff, v10;
	v8 =	vor.u32 $0x30E, v4  }
0x207: {  	[tilespmem:v19+s0+$0x0] =	vst.idx.msk $0xffff, v13;
	v19 =	vor.u32 $0x30F, v4  }
0x208: {  	[tilespmem:v11+s0+$0x0] =	vst.idx.msk $0xffff, v7  }
0x209: {  	[tilespmem:v17+s0+$0x0] =	vst.idx.msk $0xffff, v7  }
0x20a: {  	[tilespmem:v18+s0+$0x0] =	vst.idx.msk $0xffff, v7  }
0x20b: {  	p0 =	sne.s32 s9, $0x1;
	[tilespmem:v8+s0+$0x0] =	vst.idx.msk $0xffff, v7  }
.Ltmp0:
0x20c: {  	s11 =	rddreg [dreg:$0x5];
	[tilespmem:v19+s0+$0x0] =	vst.idx.msk $0xffff, v7;
	(pc) =	sbr.rel @p0 .LBB2_1-.Ltmp0, $4  }
0x20d: {  	[hbm4b:s11+s2] =	stream.linear.scatter [tilespmem:s0], [sflag:$0x2], $0x400, $0x38;
	[tilespmem:$0x700] =	vst v63  }
0x20e: {  	_ =	swait.ge [sflag:s10], $0x400  }
0x20f: {  	[sflag:s10] =	ssyncset.done $0x0  }
0x210: {  	s9 =	sadd.s32 $0xFFFFFFFF, s9;
	[sflag:s10] =	ssyncadd.s32 $0xFFFFFC00  }
0x211: {  	_ =	sfence.sel $0x180000  }
0x212: {  	[bflag:$0x0] =	sbarrier.arrive $0xFFFF  }
0x213: {  	_ =	strace $0x9000004A  }
0x214: {  	s0 =	stileid.u32;
	[bflag:$0x2] =	sbarrier.arrive $0xFFFF  }
0x215: {  	p0 =	sne.s32 s0, $0x0;
	s0 =	rddreg [dreg:$0x2]  }
0x216: {  	s0 =	sadd.s32 @!p0 $0x100000, s0  }
0x217: {  	[sflag:s0] =	ssyncadd.tile.s32 @!p0 $0x1;
	_ =	shalt  }
.Lfunc_end2:
_tile_overlayer_lowered:
.L_overlay_start_2:
0x218: {  	(tag) =	ssettag $0x2  }
0x219: {  	s0 =	rddreg [dreg:$0x0];
	s2 =	stileid.u32  }
0x21a: {  	s1 =	rddreg [dreg:$0x1];
	p0 =	sne.s32 s2, $0x0  }
0x21b: {  	s3 =	rddreg [dreg:$0x2];
	[bflag:$0x3] =	sbarrier.arrive $0xFFFF;
	s2 =	simm.s32 @!p0 $0x1C02  }
0x21c: {  	[timem:s3], [sflag:s2] =	dma.local @!p0 [hbm:s0], s1  }
0x21d: {  	s0 =	simm.s32 @!p0 $0x2  }
0x21e: {  	_ =	swait.ge @!p0 [sflag:s0], s1  }
0x21f: {  	s1 =	ssub.s32 @!p0 $0x0, s1;
	[sflag:s0] =	ssyncset.done @!p0 $0x0  }
0x220: {  	[sflag:s0] =	ssyncadd.s32 @!p0 s1  }
0x221: {  	[bflag:$0x3] =	sbarrier.arrive $0xFFFF  }
0x222: {  	_ =	shalt  }

</sc_bundles>
